<compile_context>
chip_gen: v7x
topology: tpu7x:2x2x1
jax: 0.10.2.dev20260603
libtpu: 0.0.44.dev20260713+nightly
codegen_flags: <defaults>
</compile_context>

<pallas_src>
import functools

import jax
import jax.numpy as jnp
import numpy as np
from jax import lax
from jax.experimental import pallas as pl
from jax.experimental.pallas import tpu as pltpu
from jax.experimental.pallas import tpu_sc as plsc

_FIELD_DIMS = [100000] * 26
_OFFSETS = np.array((0,) + tuple(np.cumsum(_FIELD_DIMS)[:-1]), dtype=np.int32)
_TOTAL = int(sum(_FIELD_DIMS))
_B = 16384
_F = 26
_D = 16

_NC = 2
_NS = 16
_NW = _NC * _NS

_LANES_PER_GROUP = 1024
_NFULL = (_TOTAL // _LANES_PER_GROUP)
_TAIL = _TOTAL - _NFULL * _LANES_PER_GROUP
_GROUPS_PER_W = -(-_NFULL // _NW)
_BUF_STRIDE = _LANES_PER_GROUP

_ROWS_PER_W = _B // _NW
_C = 128
_NCHUNK = _ROWS_PER_W // _C


def _tree_sum(vs):
    while len(vs) > 1:
        vs = [vs[i] + vs[i + 1] for i in range(0, len(vs) - 1, 2)] + (
            [vs[-1]] if len(vs) % 2 else [])
    return vs[0]


def _detile_kernel(tt_hbm, tail_hbm, out_hbm,
                   buf0, buf1, outb0, outb1, sin0, sin1, sout0, sout1):
    wid = lax.axis_index("s") * _NC + lax.axis_index("c")
    lane = lax.iota(jnp.int32, 16)
    col0 = lane * jnp.int32(0)

    def g_of(m):
        return jnp.minimum(wid + m * _NW, _NFULL - 1)

    def in_descs(g, buf, sem):
        src0 = tt_hbm.at[pl.ds(0, 8), pl.ds(g * _LANES_PER_GROUP,
                                            _LANES_PER_GROUP)]
        src1 = tt_hbm.at[pl.ds(8, 8), pl.ds(g * _LANES_PER_GROUP,
                                            _LANES_PER_GROUP)]
        dst0 = buf.at[pl.ds(0, 8), pl.ds(0, _LANES_PER_GROUP)]
        dst1 = buf.at[pl.ds(8, 8), pl.ds(0, _LANES_PER_GROUP)]
        return [(src0, dst0, sem), (src1, dst1, sem)]

    def start_in(g, buf, sem):
        for s, d, sm in in_descs(g, buf, sem):
            pltpu.async_copy(s, d, sm)

    def wait_in(g, buf, sem):
        for s, d, sm in in_descs(g, buf, sem):
            pltpu.make_async_copy(s, d, sm).wait()

    def out_desc(g, outb, sem):
        n = _LANES_PER_GROUP * _D
        return outb, out_hbm.at[pl.ds(g * n, n)], sem

    def compute(buf, outb):
        sidx = [lane * 16 + d for d in range(16)]

        def row_block(t, bvec):
            for h in range(2):
                for d in range(16):
                    v = buf[d, pl.ds(t * 32 + h * 16, 16)]
                    plsc.store_scatter(outb, [bvec + (h * 256) + sidx[d]], v)
            return bvec + 512

        lax.fori_loop(0, _LANES_PER_GROUP // 32, row_block, col0)

    half = _GROUPS_PER_W // 2

    def body(t, _):
        mA = 2 * t
        gA = g_of(mA)
        gB = g_of(mA + 1)
        wait_in(gA, buf0, sin0)
        start_in(gB, buf1, sin1)

        @pl.when(t > 0)
        def _():
            pltpu.make_async_copy(*out_desc(g_of(mA - 2), outb0, sout0)).wait()

        compute(buf0, outb0)
        pltpu.async_copy(*out_desc(gA, outb0, sout0))

        wait_in(gB, buf1, sin1)

        @pl.when(t < half - 1)
        def _():
            start_in(g_of(mA + 2), buf0, sin0)

        @pl.when(t > 0)
        def _():
            pltpu.make_async_copy(*out_desc(g_of(mA - 1), outb1, sout1)).wait()

        compute(buf1, outb1)
        pltpu.async_copy(*out_desc(gB, outb1, sout1))
        return 0

    start_in(g_of(0), buf0, sin0)
    lax.fori_loop(0, half, body, 0)
    pltpu.make_async_copy(*out_desc(g_of(_GROUPS_PER_W - 2), outb0,
                                    sout0)).wait()
    pltpu.make_async_copy(*out_desc(g_of(_GROUPS_PER_W - 1), outb1,
                                    sout1)).wait()

    @pl.when(wid == 0)
    def _():
        pltpu.sync_copy(tail_hbm, outb0.at[pl.ds(0, _TAIL * _D)])
        pltpu.sync_copy(outb0.at[pl.ds(0, _TAIL * _D)],
                        out_hbm.at[pl.ds(_NFULL * _LANES_PER_GROUP * _D,
                                         _TAIL * _D)])


def _fm_kernel(table_hbm, idx_hbm, w_hbm, out_hbm,
               idx_v, rows_v, wv_v, out_v, sem_rows, sem_w):
    wid = lax.axis_index("s") * _NC + lax.axis_index("c")
    base = wid * _ROWS_PER_W

    lane = lax.iota(jnp.int32, 16)
    wmask2 = lane >= 6
    lane0 = lane == 0

    for c in range(_NCHUNK):
        cbase = (base + c * _C) * _F
        pltpu.sync_copy(idx_hbm.at[pl.ds(cbase, _C * _F)], idx_v)
        cp_rows = pltpu.async_copy(table_hbm.at[idx_v], rows_v, sem_rows)
        cp_w = pltpu.async_copy(w_hbm.at[idx_v], wv_v, sem_w)
        cp_rows.wait()
        cp_w.wait()

        def body(b, _):
            off = b * _F
            vs = [rows_v[off + f] for f in range(_F)]
            s = _tree_sum(vs)
            ss = _tree_sum([v * v for v in vs])
            u = 0.5 * (s * s - ss)
            wv1 = wv_v[pl.ds(off, 16)]
            wv2 = jnp.where(wmask2, wv_v[pl.ds(off + 10, 16)], 0.0)
            r = lax.reduce_sum(u + wv1 + wv2, (0,))
            plsc.store_scatter(out_v, [jnp.broadcast_to(b, (16,))],
                               jnp.broadcast_to(r, (16,)), mask=lane0)
            return 0

        lax.fori_loop(0, _C, body, 0)
        pltpu.sync_copy(out_v, out_hbm.at[pl.ds(base + c * _C, _C)])


@jax.jit
def _fm(table, x, w):
    idx = (x + jnp.asarray(_OFFSETS)[None, :]).reshape(-1)
    mesh = plsc.VectorSubcoreMesh(core_axis_name="c", subcore_axis_name="s")

    detile = functools.partial(
        pl.kernel,
        out_type=jax.ShapeDtypeStruct((_TOTAL * _D,), jnp.float32),
        mesh=mesh,
        scratch_types=[
            pltpu.VMEM((16, _BUF_STRIDE), jnp.float32),
            pltpu.VMEM((16, _BUF_STRIDE), jnp.float32),
            pltpu.VMEM((_LANES_PER_GROUP * _D,), jnp.float32),
            pltpu.VMEM((_LANES_PER_GROUP * _D,), jnp.float32),
            pltpu.SemaphoreType.DMA,
            pltpu.SemaphoreType.DMA,
            pltpu.SemaphoreType.DMA,
            pltpu.SemaphoreType.DMA,
        ],
        compiler_params=pltpu.CompilerParams(
            needs_layout_passes=False, use_tc_tiling_on_sc=True),
    )(_detile_kernel)
    tail = table[_NFULL * _LANES_PER_GROUP:].reshape(-1)
    tlin = detile(table.T, tail)

    fm = functools.partial(
        pl.kernel,
        out_type=jax.ShapeDtypeStruct((_B,), jnp.float32),
        mesh=mesh,
        scratch_types=[
            pltpu.VMEM((_C * _F,), jnp.int32),
            pltpu.VMEM((_C * _F, _D), jnp.float32),
            pltpu.VMEM((_C * _F,), jnp.float32),
            pltpu.VMEM((_C,), jnp.float32),
            pltpu.SemaphoreType.DMA,
            pltpu.SemaphoreType.DMA,
        ],
        compiler_params=pltpu.CompilerParams(
            needs_layout_passes=False, use_tc_tiling_on_sc=False),
    )(_fm_kernel)
    return fm(tlin.reshape(_TOTAL, _D), idx, w.reshape(-1))


def kernel(x, table, w, bias):
    out = _fm(table, x, w)
    return out.reshape(_B, 1) + bias

# --- scband reference (transcript-rebuilt; emitter-appended) ---
"""Pipeline reference for scband-factorization-machine-model-80814104641781 (READ-ONLY COPY).

The authoritative reference and input builder live on the scoring server;
editing this copy changes nothing except your own understanding.
"""

import jax, jax.numpy as jnp
import numpy as np

FIELD_DIMS = [100000] * 26
OFFSETS = np.array((0,) + tuple(np.cumsum(FIELD_DIMS)[:-1]), dtype=np.int32)
TOTAL = int(sum(FIELD_DIMS))
B = 16384
F = 26
D = 16


def setup_inputs(seed: int = 0) -> dict:
    key = jax.random.key(seed)
    k1, k2, k3 = jax.random.split(key, 3)
    x = jax.random.randint(k1, (B, F), 0, 100000, dtype=jnp.int32)
    table = jax.random.normal(k2, (TOTAL, D), dtype=jnp.float32) * 0.01
    w = jax.random.normal(k3, (TOTAL, 1), dtype=jnp.float32) * 0.01
    bias = jnp.zeros((1,), dtype=jnp.float32)
    return {"x": x, "table": table, "w": w, "bias": bias}


def reference(x, table, w, bias):
    # FeaturesEmbedding: offset indices into one big table, gather
    idx = x + jnp.asarray(OFFSETS)[None, :]          # [B, F]
    x_emb = jnp.take(table, idx, axis=0)             # [B, F, D]
    # FeaturesLinear: per-feature scalar weights summed over fields + bias
    lin = jnp.sum(jnp.take(w, idx, axis=0), axis=1) + bias  # [B, 1]
    # FactorizationMachine (reduce_sum=True): 0.5*((sum v)^2 - sum v^2) summed over emb dim
    sum_of_emb = jnp.sum(x_emb, axis=1)              # [B, D]
    sum_of_sq = jnp.sum(x_emb * x_emb, axis=1)       # [B, D]
    fm = 0.5 * jnp.sum(sum_of_emb * sum_of_emb - sum_of_sq, axis=1, keepdims=True)  # [B, 1]
    return lin + fm

if __name__ == "__main__":
    import jax
    _d = setup_inputs()
    print(jax.jit(kernel)(*tuple(_d.values())))

</pallas_src>

<mosaic_0001>
#map = affine_map<(d0, d1) -> (0, 0)>
#map1 = affine_map<(d0, d1) -> (0)>
module attributes {stable_mosaic.version = 14 : i64} {
  func.func @_detile_kernel(%arg0: i32, %arg1: i32, %arg2: memref<16x2600000xf32, #tpu.memory_space<hbm>>, %arg3: memref<1024xf32, #tpu.memory_space<hbm>>, %arg4: memref<41600000xf32, #tpu.memory_space<hbm>>, %arg5: memref<16x1024xf32, #tpu.memory_space<vmem>>, %arg6: memref<16x1024xf32, #tpu.memory_space<vmem>>, %arg7: memref<16384xf32, #tpu.memory_space<vmem>>, %arg8: memref<16384xf32, #tpu.memory_space<vmem>>, %arg9: memref<!tpu.dma_semaphore, #tpu.memory_space<semaphore_mem>>, %arg10: memref<!tpu.dma_semaphore, #tpu.memory_space<semaphore_mem>>, %arg11: memref<!tpu.dma_semaphore, #tpu.memory_space<semaphore_mem>>, %arg12: memref<!tpu.dma_semaphore, #tpu.memory_space<semaphore_mem>>) attributes {dimension_semantics = [#tpu.dimension_semantics<core_parallel>, #tpu.dimension_semantics<subcore_parallel>], iteration_bounds = array<i64: 2, 16>, scalar_prefetch = 0 : i64, scratch_operands = 8 : i64, tpu.core_type = #tpu.core_type<sc_vector_subcore>, window_params = [{transform_indices = #map}, {transform_indices = #map1}, {transform_indices = #map1}]} {
    %mul3A = arith.constant 2 : i32
    %mul3A_0 = arith.muli %arg1, %mul3A : i32
    %add3A = arith.addi %mul3A_0, %arg0 : i32
    %iota3A = tpu.iota {dimensions = array<i32: 0>} : vector<16xi32>
    %mul3A_1 = arith.constant 0 : i32
    %mul3A_2 = vector.broadcast %mul3A_1 : i32 to vector<16xi32>
    %mul3A_3 = arith.muli %iota3A, %mul3A_2 : vector<16xi32>
    %add3A_4 = arith.constant 0 : i32
    %add3A_5 = arith.addi %add3A, %add3A_4 : i32
    %min3A = arith.constant 2538 : i32
    %min3A_6 = arith.minsi %add3A_5, %min3A : i32
    %mul3A_7 = arith.constant 1024 : i32
    %mul3A_8 = arith.muli %min3A_6, %mul3A_7 : i32
    %mul3A_9 = arith.constant 1024 : i32
    %mul3A_10 = arith.muli %min3A_6, %mul3A_9 : i32
    %dma_start3A = arith.constant 0 : i32
    %dma_start3A_11 = arith.constant 0 : i32
    %dma_start3A_12 = tpu.memref_slice %arg5[%dma_start3A, %dma_start3A_11] : memref<16x1024xf32, #tpu.memory_space<vmem>> -> memref<8x1024xf32, #tpu.memory_space<vmem>>
    %dma_start3A_13 = arith.constant 0 : i32
    %dma_start3A_14 = tpu.memref_slice %arg2[%dma_start3A_13, %mul3A_8] : memref<16x2600000xf32, #tpu.memory_space<hbm>> -> memref<8x1024xf32, #tpu.memory_space<hbm>>
    %dma_start3A_15 = arith.constant 0 : i32
    %dma_start3A_16 = arith.constant 0 : i32
    %dma_start3A_17 = tpu.memref_slice %arg5[%dma_start3A_15, %dma_start3A_16] : memref<16x1024xf32, #tpu.memory_space<vmem>> -> memref<8x1024xf32, #tpu.memory_space<vmem>>
    %dma_start3A_18 = arith.constant 0 : i32
    %dma_start3A_19 = tpu.memref_slice %arg2[%dma_start3A_18, %mul3A_8] : memref<16x2600000xf32, #tpu.memory_space<hbm>> -> memref<8x1024xf32, #tpu.memory_space<hbm>>
    tpu.enqueue_dma source(%dma_start3A_19 : memref<8x1024xf32, #tpu.memory_space<hbm>>) target(%dma_start3A_17 : memref<8x1024xf32, #tpu.memory_space<vmem>>) target_semaphore(%arg9 : memref<!tpu.dma_semaphore, #tpu.memory_space<semaphore_mem>>)
    %dma_start3A_20 = arith.constant 8 : i32
    %dma_start3A_21 = arith.constant 0 : i32
    %dma_start3A_22 = tpu.memref_slice %arg5[%dma_start3A_20, %dma_start3A_21] : memref<16x1024xf32, #tpu.memory_space<vmem>> -> memref<8x1024xf32, #tpu.memory_space<vmem>>
    %dma_start3A_23 = arith.constant 8 : i32
    %dma_start3A_24 = tpu.memref_slice %arg2[%dma_start3A_23, %mul3A_10] : memref<16x2600000xf32, #tpu.memory_space<hbm>> -> memref<8x1024xf32, #tpu.memory_space<hbm>>
    %dma_start3A_25 = arith.constant 8 : i32
    %dma_start3A_26 = arith.constant 0 : i32
    %dma_start3A_27 = tpu.memref_slice %arg5[%dma_start3A_25, %dma_start3A_26] : memref<16x1024xf32, #tpu.memory_space<vmem>> -> memref<8x1024xf32, #tpu.memory_space<vmem>>
    %dma_start3A_28 = arith.constant 8 : i32
    %dma_start3A_29 = tpu.memref_slice %arg2[%dma_start3A_28, %mul3A_10] : memref<16x2600000xf32, #tpu.memory_space<hbm>> -> memref<8x1024xf32, #tpu.memory_space<hbm>>
    tpu.enqueue_dma source(%dma_start3A_29 : memref<8x1024xf32, #tpu.memory_space<hbm>>) target(%dma_start3A_27 : memref<8x1024xf32, #tpu.memory_space<vmem>>) target_semaphore(%arg9 : memref<!tpu.dma_semaphore, #tpu.memory_space<semaphore_mem>>)
    %scan3A = arith.constant 0 : i32
    %scan3A_30 = arith.constant 0 : i32
    %scan3A_31 = arith.constant 40 : i32
    %scan3A_32 = arith.addi %scan3A_30, %scan3A_31 : i32
    %scan3A_33 = arith.constant 1 : i32
    %scan3A_34 = scf.for %scan3A_53 = %scan3A_30 to %scan3A_32 step %scan3A_33 iter_args(%scan3A_54 = %scan3A) -> (i32)  : i32 {
      %mul3A_55 = arith.constant 2 : i32
      %mul3A_56 = arith.muli %mul3A_55, %scan3A_53 : i32
      %mul3A_57 = arith.constant 32 : i32
      %mul3A_58 = arith.muli %mul3A_56, %mul3A_57 : i32
      %add3A_59 = arith.addi %add3A, %mul3A_58 : i32
      %min3A_60 = arith.constant 2538 : i32
      %min3A_61 = arith.minsi %add3A_59, %min3A_60 : i32
      %add3A_62 = arith.constant 1 : i32
      %add3A_63 = arith.addi %mul3A_56, %add3A_62 : i32
      %mul3A_64 = arith.constant 32 : i32
      %mul3A_65 = arith.muli %add3A_63, %mul3A_64 : i32
      %add3A_66 = arith.addi %add3A, %mul3A_65 : i32
      %min3A_67 = arith.constant 2538 : i32
      %min3A_68 = arith.minsi %add3A_66, %min3A_67 : i32
      %mul3A_69 = arith.constant 1024 : i32
      %mul3A_70 = arith.muli %min3A_61, %mul3A_69 : i32
      %mul3A_71 = arith.constant 1024 : i32
      %mul3A_72 = arith.muli %min3A_61, %mul3A_71 : i32
      %dma_wait3A_73 = arith.constant 0 : i32
      %dma_wait3A_74 = arith.constant 0 : i32
      %dma_wait3A_75 = tpu.memref_slice %arg5[%dma_wait3A_73, %dma_wait3A_74] : memref<16x1024xf32, #tpu.memory_space<vmem>> -> memref<8x1024xf32, #tpu.memory_space<vmem>>
      %dma_wait3A_76 = arith.constant 0 : i32
      %dma_wait3A_77 = tpu.memref_slice %arg2[%dma_wait3A_76, %mul3A_70] : memref<16x2600000xf32, #tpu.memory_space<hbm>> -> memref<8x1024xf32, #tpu.memory_space<hbm>>
      %dma_wait3A_78 = arith.constant 0 : i32
      %dma_wait3A_79 = arith.constant 0 : i32
      %dma_wait3A_80 = tpu.memref_slice %arg5[%dma_wait3A_78, %dma_wait3A_79] : memref<16x1024xf32, #tpu.memory_space<vmem>> -> memref<8x1024xf32, #tpu.memory_space<vmem>>
      %dma_wait3A_81 = arith.constant 0 : i32
      %dma_wait3A_82 = tpu.memref_slice %arg2[%dma_wait3A_81, %mul3A_70] : memref<16x2600000xf32, #tpu.memory_space<hbm>> -> memref<8x1024xf32, #tpu.memory_space<hbm>>
      tpu.wait_dma2 semaphore(%arg9 : memref<!tpu.dma_semaphore, #tpu.memory_space<semaphore_mem>>) src(%dma_wait3A_82 : memref<8x1024xf32, #tpu.memory_space<hbm>>) dst(%dma_wait3A_80 : memref<8x1024xf32, #tpu.memory_space<vmem>>)
      %dma_wait3A_83 = arith.constant 8 : i32
      %dma_wait3A_84 = arith.constant 0 : i32
      %dma_wait3A_85 = tpu.memref_slice %arg5[%dma_wait3A_83, %dma_wait3A_84] : memref<16x1024xf32, #tpu.memory_space<vmem>> -> memref<8x1024xf32, #tpu.memory_space<vmem>>
      %dma_wait3A_86 = arith.constant 8 : i32
      %dma_wait3A_87 = tpu.memref_slice %arg2[%dma_wait3A_86, %mul3A_72] : memref<16x2600000xf32, #tpu.memory_space<hbm>> -> memref<8x1024xf32, #tpu.memory_space<hbm>>
      %dma_wait3A_88 = arith.constant 8 : i32
      %dma_wait3A_89 = arith.constant 0 : i32
      %dma_wait3A_90 = tpu.memref_slice %arg5[%dma_wait3A_88, %dma_wait3A_89] : memref<16x1024xf32, #tpu.memory_space<vmem>> -> memref<8x1024xf32, #tpu.memory_space<vmem>>
      %dma_wait3A_91 = arith.constant 8 : i32
      %dma_wait3A_92 = tpu.memref_slice %arg2[%dma_wait3A_91, %mul3A_72] : memref<16x2600000xf32, #tpu.memory_space<hbm>> -> memref<8x1024xf32, #tpu.memory_space<hbm>>
      tpu.wait_dma2 semaphore(%arg9 : memref<!tpu.dma_semaphore, #tpu.memory_space<semaphore_mem>>) src(%dma_wait3A_92 : memref<8x1024xf32, #tpu.memory_space<hbm>>) dst(%dma_wait3A_90 : memref<8x1024xf32, #tpu.memory_space<vmem>>)
      %mul3A_93 = arith.constant 1024 : i32
      %mul3A_94 = arith.muli %min3A_68, %mul3A_93 : i32
      %mul3A_95 = arith.constant 1024 : i32
      %mul3A_96 = arith.muli %min3A_68, %mul3A_95 : i32
      %dma_start3A_97 = arith.constant 0 : i32
      %dma_start3A_98 = arith.constant 0 : i32
      %dma_start3A_99 = tpu.memref_slice %arg6[%dma_start3A_97, %dma_start3A_98] : memref<16x1024xf32, #tpu.memory_space<vmem>> -> memref<8x1024xf32, #tpu.memory_space<vmem>>
      %dma_start3A_100 = arith.constant 0 : i32
      %dma_start3A_101 = tpu.memref_slice %arg2[%dma_start3A_100, %mul3A_94] : memref<16x2600000xf32, #tpu.memory_space<hbm>> -> memref<8x1024xf32, #tpu.memory_space<hbm>>
      %dma_start3A_102 = arith.constant 0 : i32
      %dma_start3A_103 = arith.constant 0 : i32
      %dma_start3A_104 = tpu.memref_slice %arg6[%dma_start3A_102, %dma_start3A_103] : memref<16x1024xf32, #tpu.memory_space<vmem>> -> memref<8x1024xf32, #tpu.memory_space<vmem>>
      %dma_start3A_105 = arith.constant 0 : i32
      %dma_start3A_106 = tpu.memref_slice %arg2[%dma_start3A_105, %mul3A_94] : memref<16x2600000xf32, #tpu.memory_space<hbm>> -> memref<8x1024xf32, #tpu.memory_space<hbm>>
      tpu.enqueue_dma source(%dma_start3A_106 : memref<8x1024xf32, #tpu.memory_space<hbm>>) target(%dma_start3A_104 : memref<8x1024xf32, #tpu.memory_space<vmem>>) target_semaphore(%arg10 : memref<!tpu.dma_semaphore, #tpu.memory_space<semaphore_mem>>)
      %dma_start3A_107 = arith.constant 8 : i32
      %dma_start3A_108 = arith.constant 0 : i32
      %dma_start3A_109 = tpu.memref_slice %arg6[%dma_start3A_107, %dma_start3A_108] : memref<16x1024xf32, #tpu.memory_space<vmem>> -> memref<8x1024xf32, #tpu.memory_space<vmem>>
      %dma_start3A_110 = arith.constant 8 : i32
      %dma_start3A_111 = tpu.memref_slice %arg2[%dma_start3A_110, %mul3A_96] : memref<16x2600000xf32, #tpu.memory_space<hbm>> -> memref<8x1024xf32, #tpu.memory_space<hbm>>
      %dma_start3A_112 = arith.constant 8 : i32
      %dma_start3A_113 = arith.constant 0 : i32
      %dma_start3A_114 = tpu.memref_slice %arg6[%dma_start3A_112, %dma_start3A_113] : memref<16x1024xf32, #tpu.memory_space<vmem>> -> memref<8x1024xf32, #tpu.memory_space<vmem>>
      %dma_start3A_115 = arith.constant 8 : i32
      %dma_start3A_116 = tpu.memref_slice %arg2[%dma_start3A_115, %mul3A_96] : memref<16x2600000xf32, #tpu.memory_space<hbm>> -> memref<8x1024xf32, #tpu.memory_space<hbm>>
      tpu.enqueue_dma source(%dma_start3A_116 : memref<8x1024xf32, #tpu.memory_space<hbm>>) target(%dma_start3A_114 : memref<8x1024xf32, #tpu.memory_space<vmem>>) target_semaphore(%arg10 : memref<!tpu.dma_semaphore, #tpu.memory_space<semaphore_mem>>)
      %gt3A = arith.constant 0 : i32
      %gt3A_117 = arith.cmpi sgt, %scan3A_53, %gt3A : i32
      %convert_element_type3A_118 = arith.extui %gt3A_117 : i1 to i32
      %cond3A_119 = arith.constant 0 : i32
      %cond3A_120 = arith.cmpi ne, %convert_element_type3A_118, %cond3A_119 : i32
      scf.if %cond3A_120 {
        %sub3A = arith.constant 2 : i32
        %sub3A_367 = arith.subi %mul3A_56, %sub3A : i32
        %mul3A_368 = arith.constant 32 : i32
        %mul3A_369 = arith.muli %sub3A_367, %mul3A_368 : i32
        %add3A_370 = arith.addi %add3A, %mul3A_369 : i32
        %min3A_371 = arith.constant 2538 : i32
        %min3A_372 = arith.minsi %add3A_370, %min3A_371 : i32
        %mul3A_373 = arith.constant 16384 : i32
        %mul3A_374 = arith.muli %min3A_372, %mul3A_373 : i32
        %dma_wait3A_375 = tpu.memref_slice %arg4[%mul3A_374] : memref<41600000xf32, #tpu.memory_space<hbm>> -> memref<16384xf32, #tpu.memory_space<hbm>>
        %dma_wait3A_376 = tpu.memref_slice %arg4[%mul3A_374] : memref<41600000xf32, #tpu.memory_space<hbm>> -> memref<16384xf32, #tpu.memory_space<hbm>>
        tpu.wait_dma2 semaphore(%arg11 : memref<!tpu.dma_semaphore, #tpu.memory_space<semaphore_mem>>) src(%arg7 : memref<16384xf32, #tpu.memory_space<vmem>>) dst(%dma_wait3A_376 : memref<16384xf32, #tpu.memory_space<hbm>>)
      } else {
      }
      %mul3A_121 = arith.constant 16 : i32
      %mul3A_122 = vector.broadcast %mul3A_121 : i32 to vector<16xi32>
      %mul3A_123 = arith.muli %iota3A, %mul3A_122 : vector<16xi32>
      %add3A_124 = arith.constant 0 : i32
      %add3A_125 = vector.broadcast %add3A_124 : i32 to vector<16xi32>
      %add3A_126 = arith.addi %mul3A_123, %add3A_125 : vector<16xi32>
      %mul3A_127 = arith.constant 16 : i32
      %mul3A_128 = vector.broadcast %mul3A_127 : i32 to vector<16xi32>
      %mul3A_129 = arith.muli %iota3A, %mul3A_128 : vector<16xi32>
      %add3A_130 = arith.constant 1 : i32
      %add3A_131 = vector.broadcast %add3A_130 : i32 to vector<16xi32>
      %add3A_132 = arith.addi %mul3A_129, %add3A_131 : vector<16xi32>
      %mul3A_133 = arith.constant 16 : i32
      %mul3A_134 = vector.broadcast %mul3A_133 : i32 to vector<16xi32>
      %mul3A_135 = arith.muli %iota3A, %mul3A_134 : vector<16xi32>
      %add3A_136 = arith.constant 2 : i32
      %add3A_137 = vector.broadcast %add3A_136 : i32 to vector<16xi32>
      %add3A_138 = arith.addi %mul3A_135, %add3A_137 : vector<16xi32>
      %mul3A_139 = arith.constant 16 : i32
      %mul3A_140 = vector.broadcast %mul3A_139 : i32 to vector<16xi32>
      %mul3A_141 = arith.muli %iota3A, %mul3A_140 : vector<16xi32>
      %add3A_142 = arith.constant 3 : i32
      %add3A_143 = vector.broadcast %add3A_142 : i32 to vector<16xi32>
      %add3A_144 = arith.addi %mul3A_141, %add3A_143 : vector<16xi32>
      %mul3A_145 = arith.constant 16 : i32
      %mul3A_146 = vector.broadcast %mul3A_145 : i32 to vector<16xi32>
      %mul3A_147 = arith.muli %iota3A, %mul3A_146 : vector<16xi32>
      %add3A_148 = arith.constant 4 : i32
      %add3A_149 = vector.broadcast %add3A_148 : i32 to vector<16xi32>
      %add3A_150 = arith.addi %mul3A_147, %add3A_149 : vector<16xi32>
      %mul3A_151 = arith.constant 16 : i32
      %mul3A_152 = vector.broadcast %mul3A_151 : i32 to vector<16xi32>
      %mul3A_153 = arith.muli %iota3A, %mul3A_152 : vector<16xi32>
      %add3A_154 = arith.constant 5 : i32
      %add3A_155 = vector.broadcast %add3A_154 : i32 to vector<16xi32>
      %add3A_156 = arith.addi %mul3A_153, %add3A_155 : vector<16xi32>
      %mul3A_157 = arith.constant 16 : i32
      %mul3A_158 = vector.broadcast %mul3A_157 : i32 to vector<16xi32>
      %mul3A_159 = arith.muli %iota3A, %mul3A_158 : vector<16xi32>
      %add3A_160 = arith.constant 6 : i32
      %add3A_161 = vector.broadcast %add3A_160 : i32 to vector<16xi32>
      %add3A_162 = arith.addi %mul3A_159, %add3A_161 : vector<16xi32>
      %mul3A_163 = arith.constant 16 : i32
      %mul3A_164 = vector.broadcast %mul3A_163 : i32 to vector<16xi32>
      %mul3A_165 = arith.muli %iota3A, %mul3A_164 : vector<16xi32>
      %add3A_166 = arith.constant 7 : i32
      %add3A_167 = vector.broadcast %add3A_166 : i32 to vector<16xi32>
      %add3A_168 = arith.addi %mul3A_165, %add3A_167 : vector<16xi32>
      %mul3A_169 = arith.constant 16 : i32
      %mul3A_170 = vector.broadcast %mul3A_169 : i32 to vector<16xi32>
      %mul3A_171 = arith.muli %iota3A, %mul3A_170 : vector<16xi32>
      %add3A_172 = arith.constant 8 : i32
      %add3A_173 = vector.broadcast %add3A_172 : i32 to vector<16xi32>
      %add3A_174 = arith.addi %mul3A_171, %add3A_173 : vector<16xi32>
      %mul3A_175 = arith.constant 16 : i32
      %mul3A_176 = vector.broadcast %mul3A_175 : i32 to vector<16xi32>
      %mul3A_177 = arith.muli %iota3A, %mul3A_176 : vector<16xi32>
      %add3A_178 = arith.constant 9 : i32
      %add3A_179 = vector.broadcast %add3A_178 : i32 to vector<16xi32>
      %add3A_180 = arith.addi %mul3A_177, %add3A_179 : vector<16xi32>
      %mul3A_181 = arith.constant 16 : i32
      %mul3A_182 = vector.broadcast %mul3A_181 : i32 to vector<16xi32>
      %mul3A_183 = arith.muli %iota3A, %mul3A_182 : vector<16xi32>
      %add3A_184 = arith.constant 10 : i32
      %add3A_185 = vector.broadcast %add3A_184 : i32 to vector<16xi32>
      %add3A_186 = arith.addi %mul3A_183, %add3A_185 : vector<16xi32>
      %mul3A_187 = arith.constant 16 : i32
      %mul3A_188 = vector.broadcast %mul3A_187 : i32 to vector<16xi32>
      %mul3A_189 = arith.muli %iota3A, %mul3A_188 : vector<16xi32>
      %add3A_190 = arith.constant 11 : i32
      %add3A_191 = vector.broadcast %add3A_190 : i32 to vector<16xi32>
      %add3A_192 = arith.addi %mul3A_189, %add3A_191 : vector<16xi32>
      %mul3A_193 = arith.constant 16 : i32
      %mul3A_194 = vector.broadcast %mul3A_193 : i32 to vector<16xi32>
      %mul3A_195 = arith.muli %iota3A, %mul3A_194 : vector<16xi32>
      %add3A_196 = arith.constant 12 : i32
      %add3A_197 = vector.broadcast %add3A_196 : i32 to vector<16xi32>
      %add3A_198 = arith.addi %mul3A_195, %add3A_197 : vector<16xi32>
      %mul3A_199 = arith.constant 16 : i32
      %mul3A_200 = vector.broadcast %mul3A_199 : i32 to vector<16xi32>
      %mul3A_201 = arith.muli %iota3A, %mul3A_200 : vector<16xi32>
      %add3A_202 = arith.constant 13 : i32
      %add3A_203 = vector.broadcast %add3A_202 : i32 to vector<16xi32>
      %add3A_204 = arith.addi %mul3A_201, %add3A_203 : vector<16xi32>
      %mul3A_205 = arith.constant 16 : i32
      %mul3A_206 = vector.broadcast %mul3A_205 : i32 to vector<16xi32>
      %mul3A_207 = arith.muli %iota3A, %mul3A_206 : vector<16xi32>
      %add3A_208 = arith.constant 14 : i32
      %add3A_209 = vector.broadcast %add3A_208 : i32 to vector<16xi32>
      %add3A_210 = arith.addi %mul3A_207, %add3A_209 : vector<16xi32>
      %mul3A_211 = arith.constant 16 : i32
      %mul3A_212 = vector.broadcast %mul3A_211 : i32 to vector<16xi32>
      %mul3A_213 = arith.muli %iota3A, %mul3A_212 : vector<16xi32>
      %add3A_214 = arith.constant 15 : i32
      %add3A_215 = vector.broadcast %add3A_214 : i32 to vector<16xi32>
      %add3A_216 = arith.addi %mul3A_213, %add3A_215 : vector<16xi32>
      %scan3A_217 = arith.constant 0 : i32
      %scan3A_218 = arith.constant 32 : i32
      %scan3A_219 = arith.addi %scan3A_217, %scan3A_218 : i32
      %scan3A_220 = arith.constant 1 : i32
      %scan3A_221 = scf.for %scan3A_367 = %scan3A_217 to %scan3A_219 step %scan3A_220 iter_args(%scan3A_368 = %mul3A_3) -> (vector<16xi32>)  : i32 {
        %mul3A_369 = arith.constant 32 : i32
        %mul3A_370 = arith.muli %scan3A_367, %mul3A_369 : i32
        %add3A_371 = arith.constant 0 : i32
        %add3A_372 = arith.addi %mul3A_370, %add3A_371 : i32
        %get3A = arith.constant 0 : i32
        %get3A_373 = arith.index_cast %get3A : i32 to index
        %get3A_374 = arith.index_cast %add3A_372 : i32 to index
        %get3A_375 = tpu.vector_load %arg5[%get3A_373, %get3A_374] {strides = array<i32>} : memref<16x1024xf32, #tpu.memory_space<vmem>>, vector<16xf32>,
        %add3A_376 = arith.constant 0 : i32
        %add3A_377 = vector.broadcast %add3A_376 : i32 to vector<16xi32>
        %add3A_378 = arith.addi %scan3A_368, %add3A_377 : vector<16xi32>
        %add3A_379 = arith.addi %add3A_378, %add3A_126 : vector<16xi32>
        tpu.vector_store_idx %arg7[%add3A_379], %get3A_375 : memref<16384xf32, #tpu.memory_space<vmem>>[vector<16xi32>], vector<16xf32>,
        %mul3A_380 = arith.constant 32 : i32
        %mul3A_381 = arith.muli %scan3A_367, %mul3A_380 : i32
        %add3A_382 = arith.constant 0 : i32
        %add3A_383 = arith.addi %mul3A_381, %add3A_382 : i32
        %get3A_384 = arith.constant 1 : i32
        %get3A_385 = arith.index_cast %get3A_384 : i32 to index
        %get3A_386 = arith.index_cast %add3A_383 : i32 to index
        %get3A_387 = tpu.vector_load %arg5[%get3A_385, %get3A_386] {strides = array<i32>} : memref<16x1024xf32, #tpu.memory_space<vmem>>, vector<16xf32>,
        %add3A_388 = arith.constant 0 : i32
        %add3A_389 = vector.broadcast %add3A_388 : i32 to vector<16xi32>
        %add3A_390 = arith.addi %scan3A_368, %add3A_389 : vector<16xi32>
        %add3A_391 = arith.addi %add3A_390, %add3A_132 : vector<16xi32>
        tpu.vector_store_idx %arg7[%add3A_391], %get3A_387 : memref<16384xf32, #tpu.memory_space<vmem>>[vector<16xi32>], vector<16xf32>,
        %mul3A_392 = arith.constant 32 : i32
        %mul3A_393 = arith.muli %scan3A_367, %mul3A_392 : i32
        %add3A_394 = arith.constant 0 : i32
        %add3A_395 = arith.addi %mul3A_393, %add3A_394 : i32
        %get3A_396 = arith.constant 2 : i32
        %get3A_397 = arith.index_cast %get3A_396 : i32 to index
        %get3A_398 = arith.index_cast %add3A_395 : i32 to index
        %get3A_399 = tpu.vector_load %arg5[%get3A_397, %get3A_398] {strides = array<i32>} : memref<16x1024xf32, #tpu.memory_space<vmem>>, vector<16xf32>,
        %add3A_400 = arith.constant 0 : i32
        %add3A_401 = vector.broadcast %add3A_400 : i32 to vector<16xi32>
        %add3A_402 = arith.addi %scan3A_368, %add3A_401 : vector<16xi32>
        %add3A_403 = arith.addi %add3A_402, %add3A_138 : vector<16xi32>
        tpu.vector_store_idx %arg7[%add3A_403], %get3A_399 : memref<16384xf32, #tpu.memory_space<vmem>>[vector<16xi32>], vector<16xf32>,
        %mul3A_404 = arith.constant 32 : i32
        %mul3A_405 = arith.muli %scan3A_367, %mul3A_404 : i32
        %add3A_406 = arith.constant 0 : i32
        %add3A_407 = arith.addi %mul3A_405, %add3A_406 : i32
        %get3A_408 = arith.constant 3 : i32
        %get3A_409 = arith.index_cast %get3A_408 : i32 to index
        %get3A_410 = arith.index_cast %add3A_407 : i32 to index
        %get3A_411 = tpu.vector_load %arg5[%get3A_409, %get3A_410] {strides = array<i32>} : memref<16x1024xf32, #tpu.memory_space<vmem>>, vector<16xf32>,
        %add3A_412 = arith.constant 0 : i32
        %add3A_413 = vector.broadcast %add3A_412 : i32 to vector<16xi32>
        %add3A_414 = arith.addi %scan3A_368, %add3A_413 : vector<16xi32>
        %add3A_415 = arith.addi %add3A_414, %add3A_144 : vector<16xi32>
        tpu.vector_store_idx %arg7[%add3A_415], %get3A_411 : memref<16384xf32, #tpu.memory_space<vmem>>[vector<16xi32>], vector<16xf32>,
        %mul3A_416 = arith.constant 32 : i32
        %mul3A_417 = arith.muli %scan3A_367, %mul3A_416 : i32
        %add3A_418 = arith.constant 0 : i32
        %add3A_419 = arith.addi %mul3A_417, %add3A_418 : i32
        %get3A_420 = arith.constant 4 : i32
        %get3A_421 = arith.index_cast %get3A_420 : i32 to index
        %get3A_422 = arith.index_cast %add3A_419 : i32 to index
        %get3A_423 = tpu.vector_load %arg5[%get3A_421, %get3A_422] {strides = array<i32>} : memref<16x1024xf32, #tpu.memory_space<vmem>>, vector<16xf32>,
        %add3A_424 = arith.constant 0 : i32
        %add3A_425 = vector.broadcast %add3A_424 : i32 to vector<16xi32>
        %add3A_426 = arith.addi %scan3A_368, %add3A_425 : vector<16xi32>
        %add3A_427 = arith.addi %add3A_426, %add3A_150 : vector<16xi32>
        tpu.vector_store_idx %arg7[%add3A_427], %get3A_423 : memref<16384xf32, #tpu.memory_space<vmem>>[vector<16xi32>], vector<16xf32>,
        %mul3A_428 = arith.constant 32 : i32
        %mul3A_429 = arith.muli %scan3A_367, %mul3A_428 : i32
        %add3A_430 = arith.constant 0 : i32
        %add3A_431 = arith.addi %mul3A_429, %add3A_430 : i32
        %get3A_432 = arith.constant 5 : i32
        %get3A_433 = arith.index_cast %get3A_432 : i32 to index
        %get3A_434 = arith.index_cast %add3A_431 : i32 to index
        %get3A_435 = tpu.vector_load %arg5[%get3A_433, %get3A_434] {strides = array<i32>} : memref<16x1024xf32, #tpu.memory_space<vmem>>, vector<16xf32>,
        %add3A_436 = arith.constant 0 : i32
        %add3A_437 = vector.broadcast %add3A_436 : i32 to vector<16xi32>
        %add3A_438 = arith.addi %scan3A_368, %add3A_437 : vector<16xi32>
        %add3A_439 = arith.addi %add3A_438, %add3A_156 : vector<16xi32>
        tpu.vector_store_idx %arg7[%add3A_439], %get3A_435 : memref<16384xf32, #tpu.memory_space<vmem>>[vector<16xi32>], vector<16xf32>,
        %mul3A_440 = arith.constant 32 : i32
        %mul3A_441 = arith.muli %scan3A_367, %mul3A_440 : i32
        %add3A_442 = arith.constant 0 : i32
        %add3A_443 = arith.addi %mul3A_441, %add3A_442 : i32
        %get3A_444 = arith.constant 6 : i32
        %get3A_445 = arith.index_cast %get3A_444 : i32 to index
        %get3A_446 = arith.index_cast %add3A_443 : i32 to index
        %get3A_447 = tpu.vector_load %arg5[%get3A_445, %get3A_446] {strides = array<i32>} : memref<16x1024xf32, #tpu.memory_space<vmem>>, vector<16xf32>,
        %add3A_448 = arith.constant 0 : i32
        %add3A_449 = vector.broadcast %add3A_448 : i32 to vector<16xi32>
        %add3A_450 = arith.addi %scan3A_368, %add3A_449 : vector<16xi32>
        %add3A_451 = arith.addi %add3A_450, %add3A_162 : vector<16xi32>
        tpu.vector_store_idx %arg7[%add3A_451], %get3A_447 : memref<16384xf32, #tpu.memory_space<vmem>>[vector<16xi32>], vector<16xf32>,
        %mul3A_452 = arith.constant 32 : i32
        %mul3A_453 = arith.muli %scan3A_367, %mul3A_452 : i32
        %add3A_454 = arith.constant 0 : i32
        %add3A_455 = arith.addi %mul3A_453, %add3A_454 : i32
        %get3A_456 = arith.constant 7 : i32
        %get3A_457 = arith.index_cast %get3A_456 : i32 to index
        %get3A_458 = arith.index_cast %add3A_455 : i32 to index
        %get3A_459 = tpu.vector_load %arg5[%get3A_457, %get3A_458] {strides = array<i32>} : memref<16x1024xf32, #tpu.memory_space<vmem>>, vector<16xf32>,
        %add3A_460 = arith.constant 0 : i32
        %add3A_461 = vector.broadcast %add3A_460 : i32 to vector<16xi32>
        %add3A_462 = arith.addi %scan3A_368, %add3A_461 : vector<16xi32>
        %add3A_463 = arith.addi %add3A_462, %add3A_168 : vector<16xi32>
        tpu.vector_store_idx %arg7[%add3A_463], %get3A_459 : memref<16384xf32, #tpu.memory_space<vmem>>[vector<16xi32>], vector<16xf32>,
        %mul3A_464 = arith.constant 32 : i32
        %mul3A_465 = arith.muli %scan3A_367, %mul3A_464 : i32
        %add3A_466 = arith.constant 0 : i32
        %add3A_467 = arith.addi %mul3A_465, %add3A_466 : i32
        %get3A_468 = arith.constant 8 : i32
        %get3A_469 = arith.index_cast %get3A_468 : i32 to index
        %get3A_470 = arith.index_cast %add3A_467 : i32 to index
        %get3A_471 = tpu.vector_load %arg5[%get3A_469, %get3A_470] {strides = array<i32>} : memref<16x1024xf32, #tpu.memory_space<vmem>>, vector<16xf32>,
        %add3A_472 = arith.constant 0 : i32
        %add3A_473 = vector.broadcast %add3A_472 : i32 to vector<16xi32>
        %add3A_474 = arith.addi %scan3A_368, %add3A_473 : vector<16xi32>
        %add3A_475 = arith.addi %add3A_474, %add3A_174 : vector<16xi32>
        tpu.vector_store_idx %arg7[%add3A_475], %get3A_471 : memref<16384xf32, #tpu.memory_space<vmem>>[vector<16xi32>], vector<16xf32>,
        %mul3A_476 = arith.constant 32 : i32
        %mul3A_477 = arith.muli %scan3A_367, %mul3A_476 : i32
        %add3A_478 = arith.constant 0 : i32
        %add3A_479 = arith.addi %mul3A_477, %add3A_478 : i32
        %get3A_480 = arith.constant 9 : i32
        %get3A_481 = arith.index_cast %get3A_480 : i32 to index
        %get3A_482 = arith.index_cast %add3A_479 : i32 to index
        %get3A_483 = tpu.vector_load %arg5[%get3A_481, %get3A_482] {strides = array<i32>} : memref<16x1024xf32, #tpu.memory_space<vmem>>, vector<16xf32>,
        %add3A_484 = arith.constant 0 : i32
        %add3A_485 = vector.broadcast %add3A_484 : i32 to vector<16xi32>
        %add3A_486 = arith.addi %scan3A_368, %add3A_485 : vector<16xi32>
        %add3A_487 = arith.addi %add3A_486, %add3A_180 : vector<16xi32>
        tpu.vector_store_idx %arg7[%add3A_487], %get3A_483 : memref<16384xf32, #tpu.memory_space<vmem>>[vector<16xi32>], vector<16xf32>,
        %mul3A_488 = arith.constant 32 : i32
        %mul3A_489 = arith.muli %scan3A_367, %mul3A_488 : i32
        %add3A_490 = arith.constant 0 : i32
        %add3A_491 = arith.addi %mul3A_489, %add3A_490 : i32
        %get3A_492 = arith.constant 10 : i32
        %get3A_493 = arith.index_cast %get3A_492 : i32 to index
        %get3A_494 = arith.index_cast %add3A_491 : i32 to index
        %get3A_495 = tpu.vector_load %arg5[%get3A_493, %get3A_494] {strides = array<i32>} : memref<16x1024xf32, #tpu.memory_space<vmem>>, vector<16xf32>,
        %add3A_496 = arith.constant 0 : i32
        %add3A_497 = vector.broadcast %add3A_496 : i32 to vector<16xi32>
        %add3A_498 = arith.addi %scan3A_368, %add3A_497 : vector<16xi32>
        %add3A_499 = arith.addi %add3A_498, %add3A_186 : vector<16xi32>
        tpu.vector_store_idx %arg7[%add3A_499], %get3A_495 : memref<16384xf32, #tpu.memory_space<vmem>>[vector<16xi32>], vector<16xf32>,
        %mul3A_500 = arith.constant 32 : i32
        %mul3A_501 = arith.muli %scan3A_367, %mul3A_500 : i32
        %add3A_502 = arith.constant 0 : i32
        %add3A_503 = arith.addi %mul3A_501, %add3A_502 : i32
        %get3A_504 = arith.constant 11 : i32
        %get3A_505 = arith.index_cast %get3A_504 : i32 to index
        %get3A_506 = arith.index_cast %add3A_503 : i32 to index
        %get3A_507 = tpu.vector_load %arg5[%get3A_505, %get3A_506] {strides = array<i32>} : memref<16x1024xf32, #tpu.memory_space<vmem>>, vector<16xf32>,
        %add3A_508 = arith.constant 0 : i32
        %add3A_509 = vector.broadcast %add3A_508 : i32 to vector<16xi32>
        %add3A_510 = arith.addi %scan3A_368, %add3A_509 : vector<16xi32>
        %add3A_511 = arith.addi %add3A_510, %add3A_192 : vector<16xi32>
        tpu.vector_store_idx %arg7[%add3A_511], %get3A_507 : memref<16384xf32, #tpu.memory_space<vmem>>[vector<16xi32>], vector<16xf32>,
        %mul3A_512 = arith.constant 32 : i32
        %mul3A_513 = arith.muli %scan3A_367, %mul3A_512 : i32
        %add3A_514 = arith.constant 0 : i32
        %add3A_515 = arith.addi %mul3A_513, %add3A_514 : i32
        %get3A_516 = arith.constant 12 : i32
        %get3A_517 = arith.index_cast %get3A_516 : i32 to index
        %get3A_518 = arith.index_cast %add3A_515 : i32 to index
        %get3A_519 = tpu.vector_load %arg5[%get3A_517, %get3A_518] {strides = array<i32>} : memref<16x1024xf32, #tpu.memory_space<vmem>>, vector<16xf32>,
        %add3A_520 = arith.constant 0 : i32
        %add3A_521 = vector.broadcast %add3A_520 : i32 to vector<16xi32>
        %add3A_522 = arith.addi %scan3A_368, %add3A_521 : vector<16xi32>
        %add3A_523 = arith.addi %add3A_522, %add3A_198 : vector<16xi32>
        tpu.vector_store_idx %arg7[%add3A_523], %get3A_519 : memref<16384xf32, #tpu.memory_space<vmem>>[vector<16xi32>], vector<16xf32>,
        %mul3A_524 = arith.constant 32 : i32
        %mul3A_525 = arith.muli %scan3A_367, %mul3A_524 : i32
        %add3A_526 = arith.constant 0 : i32
        %add3A_527 = arith.addi %mul3A_525, %add3A_526 : i32
        %get3A_528 = arith.constant 13 : i32
        %get3A_529 = arith.index_cast %get3A_528 : i32 to index
        %get3A_530 = arith.index_cast %add3A_527 : i32 to index
        %get3A_531 = tpu.vector_load %arg5[%get3A_529, %get3A_530] {strides = array<i32>} : memref<16x1024xf32, #tpu.memory_space<vmem>>, vector<16xf32>,
        %add3A_532 = arith.constant 0 : i32
        %add3A_533 = vector.broadcast %add3A_532 : i32 to vector<16xi32>
        %add3A_534 = arith.addi %scan3A_368, %add3A_533 : vector<16xi32>
        %add3A_535 = arith.addi %add3A_534, %add3A_204 : vector<16xi32>
        tpu.vector_store_idx %arg7[%add3A_535], %get3A_531 : memref<16384xf32, #tpu.memory_space<vmem>>[vector<16xi32>], vector<16xf32>,
        %mul3A_536 = arith.constant 32 : i32
        %mul3A_537 = arith.muli %scan3A_367, %mul3A_536 : i32
        %add3A_538 = arith.constant 0 : i32
        %add3A_539 = arith.addi %mul3A_537, %add3A_538 : i32
        %get3A_540 = arith.constant 14 : i32
        %get3A_541 = arith.index_cast %get3A_540 : i32 to index
        %get3A_542 = arith.index_cast %add3A_539 : i32 to index
        %get3A_543 = tpu.vector_load %arg5[%get3A_541, %get3A_542] {strides = array<i32>} : memref<16x1024xf32, #tpu.memory_space<vmem>>, vector<16xf32>,
        %add3A_544 = arith.constant 0 : i32
        %add3A_545 = vector.broadcast %add3A_544 : i32 to vector<16xi32>
        %add3A_546 = arith.addi %scan3A_368, %add3A_545 : vector<16xi32>
        %add3A_547 = arith.addi %add3A_546, %add3A_210 : vector<16xi32>
        tpu.vector_store_idx %arg7[%add3A_547], %get3A_543 : memref<16384xf32, #tpu.memory_space<vmem>>[vector<16xi32>], vector<16xf32>,
        %mul3A_548 = arith.constant 32 : i32
        %mul3A_549 = arith.muli %scan3A_367, %mul3A_548 : i32
        %add3A_550 = arith.constant 0 : i32
        %add3A_551 = arith.addi %mul3A_549, %add3A_550 : i32
        %get3A_552 = arith.constant 15 : i32
        %get3A_553 = arith.index_cast %get3A_552 : i32 to index
        %get3A_554 = arith.index_cast %add3A_551 : i32 to index
        %get3A_555 = tpu.vector_load %arg5[%get3A_553, %get3A_554] {strides = array<i32>} : memref<16x1024xf32, #tpu.memory_space<vmem>>, vector<16xf32>,
        %add3A_556 = arith.constant 0 : i32
        %add3A_557 = vector.broadcast %add3A_556 : i32 to vector<16xi32>
        %add3A_558 = arith.addi %scan3A_368, %add3A_557 : vector<16xi32>
        %add3A_559 = arith.addi %add3A_558, %add3A_216 : vector<16xi32>
        tpu.vector_store_idx %arg7[%add3A_559], %get3A_555 : memref<16384xf32, #tpu.memory_space<vmem>>[vector<16xi32>], vector<16xf32>,
        %mul3A_560 = arith.constant 32 : i32
        %mul3A_561 = arith.muli %scan3A_367, %mul3A_560 : i32
        %add3A_562 = arith.constant 16 : i32
        %add3A_563 = arith.addi %mul3A_561, %add3A_562 : i32
        %get3A_564 = arith.constant 0 : i32
        %get3A_565 = arith.index_cast %get3A_564 : i32 to index
        %get3A_566 = arith.index_cast %add3A_563 : i32 to index
        %get3A_567 = tpu.vector_load %arg5[%get3A_565, %get3A_566] {strides = array<i32>} : memref<16x1024xf32, #tpu.memory_space<vmem>>, vector<16xf32>,
        %add3A_568 = arith.constant 256 : i32
        %add3A_569 = vector.broadcast %add3A_568 : i32 to vector<16xi32>
        %add3A_570 = arith.addi %scan3A_368, %add3A_569 : vector<16xi32>
        %add3A_571 = arith.addi %add3A_570, %add3A_126 : vector<16xi32>
        tpu.vector_store_idx %arg7[%add3A_571], %get3A_567 : memref<16384xf32, #tpu.memory_space<vmem>>[vector<16xi32>], vector<16xf32>,
        %mul3A_572 = arith.constant 32 : i32
        %mul3A_573 = arith.muli %scan3A_367, %mul3A_572 : i32
        %add3A_574 = arith.constant 16 : i32
        %add3A_575 = arith.addi %mul3A_573, %add3A_574 : i32
        %get3A_576 = arith.constant 1 : i32
        %get3A_577 = arith.index_cast %get3A_576 : i32 to index
        %get3A_578 = arith.index_cast %add3A_575 : i32 to index
        %get3A_579 = tpu.vector_load %arg5[%get3A_577, %get3A_578] {strides = array<i32>} : memref<16x1024xf32, #tpu.memory_space<vmem>>, vector<16xf32>,
        %add3A_580 = arith.constant 256 : i32
        %add3A_581 = vector.broadcast %add3A_580 : i32 to vector<16xi32>
        %add3A_582 = arith.addi %scan3A_368, %add3A_581 : vector<16xi32>
        %add3A_583 = arith.addi %add3A_582, %add3A_132 : vector<16xi32>
        tpu.vector_store_idx %arg7[%add3A_583], %get3A_579 : memref<16384xf32, #tpu.memory_space<vmem>>[vector<16xi32>], vector<16xf32>,
        %mul3A_584 = arith.constant 32 : i32
        %mul3A_585 = arith.muli %scan3A_367, %mul3A_584 : i32
        %add3A_586 = arith.constant 16 : i32
        %add3A_587 = arith.addi %mul3A_585, %add3A_586 : i32
        %get3A_588 = arith.constant 2 : i32
        %get3A_589 = arith.index_cast %get3A_588 : i32 to index
        %get3A_590 = arith.index_cast %add3A_587 : i32 to index
        %get3A_591 = tpu.vector_load %arg5[%get3A_589, %get3A_590] {strides = array<i32>} : memref<16x1024xf32, #tpu.memory_space<vmem>>, vector<16xf32>,
        %add3A_592 = arith.constant 256 : i32
        %add3A_593 = vector.broadcast %add3A_592 : i32 to vector<16xi32>
        %add3A_594 = arith.addi %scan3A_368, %add3A_593 : vector<16xi32>
        %add3A_595 = arith.addi %add3A_594, %add3A_138 : vector<16xi32>
        tpu.vector_store_idx %arg7[%add3A_595], %get3A_591 : memref<16384xf32, #tpu.memory_space<vmem>>[vector<16xi32>], vector<16xf32>,
        %mul3A_596 = arith.constant 32 : i32
        %mul3A_597 = arith.muli %scan3A_367, %mul3A_596 : i32
        %add3A_598 = arith.constant 16 : i32
        %add3A_599 = arith.addi %mul3A_597, %add3A_598 : i32
        %get3A_600 = arith.constant 3 : i32
        %get3A_601 = arith.index_cast %get3A_600 : i32 to index
        %get3A_602 = arith.index_cast %add3A_599 : i32 to index
        %get3A_603 = tpu.vector_load %arg5[%get3A_601, %get3A_602] {strides = array<i32>} : memref<16x1024xf32, #tpu.memory_space<vmem>>, vector<16xf32>,
        %add3A_604 = arith.constant 256 : i32
        %add3A_605 = vector.broadcast %add3A_604 : i32 to vector<16xi32>
        %add3A_606 = arith.addi %scan3A_368, %add3A_605 : vector<16xi32>
        %add3A_607 = arith.addi %add3A_606, %add3A_144 : vector<16xi32>
        tpu.vector_store_idx %arg7[%add3A_607], %get3A_603 : memref<16384xf32, #tpu.memory_space<vmem>>[vector<16xi32>], vector<16xf32>,
        %mul3A_608 = arith.constant 32 : i32
        %mul3A_609 = arith.muli %scan3A_367, %mul3A_608 : i32
        %add3A_610 = arith.constant 16 : i32
        %add3A_611 = arith.addi %mul3A_609, %add3A_610 : i32
        %get3A_612 = arith.constant 4 : i32
        %get3A_613 = arith.index_cast %get3A_612 : i32 to index
        %get3A_614 = arith.index_cast %add3A_611 : i32 to index
        %get3A_615 = tpu.vector_load %arg5[%get3A_613, %get3A_614] {strides = array<i32>} : memref<16x1024xf32, #tpu.memory_space<vmem>>, vector<16xf32>,
        %add3A_616 = arith.constant 256 : i32
        %add3A_617 = vector.broadcast %add3A_616 : i32 to vector<16xi32>
        %add3A_618 = arith.addi %scan3A_368, %add3A_617 : vector<16xi32>
        %add3A_619 = arith.addi %add3A_618, %add3A_150 : vector<16xi32>
        tpu.vector_store_idx %arg7[%add3A_619], %get3A_615 : memref<16384xf32, #tpu.memory_space<vmem>>[vector<16xi32>], vector<16xf32>,
        %mul3A_620 = arith.constant 32 : i32
        %mul3A_621 = arith.muli %scan3A_367, %mul3A_620 : i32
        %add3A_622 = arith.constant 16 : i32
        %add3A_623 = arith.addi %mul3A_621, %add3A_622 : i32
        %get3A_624 = arith.constant 5 : i32
        %get3A_625 = arith.index_cast %get3A_624 : i32 to index
        %get3A_626 = arith.index_cast %add3A_623 : i32 to index
        %get3A_627 = tpu.vector_load %arg5[%get3A_625, %get3A_626] {strides = array<i32>} : memref<16x1024xf32, #tpu.memory_space<vmem>>, vector<16xf32>,
        %add3A_628 = arith.constant 256 : i32
        %add3A_629 = vector.broadcast %add3A_628 : i32 to vector<16xi32>
        %add3A_630 = arith.addi %scan3A_368, %add3A_629 : vector<16xi32>
        %add3A_631 = arith.addi %add3A_630, %add3A_156 : vector<16xi32>
        tpu.vector_store_idx %arg7[%add3A_631], %get3A_627 : memref<16384xf32, #tpu.memory_space<vmem>>[vector<16xi32>], vector<16xf32>,
        %mul3A_632 = arith.constant 32 : i32
        %mul3A_633 = arith.muli %scan3A_367, %mul3A_632 : i32
        %add3A_634 = arith.constant 16 : i32
        %add3A_635 = arith.addi %mul3A_633, %add3A_634 : i32
        %get3A_636 = arith.constant 6 : i32
        %get3A_637 = arith.index_cast %get3A_636 : i32 to index
        %get3A_638 = arith.index_cast %add3A_635 : i32 to index
        %get3A_639 = tpu.vector_load %arg5[%get3A_637, %get3A_638] {strides = array<i32>} : memref<16x1024xf32, #tpu.memory_space<vmem>>, vector<16xf32>,
        %add3A_640 = arith.constant 256 : i32
        %add3A_641 = vector.broadcast %add3A_640 : i32 to vector<16xi32>
        %add3A_642 = arith.addi %scan3A_368, %add3A_641 : vector<16xi32>
        %add3A_643 = arith.addi %add3A_642, %add3A_162 : vector<16xi32>
        tpu.vector_store_idx %arg7[%add3A_643], %get3A_639 : memref<16384xf32, #tpu.memory_space<vmem>>[vector<16xi32>], vector<16xf32>,
        %mul3A_644 = arith.constant 32 : i32
        %mul3A_645 = arith.muli %scan3A_367, %mul3A_644 : i32
        %add3A_646 = arith.constant 16 : i32
        %add3A_647 = arith.addi %mul3A_645, %add3A_646 : i32
        %get3A_648 = arith.constant 7 : i32
        %get3A_649 = arith.index_cast %get3A_648 : i32 to index
        %get3A_650 = arith.index_cast %add3A_647 : i32 to index
        %get3A_651 = tpu.vector_load %arg5[%get3A_649, %get3A_650] {strides = array<i32>} : memref<16x1024xf32, #tpu.memory_space<vmem>>, vector<16xf32>,
        %add3A_652 = arith.constant 256 : i32
        %add3A_653 = vector.broadcast %add3A_652 : i32 to vector<16xi32>
        %add3A_654 = arith.addi %scan3A_368, %add3A_653 : vector<16xi32>
        %add3A_655 = arith.addi %add3A_654, %add3A_168 : vector<16xi32>
        tpu.vector_store_idx %arg7[%add3A_655], %get3A_651 : memref<16384xf32, #tpu.memory_space<vmem>>[vector<16xi32>], vector<16xf32>,
        %mul3A_656 = arith.constant 32 : i32
        %mul3A_657 = arith.muli %scan3A_367, %mul3A_656 : i32
        %add3A_658 = arith.constant 16 : i32
        %add3A_659 = arith.addi %mul3A_657, %add3A_658 : i32
        %get3A_660 = arith.constant 8 : i32
        %get3A_661 = arith.index_cast %get3A_660 : i32 to index
        %get3A_662 = arith.index_cast %add3A_659 : i32 to index
        %get3A_663 = tpu.vector_load %arg5[%get3A_661, %get3A_662] {strides = array<i32>} : memref<16x1024xf32, #tpu.memory_space<vmem>>, vector<16xf32>,
        %add3A_664 = arith.constant 256 : i32
        %add3A_665 = vector.broadcast %add3A_664 : i32 to vector<16xi32>
        %add3A_666 = arith.addi %scan3A_368, %add3A_665 : vector<16xi32>
        %add3A_667 = arith.addi %add3A_666, %add3A_174 : vector<16xi32>
        tpu.vector_store_idx %arg7[%add3A_667], %get3A_663 : memref<16384xf32, #tpu.memory_space<vmem>>[vector<16xi32>], vector<16xf32>,
        %mul3A_668 = arith.constant 32 : i32
        %mul3A_669 = arith.muli %scan3A_367, %mul3A_668 : i32
        %add3A_670 = arith.constant 16 : i32
        %add3A_671 = arith.addi %mul3A_669, %add3A_670 : i32
        %get3A_672 = arith.constant 9 : i32
        %get3A_673 = arith.index_cast %get3A_672 : i32 to index
        %get3A_674 = arith.index_cast %add3A_671 : i32 to index
        %get3A_675 = tpu.vector_load %arg5[%get3A_673, %get3A_674] {strides = array<i32>} : memref<16x1024xf32, #tpu.memory_space<vmem>>, vector<16xf32>,
        %add3A_676 = arith.constant 256 : i32
        %add3A_677 = vector.broadcast %add3A_676 : i32 to vector<16xi32>
        %add3A_678 = arith.addi %scan3A_368, %add3A_677 : vector<16xi32>
        %add3A_679 = arith.addi %add3A_678, %add3A_180 : vector<16xi32>
        tpu.vector_store_idx %arg7[%add3A_679], %get3A_675 : memref<16384xf32, #tpu.memory_space<vmem>>[vector<16xi32>], vector<16xf32>,
        %mul3A_680 = arith.constant 32 : i32
        %mul3A_681 = arith.muli %scan3A_367, %mul3A_680 : i32
        %add3A_682 = arith.constant 16 : i32
        %add3A_683 = arith.addi %mul3A_681, %add3A_682 : i32
        %get3A_684 = arith.constant 10 : i32
        %get3A_685 = arith.index_cast %get3A_684 : i32 to index
        %get3A_686 = arith.index_cast %add3A_683 : i32 to index
        %get3A_687 = tpu.vector_load %arg5[%get3A_685, %get3A_686] {strides = array<i32>} : memref<16x1024xf32, #tpu.memory_space<vmem>>, vector<16xf32>,
        %add3A_688 = arith.constant 256 : i32
        %add3A_689 = vector.broadcast %add3A_688 : i32 to vector<16xi32>
        %add3A_690 = arith.addi %scan3A_368, %add3A_689 : vector<16xi32>
        %add3A_691 = arith.addi %add3A_690, %add3A_186 : vector<16xi32>
        tpu.vector_store_idx %arg7[%add3A_691], %get3A_687 : memref<16384xf32, #tpu.memory_space<vmem>>[vector<16xi32>], vector<16xf32>,
        %mul3A_692 = arith.constant 32 : i32
        %mul3A_693 = arith.muli %scan3A_367, %mul3A_692 : i32
        %add3A_694 = arith.constant 16 : i32
        %add3A_695 = arith.addi %mul3A_693, %add3A_694 : i32
        %get3A_696 = arith.constant 11 : i32
        %get3A_697 = arith.index_cast %get3A_696 : i32 to index
        %get3A_698 = arith.index_cast %add3A_695 : i32 to index
        %get3A_699 = tpu.vector_load %arg5[%get3A_697, %get3A_698] {strides = array<i32>} : memref<16x1024xf32, #tpu.memory_space<vmem>>, vector<16xf32>,
        %add3A_700 = arith.constant 256 : i32
        %add3A_701 = vector.broadcast %add3A_700 : i32 to vector<16xi32>
        %add3A_702 = arith.addi %scan3A_368, %add3A_701 : vector<16xi32>
        %add3A_703 = arith.addi %add3A_702, %add3A_192 : vector<16xi32>
        tpu.vector_store_idx %arg7[%add3A_703], %get3A_699 : memref<16384xf32, #tpu.memory_space<vmem>>[vector<16xi32>], vector<16xf32>,
        %mul3A_704 = arith.constant 32 : i32
        %mul3A_705 = arith.muli %scan3A_367, %mul3A_704 : i32
        %add3A_706 = arith.constant 16 : i32
        %add3A_707 = arith.addi %mul3A_705, %add3A_706 : i32
        %get3A_708 = arith.constant 12 : i32
        %get3A_709 = arith.index_cast %get3A_708 : i32 to index
        %get3A_710 = arith.index_cast %add3A_707 : i32 to index
        %get3A_711 = tpu.vector_load %arg5[%get3A_709, %get3A_710] {strides = array<i32>} : memref<16x1024xf32, #tpu.memory_space<vmem>>, vector<16xf32>,
        %add3A_712 = arith.constant 256 : i32
        %add3A_713 = vector.broadcast %add3A_712 : i32 to vector<16xi32>
        %add3A_714 = arith.addi %scan3A_368, %add3A_713 : vector<16xi32>
        %add3A_715 = arith.addi %add3A_714, %add3A_198 : vector<16xi32>
        tpu.vector_store_idx %arg7[%add3A_715], %get3A_711 : memref<16384xf32, #tpu.memory_space<vmem>>[vector<16xi32>], vector<16xf32>,
        %mul3A_716 = arith.constant 32 : i32
        %mul3A_717 = arith.muli %scan3A_367, %mul3A_716 : i32
        %add3A_718 = arith.constant 16 : i32
        %add3A_719 = arith.addi %mul3A_717, %add3A_718 : i32
        %get3A_720 = arith.constant 13 : i32
        %get3A_721 = arith.index_cast %get3A_720 : i32 to index
        %get3A_722 = arith.index_cast %add3A_719 : i32 to index
        %get3A_723 = tpu.vector_load %arg5[%get3A_721, %get3A_722] {strides = array<i32>} : memref<16x1024xf32, #tpu.memory_space<vmem>>, vector<16xf32>,
        %add3A_724 = arith.constant 256 : i32
        %add3A_725 = vector.broadcast %add3A_724 : i32 to vector<16xi32>
        %add3A_726 = arith.addi %scan3A_368, %add3A_725 : vector<16xi32>
        %add3A_727 = arith.addi %add3A_726, %add3A_204 : vector<16xi32>
        tpu.vector_store_idx %arg7[%add3A_727], %get3A_723 : memref<16384xf32, #tpu.memory_space<vmem>>[vector<16xi32>], vector<16xf32>,
        %mul3A_728 = arith.constant 32 : i32
        %mul3A_729 = arith.muli %scan3A_367, %mul3A_728 : i32
        %add3A_730 = arith.constant 16 : i32
        %add3A_731 = arith.addi %mul3A_729, %add3A_730 : i32
        %get3A_732 = arith.constant 14 : i32
        %get3A_733 = arith.index_cast %get3A_732 : i32 to index
        %get3A_734 = arith.index_cast %add3A_731 : i32 to index
        %get3A_735 = tpu.vector_load %arg5[%get3A_733, %get3A_734] {strides = array<i32>} : memref<16x1024xf32, #tpu.memory_space<vmem>>, vector<16xf32>,
        %add3A_736 = arith.constant 256 : i32
        %add3A_737 = vector.broadcast %add3A_736 : i32 to vector<16xi32>
        %add3A_738 = arith.addi %scan3A_368, %add3A_737 : vector<16xi32>
        %add3A_739 = arith.addi %add3A_738, %add3A_210 : vector<16xi32>
        tpu.vector_store_idx %arg7[%add3A_739], %get3A_735 : memref<16384xf32, #tpu.memory_space<vmem>>[vector<16xi32>], vector<16xf32>,
        %mul3A_740 = arith.constant 32 : i32
        %mul3A_741 = arith.muli %scan3A_367, %mul3A_740 : i32
        %add3A_742 = arith.constant 16 : i32
        %add3A_743 = arith.addi %mul3A_741, %add3A_742 : i32
        %get3A_744 = arith.constant 15 : i32
        %get3A_745 = arith.index_cast %get3A_744 : i32 to index
        %get3A_746 = arith.index_cast %add3A_743 : i32 to index
        %get3A_747 = tpu.vector_load %arg5[%get3A_745, %get3A_746] {strides = array<i32>} : memref<16x1024xf32, #tpu.memory_space<vmem>>, vector<16xf32>,
        %add3A_748 = arith.constant 256 : i32
        %add3A_749 = vector.broadcast %add3A_748 : i32 to vector<16xi32>
        %add3A_750 = arith.addi %scan3A_368, %add3A_749 : vector<16xi32>
        %add3A_751 = arith.addi %add3A_750, %add3A_216 : vector<16xi32>
        tpu.vector_store_idx %arg7[%add3A_751], %get3A_747 : memref<16384xf32, #tpu.memory_space<vmem>>[vector<16xi32>], vector<16xf32>,
        %add3A_752 = arith.constant 512 : i32
        %add3A_753 = vector.broadcast %add3A_752 : i32 to vector<16xi32>
        %add3A_754 = arith.addi %scan3A_368, %add3A_753 : vector<16xi32>
        scf.yield %add3A_754 : vector<16xi32>
      }
      %scan3A_222 = arith.constant 32 : i32
      %mul3A_223 = arith.constant 16384 : i32
      %mul3A_224 = arith.muli %min3A_61, %mul3A_223 : i32
      %dma_start3A_225 = tpu.memref_slice %arg4[%mul3A_224] : memref<41600000xf32, #tpu.memory_space<hbm>> -> memref<16384xf32, #tpu.memory_space<hbm>>
      %dma_start3A_226 = tpu.memref_slice %arg4[%mul3A_224] : memref<41600000xf32, #tpu.memory_space<hbm>> -> memref<16384xf32, #tpu.memory_space<hbm>>
      tpu.enqueue_dma source(%arg7 : memref<16384xf32, #tpu.memory_space<vmem>>) target(%dma_start3A_226 : memref<16384xf32, #tpu.memory_space<hbm>>) target_semaphore(%arg11 : memref<!tpu.dma_semaphore, #tpu.memory_space<semaphore_mem>>)
      %mul3A_227 = arith.constant 1024 : i32
      %mul3A_228 = arith.muli %min3A_68, %mul3A_227 : i32
      %mul3A_229 = arith.constant 1024 : i32
      %mul3A_230 = arith.muli %min3A_68, %mul3A_229 : i32
      %dma_wait3A_231 = arith.constant 0 : i32
      %dma_wait3A_232 = arith.constant 0 : i32
      %dma_wait3A_233 = tpu.memref_slice %arg6[%dma_wait3A_231, %dma_wait3A_232] : memref<16x1024xf32, #tpu.memory_space<vmem>> -> memref<8x1024xf32, #tpu.memory_space<vmem>>
      %dma_wait3A_234 = arith.constant 0 : i32
      %dma_wait3A_235 = tpu.memref_slice %arg2[%dma_wait3A_234, %mul3A_228] : memref<16x2600000xf32, #tpu.memory_space<hbm>> -> memref<8x1024xf32, #tpu.memory_space<hbm>>
      %dma_wait3A_236 = arith.constant 0 : i32
      %dma_wait3A_237 = arith.constant 0 : i32
      %dma_wait3A_238 = tpu.memref_slice %arg6[%dma_wait3A_236, %dma_wait3A_237] : memref<16x1024xf32, #tpu.memory_space<vmem>> -> memref<8x1024xf32, #tpu.memory_space<vmem>>
      %dma_wait3A_239 = arith.constant 0 : i32
      %dma_wait3A_240 = tpu.memref_slice %arg2[%dma_wait3A_239, %mul3A_228] : memref<16x2600000xf32, #tpu.memory_space<hbm>> -> memref<8x1024xf32, #tpu.memory_space<hbm>>
      tpu.wait_dma2 semaphore(%arg10 : memref<!tpu.dma_semaphore, #tpu.memory_space<semaphore_mem>>) src(%dma_wait3A_240 : memref<8x1024xf32, #tpu.memory_space<hbm>>) dst(%dma_wait3A_238 : memref<8x1024xf32, #tpu.memory_space<vmem>>)
      %dma_wait3A_241 = arith.constant 8 : i32
      %dma_wait3A_242 = arith.constant 0 : i32
      %dma_wait3A_243 = tpu.memref_slice %arg6[%dma_wait3A_241, %dma_wait3A_242] : memref<16x1024xf32, #tpu.memory_space<vmem>> -> memref<8x1024xf32, #tpu.memory_space<vmem>>
      %dma_wait3A_244 = arith.constant 8 : i32
      %dma_wait3A_245 = tpu.memref_slice %arg2[%dma_wait3A_244, %mul3A_230] : memref<16x2600000xf32, #tpu.memory_space<hbm>> -> memref<8x1024xf32, #tpu.memory_space<hbm>>
      %dma_wait3A_246 = arith.constant 8 : i32
      %dma_wait3A_247 = arith.constant 0 : i32
      %dma_wait3A_248 = tpu.memref_slice %arg6[%dma_wait3A_246, %dma_wait3A_247] : memref<16x1024xf32, #tpu.memory_space<vmem>> -> memref<8x1024xf32, #tpu.memory_space<vmem>>
      %dma_wait3A_249 = arith.constant 8 : i32
      %dma_wait3A_250 = tpu.memref_slice %arg2[%dma_wait3A_249, %mul3A_230] : memref<16x2600000xf32, #tpu.memory_space<hbm>> -> memref<8x1024xf32, #tpu.memory_space<hbm>>
      tpu.wait_dma2 semaphore(%arg10 : memref<!tpu.dma_semaphore, #tpu.memory_space<semaphore_mem>>) src(%dma_wait3A_250 : memref<8x1024xf32, #tpu.memory_space<hbm>>) dst(%dma_wait3A_248 : memref<8x1024xf32, #tpu.memory_space<vmem>>)
      %lt3A = arith.constant 39 : i32
      %lt3A_251 = arith.cmpi slt, %scan3A_53, %lt3A : i32
      %convert_element_type3A_252 = arith.extui %lt3A_251 : i1 to i32
      %cond3A_253 = arith.constant 0 : i32
      %cond3A_254 = arith.cmpi ne, %convert_element_type3A_252, %cond3A_253 : i32
      scf.if %cond3A_254 {
        %add3A_367 = arith.constant 2 : i32
        %add3A_368 = arith.addi %mul3A_56, %add3A_367 : i32
        %mul3A_369 = arith.constant 32 : i32
        %mul3A_370 = arith.muli %add3A_368, %mul3A_369 : i32
        %add3A_371 = arith.addi %add3A, %mul3A_370 : i32
        %min3A_372 = arith.constant 2538 : i32
        %min3A_373 = arith.minsi %add3A_371, %min3A_372 : i32
        %mul3A_374 = arith.constant 1024 : i32
        %mul3A_375 = arith.muli %min3A_373, %mul3A_374 : i32
        %mul3A_376 = arith.constant 1024 : i32
        %mul3A_377 = arith.muli %min3A_373, %mul3A_376 : i32
        %dma_start3A_378 = arith.constant 0 : i32
        %dma_start3A_379 = arith.constant 0 : i32
        %dma_start3A_380 = tpu.memref_slice %arg5[%dma_start3A_378, %dma_start3A_379] : memref<16x1024xf32, #tpu.memory_space<vmem>> -> memref<8x1024xf32, #tpu.memory_space<vmem>>
        %dma_start3A_381 = arith.constant 0 : i32
        %dma_start3A_382 = tpu.memref_slice %arg2[%dma_start3A_381, %mul3A_375] : memref<16x2600000xf32, #tpu.memory_space<hbm>> -> memref<8x1024xf32, #tpu.memory_space<hbm>>
        %dma_start3A_383 = arith.constant 0 : i32
        %dma_start3A_384 = arith.constant 0 : i32
        %dma_start3A_385 = tpu.memref_slice %arg5[%dma_start3A_383, %dma_start3A_384] : memref<16x1024xf32, #tpu.memory_space<vmem>> -> memref<8x1024xf32, #tpu.memory_space<vmem>>
        %dma_start3A_386 = arith.constant 0 : i32
        %dma_start3A_387 = tpu.memref_slice %arg2[%dma_start3A_386, %mul3A_375] : memref<16x2600000xf32, #tpu.memory_space<hbm>> -> memref<8x1024xf32, #tpu.memory_space<hbm>>
        tpu.enqueue_dma source(%dma_start3A_387 : memref<8x1024xf32, #tpu.memory_space<hbm>>) target(%dma_start3A_385 : memref<8x1024xf32, #tpu.memory_space<vmem>>) target_semaphore(%arg9 : memref<!tpu.dma_semaphore, #tpu.memory_space<semaphore_mem>>)
        %dma_start3A_388 = arith.constant 8 : i32
        %dma_start3A_389 = arith.constant 0 : i32
        %dma_start3A_390 = tpu.memref_slice %arg5[%dma_start3A_388, %dma_start3A_389] : memref<16x1024xf32, #tpu.memory_space<vmem>> -> memref<8x1024xf32, #tpu.memory_space<vmem>>
        %dma_start3A_391 = arith.constant 8 : i32
        %dma_start3A_392 = tpu.memref_slice %arg2[%dma_start3A_391, %mul3A_377] : memref<16x2600000xf32, #tpu.memory_space<hbm>> -> memref<8x1024xf32, #tpu.memory_space<hbm>>
        %dma_start3A_393 = arith.constant 8 : i32
        %dma_start3A_394 = arith.constant 0 : i32
        %dma_start3A_395 = tpu.memref_slice %arg5[%dma_start3A_393, %dma_start3A_394] : memref<16x1024xf32, #tpu.memory_space<vmem>> -> memref<8x1024xf32, #tpu.memory_space<vmem>>
        %dma_start3A_396 = arith.constant 8 : i32
        %dma_start3A_397 = tpu.memref_slice %arg2[%dma_start3A_396, %mul3A_377] : memref<16x2600000xf32, #tpu.memory_space<hbm>> -> memref<8x1024xf32, #tpu.memory_space<hbm>>
        tpu.enqueue_dma source(%dma_start3A_397 : memref<8x1024xf32, #tpu.memory_space<hbm>>) target(%dma_start3A_395 : memref<8x1024xf32, #tpu.memory_space<vmem>>) target_semaphore(%arg9 : memref<!tpu.dma_semaphore, #tpu.memory_space<semaphore_mem>>)
      } else {
      }
      %gt3A_255 = arith.constant 0 : i32
      %gt3A_256 = arith.cmpi sgt, %scan3A_53, %gt3A_255 : i32
      %convert_element_type3A_257 = arith.extui %gt3A_256 : i1 to i32
      %cond3A_258 = arith.constant 0 : i32
      %cond3A_259 = arith.cmpi ne, %convert_element_type3A_257, %cond3A_258 : i32
      scf.if %cond3A_259 {
        %sub3A = arith.constant 1 : i32
        %sub3A_367 = arith.subi %mul3A_56, %sub3A : i32
        %mul3A_368 = arith.constant 32 : i32
        %mul3A_369 = arith.muli %sub3A_367, %mul3A_368 : i32
        %add3A_370 = arith.addi %add3A, %mul3A_369 : i32
        %min3A_371 = arith.constant 2538 : i32
        %min3A_372 = arith.minsi %add3A_370, %min3A_371 : i32
        %mul3A_373 = arith.constant 16384 : i32
        %mul3A_374 = arith.muli %min3A_372, %mul3A_373 : i32
        %dma_wait3A_375 = tpu.memref_slice %arg4[%mul3A_374] : memref<41600000xf32, #tpu.memory_space<hbm>> -> memref<16384xf32, #tpu.memory_space<hbm>>
        %dma_wait3A_376 = tpu.memref_slice %arg4[%mul3A_374] : memref<41600000xf32, #tpu.memory_space<hbm>> -> memref<16384xf32, #tpu.memory_space<hbm>>
        tpu.wait_dma2 semaphore(%arg12 : memref<!tpu.dma_semaphore, #tpu.memory_space<semaphore_mem>>) src(%arg8 : memref<16384xf32, #tpu.memory_space<vmem>>) dst(%dma_wait3A_376 : memref<16384xf32, #tpu.memory_space<hbm>>)
      } else {
      }
      %mul3A_260 = arith.constant 16 : i32
      %mul3A_261 = vector.broadcast %mul3A_260 : i32 to vector<16xi32>
      %mul3A_262 = arith.muli %iota3A, %mul3A_261 : vector<16xi32>
      %add3A_263 = arith.constant 0 : i32
      %add3A_264 = vector.broadcast %add3A_263 : i32 to vector<16xi32>
      %add3A_265 = arith.addi %mul3A_262, %add3A_264 : vector<16xi32>
      %mul3A_266 = arith.constant 16 : i32
      %mul3A_267 = vector.broadcast %mul3A_266 : i32 to vector<16xi32>
      %mul3A_268 = arith.muli %iota3A, %mul3A_267 : vector<16xi32>
      %add3A_269 = arith.constant 1 : i32
      %add3A_270 = vector.broadcast %add3A_269 : i32 to vector<16xi32>
      %add3A_271 = arith.addi %mul3A_268, %add3A_270 : vector<16xi32>
      %mul3A_272 = arith.constant 16 : i32
      %mul3A_273 = vector.broadcast %mul3A_272 : i32 to vector<16xi32>
      %mul3A_274 = arith.muli %iota3A, %mul3A_273 : vector<16xi32>
      %add3A_275 = arith.constant 2 : i32
      %add3A_276 = vector.broadcast %add3A_275 : i32 to vector<16xi32>
      %add3A_277 = arith.addi %mul3A_274, %add3A_276 : vector<16xi32>
      %mul3A_278 = arith.constant 16 : i32
      %mul3A_279 = vector.broadcast %mul3A_278 : i32 to vector<16xi32>
      %mul3A_280 = arith.muli %iota3A, %mul3A_279 : vector<16xi32>
      %add3A_281 = arith.constant 3 : i32
      %add3A_282 = vector.broadcast %add3A_281 : i32 to vector<16xi32>
      %add3A_283 = arith.addi %mul3A_280, %add3A_282 : vector<16xi32>
      %mul3A_284 = arith.constant 16 : i32
      %mul3A_285 = vector.broadcast %mul3A_284 : i32 to vector<16xi32>
      %mul3A_286 = arith.muli %iota3A, %mul3A_285 : vector<16xi32>
      %add3A_287 = arith.constant 4 : i32
      %add3A_288 = vector.broadcast %add3A_287 : i32 to vector<16xi32>
      %add3A_289 = arith.addi %mul3A_286, %add3A_288 : vector<16xi32>
      %mul3A_290 = arith.constant 16 : i32
      %mul3A_291 = vector.broadcast %mul3A_290 : i32 to vector<16xi32>
      %mul3A_292 = arith.muli %iota3A, %mul3A_291 : vector<16xi32>
      %add3A_293 = arith.constant 5 : i32
      %add3A_294 = vector.broadcast %add3A_293 : i32 to vector<16xi32>
      %add3A_295 = arith.addi %mul3A_292, %add3A_294 : vector<16xi32>
      %mul3A_296 = arith.constant 16 : i32
      %mul3A_297 = vector.broadcast %mul3A_296 : i32 to vector<16xi32>
      %mul3A_298 = arith.muli %iota3A, %mul3A_297 : vector<16xi32>
      %add3A_299 = arith.constant 6 : i32
      %add3A_300 = vector.broadcast %add3A_299 : i32 to vector<16xi32>
      %add3A_301 = arith.addi %mul3A_298, %add3A_300 : vector<16xi32>
      %mul3A_302 = arith.constant 16 : i32
      %mul3A_303 = vector.broadcast %mul3A_302 : i32 to vector<16xi32>
      %mul3A_304 = arith.muli %iota3A, %mul3A_303 : vector<16xi32>
      %add3A_305 = arith.constant 7 : i32
      %add3A_306 = vector.broadcast %add3A_305 : i32 to vector<16xi32>
      %add3A_307 = arith.addi %mul3A_304, %add3A_306 : vector<16xi32>
      %mul3A_308 = arith.constant 16 : i32
      %mul3A_309 = vector.broadcast %mul3A_308 : i32 to vector<16xi32>
      %mul3A_310 = arith.muli %iota3A, %mul3A_309 : vector<16xi32>
      %add3A_311 = arith.constant 8 : i32
      %add3A_312 = vector.broadcast %add3A_311 : i32 to vector<16xi32>
      %add3A_313 = arith.addi %mul3A_310, %add3A_312 : vector<16xi32>
      %mul3A_314 = arith.constant 16 : i32
      %mul3A_315 = vector.broadcast %mul3A_314 : i32 to vector<16xi32>
      %mul3A_316 = arith.muli %iota3A, %mul3A_315 : vector<16xi32>
      %add3A_317 = arith.constant 9 : i32
      %add3A_318 = vector.broadcast %add3A_317 : i32 to vector<16xi32>
      %add3A_319 = arith.addi %mul3A_316, %add3A_318 : vector<16xi32>
      %mul3A_320 = arith.constant 16 : i32
      %mul3A_321 = vector.broadcast %mul3A_320 : i32 to vector<16xi32>
      %mul3A_322 = arith.muli %iota3A, %mul3A_321 : vector<16xi32>
      %add3A_323 = arith.constant 10 : i32
      %add3A_324 = vector.broadcast %add3A_323 : i32 to vector<16xi32>
      %add3A_325 = arith.addi %mul3A_322, %add3A_324 : vector<16xi32>
      %mul3A_326 = arith.constant 16 : i32
      %mul3A_327 = vector.broadcast %mul3A_326 : i32 to vector<16xi32>
      %mul3A_328 = arith.muli %iota3A, %mul3A_327 : vector<16xi32>
      %add3A_329 = arith.constant 11 : i32
      %add3A_330 = vector.broadcast %add3A_329 : i32 to vector<16xi32>
      %add3A_331 = arith.addi %mul3A_328, %add3A_330 : vector<16xi32>
      %mul3A_332 = arith.constant 16 : i32
      %mul3A_333 = vector.broadcast %mul3A_332 : i32 to vector<16xi32>
      %mul3A_334 = arith.muli %iota3A, %mul3A_333 : vector<16xi32>
      %add3A_335 = arith.constant 12 : i32
      %add3A_336 = vector.broadcast %add3A_335 : i32 to vector<16xi32>
      %add3A_337 = arith.addi %mul3A_334, %add3A_336 : vector<16xi32>
      %mul3A_338 = arith.constant 16 : i32
      %mul3A_339 = vector.broadcast %mul3A_338 : i32 to vector<16xi32>
      %mul3A_340 = arith.muli %iota3A, %mul3A_339 : vector<16xi32>
      %add3A_341 = arith.constant 13 : i32
      %add3A_342 = vector.broadcast %add3A_341 : i32 to vector<16xi32>
      %add3A_343 = arith.addi %mul3A_340, %add3A_342 : vector<16xi32>
      %mul3A_344 = arith.constant 16 : i32
      %mul3A_345 = vector.broadcast %mul3A_344 : i32 to vector<16xi32>
      %mul3A_346 = arith.muli %iota3A, %mul3A_345 : vector<16xi32>
      %add3A_347 = arith.constant 14 : i32
      %add3A_348 = vector.broadcast %add3A_347 : i32 to vector<16xi32>
      %add3A_349 = arith.addi %mul3A_346, %add3A_348 : vector<16xi32>
      %mul3A_350 = arith.constant 16 : i32
      %mul3A_351 = vector.broadcast %mul3A_350 : i32 to vector<16xi32>
      %mul3A_352 = arith.muli %iota3A, %mul3A_351 : vector<16xi32>
      %add3A_353 = arith.constant 15 : i32
      %add3A_354 = vector.broadcast %add3A_353 : i32 to vector<16xi32>
      %add3A_355 = arith.addi %mul3A_352, %add3A_354 : vector<16xi32>
      %scan3A_356 = arith.constant 0 : i32
      %scan3A_357 = arith.constant 32 : i32
      %scan3A_358 = arith.addi %scan3A_356, %scan3A_357 : i32
      %scan3A_359 = arith.constant 1 : i32
      %scan3A_360 = scf.for %scan3A_367 = %scan3A_356 to %scan3A_358 step %scan3A_359 iter_args(%scan3A_368 = %mul3A_3) -> (vector<16xi32>)  : i32 {
        %mul3A_369 = arith.constant 32 : i32
        %mul3A_370 = arith.muli %scan3A_367, %mul3A_369 : i32
        %add3A_371 = arith.constant 0 : i32
        %add3A_372 = arith.addi %mul3A_370, %add3A_371 : i32
        %get3A = arith.constant 0 : i32
        %get3A_373 = arith.index_cast %get3A : i32 to index
        %get3A_374 = arith.index_cast %add3A_372 : i32 to index
        %get3A_375 = tpu.vector_load %arg6[%get3A_373, %get3A_374] {strides = array<i32>} : memref<16x1024xf32, #tpu.memory_space<vmem>>, vector<16xf32>,
        %add3A_376 = arith.constant 0 : i32
        %add3A_377 = vector.broadcast %add3A_376 : i32 to vector<16xi32>
        %add3A_378 = arith.addi %scan3A_368, %add3A_377 : vector<16xi32>
        %add3A_379 = arith.addi %add3A_378, %add3A_265 : vector<16xi32>
        tpu.vector_store_idx %arg8[%add3A_379], %get3A_375 : memref<16384xf32, #tpu.memory_space<vmem>>[vector<16xi32>], vector<16xf32>,
        %mul3A_380 = arith.constant 32 : i32
        %mul3A_381 = arith.muli %scan3A_367, %mul3A_380 : i32
        %add3A_382 = arith.constant 0 : i32
        %add3A_383 = arith.addi %mul3A_381, %add3A_382 : i32
        %get3A_384 = arith.constant 1 : i32
        %get3A_385 = arith.index_cast %get3A_384 : i32 to index
        %get3A_386 = arith.index_cast %add3A_383 : i32 to index
        %get3A_387 = tpu.vector_load %arg6[%get3A_385, %get3A_386] {strides = array<i32>} : memref<16x1024xf32, #tpu.memory_space<vmem>>, vector<16xf32>,
        %add3A_388 = arith.constant 0 : i32
        %add3A_389 = vector.broadcast %add3A_388 : i32 to vector<16xi32>
        %add3A_390 = arith.addi %scan3A_368, %add3A_389 : vector<16xi32>
        %add3A_391 = arith.addi %add3A_390, %add3A_271 : vector<16xi32>
        tpu.vector_store_idx %arg8[%add3A_391], %get3A_387 : memref<16384xf32, #tpu.memory_space<vmem>>[vector<16xi32>], vector<16xf32>,
        %mul3A_392 = arith.constant 32 : i32
        %mul3A_393 = arith.muli %scan3A_367, %mul3A_392 : i32
        %add3A_394 = arith.constant 0 : i32
        %add3A_395 = arith.addi %mul3A_393, %add3A_394 : i32
        %get3A_396 = arith.constant 2 : i32
        %get3A_397 = arith.index_cast %get3A_396 : i32 to index
        %get3A_398 = arith.index_cast %add3A_395 : i32 to index
        %get3A_399 = tpu.vector_load %arg6[%get3A_397, %get3A_398] {strides = array<i32>} : memref<16x1024xf32, #tpu.memory_space<vmem>>, vector<16xf32>,
        %add3A_400 = arith.constant 0 : i32
        %add3A_401 = vector.broadcast %add3A_400 : i32 to vector<16xi32>
        %add3A_402 = arith.addi %scan3A_368, %add3A_401 : vector<16xi32>
        %add3A_403 = arith.addi %add3A_402, %add3A_277 : vector<16xi32>
        tpu.vector_store_idx %arg8[%add3A_403], %get3A_399 : memref<16384xf32, #tpu.memory_space<vmem>>[vector<16xi32>], vector<16xf32>,
        %mul3A_404 = arith.constant 32 : i32
        %mul3A_405 = arith.muli %scan3A_367, %mul3A_404 : i32
        %add3A_406 = arith.constant 0 : i32
        %add3A_407 = arith.addi %mul3A_405, %add3A_406 : i32
        %get3A_408 = arith.constant 3 : i32
        %get3A_409 = arith.index_cast %get3A_408 : i32 to index
        %get3A_410 = arith.index_cast %add3A_407 : i32 to index
        %get3A_411 = tpu.vector_load %arg6[%get3A_409, %get3A_410] {strides = array<i32>} : memref<16x1024xf32, #tpu.memory_space<vmem>>, vector<16xf32>,
        %add3A_412 = arith.constant 0 : i32
        %add3A_413 = vector.broadcast %add3A_412 : i32 to vector<16xi32>
        %add3A_414 = arith.addi %scan3A_368, %add3A_413 : vector<16xi32>
        %add3A_415 = arith.addi %add3A_414, %add3A_283 : vector<16xi32>
        tpu.vector_store_idx %arg8[%add3A_415], %get3A_411 : memref<16384xf32, #tpu.memory_space<vmem>>[vector<16xi32>], vector<16xf32>,
        %mul3A_416 = arith.constant 32 : i32
        %mul3A_417 = arith.muli %scan3A_367, %mul3A_416 : i32
        %add3A_418 = arith.constant 0 : i32
        %add3A_419 = arith.addi %mul3A_417, %add3A_418 : i32
        %get3A_420 = arith.constant 4 : i32
        %get3A_421 = arith.index_cast %get3A_420 : i32 to index
        %get3A_422 = arith.index_cast %add3A_419 : i32 to index
        %get3A_423 = tpu.vector_load %arg6[%get3A_421, %get3A_422] {strides = array<i32>} : memref<16x1024xf32, #tpu.memory_space<vmem>>, vector<16xf32>,
        %add3A_424 = arith.constant 0 : i32
        %add3A_425 = vector.broadcast %add3A_424 : i32 to vector<16xi32>
        %add3A_426 = arith.addi %scan3A_368, %add3A_425 : vector<16xi32>
        %add3A_427 = arith.addi %add3A_426, %add3A_289 : vector<16xi32>
        tpu.vector_store_idx %arg8[%add3A_427], %get3A_423 : memref<16384xf32, #tpu.memory_space<vmem>>[vector<16xi32>], vector<16xf32>,
        %mul3A_428 = arith.constant 32 : i32
        %mul3A_429 = arith.muli %scan3A_367, %mul3A_428 : i32
        %add3A_430 = arith.constant 0 : i32
        %add3A_431 = arith.addi %mul3A_429, %add3A_430 : i32
        %get3A_432 = arith.constant 5 : i32
        %get3A_433 = arith.index_cast %get3A_432 : i32 to index
        %get3A_434 = arith.index_cast %add3A_431 : i32 to index
        %get3A_435 = tpu.vector_load %arg6[%get3A_433, %get3A_434] {strides = array<i32>} : memref<16x1024xf32, #tpu.memory_space<vmem>>, vector<16xf32>,
        %add3A_436 = arith.constant 0 : i32
        %add3A_437 = vector.broadcast %add3A_436 : i32 to vector<16xi32>
        %add3A_438 = arith.addi %scan3A_368, %add3A_437 : vector<16xi32>
        %add3A_439 = arith.addi %add3A_438, %add3A_295 : vector<16xi32>
        tpu.vector_store_idx %arg8[%add3A_439], %get3A_435 : memref<16384xf32, #tpu.memory_space<vmem>>[vector<16xi32>], vector<16xf32>,
        %mul3A_440 = arith.constant 32 : i32
        %mul3A_441 = arith.muli %scan3A_367, %mul3A_440 : i32
        %add3A_442 = arith.constant 0 : i32
        %add3A_443 = arith.addi %mul3A_441, %add3A_442 : i32
        %get3A_444 = arith.constant 6 : i32
        %get3A_445 = arith.index_cast %get3A_444 : i32 to index
        %get3A_446 = arith.index_cast %add3A_443 : i32 to index
        %get3A_447 = tpu.vector_load %arg6[%get3A_445, %get3A_446] {strides = array<i32>} : memref<16x1024xf32, #tpu.memory_space<vmem>>, vector<16xf32>,
        %add3A_448 = arith.constant 0 : i32
        %add3A_449 = vector.broadcast %add3A_448 : i32 to vector<16xi32>
        %add3A_450 = arith.addi %scan3A_368, %add3A_449 : vector<16xi32>
        %add3A_451 = arith.addi %add3A_450, %add3A_301 : vector<16xi32>
        tpu.vector_store_idx %arg8[%add3A_451], %get3A_447 : memref<16384xf32, #tpu.memory_space<vmem>>[vector<16xi32>], vector<16xf32>,
        %mul3A_452 = arith.constant 32 : i32
        %mul3A_453 = arith.muli %scan3A_367, %mul3A_452 : i32
        %add3A_454 = arith.constant 0 : i32
        %add3A_455 = arith.addi %mul3A_453, %add3A_454 : i32
        %get3A_456 = arith.constant 7 : i32
        %get3A_457 = arith.index_cast %get3A_456 : i32 to index
        %get3A_458 = arith.index_cast %add3A_455 : i32 to index
        %get3A_459 = tpu.vector_load %arg6[%get3A_457, %get3A_458] {strides = array<i32>} : memref<16x1024xf32, #tpu.memory_space<vmem>>, vector<16xf32>,
        %add3A_460 = arith.constant 0 : i32
        %add3A_461 = vector.broadcast %add3A_460 : i32 to vector<16xi32>
        %add3A_462 = arith.addi %scan3A_368, %add3A_461 : vector<16xi32>
        %add3A_463 = arith.addi %add3A_462, %add3A_307 : vector<16xi32>
        tpu.vector_store_idx %arg8[%add3A_463], %get3A_459 : memref<16384xf32, #tpu.memory_space<vmem>>[vector<16xi32>], vector<16xf32>,
        %mul3A_464 = arith.constant 32 : i32
        %mul3A_465 = arith.muli %scan3A_367, %mul3A_464 : i32
        %add3A_466 = arith.constant 0 : i32
        %add3A_467 = arith.addi %mul3A_465, %add3A_466 : i32
        %get3A_468 = arith.constant 8 : i32
        %get3A_469 = arith.index_cast %get3A_468 : i32 to index
        %get3A_470 = arith.index_cast %add3A_467 : i32 to index
        %get3A_471 = tpu.vector_load %arg6[%get3A_469, %get3A_470] {strides = array<i32>} : memref<16x1024xf32, #tpu.memory_space<vmem>>, vector<16xf32>,
        %add3A_472 = arith.constant 0 : i32
        %add3A_473 = vector.broadcast %add3A_472 : i32 to vector<16xi32>
        %add3A_474 = arith.addi %scan3A_368, %add3A_473 : vector<16xi32>
        %add3A_475 = arith.addi %add3A_474, %add3A_313 : vector<16xi32>
        tpu.vector_store_idx %arg8[%add3A_475], %get3A_471 : memref<16384xf32, #tpu.memory_space<vmem>>[vector<16xi32>], vector<16xf32>,
        %mul3A_476 = arith.constant 32 : i32
        %mul3A_477 = arith.muli %scan3A_367, %mul3A_476 : i32
        %add3A_478 = arith.constant 0 : i32
        %add3A_479 = arith.addi %mul3A_477, %add3A_478 : i32
        %get3A_480 = arith.constant 9 : i32
        %get3A_481 = arith.index_cast %get3A_480 : i32 to index
        %get3A_482 = arith.index_cast %add3A_479 : i32 to index
        %get3A_483 = tpu.vector_load %arg6[%get3A_481, %get3A_482] {strides = array<i32>} : memref<16x1024xf32, #tpu.memory_space<vmem>>, vector<16xf32>,
        %add3A_484 = arith.constant 0 : i32
        %add3A_485 = vector.broadcast %add3A_484 : i32 to vector<16xi32>
        %add3A_486 = arith.addi %scan3A_368, %add3A_485 : vector<16xi32>
        %add3A_487 = arith.addi %add3A_486, %add3A_319 : vector<16xi32>
        tpu.vector_store_idx %arg8[%add3A_487], %get3A_483 : memref<16384xf32, #tpu.memory_space<vmem>>[vector<16xi32>], vector<16xf32>,
        %mul3A_488 = arith.constant 32 : i32
        %mul3A_489 = arith.muli %scan3A_367, %mul3A_488 : i32
        %add3A_490 = arith.constant 0 : i32
        %add3A_491 = arith.addi %mul3A_489, %add3A_490 : i32
        %get3A_492 = arith.constant 10 : i32
        %get3A_493 = arith.index_cast %get3A_492 : i32 to index
        %get3A_494 = arith.index_cast %add3A_491 : i32 to index
        %get3A_495 = tpu.vector_load %arg6[%get3A_493, %get3A_494] {strides = array<i32>} : memref<16x1024xf32, #tpu.memory_space<vmem>>, vector<16xf32>,
        %add3A_496 = arith.constant 0 : i32
        %add3A_497 = vector.broadcast %add3A_496 : i32 to vector<16xi32>
        %add3A_498 = arith.addi %scan3A_368, %add3A_497 : vector<16xi32>
        %add3A_499 = arith.addi %add3A_498, %add3A_325 : vector<16xi32>
        tpu.vector_store_idx %arg8[%add3A_499], %get3A_495 : memref<16384xf32, #tpu.memory_space<vmem>>[vector<16xi32>], vector<16xf32>,
        %mul3A_500 = arith.constant 32 : i32
        %mul3A_501 = arith.muli %scan3A_367, %mul3A_500 : i32
        %add3A_502 = arith.constant 0 : i32
        %add3A_503 = arith.addi %mul3A_501, %add3A_502 : i32
        %get3A_504 = arith.constant 11 : i32
        %get3A_505 = arith.index_cast %get3A_504 : i32 to index
        %get3A_506 = arith.index_cast %add3A_503 : i32 to index
        %get3A_507 = tpu.vector_load %arg6[%get3A_505, %get3A_506] {strides = array<i32>} : memref<16x1024xf32, #tpu.memory_space<vmem>>, vector<16xf32>,
        %add3A_508 = arith.constant 0 : i32
        %add3A_509 = vector.broadcast %add3A_508 : i32 to vector<16xi32>
        %add3A_510 = arith.addi %scan3A_368, %add3A_509 : vector<16xi32>
        %add3A_511 = arith.addi %add3A_510, %add3A_331 : vector<16xi32>
        tpu.vector_store_idx %arg8[%add3A_511], %get3A_507 : memref<16384xf32, #tpu.memory_space<vmem>>[vector<16xi32>], vector<16xf32>,
        %mul3A_512 = arith.constant 32 : i32
        %mul3A_513 = arith.muli %scan3A_367, %mul3A_512 : i32
        %add3A_514 = arith.constant 0 : i32
        %add3A_515 = arith.addi %mul3A_513, %add3A_514 : i32
        %get3A_516 = arith.constant 12 : i32
        %get3A_517 = arith.index_cast %get3A_516 : i32 to index
        %get3A_518 = arith.index_cast %add3A_515 : i32 to index
        %get3A_519 = tpu.vector_load %arg6[%get3A_517, %get3A_518] {strides = array<i32>} : memref<16x1024xf32, #tpu.memory_space<vmem>>, vector<16xf32>,
        %add3A_520 = arith.constant 0 : i32
        %add3A_521 = vector.broadcast %add3A_520 : i32 to vector<16xi32>
        %add3A_522 = arith.addi %scan3A_368, %add3A_521 : vector<16xi32>
        %add3A_523 = arith.addi %add3A_522, %add3A_337 : vector<16xi32>
        tpu.vector_store_idx %arg8[%add3A_523], %get3A_519 : memref<16384xf32, #tpu.memory_space<vmem>>[vector<16xi32>], vector<16xf32>,
        %mul3A_524 = arith.constant 32 : i32
        %mul3A_525 = arith.muli %scan3A_367, %mul3A_524 : i32
        %add3A_526 = arith.constant 0 : i32
        %add3A_527 = arith.addi %mul3A_525, %add3A_526 : i32
        %get3A_528 = arith.constant 13 : i32
        %get3A_529 = arith.index_cast %get3A_528 : i32 to index
        %get3A_530 = arith.index_cast %add3A_527 : i32 to index
        %get3A_531 = tpu.vector_load %arg6[%get3A_529, %get3A_530] {strides = array<i32>} : memref<16x1024xf32, #tpu.memory_space<vmem>>, vector<16xf32>,
        %add3A_532 = arith.constant 0 : i32
        %add3A_533 = vector.broadcast %add3A_532 : i32 to vector<16xi32>
        %add3A_534 = arith.addi %scan3A_368, %add3A_533 : vector<16xi32>
        %add3A_535 = arith.addi %add3A_534, %add3A_343 : vector<16xi32>
        tpu.vector_store_idx %arg8[%add3A_535], %get3A_531 : memref<16384xf32, #tpu.memory_space<vmem>>[vector<16xi32>], vector<16xf32>,
        %mul3A_536 = arith.constant 32 : i32
        %mul3A_537 = arith.muli %scan3A_367, %mul3A_536 : i32
        %add3A_538 = arith.constant 0 : i32
        %add3A_539 = arith.addi %mul3A_537, %add3A_538 : i32
        %get3A_540 = arith.constant 14 : i32
        %get3A_541 = arith.index_cast %get3A_540 : i32 to index
        %get3A_542 = arith.index_cast %add3A_539 : i32 to index
        %get3A_543 = tpu.vector_load %arg6[%get3A_541, %get3A_542] {strides = array<i32>} : memref<16x1024xf32, #tpu.memory_space<vmem>>, vector<16xf32>,
        %add3A_544 = arith.constant 0 : i32
        %add3A_545 = vector.broadcast %add3A_544 : i32 to vector<16xi32>
        %add3A_546 = arith.addi %scan3A_368, %add3A_545 : vector<16xi32>
        %add3A_547 = arith.addi %add3A_546, %add3A_349 : vector<16xi32>
        tpu.vector_store_idx %arg8[%add3A_547], %get3A_543 : memref<16384xf32, #tpu.memory_space<vmem>>[vector<16xi32>], vector<16xf32>,
        %mul3A_548 = arith.constant 32 : i32
        %mul3A_549 = arith.muli %scan3A_367, %mul3A_548 : i32
        %add3A_550 = arith.constant 0 : i32
        %add3A_551 = arith.addi %mul3A_549, %add3A_550 : i32
        %get3A_552 = arith.constant 15 : i32
        %get3A_553 = arith.index_cast %get3A_552 : i32 to index
        %get3A_554 = arith.index_cast %add3A_551 : i32 to index
        %get3A_555 = tpu.vector_load %arg6[%get3A_553, %get3A_554] {strides = array<i32>} : memref<16x1024xf32, #tpu.memory_space<vmem>>, vector<16xf32>,
        %add3A_556 = arith.constant 0 : i32
        %add3A_557 = vector.broadcast %add3A_556 : i32 to vector<16xi32>
        %add3A_558 = arith.addi %scan3A_368, %add3A_557 : vector<16xi32>
        %add3A_559 = arith.addi %add3A_558, %add3A_355 : vector<16xi32>
        tpu.vector_store_idx %arg8[%add3A_559], %get3A_555 : memref<16384xf32, #tpu.memory_space<vmem>>[vector<16xi32>], vector<16xf32>,
        %mul3A_560 = arith.constant 32 : i32
        %mul3A_561 = arith.muli %scan3A_367, %mul3A_560 : i32
        %add3A_562 = arith.constant 16 : i32
        %add3A_563 = arith.addi %mul3A_561, %add3A_562 : i32
        %get3A_564 = arith.constant 0 : i32
        %get3A_565 = arith.index_cast %get3A_564 : i32 to index
        %get3A_566 = arith.index_cast %add3A_563 : i32 to index
        %get3A_567 = tpu.vector_load %arg6[%get3A_565, %get3A_566] {strides = array<i32>} : memref<16x1024xf32, #tpu.memory_space<vmem>>, vector<16xf32>,
        %add3A_568 = arith.constant 256 : i32
        %add3A_569 = vector.broadcast %add3A_568 : i32 to vector<16xi32>
        %add3A_570 = arith.addi %scan3A_368, %add3A_569 : vector<16xi32>
        %add3A_571 = arith.addi %add3A_570, %add3A_265 : vector<16xi32>
        tpu.vector_store_idx %arg8[%add3A_571], %get3A_567 : memref<16384xf32, #tpu.memory_space<vmem>>[vector<16xi32>], vector<16xf32>,
        %mul3A_572 = arith.constant 32 : i32
        %mul3A_573 = arith.muli %scan3A_367, %mul3A_572 : i32
        %add3A_574 = arith.constant 16 : i32
        %add3A_575 = arith.addi %mul3A_573, %add3A_574 : i32
        %get3A_576 = arith.constant 1 : i32
        %get3A_577 = arith.index_cast %get3A_576 : i32 to index
        %get3A_578 = arith.index_cast %add3A_575 : i32 to index
        %get3A_579 = tpu.vector_load %arg6[%get3A_577, %get3A_578] {strides = array<i32>} : memref<16x1024xf32, #tpu.memory_space<vmem>>, vector<16xf32>,
        %add3A_580 = arith.constant 256 : i32
        %add3A_581 = vector.broadcast %add3A_580 : i32 to vector<16xi32>
        %add3A_582 = arith.addi %scan3A_368, %add3A_581 : vector<16xi32>
        %add3A_583 = arith.addi %add3A_582, %add3A_271 : vector<16xi32>
        tpu.vector_store_idx %arg8[%add3A_583], %get3A_579 : memref<16384xf32, #tpu.memory_space<vmem>>[vector<16xi32>], vector<16xf32>,
        %mul3A_584 = arith.constant 32 : i32
        %mul3A_585 = arith.muli %scan3A_367, %mul3A_584 : i32
        %add3A_586 = arith.constant 16 : i32
        %add3A_587 = arith.addi %mul3A_585, %add3A_586 : i32
        %get3A_588 = arith.constant 2 : i32
        %get3A_589 = arith.index_cast %get3A_588 : i32 to index
        %get3A_590 = arith.index_cast %add3A_587 : i32 to index
        %get3A_591 = tpu.vector_load %arg6[%get3A_589, %get3A_590] {strides = array<i32>} : memref<16x1024xf32, #tpu.memory_space<vmem>>, vector<16xf32>,
        %add3A_592 = arith.constant 256 : i32
        %add3A_593 = vector.broadcast %add3A_592 : i32 to vector<16xi32>
        %add3A_594 = arith.addi %scan3A_368, %add3A_593 : vector<16xi32>
        %add3A_595 = arith.addi %add3A_594, %add3A_277 : vector<16xi32>
        tpu.vector_store_idx %arg8[%add3A_595], %get3A_591 : memref<16384xf32, #tpu.memory_space<vmem>>[vector<16xi32>], vector<16xf32>,
        %mul3A_596 = arith.constant 32 : i32
        %mul3A_597 = arith.muli %scan3A_367, %mul3A_596 : i32
        %add3A_598 = arith.constant 16 : i32
        %add3A_599 = arith.addi %mul3A_597, %add3A_598 : i32
        %get3A_600 = arith.constant 3 : i32
        %get3A_601 = arith.index_cast %get3A_600 : i32 to index
        %get3A_602 = arith.index_cast %add3A_599 : i32 to index
        %get3A_603 = tpu.vector_load %arg6[%get3A_601, %get3A_602] {strides = array<i32>} : memref<16x1024xf32, #tpu.memory_space<vmem>>, vector<16xf32>,
        %add3A_604 = arith.constant 256 : i32
        %add3A_605 = vector.broadcast %add3A_604 : i32 to vector<16xi32>
        %add3A_606 = arith.addi %scan3A_368, %add3A_605 : vector<16xi32>
        %add3A_607 = arith.addi %add3A_606, %add3A_283 : vector<16xi32>
        tpu.vector_store_idx %arg8[%add3A_607], %get3A_603 : memref<16384xf32, #tpu.memory_space<vmem>>[vector<16xi32>], vector<16xf32>,
        %mul3A_608 = arith.constant 32 : i32
        %mul3A_609 = arith.muli %scan3A_367, %mul3A_608 : i32
        %add3A_610 = arith.constant 16 : i32
        %add3A_611 = arith.addi %mul3A_609, %add3A_610 : i32
        %get3A_612 = arith.constant 4 : i32
        %get3A_613 = arith.index_cast %get3A_612 : i32 to index
        %get3A_614 = arith.index_cast %add3A_611 : i32 to index
        %get3A_615 = tpu.vector_load %arg6[%get3A_613, %get3A_614] {strides = array<i32>} : memref<16x1024xf32, #tpu.memory_space<vmem>>, vector<16xf32>,
        %add3A_616 = arith.constant 256 : i32
        %add3A_617 = vector.broadcast %add3A_616 : i32 to vector<16xi32>
        %add3A_618 = arith.addi %scan3A_368, %add3A_617 : vector<16xi32>
        %add3A_619 = arith.addi %add3A_618, %add3A_289 : vector<16xi32>
        tpu.vector_store_idx %arg8[%add3A_619], %get3A_615 : memref<16384xf32, #tpu.memory_space<vmem>>[vector<16xi32>], vector<16xf32>,
        %mul3A_620 = arith.constant 32 : i32
        %mul3A_621 = arith.muli %scan3A_367, %mul3A_620 : i32
        %add3A_622 = arith.constant 16 : i32
        %add3A_623 = arith.addi %mul3A_621, %add3A_622 : i32
        %get3A_624 = arith.constant 5 : i32
        %get3A_625 = arith.index_cast %get3A_624 : i32 to index
        %get3A_626 = arith.index_cast %add3A_623 : i32 to index
        %get3A_627 = tpu.vector_load %arg6[%get3A_625, %get3A_626] {strides = array<i32>} : memref<16x1024xf32, #tpu.memory_space<vmem>>, vector<16xf32>,
        %add3A_628 = arith.constant 256 : i32
        %add3A_629 = vector.broadcast %add3A_628 : i32 to vector<16xi32>
        %add3A_630 = arith.addi %scan3A_368, %add3A_629 : vector<16xi32>
        %add3A_631 = arith.addi %add3A_630, %add3A_295 : vector<16xi32>
        tpu.vector_store_idx %arg8[%add3A_631], %get3A_627 : memref<16384xf32, #tpu.memory_space<vmem>>[vector<16xi32>], vector<16xf32>,
        %mul3A_632 = arith.constant 32 : i32
        %mul3A_633 = arith.muli %scan3A_367, %mul3A_632 : i32
        %add3A_634 = arith.constant 16 : i32
        %add3A_635 = arith.addi %mul3A_633, %add3A_634 : i32
        %get3A_636 = arith.constant 6 : i32
        %get3A_637 = arith.index_cast %get3A_636 : i32 to index
        %get3A_638 = arith.index_cast %add3A_635 : i32 to index
        %get3A_639 = tpu.vector_load %arg6[%get3A_637, %get3A_638] {strides = array<i32>} : memref<16x1024xf32, #tpu.memory_space<vmem>>, vector<16xf32>,
        %add3A_640 = arith.constant 256 : i32
        %add3A_641 = vector.broadcast %add3A_640 : i32 to vector<16xi32>
        %add3A_642 = arith.addi %scan3A_368, %add3A_641 : vector<16xi32>
        %add3A_643 = arith.addi %add3A_642, %add3A_301 : vector<16xi32>
        tpu.vector_store_idx %arg8[%add3A_643], %get3A_639 : memref<16384xf32, #tpu.memory_space<vmem>>[vector<16xi32>], vector<16xf32>,
        %mul3A_644 = arith.constant 32 : i32
        %mul3A_645 = arith.muli %scan3A_367, %mul3A_644 : i32
        %add3A_646 = arith.constant 16 : i32
        %add3A_647 = arith.addi %mul3A_645, %add3A_646 : i32
        %get3A_648 = arith.constant 7 : i32
        %get3A_649 = arith.index_cast %get3A_648 : i32 to index
        %get3A_650 = arith.index_cast %add3A_647 : i32 to index
        %get3A_651 = tpu.vector_load %arg6[%get3A_649, %get3A_650] {strides = array<i32>} : memref<16x1024xf32, #tpu.memory_space<vmem>>, vector<16xf32>,
        %add3A_652 = arith.constant 256 : i32
        %add3A_653 = vector.broadcast %add3A_652 : i32 to vector<16xi32>
        %add3A_654 = arith.addi %scan3A_368, %add3A_653 : vector<16xi32>
        %add3A_655 = arith.addi %add3A_654, %add3A_307 : vector<16xi32>
        tpu.vector_store_idx %arg8[%add3A_655], %get3A_651 : memref<16384xf32, #tpu.memory_space<vmem>>[vector<16xi32>], vector<16xf32>,
        %mul3A_656 = arith.constant 32 : i32
        %mul3A_657 = arith.muli %scan3A_367, %mul3A_656 : i32
        %add3A_658 = arith.constant 16 : i32
        %add3A_659 = arith.addi %mul3A_657, %add3A_658 : i32
        %get3A_660 = arith.constant 8 : i32
        %get3A_661 = arith.index_cast %get3A_660 : i32 to index
        %get3A_662 = arith.index_cast %add3A_659 : i32 to index
        %get3A_663 = tpu.vector_load %arg6[%get3A_661, %get3A_662] {strides = array<i32>} : memref<16x1024xf32, #tpu.memory_space<vmem>>, vector<16xf32>,
        %add3A_664 = arith.constant 256 : i32
        %add3A_665 = vector.broadcast %add3A_664 : i32 to vector<16xi32>
        %add3A_666 = arith.addi %scan3A_368, %add3A_665 : vector<16xi32>
        %add3A_667 = arith.addi %add3A_666, %add3A_313 : vector<16xi32>
        tpu.vector_store_idx %arg8[%add3A_667], %get3A_663 : memref<16384xf32, #tpu.memory_space<vmem>>[vector<16xi32>], vector<16xf32>,
        %mul3A_668 = arith.constant 32 : i32
        %mul3A_669 = arith.muli %scan3A_367, %mul3A_668 : i32
        %add3A_670 = arith.constant 16 : i32
        %add3A_671 = arith.addi %mul3A_669, %add3A_670 : i32
        %get3A_672 = arith.constant 9 : i32
        %get3A_673 = arith.index_cast %get3A_672 : i32 to index
        %get3A_674 = arith.index_cast %add3A_671 : i32 to index
        %get3A_675 = tpu.vector_load %arg6[%get3A_673, %get3A_674] {strides = array<i32>} : memref<16x1024xf32, #tpu.memory_space<vmem>>, vector<16xf32>,
        %add3A_676 = arith.constant 256 : i32
        %add3A_677 = vector.broadcast %add3A_676 : i32 to vector<16xi32>
        %add3A_678 = arith.addi %scan3A_368, %add3A_677 : vector<16xi32>
        %add3A_679 = arith.addi %add3A_678, %add3A_319 : vector<16xi32>
        tpu.vector_store_idx %arg8[%add3A_679], %get3A_675 : memref<16384xf32, #tpu.memory_space<vmem>>[vector<16xi32>], vector<16xf32>,
        %mul3A_680 = arith.constant 32 : i32
        %mul3A_681 = arith.muli %scan3A_367, %mul3A_680 : i32
        %add3A_682 = arith.constant 16 : i32
        %add3A_683 = arith.addi %mul3A_681, %add3A_682 : i32
        %get3A_684 = arith.constant 10 : i32
        %get3A_685 = arith.index_cast %get3A_684 : i32 to index
        %get3A_686 = arith.index_cast %add3A_683 : i32 to index
        %get3A_687 = tpu.vector_load %arg6[%get3A_685, %get3A_686] {strides = array<i32>} : memref<16x1024xf32, #tpu.memory_space<vmem>>, vector<16xf32>,
        %add3A_688 = arith.constant 256 : i32
        %add3A_689 = vector.broadcast %add3A_688 : i32 to vector<16xi32>
        %add3A_690 = arith.addi %scan3A_368, %add3A_689 : vector<16xi32>
        %add3A_691 = arith.addi %add3A_690, %add3A_325 : vector<16xi32>
        tpu.vector_store_idx %arg8[%add3A_691], %get3A_687 : memref<16384xf32, #tpu.memory_space<vmem>>[vector<16xi32>], vector<16xf32>,
        %mul3A_692 = arith.constant 32 : i32
        %mul3A_693 = arith.muli %scan3A_367, %mul3A_692 : i32
        %add3A_694 = arith.constant 16 : i32
        %add3A_695 = arith.addi %mul3A_693, %add3A_694 : i32
        %get3A_696 = arith.constant 11 : i32
        %get3A_697 = arith.index_cast %get3A_696 : i32 to index
        %get3A_698 = arith.index_cast %add3A_695 : i32 to index
        %get3A_699 = tpu.vector_load %arg6[%get3A_697, %get3A_698] {strides = array<i32>} : memref<16x1024xf32, #tpu.memory_space<vmem>>, vector<16xf32>,
        %add3A_700 = arith.constant 256 : i32
        %add3A_701 = vector.broadcast %add3A_700 : i32 to vector<16xi32>
        %add3A_702 = arith.addi %scan3A_368, %add3A_701 : vector<16xi32>
        %add3A_703 = arith.addi %add3A_702, %add3A_331 : vector<16xi32>
        tpu.vector_store_idx %arg8[%add3A_703], %get3A_699 : memref<16384xf32, #tpu.memory_space<vmem>>[vector<16xi32>], vector<16xf32>,
        %mul3A_704 = arith.constant 32 : i32
        %mul3A_705 = arith.muli %scan3A_367, %mul3A_704 : i32
        %add3A_706 = arith.constant 16 : i32
        %add3A_707 = arith.addi %mul3A_705, %add3A_706 : i32
        %get3A_708 = arith.constant 12 : i32
        %get3A_709 = arith.index_cast %get3A_708 : i32 to index
        %get3A_710 = arith.index_cast %add3A_707 : i32 to index
        %get3A_711 = tpu.vector_load %arg6[%get3A_709, %get3A_710] {strides = array<i32>} : memref<16x1024xf32, #tpu.memory_space<vmem>>, vector<16xf32>,
        %add3A_712 = arith.constant 256 : i32
        %add3A_713 = vector.broadcast %add3A_712 : i32 to vector<16xi32>
        %add3A_714 = arith.addi %scan3A_368, %add3A_713 : vector<16xi32>
        %add3A_715 = arith.addi %add3A_714, %add3A_337 : vector<16xi32>
        tpu.vector_store_idx %arg8[%add3A_715], %get3A_711 : memref<16384xf32, #tpu.memory_space<vmem>>[vector<16xi32>], vector<16xf32>,
        %mul3A_716 = arith.constant 32 : i32
        %mul3A_717 = arith.muli %scan3A_367, %mul3A_716 : i32
        %add3A_718 = arith.constant 16 : i32
        %add3A_719 = arith.addi %mul3A_717, %add3A_718 : i32
        %get3A_720 = arith.constant 13 : i32
        %get3A_721 = arith.index_cast %get3A_720 : i32 to index
        %get3A_722 = arith.index_cast %add3A_719 : i32 to index
        %get3A_723 = tpu.vector_load %arg6[%get3A_721, %get3A_722] {strides = array<i32>} : memref<16x1024xf32, #tpu.memory_space<vmem>>, vector<16xf32>,
        %add3A_724 = arith.constant 256 : i32
        %add3A_725 = vector.broadcast %add3A_724 : i32 to vector<16xi32>
        %add3A_726 = arith.addi %scan3A_368, %add3A_725 : vector<16xi32>
        %add3A_727 = arith.addi %add3A_726, %add3A_343 : vector<16xi32>
        tpu.vector_store_idx %arg8[%add3A_727], %get3A_723 : memref<16384xf32, #tpu.memory_space<vmem>>[vector<16xi32>], vector<16xf32>,
        %mul3A_728 = arith.constant 32 : i32
        %mul3A_729 = arith.muli %scan3A_367, %mul3A_728 : i32
        %add3A_730 = arith.constant 16 : i32
        %add3A_731 = arith.addi %mul3A_729, %add3A_730 : i32
        %get3A_732 = arith.constant 14 : i32
        %get3A_733 = arith.index_cast %get3A_732 : i32 to index
        %get3A_734 = arith.index_cast %add3A_731 : i32 to index
        %get3A_735 = tpu.vector_load %arg6[%get3A_733, %get3A_734] {strides = array<i32>} : memref<16x1024xf32, #tpu.memory_space<vmem>>, vector<16xf32>,
        %add3A_736 = arith.constant 256 : i32
        %add3A_737 = vector.broadcast %add3A_736 : i32 to vector<16xi32>
        %add3A_738 = arith.addi %scan3A_368, %add3A_737 : vector<16xi32>
        %add3A_739 = arith.addi %add3A_738, %add3A_349 : vector<16xi32>
        tpu.vector_store_idx %arg8[%add3A_739], %get3A_735 : memref<16384xf32, #tpu.memory_space<vmem>>[vector<16xi32>], vector<16xf32>,
        %mul3A_740 = arith.constant 32 : i32
        %mul3A_741 = arith.muli %scan3A_367, %mul3A_740 : i32
        %add3A_742 = arith.constant 16 : i32
        %add3A_743 = arith.addi %mul3A_741, %add3A_742 : i32
        %get3A_744 = arith.constant 15 : i32
        %get3A_745 = arith.index_cast %get3A_744 : i32 to index
        %get3A_746 = arith.index_cast %add3A_743 : i32 to index
        %get3A_747 = tpu.vector_load %arg6[%get3A_745, %get3A_746] {strides = array<i32>} : memref<16x1024xf32, #tpu.memory_space<vmem>>, vector<16xf32>,
        %add3A_748 = arith.constant 256 : i32
        %add3A_749 = vector.broadcast %add3A_748 : i32 to vector<16xi32>
        %add3A_750 = arith.addi %scan3A_368, %add3A_749 : vector<16xi32>
        %add3A_751 = arith.addi %add3A_750, %add3A_355 : vector<16xi32>
        tpu.vector_store_idx %arg8[%add3A_751], %get3A_747 : memref<16384xf32, #tpu.memory_space<vmem>>[vector<16xi32>], vector<16xf32>,
        %add3A_752 = arith.constant 512 : i32
        %add3A_753 = vector.broadcast %add3A_752 : i32 to vector<16xi32>
        %add3A_754 = arith.addi %scan3A_368, %add3A_753 : vector<16xi32>
        scf.yield %add3A_754 : vector<16xi32>
      }
      %scan3A_361 = arith.constant 32 : i32
      %mul3A_362 = arith.constant 16384 : i32
      %mul3A_363 = arith.muli %min3A_68, %mul3A_362 : i32
      %dma_start3A_364 = tpu.memref_slice %arg4[%mul3A_363] : memref<41600000xf32, #tpu.memory_space<hbm>> -> memref<16384xf32, #tpu.memory_space<hbm>>
      %dma_start3A_365 = tpu.memref_slice %arg4[%mul3A_363] : memref<41600000xf32, #tpu.memory_space<hbm>> -> memref<16384xf32, #tpu.memory_space<hbm>>
      tpu.enqueue_dma source(%arg8 : memref<16384xf32, #tpu.memory_space<vmem>>) target(%dma_start3A_365 : memref<16384xf32, #tpu.memory_space<hbm>>) target_semaphore(%arg12 : memref<!tpu.dma_semaphore, #tpu.memory_space<semaphore_mem>>)
      %scan3A_366 = arith.constant 0 : i32
      scf.yield %scan3A_366 : i32
    }
    %scan3A_35 = arith.constant 40 : i32
    %add3A_36 = arith.constant 2496 : i32
    %add3A_37 = arith.addi %add3A, %add3A_36 : i32
    %min3A_38 = arith.constant 2538 : i32
    %min3A_39 = arith.minsi %add3A_37, %min3A_38 : i32
    %mul3A_40 = arith.constant 16384 : i32
    %mul3A_41 = arith.muli %min3A_39, %mul3A_40 : i32
    %dma_wait3A = tpu.memref_slice %arg4[%mul3A_41] : memref<41600000xf32, #tpu.memory_space<hbm>> -> memref<16384xf32, #tpu.memory_space<hbm>>
    %dma_wait3A_42 = tpu.memref_slice %arg4[%mul3A_41] : memref<41600000xf32, #tpu.memory_space<hbm>> -> memref<16384xf32, #tpu.memory_space<hbm>>
    tpu.wait_dma2 semaphore(%arg11 : memref<!tpu.dma_semaphore, #tpu.memory_space<semaphore_mem>>) src(%arg7 : memref<16384xf32, #tpu.memory_space<vmem>>) dst(%dma_wait3A_42 : memref<16384xf32, #tpu.memory_space<hbm>>)
    %add3A_43 = arith.constant 2528 : i32
    %add3A_44 = arith.addi %add3A, %add3A_43 : i32
    %min3A_45 = arith.constant 2538 : i32
    %min3A_46 = arith.minsi %add3A_44, %min3A_45 : i32
    %mul3A_47 = arith.constant 16384 : i32
    %mul3A_48 = arith.muli %min3A_46, %mul3A_47 : i32
    %dma_wait3A_49 = tpu.memref_slice %arg4[%mul3A_48] : memref<41600000xf32, #tpu.memory_space<hbm>> -> memref<16384xf32, #tpu.memory_space<hbm>>
    %dma_wait3A_50 = tpu.memref_slice %arg4[%mul3A_48] : memref<41600000xf32, #tpu.memory_space<hbm>> -> memref<16384xf32, #tpu.memory_space<hbm>>
    tpu.wait_dma2 semaphore(%arg12 : memref<!tpu.dma_semaphore, #tpu.memory_space<semaphore_mem>>) src(%arg8 : memref<16384xf32, #tpu.memory_space<vmem>>) dst(%dma_wait3A_50 : memref<16384xf32, #tpu.memory_space<hbm>>)
    %eq3A = arith.constant 0 : i32
    %eq3A_51 = arith.cmpi eq, %add3A, %eq3A : i32
    %convert_element_type3A = arith.extui %eq3A_51 : i1 to i32
    %cond3A = arith.constant 0 : i32
    %cond3A_52 = arith.cmpi ne, %convert_element_type3A, %cond3A : i32
    scf.if %cond3A_52 {
      "tpu.region"() ({
        %run_scoped3A = tpu.sem_alloc : memref<!tpu.dma_semaphore, #tpu.memory_space<semaphore_mem>>
        %dma_start3A_53 = arith.constant 0 : i32
        %dma_start3A_54 = tpu.memref_slice %arg7[%dma_start3A_53] : memref<16384xf32, #tpu.memory_space<vmem>> -> memref<1024xf32, #tpu.memory_space<vmem>>
        %dma_start3A_55 = arith.constant 0 : i32
        %dma_start3A_56 = tpu.memref_slice %arg7[%dma_start3A_55] : memref<16384xf32, #tpu.memory_space<vmem>> -> memref<1024xf32, #tpu.memory_space<vmem>>
        tpu.enqueue_dma source(%arg3 : memref<1024xf32, #tpu.memory_space<hbm>>) target(%dma_start3A_56 : memref<1024xf32, #tpu.memory_space<vmem>>) target_semaphore(%run_scoped3A : memref<!tpu.dma_semaphore, #tpu.memory_space<semaphore_mem>>)
        %dma_wait3A_57 = arith.constant 0 : i32
        %dma_wait3A_58 = tpu.memref_slice %arg7[%dma_wait3A_57] : memref<16384xf32, #tpu.memory_space<vmem>> -> memref<1024xf32, #tpu.memory_space<vmem>>
        %dma_wait3A_59 = arith.constant 0 : i32
        %dma_wait3A_60 = tpu.memref_slice %arg7[%dma_wait3A_59] : memref<16384xf32, #tpu.memory_space<vmem>> -> memref<1024xf32, #tpu.memory_space<vmem>>
        tpu.wait_dma2 semaphore(%run_scoped3A : memref<!tpu.dma_semaphore, #tpu.memory_space<semaphore_mem>>) src(%arg3 : memref<1024xf32, #tpu.memory_space<hbm>>) dst(%dma_wait3A_60 : memref<1024xf32, #tpu.memory_space<vmem>>)
        tpu.yield
      }) : () -> ()
      "tpu.region"() ({
        %run_scoped3A = tpu.sem_alloc : memref<!tpu.dma_semaphore, #tpu.memory_space<semaphore_mem>>
        %dma_start3A_53 = arith.constant 0 : i32
        %dma_start3A_54 = tpu.memref_slice %arg7[%dma_start3A_53] : memref<16384xf32, #tpu.memory_space<vmem>> -> memref<1024xf32, #tpu.memory_space<vmem>>
        %dma_start3A_55 = arith.constant 41598976 : i32
        %dma_start3A_56 = tpu.memref_slice %arg4[%dma_start3A_55] : memref<41600000xf32, #tpu.memory_space<hbm>> -> memref<1024xf32, #tpu.memory_space<hbm>>
        %dma_start3A_57 = arith.constant 41598976 : i32
        %dma_start3A_58 = tpu.memref_slice %arg4[%dma_start3A_57] : memref<41600000xf32, #tpu.memory_space<hbm>> -> memref<1024xf32, #tpu.memory_space<hbm>>
        %dma_start3A_59 = arith.constant 0 : i32
        %dma_start3A_60 = tpu.memref_slice %arg7[%dma_start3A_59] : memref<16384xf32, #tpu.memory_space<vmem>> -> memref<1024xf32, #tpu.memory_space<vmem>>
        tpu.enqueue_dma source(%dma_start3A_60 : memref<1024xf32, #tpu.memory_space<vmem>>) target(%dma_start3A_58 : memref<1024xf32, #tpu.memory_space<hbm>>) target_semaphore(%run_scoped3A : memref<!tpu.dma_semaphore, #tpu.memory_space<semaphore_mem>>)
        %dma_wait3A_61 = arith.constant 0 : i32
        %dma_wait3A_62 = tpu.memref_slice %arg7[%dma_wait3A_61] : memref<16384xf32, #tpu.memory_space<vmem>> -> memref<1024xf32, #tpu.memory_space<vmem>>
        %dma_wait3A_63 = arith.constant 41598976 : i32
        %dma_wait3A_64 = tpu.memref_slice %arg4[%dma_wait3A_63] : memref<41600000xf32, #tpu.memory_space<hbm>> -> memref<1024xf32, #tpu.memory_space<hbm>>
        %dma_wait3A_65 = arith.constant 41598976 : i32
        %dma_wait3A_66 = tpu.memref_slice %arg4[%dma_wait3A_65] : memref<41600000xf32, #tpu.memory_space<hbm>> -> memref<1024xf32, #tpu.memory_space<hbm>>
        %dma_wait3A_67 = arith.constant 0 : i32
        %dma_wait3A_68 = tpu.memref_slice %arg7[%dma_wait3A_67] : memref<16384xf32, #tpu.memory_space<vmem>> -> memref<1024xf32, #tpu.memory_space<vmem>>
        tpu.wait_dma2 semaphore(%run_scoped3A : memref<!tpu.dma_semaphore, #tpu.memory_space<semaphore_mem>>) src(%dma_wait3A_68 : memref<1024xf32, #tpu.memory_space<vmem>>) dst(%dma_wait3A_66 : memref<1024xf32, #tpu.memory_space<hbm>>)
        tpu.yield
      }) : () -> ()
    } else {
    }
    return
  }
}

#map = affine_map<(d0, d1) -> (0, 0)>
#map1 = affine_map<(d0, d1) -> (0)>
module attributes {stable_mosaic.version = 14 : i64} {
  func.func @_fm_kernel(%arg0: i32, %arg1: i32, %arg2: memref<2600000x16xf32, #tpu.memory_space<hbm>>, %arg3: memref<425984xi32, #tpu.memory_space<hbm>>, %arg4: memref<2600000xf32, #tpu.memory_space<hbm>>, %arg5: memref<16384xf32, #tpu.memory_space<hbm>>, %arg6: memref<3328xi32, #tpu.memory_space<vmem>>, %arg7: memref<3328x16xf32, #tpu.memory_space<vmem>>, %arg8: memref<3328xf32, #tpu.memory_space<vmem>>, %arg9: memref<128xf32, #tpu.memory_space<vmem>>, %arg10: memref<!tpu.dma_semaphore, #tpu.memory_space<semaphore_mem>>, %arg11: memref<!tpu.dma_semaphore, #tpu.memory_space<semaphore_mem>>) attributes {dimension_semantics = [#tpu.dimension_semantics<core_parallel>, #tpu.dimension_semantics<subcore_parallel>], iteration_bounds = array<i64: 2, 16>, scalar_prefetch = 0 : i64, scratch_operands = 6 : i64, tpu.core_type = #tpu.core_type<sc_vector_subcore>, window_params = [{transform_indices = #map}, {transform_indices = #map1}, {transform_indices = #map1}, {transform_indices = #map1}]} {
    %mul3A = arith.constant 2 : i32
    %mul3A_0 = arith.muli %arg1, %mul3A : i32
    %add3A = arith.addi %mul3A_0, %arg0 : i32
    %mul3A_1 = arith.constant 512 : i32
    %mul3A_2 = arith.muli %add3A, %mul3A_1 : i32
    %iota3A = tpu.iota {dimensions = array<i32: 0>} : vector<16xi32>
    %ge3A = arith.constant 6 : i32
    %ge3A_3 = vector.broadcast %ge3A : i32 to vector<16xi32>
    %ge3A_4 = arith.cmpi sge, %iota3A, %ge3A_3 : vector<16xi32>
    %eq3A = arith.constant 0 : i32
    %eq3A_5 = vector.broadcast %eq3A : i32 to vector<16xi32>
    %eq3A_6 = arith.cmpi eq, %iota3A, %eq3A_5 : vector<16xi32>
    %add3A_7 = arith.constant 0 : i32
    %add3A_8 = arith.addi %mul3A_2, %add3A_7 : i32
    %mul3A_9 = arith.constant 26 : i32
    %mul3A_10 = arith.muli %add3A_8, %mul3A_9 : i32
    "tpu.region"() ({
      %run_scoped3A = tpu.sem_alloc : memref<!tpu.dma_semaphore, #tpu.memory_space<semaphore_mem>>
      %dma_start3A_96 = tpu.memref_slice %arg3[%mul3A_10] : memref<425984xi32, #tpu.memory_space<hbm>> -> memref<3328xi32, #tpu.memory_space<hbm>>
      %dma_start3A_97 = tpu.memref_slice %arg3[%mul3A_10] : memref<425984xi32, #tpu.memory_space<hbm>> -> memref<3328xi32, #tpu.memory_space<hbm>>
      tpu.enqueue_dma source(%dma_start3A_97 : memref<3328xi32, #tpu.memory_space<hbm>>) target(%arg6 : memref<3328xi32, #tpu.memory_space<vmem>>) target_semaphore(%run_scoped3A : memref<!tpu.dma_semaphore, #tpu.memory_space<semaphore_mem>>)
      %dma_wait3A_98 = tpu.memref_slice %arg3[%mul3A_10] : memref<425984xi32, #tpu.memory_space<hbm>> -> memref<3328xi32, #tpu.memory_space<hbm>>
      %dma_wait3A_99 = tpu.memref_slice %arg3[%mul3A_10] : memref<425984xi32, #tpu.memory_space<hbm>> -> memref<3328xi32, #tpu.memory_space<hbm>>
      tpu.wait_dma2 semaphore(%run_scoped3A : memref<!tpu.dma_semaphore, #tpu.memory_space<semaphore_mem>>) src(%dma_wait3A_99 : memref<3328xi32, #tpu.memory_space<hbm>>) dst(%arg6 : memref<3328xi32, #tpu.memory_space<vmem>>)
      tpu.yield
    }) : () -> ()
    %dma_start3A = arith.constant 0 : i32
    %dma_start3A_11 = arith.constant 0 : i32
    %dma_start3A_12 = tpu.memref_slice %arg2[%dma_start3A, %dma_start3A_11] : memref<2600000x16xf32, #tpu.memory_space<hbm>> -> memref<2600000x16xf32, #tpu.memory_space<hbm>>
    tpu.enqueue_indirect_dma source(%dma_start3A_12 : memref<2600000x16xf32, #tpu.memory_space<hbm>>) target(%arg7 : memref<3328x16xf32, #tpu.memory_space<vmem>>) offsets(%arg6 : memref<3328xi32, #tpu.memory_space<vmem>>) semaphore(%arg10 : memref<!tpu.dma_semaphore, #tpu.memory_space<semaphore_mem>>)
    %dma_start3A_13 = arith.constant 0 : i32
    %dma_start3A_14 = tpu.memref_slice %arg4[%dma_start3A_13] : memref<2600000xf32, #tpu.memory_space<hbm>> -> memref<2600000xf32, #tpu.memory_space<hbm>>
    tpu.enqueue_indirect_dma source(%dma_start3A_14 : memref<2600000xf32, #tpu.memory_space<hbm>>) target(%arg8 : memref<3328xf32, #tpu.memory_space<vmem>>) offsets(%arg6 : memref<3328xi32, #tpu.memory_space<vmem>>) semaphore(%arg11 : memref<!tpu.dma_semaphore, #tpu.memory_space<semaphore_mem>>)
    %dma_wait3A = arith.constant 0 : i32
    %dma_wait3A_15 = arith.constant 0 : i32
    %dma_wait3A_16 = tpu.memref_slice %arg2[%dma_wait3A, %dma_wait3A_15] : memref<2600000x16xf32, #tpu.memory_space<hbm>> -> memref<2600000x16xf32, #tpu.memory_space<hbm>>
    tpu.wait_indirect_dma semaphore(%arg10 : memref<!tpu.dma_semaphore, #tpu.memory_space<semaphore_mem>>) src(%dma_wait3A_16 : memref<2600000x16xf32, #tpu.memory_space<hbm>>) dst(%arg7 : memref<3328x16xf32, #tpu.memory_space<vmem>>)
    %dma_wait3A_17 = arith.constant 0 : i32
    %dma_wait3A_18 = tpu.memref_slice %arg4[%dma_wait3A_17] : memref<2600000xf32, #tpu.memory_space<hbm>> -> memref<2600000xf32, #tpu.memory_space<hbm>>
    tpu.wait_indirect_dma semaphore(%arg11 : memref<!tpu.dma_semaphore, #tpu.memory_space<semaphore_mem>>) src(%dma_wait3A_18 : memref<2600000xf32, #tpu.memory_space<hbm>>) dst(%arg8 : memref<3328xf32, #tpu.memory_space<vmem>>)
    %scan3A = arith.constant 0 : i32
    %scan3A_19 = arith.constant 0 : i32
    %scan3A_20 = arith.constant 128 : i32
    %scan3A_21 = arith.addi %scan3A_19, %scan3A_20 : i32
    %scan3A_22 = arith.constant 1 : i32
    %scan3A_23 = scf.for %scan3A_96 = %scan3A_19 to %scan3A_21 step %scan3A_22 iter_args(%scan3A_97 = %scan3A) -> (i32)  : i32 {
      %mul3A_98 = arith.constant 26 : i32
      %mul3A_99 = arith.muli %scan3A_96, %mul3A_98 : i32
      %add3A_100 = arith.constant 0 : i32
      %add3A_101 = arith.addi %mul3A_99, %add3A_100 : i32
      %get3A = arith.index_cast %add3A_101 : i32 to index
      %get3A_102 = arith.constant 0 : index
      %get3A_103 = tpu.vector_load %arg7[%get3A, %get3A_102] {strides = array<i32>} : memref<3328x16xf32, #tpu.memory_space<vmem>>, vector<16xf32>,
      %add3A_104 = arith.constant 1 : i32
      %add3A_105 = arith.addi %mul3A_99, %add3A_104 : i32
      %get3A_106 = arith.index_cast %add3A_105 : i32 to index
      %get3A_107 = arith.constant 0 : index
      %get3A_108 = tpu.vector_load %arg7[%get3A_106, %get3A_107] {strides = array<i32>} : memref<3328x16xf32, #tpu.memory_space<vmem>>, vector<16xf32>,
      %add3A_109 = arith.constant 2 : i32
      %add3A_110 = arith.addi %mul3A_99, %add3A_109 : i32
      %get3A_111 = arith.index_cast %add3A_110 : i32 to index
      %get3A_112 = arith.constant 0 : index
      %get3A_113 = tpu.vector_load %arg7[%get3A_111, %get3A_112] {strides = array<i32>} : memref<3328x16xf32, #tpu.memory_space<vmem>>, vector<16xf32>,
      %add3A_114 = arith.constant 3 : i32
      %add3A_115 = arith.addi %mul3A_99, %add3A_114 : i32
      %get3A_116 = arith.index_cast %add3A_115 : i32 to index
      %get3A_117 = arith.constant 0 : index
      %get3A_118 = tpu.vector_load %arg7[%get3A_116, %get3A_117] {strides = array<i32>} : memref<3328x16xf32, #tpu.memory_space<vmem>>, vector<16xf32>,
      %add3A_119 = arith.constant 4 : i32
      %add3A_120 = arith.addi %mul3A_99, %add3A_119 : i32
      %get3A_121 = arith.index_cast %add3A_120 : i32 to index
      %get3A_122 = arith.constant 0 : index
      %get3A_123 = tpu.vector_load %arg7[%get3A_121, %get3A_122] {strides = array<i32>} : memref<3328x16xf32, #tpu.memory_space<vmem>>, vector<16xf32>,
      %add3A_124 = arith.constant 5 : i32
      %add3A_125 = arith.addi %mul3A_99, %add3A_124 : i32
      %get3A_126 = arith.index_cast %add3A_125 : i32 to index
      %get3A_127 = arith.constant 0 : index
      %get3A_128 = tpu.vector_load %arg7[%get3A_126, %get3A_127] {strides = array<i32>} : memref<3328x16xf32, #tpu.memory_space<vmem>>, vector<16xf32>,
      %add3A_129 = arith.constant 6 : i32
      %add3A_130 = arith.addi %mul3A_99, %add3A_129 : i32
      %get3A_131 = arith.index_cast %add3A_130 : i32 to index
      %get3A_132 = arith.constant 0 : index
      %get3A_133 = tpu.vector_load %arg7[%get3A_131, %get3A_132] {strides = array<i32>} : memref<3328x16xf32, #tpu.memory_space<vmem>>, vector<16xf32>,
      %add3A_134 = arith.constant 7 : i32
      %add3A_135 = arith.addi %mul3A_99, %add3A_134 : i32
      %get3A_136 = arith.index_cast %add3A_135 : i32 to index
      %get3A_137 = arith.constant 0 : index
      %get3A_138 = tpu.vector_load %arg7[%get3A_136, %get3A_137] {strides = array<i32>} : memref<3328x16xf32, #tpu.memory_space<vmem>>, vector<16xf32>,
      %add3A_139 = arith.constant 8 : i32
      %add3A_140 = arith.addi %mul3A_99, %add3A_139 : i32
      %get3A_141 = arith.index_cast %add3A_140 : i32 to index
      %get3A_142 = arith.constant 0 : index
      %get3A_143 = tpu.vector_load %arg7[%get3A_141, %get3A_142] {strides = array<i32>} : memref<3328x16xf32, #tpu.memory_space<vmem>>, vector<16xf32>,
      %add3A_144 = arith.constant 9 : i32
      %add3A_145 = arith.addi %mul3A_99, %add3A_144 : i32
      %get3A_146 = arith.index_cast %add3A_145 : i32 to index
      %get3A_147 = arith.constant 0 : index
      %get3A_148 = tpu.vector_load %arg7[%get3A_146, %get3A_147] {strides = array<i32>} : memref<3328x16xf32, #tpu.memory_space<vmem>>, vector<16xf32>,
      %add3A_149 = arith.constant 10 : i32
      %add3A_150 = arith.addi %mul3A_99, %add3A_149 : i32
      %get3A_151 = arith.index_cast %add3A_150 : i32 to index
      %get3A_152 = arith.constant 0 : index
      %get3A_153 = tpu.vector_load %arg7[%get3A_151, %get3A_152] {strides = array<i32>} : memref<3328x16xf32, #tpu.memory_space<vmem>>, vector<16xf32>,
      %add3A_154 = arith.constant 11 : i32
      %add3A_155 = arith.addi %mul3A_99, %add3A_154 : i32
      %get3A_156 = arith.index_cast %add3A_155 : i32 to index
      %get3A_157 = arith.constant 0 : index
      %get3A_158 = tpu.vector_load %arg7[%get3A_156, %get3A_157] {strides = array<i32>} : memref<3328x16xf32, #tpu.memory_space<vmem>>, vector<16xf32>,
      %add3A_159 = arith.constant 12 : i32
      %add3A_160 = arith.addi %mul3A_99, %add3A_159 : i32
      %get3A_161 = arith.index_cast %add3A_160 : i32 to index
      %get3A_162 = arith.constant 0 : index
      %get3A_163 = tpu.vector_load %arg7[%get3A_161, %get3A_162] {strides = array<i32>} : memref<3328x16xf32, #tpu.memory_space<vmem>>, vector<16xf32>,
      %add3A_164 = arith.constant 13 : i32
      %add3A_165 = arith.addi %mul3A_99, %add3A_164 : i32
      %get3A_166 = arith.index_cast %add3A_165 : i32 to index
      %get3A_167 = arith.constant 0 : index
      %get3A_168 = tpu.vector_load %arg7[%get3A_166, %get3A_167] {strides = array<i32>} : memref<3328x16xf32, #tpu.memory_space<vmem>>, vector<16xf32>,
      %add3A_169 = arith.constant 14 : i32
      %add3A_170 = arith.addi %mul3A_99, %add3A_169 : i32
      %get3A_171 = arith.index_cast %add3A_170 : i32 to index
      %get3A_172 = arith.constant 0 : index
      %get3A_173 = tpu.vector_load %arg7[%get3A_171, %get3A_172] {strides = array<i32>} : memref<3328x16xf32, #tpu.memory_space<vmem>>, vector<16xf32>,
      %add3A_174 = arith.constant 15 : i32
      %add3A_175 = arith.addi %mul3A_99, %add3A_174 : i32
      %get3A_176 = arith.index_cast %add3A_175 : i32 to index
      %get3A_177 = arith.constant 0 : index
      %get3A_178 = tpu.vector_load %arg7[%get3A_176, %get3A_177] {strides = array<i32>} : memref<3328x16xf32, #tpu.memory_space<vmem>>, vector<16xf32>,
      %add3A_179 = arith.constant 16 : i32
      %add3A_180 = arith.addi %mul3A_99, %add3A_179 : i32
      %get3A_181 = arith.index_cast %add3A_180 : i32 to index
      %get3A_182 = arith.constant 0 : index
      %get3A_183 = tpu.vector_load %arg7[%get3A_181, %get3A_182] {strides = array<i32>} : memref<3328x16xf32, #tpu.memory_space<vmem>>, vector<16xf32>,
      %add3A_184 = arith.constant 17 : i32
      %add3A_185 = arith.addi %mul3A_99, %add3A_184 : i32
      %get3A_186 = arith.index_cast %add3A_185 : i32 to index
      %get3A_187 = arith.constant 0 : index
      %get3A_188 = tpu.vector_load %arg7[%get3A_186, %get3A_187] {strides = array<i32>} : memref<3328x16xf32, #tpu.memory_space<vmem>>, vector<16xf32>,
      %add3A_189 = arith.constant 18 : i32
      %add3A_190 = arith.addi %mul3A_99, %add3A_189 : i32
      %get3A_191 = arith.index_cast %add3A_190 : i32 to index
      %get3A_192 = arith.constant 0 : index
      %get3A_193 = tpu.vector_load %arg7[%get3A_191, %get3A_192] {strides = array<i32>} : memref<3328x16xf32, #tpu.memory_space<vmem>>, vector<16xf32>,
      %add3A_194 = arith.constant 19 : i32
      %add3A_195 = arith.addi %mul3A_99, %add3A_194 : i32
      %get3A_196 = arith.index_cast %add3A_195 : i32 to index
      %get3A_197 = arith.constant 0 : index
      %get3A_198 = tpu.vector_load %arg7[%get3A_196, %get3A_197] {strides = array<i32>} : memref<3328x16xf32, #tpu.memory_space<vmem>>, vector<16xf32>,
      %add3A_199 = arith.constant 20 : i32
      %add3A_200 = arith.addi %mul3A_99, %add3A_199 : i32
      %get3A_201 = arith.index_cast %add3A_200 : i32 to index
      %get3A_202 = arith.constant 0 : index
      %get3A_203 = tpu.vector_load %arg7[%get3A_201, %get3A_202] {strides = array<i32>} : memref<3328x16xf32, #tpu.memory_space<vmem>>, vector<16xf32>,
      %add3A_204 = arith.constant 21 : i32
      %add3A_205 = arith.addi %mul3A_99, %add3A_204 : i32
      %get3A_206 = arith.index_cast %add3A_205 : i32 to index
      %get3A_207 = arith.constant 0 : index
      %get3A_208 = tpu.vector_load %arg7[%get3A_206, %get3A_207] {strides = array<i32>} : memref<3328x16xf32, #tpu.memory_space<vmem>>, vector<16xf32>,
      %add3A_209 = arith.constant 22 : i32
      %add3A_210 = arith.addi %mul3A_99, %add3A_209 : i32
      %get3A_211 = arith.index_cast %add3A_210 : i32 to index
      %get3A_212 = arith.constant 0 : index
      %get3A_213 = tpu.vector_load %arg7[%get3A_211, %get3A_212] {strides = array<i32>} : memref<3328x16xf32, #tpu.memory_space<vmem>>, vector<16xf32>,
      %add3A_214 = arith.constant 23 : i32
      %add3A_215 = arith.addi %mul3A_99, %add3A_214 : i32
      %get3A_216 = arith.index_cast %add3A_215 : i32 to index
      %get3A_217 = arith.constant 0 : index
      %get3A_218 = tpu.vector_load %arg7[%get3A_216, %get3A_217] {strides = array<i32>} : memref<3328x16xf32, #tpu.memory_space<vmem>>, vector<16xf32>,
      %add3A_219 = arith.constant 24 : i32
      %add3A_220 = arith.addi %mul3A_99, %add3A_219 : i32
      %get3A_221 = arith.index_cast %add3A_220 : i32 to index
      %get3A_222 = arith.constant 0 : index
      %get3A_223 = tpu.vector_load %arg7[%get3A_221, %get3A_222] {strides = array<i32>} : memref<3328x16xf32, #tpu.memory_space<vmem>>, vector<16xf32>,
      %add3A_224 = arith.constant 25 : i32
      %add3A_225 = arith.addi %mul3A_99, %add3A_224 : i32
      %get3A_226 = arith.index_cast %add3A_225 : i32 to index
      %get3A_227 = arith.constant 0 : index
      %get3A_228 = tpu.vector_load %arg7[%get3A_226, %get3A_227] {strides = array<i32>} : memref<3328x16xf32, #tpu.memory_space<vmem>>, vector<16xf32>,
      %add3A_229 = arith.addf %get3A_103, %get3A_108 : vector<16xf32>
      %add3A_230 = arith.addf %get3A_113, %get3A_118 : vector<16xf32>
      %add3A_231 = arith.addf %get3A_123, %get3A_128 : vector<16xf32>
      %add3A_232 = arith.addf %get3A_133, %get3A_138 : vector<16xf32>
      %add3A_233 = arith.addf %get3A_143, %get3A_148 : vector<16xf32>
      %add3A_234 = arith.addf %get3A_153, %get3A_158 : vector<16xf32>
      %add3A_235 = arith.addf %get3A_163, %get3A_168 : vector<16xf32>
      %add3A_236 = arith.addf %get3A_173, %get3A_178 : vector<16xf32>
      %add3A_237 = arith.addf %get3A_183, %get3A_188 : vector<16xf32>
      %add3A_238 = arith.addf %get3A_193, %get3A_198 : vector<16xf32>
      %add3A_239 = arith.addf %get3A_203, %get3A_208 : vector<16xf32>
      %add3A_240 = arith.addf %get3A_213, %get3A_218 : vector<16xf32>
      %add3A_241 = arith.addf %get3A_223, %get3A_228 : vector<16xf32>
      %add3A_242 = arith.addf %add3A_229, %add3A_230 : vector<16xf32>
      %add3A_243 = arith.addf %add3A_231, %add3A_232 : vector<16xf32>
      %add3A_244 = arith.addf %add3A_233, %add3A_234 : vector<16xf32>
      %add3A_245 = arith.addf %add3A_235, %add3A_236 : vector<16xf32>
      %add3A_246 = arith.addf %add3A_237, %add3A_238 : vector<16xf32>
      %add3A_247 = arith.addf %add3A_239, %add3A_240 : vector<16xf32>
      %add3A_248 = arith.addf %add3A_242, %add3A_243 : vector<16xf32>
      %add3A_249 = arith.addf %add3A_244, %add3A_245 : vector<16xf32>
      %add3A_250 = arith.addf %add3A_246, %add3A_247 : vector<16xf32>
      %add3A_251 = arith.addf %add3A_248, %add3A_249 : vector<16xf32>
      %add3A_252 = arith.addf %add3A_250, %add3A_241 : vector<16xf32>
      %add3A_253 = arith.addf %add3A_251, %add3A_252 : vector<16xf32>
      %mul3A_254 = arith.mulf %get3A_103, %get3A_103 : vector<16xf32>
      %mul3A_255 = arith.mulf %get3A_108, %get3A_108 : vector<16xf32>
      %mul3A_256 = arith.mulf %get3A_113, %get3A_113 : vector<16xf32>
      %mul3A_257 = arith.mulf %get3A_118, %get3A_118 : vector<16xf32>
      %mul3A_258 = arith.mulf %get3A_123, %get3A_123 : vector<16xf32>
      %mul3A_259 = arith.mulf %get3A_128, %get3A_128 : vector<16xf32>
      %mul3A_260 = arith.mulf %get3A_133, %get3A_133 : vector<16xf32>
      %mul3A_261 = arith.mulf %get3A_138, %get3A_138 : vector<16xf32>
      %mul3A_262 = arith.mulf %get3A_143, %get3A_143 : vector<16xf32>
      %mul3A_263 = arith.mulf %get3A_148, %get3A_148 : vector<16xf32>
      %mul3A_264 = arith.mulf %get3A_153, %get3A_153 : vector<16xf32>
      %mul3A_265 = arith.mulf %get3A_158, %get3A_158 : vector<16xf32>
      %mul3A_266 = arith.mulf %get3A_163, %get3A_163 : vector<16xf32>
      %mul3A_267 = arith.mulf %get3A_168, %get3A_168 : vector<16xf32>
      %mul3A_268 = arith.mulf %get3A_173, %get3A_173 : vector<16xf32>
      %mul3A_269 = arith.mulf %get3A_178, %get3A_178 : vector<16xf32>
      %mul3A_270 = arith.mulf %get3A_183, %get3A_183 : vector<16xf32>
      %mul3A_271 = arith.mulf %get3A_188, %get3A_188 : vector<16xf32>
      %mul3A_272 = arith.mulf %get3A_193, %get3A_193 : vector<16xf32>
      %mul3A_273 = arith.mulf %get3A_198, %get3A_198 : vector<16xf32>
      %mul3A_274 = arith.mulf %get3A_203, %get3A_203 : vector<16xf32>
      %mul3A_275 = arith.mulf %get3A_208, %get3A_208 : vector<16xf32>
      %mul3A_276 = arith.mulf %get3A_213, %get3A_213 : vector<16xf32>
      %mul3A_277 = arith.mulf %get3A_218, %get3A_218 : vector<16xf32>
      %mul3A_278 = arith.mulf %get3A_223, %get3A_223 : vector<16xf32>
      %mul3A_279 = arith.mulf %get3A_228, %get3A_228 : vector<16xf32>
      %add3A_280 = arith.addf %mul3A_254, %mul3A_255 : vector<16xf32>
      %add3A_281 = arith.addf %mul3A_256, %mul3A_257 : vector<16xf32>
      %add3A_282 = arith.addf %mul3A_258, %mul3A_259 : vector<16xf32>
      %add3A_283 = arith.addf %mul3A_260, %mul3A_261 : vector<16xf32>
      %add3A_284 = arith.addf %mul3A_262, %mul3A_263 : vector<16xf32>
      %add3A_285 = arith.addf %mul3A_264, %mul3A_265 : vector<16xf32>
      %add3A_286 = arith.addf %mul3A_266, %mul3A_267 : vector<16xf32>
      %add3A_287 = arith.addf %mul3A_268, %mul3A_269 : vector<16xf32>
      %add3A_288 = arith.addf %mul3A_270, %mul3A_271 : vector<16xf32>
      %add3A_289 = arith.addf %mul3A_272, %mul3A_273 : vector<16xf32>
      %add3A_290 = arith.addf %mul3A_274, %mul3A_275 : vector<16xf32>
      %add3A_291 = arith.addf %mul3A_276, %mul3A_277 : vector<16xf32>
      %add3A_292 = arith.addf %mul3A_278, %mul3A_279 : vector<16xf32>
      %add3A_293 = arith.addf %add3A_280, %add3A_281 : vector<16xf32>
      %add3A_294 = arith.addf %add3A_282, %add3A_283 : vector<16xf32>
      %add3A_295 = arith.addf %add3A_284, %add3A_285 : vector<16xf32>
      %add3A_296 = arith.addf %add3A_286, %add3A_287 : vector<16xf32>
      %add3A_297 = arith.addf %add3A_288, %add3A_289 : vector<16xf32>
      %add3A_298 = arith.addf %add3A_290, %add3A_291 : vector<16xf32>
      %add3A_299 = arith.addf %add3A_293, %add3A_294 : vector<16xf32>
      %add3A_300 = arith.addf %add3A_295, %add3A_296 : vector<16xf32>
      %add3A_301 = arith.addf %add3A_297, %add3A_298 : vector<16xf32>
      %add3A_302 = arith.addf %add3A_299, %add3A_300 : vector<16xf32>
      %add3A_303 = arith.addf %add3A_301, %add3A_292 : vector<16xf32>
      %add3A_304 = arith.addf %add3A_302, %add3A_303 : vector<16xf32>
      %mul3A_305 = arith.mulf %add3A_253, %add3A_253 : vector<16xf32>
      %sub3A = arith.subf %mul3A_305, %add3A_304 : vector<16xf32>
      %mul3A_306 = arith.constant 5.000000e-01 : f32
      %mul3A_307 = vector.broadcast %mul3A_306 : f32 to vector<16xf32>
      %mul3A_308 = arith.mulf %mul3A_307, %sub3A : vector<16xf32>
      %get3A_309 = arith.index_cast %mul3A_99 : i32 to index
      %get3A_310 = tpu.vector_load %arg8[%get3A_309] {strides = array<i32>} : memref<3328xf32, #tpu.memory_space<vmem>>, vector<16xf32>,
      %add3A_311 = arith.constant 10 : i32
      %add3A_312 = arith.addi %mul3A_99, %add3A_311 : i32
      %get3A_313 = arith.index_cast %add3A_312 : i32 to index
      %get3A_314 = tpu.vector_load %arg8[%get3A_313] {strides = array<i32>} : memref<3328xf32, #tpu.memory_space<vmem>>, vector<16xf32>,
      %jit3A = arith.constant 0.000000e+00 : f32
      %broadcast_in_dim3A = vector.broadcast %jit3A : f32 to vector<16xf32>
      %select_n3A = arith.select %ge3A_4, %get3A_314, %broadcast_in_dim3A : vector<16xi1>, vector<16xf32>
      %add3A_315 = arith.addf %mul3A_308, %get3A_310 : vector<16xf32>
      %add3A_316 = arith.addf %add3A_315, %select_n3A : vector<16xf32>
      %reduce_sum3A = arith.constant true
      %reduce_sum3A_317 = vector.broadcast %reduce_sum3A : i1 to vector<16xi1>
      %reduce_sum3A_318 = tpu.scan <sum>, %add3A_316 masked %reduce_sum3A_317 : vector<16xf32>, vector<16xi1> -> vector<16xf32>
      %reduce_sum3A_319 = vector.extract %reduce_sum3A_318[15] : f32 from vector<16xf32>
      %broadcast_in_dim3A_320 = vector.broadcast %scan3A_96 : i32 to vector<16xi32>
      %broadcast_in_dim3A_321 = vector.broadcast %reduce_sum3A_319 : f32 to vector<16xf32>
      tpu.vector_store_idx %arg9[%broadcast_in_dim3A_320], %broadcast_in_dim3A_321 masked %eq3A_6 : memref<128xf32, #tpu.memory_space<vmem>>[vector<16xi32>], vector<16xf32>, vector<16xi1>
      %scan3A_322 = arith.constant 0 : i32
      scf.yield %scan3A_322 : i32
    }
    %scan3A_24 = arith.constant 128 : i32
    %add3A_25 = arith.constant 0 : i32
    %add3A_26 = arith.addi %mul3A_2, %add3A_25 : i32
    "tpu.region"() ({
      %run_scoped3A = tpu.sem_alloc : memref<!tpu.dma_semaphore, #tpu.memory_space<semaphore_mem>>
      %dma_start3A_96 = tpu.memref_slice %arg5[%add3A_26] : memref<16384xf32, #tpu.memory_space<hbm>> -> memref<128xf32, #tpu.memory_space<hbm>>
      %dma_start3A_97 = tpu.memref_slice %arg5[%add3A_26] : memref<16384xf32, #tpu.memory_space<hbm>> -> memref<128xf32, #tpu.memory_space<hbm>>
      tpu.enqueue_dma source(%arg9 : memref<128xf32, #tpu.memory_space<vmem>>) target(%dma_start3A_97 : memref<128xf32, #tpu.memory_space<hbm>>) target_semaphore(%run_scoped3A : memref<!tpu.dma_semaphore, #tpu.memory_space<semaphore_mem>>)
      %dma_wait3A_98 = tpu.memref_slice %arg5[%add3A_26] : memref<16384xf32, #tpu.memory_space<hbm>> -> memref<128xf32, #tpu.memory_space<hbm>>
      %dma_wait3A_99 = tpu.memref_slice %arg5[%add3A_26] : memref<16384xf32, #tpu.memory_space<hbm>> -> memref<128xf32, #tpu.memory_space<hbm>>
      tpu.wait_dma2 semaphore(%run_scoped3A : memref<!tpu.dma_semaphore, #tpu.memory_space<semaphore_mem>>) src(%arg9 : memref<128xf32, #tpu.memory_space<vmem>>) dst(%dma_wait3A_99 : memref<128xf32, #tpu.memory_space<hbm>>)
      tpu.yield
    }) : () -> ()
    %add3A_27 = arith.constant 128 : i32
    %add3A_28 = arith.addi %mul3A_2, %add3A_27 : i32
    %mul3A_29 = arith.constant 26 : i32
    %mul3A_30 = arith.muli %add3A_28, %mul3A_29 : i32
    "tpu.region"() ({
      %run_scoped3A = tpu.sem_alloc : memref<!tpu.dma_semaphore, #tpu.memory_space<semaphore_mem>>
      %dma_start3A_96 = tpu.memref_slice %arg3[%mul3A_30] : memref<425984xi32, #tpu.memory_space<hbm>> -> memref<3328xi32, #tpu.memory_space<hbm>>
      %dma_start3A_97 = tpu.memref_slice %arg3[%mul3A_30] : memref<425984xi32, #tpu.memory_space<hbm>> -> memref<3328xi32, #tpu.memory_space<hbm>>
      tpu.enqueue_dma source(%dma_start3A_97 : memref<3328xi32, #tpu.memory_space<hbm>>) target(%arg6 : memref<3328xi32, #tpu.memory_space<vmem>>) target_semaphore(%run_scoped3A : memref<!tpu.dma_semaphore, #tpu.memory_space<semaphore_mem>>)
      %dma_wait3A_98 = tpu.memref_slice %arg3[%mul3A_30] : memref<425984xi32, #tpu.memory_space<hbm>> -> memref<3328xi32, #tpu.memory_space<hbm>>
      %dma_wait3A_99 = tpu.memref_slice %arg3[%mul3A_30] : memref<425984xi32, #tpu.memory_space<hbm>> -> memref<3328xi32, #tpu.memory_space<hbm>>
      tpu.wait_dma2 semaphore(%run_scoped3A : memref<!tpu.dma_semaphore, #tpu.memory_space<semaphore_mem>>) src(%dma_wait3A_99 : memref<3328xi32, #tpu.memory_space<hbm>>) dst(%arg6 : memref<3328xi32, #tpu.memory_space<vmem>>)
      tpu.yield
    }) : () -> ()
    %dma_start3A_31 = arith.constant 0 : i32
    %dma_start3A_32 = arith.constant 0 : i32
    %dma_start3A_33 = tpu.memref_slice %arg2[%dma_start3A_31, %dma_start3A_32] : memref<2600000x16xf32, #tpu.memory_space<hbm>> -> memref<2600000x16xf32, #tpu.memory_space<hbm>>
    tpu.enqueue_indirect_dma source(%dma_start3A_33 : memref<2600000x16xf32, #tpu.memory_space<hbm>>) target(%arg7 : memref<3328x16xf32, #tpu.memory_space<vmem>>) offsets(%arg6 : memref<3328xi32, #tpu.memory_space<vmem>>) semaphore(%arg10 : memref<!tpu.dma_semaphore, #tpu.memory_space<semaphore_mem>>)
    %dma_start3A_34 = arith.constant 0 : i32
    %dma_start3A_35 = tpu.memref_slice %arg4[%dma_start3A_34] : memref<2600000xf32, #tpu.memory_space<hbm>> -> memref<2600000xf32, #tpu.memory_space<hbm>>
    tpu.enqueue_indirect_dma source(%dma_start3A_35 : memref<2600000xf32, #tpu.memory_space<hbm>>) target(%arg8 : memref<3328xf32, #tpu.memory_space<vmem>>) offsets(%arg6 : memref<3328xi32, #tpu.memory_space<vmem>>) semaphore(%arg11 : memref<!tpu.dma_semaphore, #tpu.memory_space<semaphore_mem>>)
    %dma_wait3A_36 = arith.constant 0 : i32
    %dma_wait3A_37 = arith.constant 0 : i32
    %dma_wait3A_38 = tpu.memref_slice %arg2[%dma_wait3A_36, %dma_wait3A_37] : memref<2600000x16xf32, #tpu.memory_space<hbm>> -> memref<2600000x16xf32, #tpu.memory_space<hbm>>
    tpu.wait_indirect_dma semaphore(%arg10 : memref<!tpu.dma_semaphore, #tpu.memory_space<semaphore_mem>>) src(%dma_wait3A_38 : memref<2600000x16xf32, #tpu.memory_space<hbm>>) dst(%arg7 : memref<3328x16xf32, #tpu.memory_space<vmem>>)
    %dma_wait3A_39 = arith.constant 0 : i32
    %dma_wait3A_40 = tpu.memref_slice %arg4[%dma_wait3A_39] : memref<2600000xf32, #tpu.memory_space<hbm>> -> memref<2600000xf32, #tpu.memory_space<hbm>>
    tpu.wait_indirect_dma semaphore(%arg11 : memref<!tpu.dma_semaphore, #tpu.memory_space<semaphore_mem>>) src(%dma_wait3A_40 : memref<2600000xf32, #tpu.memory_space<hbm>>) dst(%arg8 : memref<3328xf32, #tpu.memory_space<vmem>>)
    %scan3A_41 = arith.constant 0 : i32
    %scan3A_42 = arith.constant 0 : i32
    %scan3A_43 = arith.constant 128 : i32
    %scan3A_44 = arith.addi %scan3A_42, %scan3A_43 : i32
    %scan3A_45 = arith.constant 1 : i32
    %scan3A_46 = scf.for %scan3A_96 = %scan3A_42 to %scan3A_44 step %scan3A_45 iter_args(%scan3A_97 = %scan3A_41) -> (i32)  : i32 {
      %mul3A_98 = arith.constant 26 : i32
      %mul3A_99 = arith.muli %scan3A_96, %mul3A_98 : i32
      %add3A_100 = arith.constant 0 : i32
      %add3A_101 = arith.addi %mul3A_99, %add3A_100 : i32
      %get3A = arith.index_cast %add3A_101 : i32 to index
      %get3A_102 = arith.constant 0 : index
      %get3A_103 = tpu.vector_load %arg7[%get3A, %get3A_102] {strides = array<i32>} : memref<3328x16xf32, #tpu.memory_space<vmem>>, vector<16xf32>,
      %add3A_104 = arith.constant 1 : i32
      %add3A_105 = arith.addi %mul3A_99, %add3A_104 : i32
      %get3A_106 = arith.index_cast %add3A_105 : i32 to index
      %get3A_107 = arith.constant 0 : index
      %get3A_108 = tpu.vector_load %arg7[%get3A_106, %get3A_107] {strides = array<i32>} : memref<3328x16xf32, #tpu.memory_space<vmem>>, vector<16xf32>,
      %add3A_109 = arith.constant 2 : i32
      %add3A_110 = arith.addi %mul3A_99, %add3A_109 : i32
      %get3A_111 = arith.index_cast %add3A_110 : i32 to index
      %get3A_112 = arith.constant 0 : index
      %get3A_113 = tpu.vector_load %arg7[%get3A_111, %get3A_112] {strides = array<i32>} : memref<3328x16xf32, #tpu.memory_space<vmem>>, vector<16xf32>,
      %add3A_114 = arith.constant 3 : i32
      %add3A_115 = arith.addi %mul3A_99, %add3A_114 : i32
      %get3A_116 = arith.index_cast %add3A_115 : i32 to index
      %get3A_117 = arith.constant 0 : index
      %get3A_118 = tpu.vector_load %arg7[%get3A_116, %get3A_117] {strides = array<i32>} : memref<3328x16xf32, #tpu.memory_space<vmem>>, vector<16xf32>,
      %add3A_119 = arith.constant 4 : i32
      %add3A_120 = arith.addi %mul3A_99, %add3A_119 : i32
      %get3A_121 = arith.index_cast %add3A_120 : i32 to index
      %get3A_122 = arith.constant 0 : index
      %get3A_123 = tpu.vector_load %arg7[%get3A_121, %get3A_122] {strides = array<i32>} : memref<3328x16xf32, #tpu.memory_space<vmem>>, vector<16xf32>,
      %add3A_124 = arith.constant 5 : i32
      %add3A_125 = arith.addi %mul3A_99, %add3A_124 : i32
      %get3A_126 = arith.index_cast %add3A_125 : i32 to index
      %get3A_127 = arith.constant 0 : index
      %get3A_128 = tpu.vector_load %arg7[%get3A_126, %get3A_127] {strides = array<i32>} : memref<3328x16xf32, #tpu.memory_space<vmem>>, vector<16xf32>,
      %add3A_129 = arith.constant 6 : i32
      %add3A_130 = arith.addi %mul3A_99, %add3A_129 : i32
      %get3A_131 = arith.index_cast %add3A_130 : i32 to index
      %get3A_132 = arith.constant 0 : index
      %get3A_133 = tpu.vector_load %arg7[%get3A_131, %get3A_132] {strides = array<i32>} : memref<3328x16xf32, #tpu.memory_space<vmem>>, vector<16xf32>,
      %add3A_134 = arith.constant 7 : i32
      %add3A_135 = arith.addi %mul3A_99, %add3A_134 : i32
      %get3A_136 = arith.index_cast %add3A_135 : i32 to index
      %get3A_137 = arith.constant 0 : index
      %get3A_138 = tpu.vector_load %arg7[%get3A_136, %get3A_137] {strides = array<i32>} : memref<3328x16xf32, #tpu.memory_space<vmem>>, vector<16xf32>,
      %add3A_139 = arith.constant 8 : i32
      %add3A_140 = arith.addi %mul3A_99, %add3A_139 : i32
      %get3A_141 = arith.index_cast %add3A_140 : i32 to index
      %get3A_142 = arith.constant 0 : index
      %get3A_143 = tpu.vector_load %arg7[%get3A_141, %get3A_142] {strides = array<i32>} : memref<3328x16xf32, #tpu.memory_space<vmem>>, vector<16xf32>,
      %add3A_144 = arith.constant 9 : i32
      %add3A_145 = arith.addi %mul3A_99, %add3A_144 : i32
      %get3A_146 = arith.index_cast %add3A_145 : i32 to index
      %get3A_147 = arith.constant 0 : index
      %get3A_148 = tpu.vector_load %arg7[%get3A_146, %get3A_147] {strides = array<i32>} : memref<3328x16xf32, #tpu.memory_space<vmem>>, vector<16xf32>,
      %add3A_149 = arith.constant 10 : i32
      %add3A_150 = arith.addi %mul3A_99, %add3A_149 : i32
      %get3A_151 = arith.index_cast %add3A_150 : i32 to index
      %get3A_152 = arith.constant 0 : index
      %get3A_153 = tpu.vector_load %arg7[%get3A_151, %get3A_152] {strides = array<i32>} : memref<3328x16xf32, #tpu.memory_space<vmem>>, vector<16xf32>,
      %add3A_154 = arith.constant 11 : i32
      %add3A_155 = arith.addi %mul3A_99, %add3A_154 : i32
      %get3A_156 = arith.index_cast %add3A_155 : i32 to index
      %get3A_157 = arith.constant 0 : index
      %get3A_158 = tpu.vector_load %arg7[%get3A_156, %get3A_157] {strides = array<i32>} : memref<3328x16xf32, #tpu.memory_space<vmem>>, vector<16xf32>,
      %add3A_159 = arith.constant 12 : i32
      %add3A_160 = arith.addi %mul3A_99, %add3A_159 : i32
      %get3A_161 = arith.index_cast %add3A_160 : i32 to index
      %get3A_162 = arith.constant 0 : index
      %get3A_163 = tpu.vector_load %arg7[%get3A_161, %get3A_162] {strides = array<i32>} : memref<3328x16xf32, #tpu.memory_space<vmem>>, vector<16xf32>,
      %add3A_164 = arith.constant 13 : i32
      %add3A_165 = arith.addi %mul3A_99, %add3A_164 : i32
      %get3A_166 = arith.index_cast %add3A_165 : i32 to index
      %get3A_167 = arith.constant 0 : index
      %get3A_168 = tpu.vector_load %arg7[%get3A_166, %get3A_167] {strides = array<i32>} : memref<3328x16xf32, #tpu.memory_space<vmem>>, vector<16xf32>,
      %add3A_169 = arith.constant 14 : i32
      %add3A_170 = arith.addi %mul3A_99, %add3A_169 : i32
      %get3A_171 = arith.index_cast %add3A_170 : i32 to index
      %get3A_172 = arith.constant 0 : index
      %get3A_173 = tpu.vector_load %arg7[%get3A_171, %get3A_172] {strides = array<i32>} : memref<3328x16xf32, #tpu.memory_space<vmem>>, vector<16xf32>,
      %add3A_174 = arith.constant 15 : i32
      %add3A_175 = arith.addi %mul3A_99, %add3A_174 : i32
      %get3A_176 = arith.index_cast %add3A_175 : i32 to index
      %get3A_177 = arith.constant 0 : index
      %get3A_178 = tpu.vector_load %arg7[%get3A_176, %get3A_177] {strides = array<i32>} : memref<3328x16xf32, #tpu.memory_space<vmem>>, vector<16xf32>,
      %add3A_179 = arith.constant 16 : i32
      %add3A_180 = arith.addi %mul3A_99, %add3A_179 : i32
      %get3A_181 = arith.index_cast %add3A_180 : i32 to index
      %get3A_182 = arith.constant 0 : index
      %get3A_183 = tpu.vector_load %arg7[%get3A_181, %get3A_182] {strides = array<i32>} : memref<3328x16xf32, #tpu.memory_space<vmem>>, vector<16xf32>,
      %add3A_184 = arith.constant 17 : i32
      %add3A_185 = arith.addi %mul3A_99, %add3A_184 : i32
      %get3A_186 = arith.index_cast %add3A_185 : i32 to index
      %get3A_187 = arith.constant 0 : index
      %get3A_188 = tpu.vector_load %arg7[%get3A_186, %get3A_187] {strides = array<i32>} : memref<3328x16xf32, #tpu.memory_space<vmem>>, vector<16xf32>,
      %add3A_189 = arith.constant 18 : i32
      %add3A_190 = arith.addi %mul3A_99, %add3A_189 : i32
      %get3A_191 = arith.index_cast %add3A_190 : i32 to index
      %get3A_192 = arith.constant 0 : index
      %get3A_193 = tpu.vector_load %arg7[%get3A_191, %get3A_192] {strides = array<i32>} : memref<3328x16xf32, #tpu.memory_space<vmem>>, vector<16xf32>,
      %add3A_194 = arith.constant 19 : i32
      %add3A_195 = arith.addi %mul3A_99, %add3A_194 : i32
      %get3A_196 = arith.index_cast %add3A_195 : i32 to index
      %get3A_197 = arith.constant 0 : index
      %get3A_198 = tpu.vector_load %arg7[%get3A_196, %get3A_197] {strides = array<i32>} : memref<3328x16xf32, #tpu.memory_space<vmem>>, vector<16xf32>,
      %add3A_199 = arith.constant 20 : i32
      %add3A_200 = arith.addi %mul3A_99, %add3A_199 : i32
      %get3A_201 = arith.index_cast %add3A_200 : i32 to index
      %get3A_202 = arith.constant 0 : index
      %get3A_203 = tpu.vector_load %arg7[%get3A_201, %get3A_202] {strides = array<i32>} : memref<3328x16xf32, #tpu.memory_space<vmem>>, vector<16xf32>,
      %add3A_204 = arith.constant 21 : i32
      %add3A_205 = arith.addi %mul3A_99, %add3A_204 : i32
      %get3A_206 = arith.index_cast %add3A_205 : i32 to index
      %get3A_207 = arith.constant 0 : index
      %get3A_208 = tpu.vector_load %arg7[%get3A_206, %get3A_207] {strides = array<i32>} : memref<3328x16xf32, #tpu.memory_space<vmem>>, vector<16xf32>,
      %add3A_209 = arith.constant 22 : i32
      %add3A_210 = arith.addi %mul3A_99, %add3A_209 : i32
      %get3A_211 = arith.index_cast %add3A_210 : i32 to index
      %get3A_212 = arith.constant 0 : index
      %get3A_213 = tpu.vector_load %arg7[%get3A_211, %get3A_212] {strides = array<i32>} : memref<3328x16xf32, #tpu.memory_space<vmem>>, vector<16xf32>,
      %add3A_214 = arith.constant 23 : i32
      %add3A_215 = arith.addi %mul3A_99, %add3A_214 : i32
      %get3A_216 = arith.index_cast %add3A_215 : i32 to index
      %get3A_217 = arith.constant 0 : index
      %get3A_218 = tpu.vector_load %arg7[%get3A_216, %get3A_217] {strides = array<i32>} : memref<3328x16xf32, #tpu.memory_space<vmem>>, vector<16xf32>,
      %add3A_219 = arith.constant 24 : i32
      %add3A_220 = arith.addi %mul3A_99, %add3A_219 : i32
      %get3A_221 = arith.index_cast %add3A_220 : i32 to index
      %get3A_222 = arith.constant 0 : index
      %get3A_223 = tpu.vector_load %arg7[%get3A_221, %get3A_222] {strides = array<i32>} : memref<3328x16xf32, #tpu.memory_space<vmem>>, vector<16xf32>,
      %add3A_224 = arith.constant 25 : i32
      %add3A_225 = arith.addi %mul3A_99, %add3A_224 : i32
      %get3A_226 = arith.index_cast %add3A_225 : i32 to index
      %get3A_227 = arith.constant 0 : index
      %get3A_228 = tpu.vector_load %arg7[%get3A_226, %get3A_227] {strides = array<i32>} : memref<3328x16xf32, #tpu.memory_space<vmem>>, vector<16xf32>,
      %add3A_229 = arith.addf %get3A_103, %get3A_108 : vector<16xf32>
      %add3A_230 = arith.addf %get3A_113, %get3A_118 : vector<16xf32>
      %add3A_231 = arith.addf %get3A_123, %get3A_128 : vector<16xf32>
      %add3A_232 = arith.addf %get3A_133, %get3A_138 : vector<16xf32>
      %add3A_233 = arith.addf %get3A_143, %get3A_148 : vector<16xf32>
      %add3A_234 = arith.addf %get3A_153, %get3A_158 : vector<16xf32>
      %add3A_235 = arith.addf %get3A_163, %get3A_168 : vector<16xf32>
      %add3A_236 = arith.addf %get3A_173, %get3A_178 : vector<16xf32>
      %add3A_237 = arith.addf %get3A_183, %get3A_188 : vector<16xf32>
      %add3A_238 = arith.addf %get3A_193, %get3A_198 : vector<16xf32>
      %add3A_239 = arith.addf %get3A_203, %get3A_208 : vector<16xf32>
      %add3A_240 = arith.addf %get3A_213, %get3A_218 : vector<16xf32>
      %add3A_241 = arith.addf %get3A_223, %get3A_228 : vector<16xf32>
      %add3A_242 = arith.addf %add3A_229, %add3A_230 : vector<16xf32>
      %add3A_243 = arith.addf %add3A_231, %add3A_232 : vector<16xf32>
      %add3A_244 = arith.addf %add3A_233, %add3A_234 : vector<16xf32>
      %add3A_245 = arith.addf %add3A_235, %add3A_236 : vector<16xf32>
      %add3A_246 = arith.addf %add3A_237, %add3A_238 : vector<16xf32>
      %add3A_247 = arith.addf %add3A_239, %add3A_240 : vector<16xf32>
      %add3A_248 = arith.addf %add3A_242, %add3A_243 : vector<16xf32>
      %add3A_249 = arith.addf %add3A_244, %add3A_245 : vector<16xf32>
      %add3A_250 = arith.addf %add3A_246, %add3A_247 : vector<16xf32>
      %add3A_251 = arith.addf %add3A_248, %add3A_249 : vector<16xf32>
      %add3A_252 = arith.addf %add3A_250, %add3A_241 : vector<16xf32>
      %add3A_253 = arith.addf %add3A_251, %add3A_252 : vector<16xf32>
      %mul3A_254 = arith.mulf %get3A_103, %get3A_103 : vector<16xf32>
      %mul3A_255 = arith.mulf %get3A_108, %get3A_108 : vector<16xf32>
      %mul3A_256 = arith.mulf %get3A_113, %get3A_113 : vector<16xf32>
      %mul3A_257 = arith.mulf %get3A_118, %get3A_118 : vector<16xf32>
      %mul3A_258 = arith.mulf %get3A_123, %get3A_123 : vector<16xf32>
      %mul3A_259 = arith.mulf %get3A_128, %get3A_128 : vector<16xf32>
      %mul3A_260 = arith.mulf %get3A_133, %get3A_133 : vector<16xf32>
      %mul3A_261 = arith.mulf %get3A_138, %get3A_138 : vector<16xf32>
      %mul3A_262 = arith.mulf %get3A_143, %get3A_143 : vector<16xf32>
      %mul3A_263 = arith.mulf %get3A_148, %get3A_148 : vector<16xf32>
      %mul3A_264 = arith.mulf %get3A_153, %get3A_153 : vector<16xf32>
      %mul3A_265 = arith.mulf %get3A_158, %get3A_158 : vector<16xf32>
      %mul3A_266 = arith.mulf %get3A_163, %get3A_163 : vector<16xf32>
      %mul3A_267 = arith.mulf %get3A_168, %get3A_168 : vector<16xf32>
      %mul3A_268 = arith.mulf %get3A_173, %get3A_173 : vector<16xf32>
      %mul3A_269 = arith.mulf %get3A_178, %get3A_178 : vector<16xf32>
      %mul3A_270 = arith.mulf %get3A_183, %get3A_183 : vector<16xf32>
      %mul3A_271 = arith.mulf %get3A_188, %get3A_188 : vector<16xf32>
      %mul3A_272 = arith.mulf %get3A_193, %get3A_193 : vector<16xf32>
      %mul3A_273 = arith.mulf %get3A_198, %get3A_198 : vector<16xf32>
      %mul3A_274 = arith.mulf %get3A_203, %get3A_203 : vector<16xf32>
      %mul3A_275 = arith.mulf %get3A_208, %get3A_208 : vector<16xf32>
      %mul3A_276 = arith.mulf %get3A_213, %get3A_213 : vector<16xf32>
      %mul3A_277 = arith.mulf %get3A_218, %get3A_218 : vector<16xf32>
      %mul3A_278 = arith.mulf %get3A_223, %get3A_223 : vector<16xf32>
      %mul3A_279 = arith.mulf %get3A_228, %get3A_228 : vector<16xf32>
      %add3A_280 = arith.addf %mul3A_254, %mul3A_255 : vector<16xf32>
      %add3A_281 = arith.addf %mul3A_256, %mul3A_257 : vector<16xf32>
      %add3A_282 = arith.addf %mul3A_258, %mul3A_259 : vector<16xf32>
      %add3A_283 = arith.addf %mul3A_260, %mul3A_261 : vector<16xf32>
      %add3A_284 = arith.addf %mul3A_262, %mul3A_263 : vector<16xf32>
      %add3A_285 = arith.addf %mul3A_264, %mul3A_265 : vector<16xf32>
      %add3A_286 = arith.addf %mul3A_266, %mul3A_267 : vector<16xf32>
      %add3A_287 = arith.addf %mul3A_268, %mul3A_269 : vector<16xf32>
      %add3A_288 = arith.addf %mul3A_270, %mul3A_271 : vector<16xf32>
      %add3A_289 = arith.addf %mul3A_272, %mul3A_273 : vector<16xf32>
      %add3A_290 = arith.addf %mul3A_274, %mul3A_275 : vector<16xf32>
      %add3A_291 = arith.addf %mul3A_276, %mul3A_277 : vector<16xf32>
      %add3A_292 = arith.addf %mul3A_278, %mul3A_279 : vector<16xf32>
      %add3A_293 = arith.addf %add3A_280, %add3A_281 : vector<16xf32>
      %add3A_294 = arith.addf %add3A_282, %add3A_283 : vector<16xf32>
      %add3A_295 = arith.addf %add3A_284, %add3A_285 : vector<16xf32>
      %add3A_296 = arith.addf %add3A_286, %add3A_287 : vector<16xf32>
      %add3A_297 = arith.addf %add3A_288, %add3A_289 : vector<16xf32>
      %add3A_298 = arith.addf %add3A_290, %add3A_291 : vector<16xf32>
      %add3A_299 = arith.addf %add3A_293, %add3A_294 : vector<16xf32>
      %add3A_300 = arith.addf %add3A_295, %add3A_296 : vector<16xf32>
      %add3A_301 = arith.addf %add3A_297, %add3A_298 : vector<16xf32>
      %add3A_302 = arith.addf %add3A_299, %add3A_300 : vector<16xf32>
      %add3A_303 = arith.addf %add3A_301, %add3A_292 : vector<16xf32>
      %add3A_304 = arith.addf %add3A_302, %add3A_303 : vector<16xf32>
      %mul3A_305 = arith.mulf %add3A_253, %add3A_253 : vector<16xf32>
      %sub3A = arith.subf %mul3A_305, %add3A_304 : vector<16xf32>
      %mul3A_306 = arith.constant 5.000000e-01 : f32
      %mul3A_307 = vector.broadcast %mul3A_306 : f32 to vector<16xf32>
      %mul3A_308 = arith.mulf %mul3A_307, %sub3A : vector<16xf32>
      %get3A_309 = arith.index_cast %mul3A_99 : i32 to index
      %get3A_310 = tpu.vector_load %arg8[%get3A_309] {strides = array<i32>} : memref<3328xf32, #tpu.memory_space<vmem>>, vector<16xf32>,
      %add3A_311 = arith.constant 10 : i32
      %add3A_312 = arith.addi %mul3A_99, %add3A_311 : i32
      %get3A_313 = arith.index_cast %add3A_312 : i32 to index
      %get3A_314 = tpu.vector_load %arg8[%get3A_313] {strides = array<i32>} : memref<3328xf32, #tpu.memory_space<vmem>>, vector<16xf32>,
      %jit3A = arith.constant 0.000000e+00 : f32
      %broadcast_in_dim3A = vector.broadcast %jit3A : f32 to vector<16xf32>
      %select_n3A = arith.select %ge3A_4, %get3A_314, %broadcast_in_dim3A : vector<16xi1>, vector<16xf32>
      %add3A_315 = arith.addf %mul3A_308, %get3A_310 : vector<16xf32>
      %add3A_316 = arith.addf %add3A_315, %select_n3A : vector<16xf32>
      %reduce_sum3A = arith.constant true
      %reduce_sum3A_317 = vector.broadcast %reduce_sum3A : i1 to vector<16xi1>
      %reduce_sum3A_318 = tpu.scan <sum>, %add3A_316 masked %reduce_sum3A_317 : vector<16xf32>, vector<16xi1> -> vector<16xf32>
      %reduce_sum3A_319 = vector.extract %reduce_sum3A_318[15] : f32 from vector<16xf32>
      %broadcast_in_dim3A_320 = vector.broadcast %scan3A_96 : i32 to vector<16xi32>
      %broadcast_in_dim3A_321 = vector.broadcast %reduce_sum3A_319 : f32 to vector<16xf32>
      tpu.vector_store_idx %arg9[%broadcast_in_dim3A_320], %broadcast_in_dim3A_321 masked %eq3A_6 : memref<128xf32, #tpu.memory_space<vmem>>[vector<16xi32>], vector<16xf32>, vector<16xi1>
      %scan3A_322 = arith.constant 0 : i32
      scf.yield %scan3A_322 : i32
    }
    %scan3A_47 = arith.constant 128 : i32
    %add3A_48 = arith.constant 128 : i32
    %add3A_49 = arith.addi %mul3A_2, %add3A_48 : i32
    "tpu.region"() ({
      %run_scoped3A = tpu.sem_alloc : memref<!tpu.dma_semaphore, #tpu.memory_space<semaphore_mem>>
      %dma_start3A_96 = tpu.memref_slice %arg5[%add3A_49] : memref<16384xf32, #tpu.memory_space<hbm>> -> memref<128xf32, #tpu.memory_space<hbm>>
      %dma_start3A_97 = tpu.memref_slice %arg5[%add3A_49] : memref<16384xf32, #tpu.memory_space<hbm>> -> memref<128xf32, #tpu.memory_space<hbm>>
      tpu.enqueue_dma source(%arg9 : memref<128xf32, #tpu.memory_space<vmem>>) target(%dma_start3A_97 : memref<128xf32, #tpu.memory_space<hbm>>) target_semaphore(%run_scoped3A : memref<!tpu.dma_semaphore, #tpu.memory_space<semaphore_mem>>)
      %dma_wait3A_98 = tpu.memref_slice %arg5[%add3A_49] : memref<16384xf32, #tpu.memory_space<hbm>> -> memref<128xf32, #tpu.memory_space<hbm>>
      %dma_wait3A_99 = tpu.memref_slice %arg5[%add3A_49] : memref<16384xf32, #tpu.memory_space<hbm>> -> memref<128xf32, #tpu.memory_space<hbm>>
      tpu.wait_dma2 semaphore(%run_scoped3A : memref<!tpu.dma_semaphore, #tpu.memory_space<semaphore_mem>>) src(%arg9 : memref<128xf32, #tpu.memory_space<vmem>>) dst(%dma_wait3A_99 : memref<128xf32, #tpu.memory_space<hbm>>)
      tpu.yield
    }) : () -> ()
    %add3A_50 = arith.constant 256 : i32
    %add3A_51 = arith.addi %mul3A_2, %add3A_50 : i32
    %mul3A_52 = arith.constant 26 : i32
    %mul3A_53 = arith.muli %add3A_51, %mul3A_52 : i32
    "tpu.region"() ({
      %run_scoped3A = tpu.sem_alloc : memref<!tpu.dma_semaphore, #tpu.memory_space<semaphore_mem>>
      %dma_start3A_96 = tpu.memref_slice %arg3[%mul3A_53] : memref<425984xi32, #tpu.memory_space<hbm>> -> memref<3328xi32, #tpu.memory_space<hbm>>
      %dma_start3A_97 = tpu.memref_slice %arg3[%mul3A_53] : memref<425984xi32, #tpu.memory_space<hbm>> -> memref<3328xi32, #tpu.memory_space<hbm>>
      tpu.enqueue_dma source(%dma_start3A_97 : memref<3328xi32, #tpu.memory_space<hbm>>) target(%arg6 : memref<3328xi32, #tpu.memory_space<vmem>>) target_semaphore(%run_scoped3A : memref<!tpu.dma_semaphore, #tpu.memory_space<semaphore_mem>>)
      %dma_wait3A_98 = tpu.memref_slice %arg3[%mul3A_53] : memref<425984xi32, #tpu.memory_space<hbm>> -> memref<3328xi32, #tpu.memory_space<hbm>>
      %dma_wait3A_99 = tpu.memref_slice %arg3[%mul3A_53] : memref<425984xi32, #tpu.memory_space<hbm>> -> memref<3328xi32, #tpu.memory_space<hbm>>
      tpu.wait_dma2 semaphore(%run_scoped3A : memref<!tpu.dma_semaphore, #tpu.memory_space<semaphore_mem>>) src(%dma_wait3A_99 : memref<3328xi32, #tpu.memory_space<hbm>>) dst(%arg6 : memref<3328xi32, #tpu.memory_space<vmem>>)
      tpu.yield
    }) : () -> ()
    %dma_start3A_54 = arith.constant 0 : i32
    %dma_start3A_55 = arith.constant 0 : i32
    %dma_start3A_56 = tpu.memref_slice %arg2[%dma_start3A_54, %dma_start3A_55] : memref<2600000x16xf32, #tpu.memory_space<hbm>> -> memref<2600000x16xf32, #tpu.memory_space<hbm>>
    tpu.enqueue_indirect_dma source(%dma_start3A_56 : memref<2600000x16xf32, #tpu.memory_space<hbm>>) target(%arg7 : memref<3328x16xf32, #tpu.memory_space<vmem>>) offsets(%arg6 : memref<3328xi32, #tpu.memory_space<vmem>>) semaphore(%arg10 : memref<!tpu.dma_semaphore, #tpu.memory_space<semaphore_mem>>)
    %dma_start3A_57 = arith.constant 0 : i32
    %dma_start3A_58 = tpu.memref_slice %arg4[%dma_start3A_57] : memref<2600000xf32, #tpu.memory_space<hbm>> -> memref<2600000xf32, #tpu.memory_space<hbm>>
    tpu.enqueue_indirect_dma source(%dma_start3A_58 : memref<2600000xf32, #tpu.memory_space<hbm>>) target(%arg8 : memref<3328xf32, #tpu.memory_space<vmem>>) offsets(%arg6 : memref<3328xi32, #tpu.memory_space<vmem>>) semaphore(%arg11 : memref<!tpu.dma_semaphore, #tpu.memory_space<semaphore_mem>>)
    %dma_wait3A_59 = arith.constant 0 : i32
    %dma_wait3A_60 = arith.constant 0 : i32
    %dma_wait3A_61 = tpu.memref_slice %arg2[%dma_wait3A_59, %dma_wait3A_60] : memref<2600000x16xf32, #tpu.memory_space<hbm>> -> memref<2600000x16xf32, #tpu.memory_space<hbm>>
    tpu.wait_indirect_dma semaphore(%arg10 : memref<!tpu.dma_semaphore, #tpu.memory_space<semaphore_mem>>) src(%dma_wait3A_61 : memref<2600000x16xf32, #tpu.memory_space<hbm>>) dst(%arg7 : memref<3328x16xf32, #tpu.memory_space<vmem>>)
    %dma_wait3A_62 = arith.constant 0 : i32
    %dma_wait3A_63 = tpu.memref_slice %arg4[%dma_wait3A_62] : memref<2600000xf32, #tpu.memory_space<hbm>> -> memref<2600000xf32, #tpu.memory_space<hbm>>
    tpu.wait_indirect_dma semaphore(%arg11 : memref<!tpu.dma_semaphore, #tpu.memory_space<semaphore_mem>>) src(%dma_wait3A_63 : memref<2600000xf32, #tpu.memory_space<hbm>>) dst(%arg8 : memref<3328xf32, #tpu.memory_space<vmem>>)
    %scan3A_64 = arith.constant 0 : i32
    %scan3A_65 = arith.constant 0 : i32
    %scan3A_66 = arith.constant 128 : i32
    %scan3A_67 = arith.addi %scan3A_65, %scan3A_66 : i32
    %scan3A_68 = arith.constant 1 : i32
    %scan3A_69 = scf.for %scan3A_96 = %scan3A_65 to %scan3A_67 step %scan3A_68 iter_args(%scan3A_97 = %scan3A_64) -> (i32)  : i32 {
      %mul3A_98 = arith.constant 26 : i32
      %mul3A_99 = arith.muli %scan3A_96, %mul3A_98 : i32
      %add3A_100 = arith.constant 0 : i32
      %add3A_101 = arith.addi %mul3A_99, %add3A_100 : i32
      %get3A = arith.index_cast %add3A_101 : i32 to index
      %get3A_102 = arith.constant 0 : index
      %get3A_103 = tpu.vector_load %arg7[%get3A, %get3A_102] {strides = array<i32>} : memref<3328x16xf32, #tpu.memory_space<vmem>>, vector<16xf32>,
      %add3A_104 = arith.constant 1 : i32
      %add3A_105 = arith.addi %mul3A_99, %add3A_104 : i32
      %get3A_106 = arith.index_cast %add3A_105 : i32 to index
      %get3A_107 = arith.constant 0 : index
      %get3A_108 = tpu.vector_load %arg7[%get3A_106, %get3A_107] {strides = array<i32>} : memref<3328x16xf32, #tpu.memory_space<vmem>>, vector<16xf32>,
      %add3A_109 = arith.constant 2 : i32
      %add3A_110 = arith.addi %mul3A_99, %add3A_109 : i32
      %get3A_111 = arith.index_cast %add3A_110 : i32 to index
      %get3A_112 = arith.constant 0 : index
      %get3A_113 = tpu.vector_load %arg7[%get3A_111, %get3A_112] {strides = array<i32>} : memref<3328x16xf32, #tpu.memory_space<vmem>>, vector<16xf32>,
      %add3A_114 = arith.constant 3 : i32
      %add3A_115 = arith.addi %mul3A_99, %add3A_114 : i32
      %get3A_116 = arith.index_cast %add3A_115 : i32 to index
      %get3A_117 = arith.constant 0 : index
      %get3A_118 = tpu.vector_load %arg7[%get3A_116, %get3A_117] {strides = array<i32>} : memref<3328x16xf32, #tpu.memory_space<vmem>>, vector<16xf32>,
      %add3A_119 = arith.constant 4 : i32
      %add3A_120 = arith.addi %mul3A_99, %add3A_119 : i32
      %get3A_121 = arith.index_cast %add3A_120 : i32 to index
      %get3A_122 = arith.constant 0 : index
      %get3A_123 = tpu.vector_load %arg7[%get3A_121, %get3A_122] {strides = array<i32>} : memref<3328x16xf32, #tpu.memory_space<vmem>>, vector<16xf32>,
      %add3A_124 = arith.constant 5 : i32
      %add3A_125 = arith.addi %mul3A_99, %add3A_124 : i32
      %get3A_126 = arith.index_cast %add3A_125 : i32 to index
      %get3A_127 = arith.constant 0 : index
      %get3A_128 = tpu.vector_load %arg7[%get3A_126, %get3A_127] {strides = array<i32>} : memref<3328x16xf32, #tpu.memory_space<vmem>>, vector<16xf32>,
      %add3A_129 = arith.constant 6 : i32
      %add3A_130 = arith.addi %mul3A_99, %add3A_129 : i32
      %get3A_131 = arith.index_cast %add3A_130 : i32 to index
      %get3A_132 = arith.constant 0 : index
      %get3A_133 = tpu.vector_load %arg7[%get3A_131, %get3A_132] {strides = array<i32>} : memref<3328x16xf32, #tpu.memory_space<vmem>>, vector<16xf32>,
      %add3A_134 = arith.constant 7 : i32
      %add3A_135 = arith.addi %mul3A_99, %add3A_134 : i32
      %get3A_136 = arith.index_cast %add3A_135 : i32 to index
      %get3A_137 = arith.constant 0 : index
      %get3A_138 = tpu.vector_load %arg7[%get3A_136, %get3A_137] {strides = array<i32>} : memref<3328x16xf32, #tpu.memory_space<vmem>>, vector<16xf32>,
      %add3A_139 = arith.constant 8 : i32
      %add3A_140 = arith.addi %mul3A_99, %add3A_139 : i32
      %get3A_141 = arith.index_cast %add3A_140 : i32 to index
      %get3A_142 = arith.constant 0 : index
      %get3A_143 = tpu.vector_load %arg7[%get3A_141, %get3A_142] {strides = array<i32>} : memref<3328x16xf32, #tpu.memory_space<vmem>>, vector<16xf32>,
      %add3A_144 = arith.constant 9 : i32
      %add3A_145 = arith.addi %mul3A_99, %add3A_144 : i32
      %get3A_146 = arith.index_cast %add3A_145 : i32 to index
      %get3A_147 = arith.constant 0 : index
      %get3A_148 = tpu.vector_load %arg7[%get3A_146, %get3A_147] {strides = array<i32>} : memref<3328x16xf32, #tpu.memory_space<vmem>>, vector<16xf32>,
      %add3A_149 = arith.constant 10 : i32
      %add3A_150 = arith.addi %mul3A_99, %add3A_149 : i32
      %get3A_151 = arith.index_cast %add3A_150 : i32 to index
      %get3A_152 = arith.constant 0 : index
      %get3A_153 = tpu.vector_load %arg7[%get3A_151, %get3A_152] {strides = array<i32>} : memref<3328x16xf32, #tpu.memory_space<vmem>>, vector<16xf32>,
      %add3A_154 = arith.constant 11 : i32
      %add3A_155 = arith.addi %mul3A_99, %add3A_154 : i32
      %get3A_156 = arith.index_cast %add3A_155 : i32 to index
      %get3A_157 = arith.constant 0 : index
      %get3A_158 = tpu.vector_load %arg7[%get3A_156, %get3A_157] {strides = array<i32>} : memref<3328x16xf32, #tpu.memory_space<vmem>>, vector<16xf32>,
      %add3A_159 = arith.constant 12 : i32
      %add3A_160 = arith.addi %mul3A_99, %add3A_159 : i32
      %get3A_161 = arith.index_cast %add3A_160 : i32 to index
      %get3A_162 = arith.constant 0 : index
      %get3A_163 = tpu.vector_load %arg7[%get3A_161, %get3A_162] {strides = array<i32>} : memref<3328x16xf32, #tpu.memory_space<vmem>>, vector<16xf32>,
      %add3A_164 = arith.constant 13 : i32
      %add3A_165 = arith.addi %mul3A_99, %add3A_164 : i32
      %get3A_166 = arith.index_cast %add3A_165 : i32 to index
      %get3A_167 = arith.constant 0 : index
      %get3A_168 = tpu.vector_load %arg7[%get3A_166, %get3A_167] {strides = array<i32>} : memref<3328x16xf32, #tpu.memory_space<vmem>>, vector<16xf32>,
      %add3A_169 = arith.constant 14 : i32
      %add3A_170 = arith.addi %mul3A_99, %add3A_169 : i32
      %get3A_171 = arith.index_cast %add3A_170 : i32 to index
      %get3A_172 = arith.constant 0 : index
      %get3A_173 = tpu.vector_load %arg7[%get3A_171, %get3A_172] {strides = array<i32>} : memref<3328x16xf32, #tpu.memory_space<vmem>>, vector<16xf32>,
      %add3A_174 = arith.constant 15 : i32
      %add3A_175 = arith.addi %mul3A_99, %add3A_174 : i32
      %get3A_176 = arith.index_cast %add3A_175 : i32 to index
      %get3A_177 = arith.constant 0 : index
      %get3A_178 = tpu.vector_load %arg7[%get3A_176, %get3A_177] {strides = array<i32>} : memref<3328x16xf32, #tpu.memory_space<vmem>>, vector<16xf32>,
      %add3A_179 = arith.constant 16 : i32
      %add3A_180 = arith.addi %mul3A_99, %add3A_179 : i32
      %get3A_181 = arith.index_cast %add3A_180 : i32 to index
      %get3A_182 = arith.constant 0 : index
      %get3A_183 = tpu.vector_load %arg7[%get3A_181, %get3A_182] {strides = array<i32>} : memref<3328x16xf32, #tpu.memory_space<vmem>>, vector<16xf32>,
      %add3A_184 = arith.constant 17 : i32
      %add3A_185 = arith.addi %mul3A_99, %add3A_184 : i32
      %get3A_186 = arith.index_cast %add3A_185 : i32 to index
      %get3A_187 = arith.constant 0 : index
      %get3A_188 = tpu.vector_load %arg7[%get3A_186, %get3A_187] {strides = array<i32>} : memref<3328x16xf32, #tpu.memory_space<vmem>>, vector<16xf32>,
      %add3A_189 = arith.constant 18 : i32
      %add3A_190 = arith.addi %mul3A_99, %add3A_189 : i32
      %get3A_191 = arith.index_cast %add3A_190 : i32 to index
      %get3A_192 = arith.constant 0 : index
      %get3A_193 = tpu.vector_load %arg7[%get3A_191, %get3A_192] {strides = array<i32>} : memref<3328x16xf32, #tpu.memory_space<vmem>>, vector<16xf32>,
      %add3A_194 = arith.constant 19 : i32
      %add3A_195 = arith.addi %mul3A_99, %add3A_194 : i32
      %get3A_196 = arith.index_cast %add3A_195 : i32 to index
      %get3A_197 = arith.constant 0 : index
      %get3A_198 = tpu.vector_load %arg7[%get3A_196, %get3A_197] {strides = array<i32>} : memref<3328x16xf32, #tpu.memory_space<vmem>>, vector<16xf32>,
      %add3A_199 = arith.constant 20 : i32
      %add3A_200 = arith.addi %mul3A_99, %add3A_199 : i32
      %get3A_201 = arith.index_cast %add3A_200 : i32 to index
      %get3A_202 = arith.constant 0 : index
      %get3A_203 = tpu.vector_load %arg7[%get3A_201, %get3A_202] {strides = array<i32>} : memref<3328x16xf32, #tpu.memory_space<vmem>>, vector<16xf32>,
      %add3A_204 = arith.constant 21 : i32
      %add3A_205 = arith.addi %mul3A_99, %add3A_204 : i32
      %get3A_206 = arith.index_cast %add3A_205 : i32 to index
      %get3A_207 = arith.constant 0 : index
      %get3A_208 = tpu.vector_load %arg7[%get3A_206, %get3A_207] {strides = array<i32>} : memref<3328x16xf32, #tpu.memory_space<vmem>>, vector<16xf32>,
      %add3A_209 = arith.constant 22 : i32
      %add3A_210 = arith.addi %mul3A_99, %add3A_209 : i32
      %get3A_211 = arith.index_cast %add3A_210 : i32 to index
      %get3A_212 = arith.constant 0 : index
      %get3A_213 = tpu.vector_load %arg7[%get3A_211, %get3A_212] {strides = array<i32>} : memref<3328x16xf32, #tpu.memory_space<vmem>>, vector<16xf32>,
      %add3A_214 = arith.constant 23 : i32
      %add3A_215 = arith.addi %mul3A_99, %add3A_214 : i32
      %get3A_216 = arith.index_cast %add3A_215 : i32 to index
      %get3A_217 = arith.constant 0 : index
      %get3A_218 = tpu.vector_load %arg7[%get3A_216, %get3A_217] {strides = array<i32>} : memref<3328x16xf32, #tpu.memory_space<vmem>>, vector<16xf32>,
      %add3A_219 = arith.constant 24 : i32
      %add3A_220 = arith.addi %mul3A_99, %add3A_219 : i32
      %get3A_221 = arith.index_cast %add3A_220 : i32 to index
      %get3A_222 = arith.constant 0 : index
      %get3A_223 = tpu.vector_load %arg7[%get3A_221, %get3A_222] {strides = array<i32>} : memref<3328x16xf32, #tpu.memory_space<vmem>>, vector<16xf32>,
      %add3A_224 = arith.constant 25 : i32
      %add3A_225 = arith.addi %mul3A_99, %add3A_224 : i32
      %get3A_226 = arith.index_cast %add3A_225 : i32 to index
      %get3A_227 = arith.constant 0 : index
      %get3A_228 = tpu.vector_load %arg7[%get3A_226, %get3A_227] {strides = array<i32>} : memref<3328x16xf32, #tpu.memory_space<vmem>>, vector<16xf32>,
      %add3A_229 = arith.addf %get3A_103, %get3A_108 : vector<16xf32>
      %add3A_230 = arith.addf %get3A_113, %get3A_118 : vector<16xf32>
      %add3A_231 = arith.addf %get3A_123, %get3A_128 : vector<16xf32>
      %add3A_232 = arith.addf %get3A_133, %get3A_138 : vector<16xf32>
      %add3A_233 = arith.addf %get3A_143, %get3A_148 : vector<16xf32>
      %add3A_234 = arith.addf %get3A_153, %get3A_158 : vector<16xf32>
      %add3A_235 = arith.addf %get3A_163, %get3A_168 : vector<16xf32>
      %add3A_236 = arith.addf %get3A_173, %get3A_178 : vector<16xf32>
      %add3A_237 = arith.addf %get3A_183, %get3A_188 : vector<16xf32>
      %add3A_238 = arith.addf %get3A_193, %get3A_198 : vector<16xf32>
      %add3A_239 = arith.addf %get3A_203, %get3A_208 : vector<16xf32>
      %add3A_240 = arith.addf %get3A_213, %get3A_218 : vector<16xf32>
      %add3A_241 = arith.addf %get3A_223, %get3A_228 : vector<16xf32>
      %add3A_242 = arith.addf %add3A_229, %add3A_230 : vector<16xf32>
      %add3A_243 = arith.addf %add3A_231, %add3A_232 : vector<16xf32>
      %add3A_244 = arith.addf %add3A_233, %add3A_234 : vector<16xf32>
      %add3A_245 = arith.addf %add3A_235, %add3A_236 : vector<16xf32>
      %add3A_246 = arith.addf %add3A_237, %add3A_238 : vector<16xf32>
      %add3A_247 = arith.addf %add3A_239, %add3A_240 : vector<16xf32>
      %add3A_248 = arith.addf %add3A_242, %add3A_243 : vector<16xf32>
      %add3A_249 = arith.addf %add3A_244, %add3A_245 : vector<16xf32>
      %add3A_250 = arith.addf %add3A_246, %add3A_247 : vector<16xf32>
      %add3A_251 = arith.addf %add3A_248, %add3A_249 : vector<16xf32>
      %add3A_252 = arith.addf %add3A_250, %add3A_241 : vector<16xf32>
      %add3A_253 = arith.addf %add3A_251, %add3A_252 : vector<16xf32>
      %mul3A_254 = arith.mulf %get3A_103, %get3A_103 : vector<16xf32>
      %mul3A_255 = arith.mulf %get3A_108, %get3A_108 : vector<16xf32>
      %mul3A_256 = arith.mulf %get3A_113, %get3A_113 : vector<16xf32>
      %mul3A_257 = arith.mulf %get3A_118, %get3A_118 : vector<16xf32>
      %mul3A_258 = arith.mulf %get3A_123, %get3A_123 : vector<16xf32>
      %mul3A_259 = arith.mulf %get3A_128, %get3A_128 : vector<16xf32>
      %mul3A_260 = arith.mulf %get3A_133, %get3A_133 : vector<16xf32>
      %mul3A_261 = arith.mulf %get3A_138, %get3A_138 : vector<16xf32>
      %mul3A_262 = arith.mulf %get3A_143, %get3A_143 : vector<16xf32>
      %mul3A_263 = arith.mulf %get3A_148, %get3A_148 : vector<16xf32>
      %mul3A_264 = arith.mulf %get3A_153, %get3A_153 : vector<16xf32>
      %mul3A_265 = arith.mulf %get3A_158, %get3A_158 : vector<16xf32>
      %mul3A_266 = arith.mulf %get3A_163, %get3A_163 : vector<16xf32>
      %mul3A_267 = arith.mulf %get3A_168, %get3A_168 : vector<16xf32>
      %mul3A_268 = arith.mulf %get3A_173, %get3A_173 : vector<16xf32>
      %mul3A_269 = arith.mulf %get3A_178, %get3A_178 : vector<16xf32>
      %mul3A_270 = arith.mulf %get3A_183, %get3A_183 : vector<16xf32>
      %mul3A_271 = arith.mulf %get3A_188, %get3A_188 : vector<16xf32>
      %mul3A_272 = arith.mulf %get3A_193, %get3A_193 : vector<16xf32>
      %mul3A_273 = arith.mulf %get3A_198, %get3A_198 : vector<16xf32>
      %mul3A_274 = arith.mulf %get3A_203, %get3A_203 : vector<16xf32>
      %mul3A_275 = arith.mulf %get3A_208, %get3A_208 : vector<16xf32>
      %mul3A_276 = arith.mulf %get3A_213, %get3A_213 : vector<16xf32>
      %mul3A_277 = arith.mulf %get3A_218, %get3A_218 : vector<16xf32>
      %mul3A_278 = arith.mulf %get3A_223, %get3A_223 : vector<16xf32>
      %mul3A_279 = arith.mulf %get3A_228, %get3A_228 : vector<16xf32>
      %add3A_280 = arith.addf %mul3A_254, %mul3A_255 : vector<16xf32>
      %add3A_281 = arith.addf %mul3A_256, %mul3A_257 : vector<16xf32>
      %add3A_282 = arith.addf %mul3A_258, %mul3A_259 : vector<16xf32>
      %add3A_283 = arith.addf %mul3A_260, %mul3A_261 : vector<16xf32>
      %add3A_284 = arith.addf %mul3A_262, %mul3A_263 : vector<16xf32>
      %add3A_285 = arith.addf %mul3A_264, %mul3A_265 : vector<16xf32>
      %add3A_286 = arith.addf %mul3A_266, %mul3A_267 : vector<16xf32>
      %add3A_287 = arith.addf %mul3A_268, %mul3A_269 : vector<16xf32>
      %add3A_288 = arith.addf %mul3A_270, %mul3A_271 : vector<16xf32>
      %add3A_289 = arith.addf %mul3A_272, %mul3A_273 : vector<16xf32>
      %add3A_290 = arith.addf %mul3A_274, %mul3A_275 : vector<16xf32>
      %add3A_291 = arith.addf %mul3A_276, %mul3A_277 : vector<16xf32>
      %add3A_292 = arith.addf %mul3A_278, %mul3A_279 : vector<16xf32>
      %add3A_293 = arith.addf %add3A_280, %add3A_281 : vector<16xf32>
      %add3A_294 = arith.addf %add3A_282, %add3A_283 : vector<16xf32>
      %add3A_295 = arith.addf %add3A_284, %add3A_285 : vector<16xf32>
      %add3A_296 = arith.addf %add3A_286, %add3A_287 : vector<16xf32>
      %add3A_297 = arith.addf %add3A_288, %add3A_289 : vector<16xf32>
      %add3A_298 = arith.addf %add3A_290, %add3A_291 : vector<16xf32>
      %add3A_299 = arith.addf %add3A_293, %add3A_294 : vector<16xf32>
      %add3A_300 = arith.addf %add3A_295, %add3A_296 : vector<16xf32>
      %add3A_301 = arith.addf %add3A_297, %add3A_298 : vector<16xf32>
      %add3A_302 = arith.addf %add3A_299, %add3A_300 : vector<16xf32>
      %add3A_303 = arith.addf %add3A_301, %add3A_292 : vector<16xf32>
      %add3A_304 = arith.addf %add3A_302, %add3A_303 : vector<16xf32>
      %mul3A_305 = arith.mulf %add3A_253, %add3A_253 : vector<16xf32>
      %sub3A = arith.subf %mul3A_305, %add3A_304 : vector<16xf32>
      %mul3A_306 = arith.constant 5.000000e-01 : f32
      %mul3A_307 = vector.broadcast %mul3A_306 : f32 to vector<16xf32>
      %mul3A_308 = arith.mulf %mul3A_307, %sub3A : vector<16xf32>
      %get3A_309 = arith.index_cast %mul3A_99 : i32 to index
      %get3A_310 = tpu.vector_load %arg8[%get3A_309] {strides = array<i32>} : memref<3328xf32, #tpu.memory_space<vmem>>, vector<16xf32>,
      %add3A_311 = arith.constant 10 : i32
      %add3A_312 = arith.addi %mul3A_99, %add3A_311 : i32
      %get3A_313 = arith.index_cast %add3A_312 : i32 to index
      %get3A_314 = tpu.vector_load %arg8[%get3A_313] {strides = array<i32>} : memref<3328xf32, #tpu.memory_space<vmem>>, vector<16xf32>,
      %jit3A = arith.constant 0.000000e+00 : f32
      %broadcast_in_dim3A = vector.broadcast %jit3A : f32 to vector<16xf32>
      %select_n3A = arith.select %ge3A_4, %get3A_314, %broadcast_in_dim3A : vector<16xi1>, vector<16xf32>
      %add3A_315 = arith.addf %mul3A_308, %get3A_310 : vector<16xf32>
      %add3A_316 = arith.addf %add3A_315, %select_n3A : vector<16xf32>
      %reduce_sum3A = arith.constant true
      %reduce_sum3A_317 = vector.broadcast %reduce_sum3A : i1 to vector<16xi1>
      %reduce_sum3A_318 = tpu.scan <sum>, %add3A_316 masked %reduce_sum3A_317 : vector<16xf32>, vector<16xi1> -> vector<16xf32>
      %reduce_sum3A_319 = vector.extract %reduce_sum3A_318[15] : f32 from vector<16xf32>
      %broadcast_in_dim3A_320 = vector.broadcast %scan3A_96 : i32 to vector<16xi32>
      %broadcast_in_dim3A_321 = vector.broadcast %reduce_sum3A_319 : f32 to vector<16xf32>
      tpu.vector_store_idx %arg9[%broadcast_in_dim3A_320], %broadcast_in_dim3A_321 masked %eq3A_6 : memref<128xf32, #tpu.memory_space<vmem>>[vector<16xi32>], vector<16xf32>, vector<16xi1>
      %scan3A_322 = arith.constant 0 : i32
      scf.yield %scan3A_322 : i32
    }
    %scan3A_70 = arith.constant 128 : i32
    %add3A_71 = arith.constant 256 : i32
    %add3A_72 = arith.addi %mul3A_2, %add3A_71 : i32
    "tpu.region"() ({
      %run_scoped3A = tpu.sem_alloc : memref<!tpu.dma_semaphore, #tpu.memory_space<semaphore_mem>>
      %dma_start3A_96 = tpu.memref_slice %arg5[%add3A_72] : memref<16384xf32, #tpu.memory_space<hbm>> -> memref<128xf32, #tpu.memory_space<hbm>>
      %dma_start3A_97 = tpu.memref_slice %arg5[%add3A_72] : memref<16384xf32, #tpu.memory_space<hbm>> -> memref<128xf32, #tpu.memory_space<hbm>>
      tpu.enqueue_dma source(%arg9 : memref<128xf32, #tpu.memory_space<vmem>>) target(%dma_start3A_97 : memref<128xf32, #tpu.memory_space<hbm>>) target_semaphore(%run_scoped3A : memref<!tpu.dma_semaphore, #tpu.memory_space<semaphore_mem>>)
      %dma_wait3A_98 = tpu.memref_slice %arg5[%add3A_72] : memref<16384xf32, #tpu.memory_space<hbm>> -> memref<128xf32, #tpu.memory_space<hbm>>
      %dma_wait3A_99 = tpu.memref_slice %arg5[%add3A_72] : memref<16384xf32, #tpu.memory_space<hbm>> -> memref<128xf32, #tpu.memory_space<hbm>>
      tpu.wait_dma2 semaphore(%run_scoped3A : memref<!tpu.dma_semaphore, #tpu.memory_space<semaphore_mem>>) src(%arg9 : memref<128xf32, #tpu.memory_space<vmem>>) dst(%dma_wait3A_99 : memref<128xf32, #tpu.memory_space<hbm>>)
      tpu.yield
    }) : () -> ()
    %add3A_73 = arith.constant 384 : i32
    %add3A_74 = arith.addi %mul3A_2, %add3A_73 : i32
    %mul3A_75 = arith.constant 26 : i32
    %mul3A_76 = arith.muli %add3A_74, %mul3A_75 : i32
    "tpu.region"() ({
      %run_scoped3A = tpu.sem_alloc : memref<!tpu.dma_semaphore, #tpu.memory_space<semaphore_mem>>
      %dma_start3A_96 = tpu.memref_slice %arg3[%mul3A_76] : memref<425984xi32, #tpu.memory_space<hbm>> -> memref<3328xi32, #tpu.memory_space<hbm>>
      %dma_start3A_97 = tpu.memref_slice %arg3[%mul3A_76] : memref<425984xi32, #tpu.memory_space<hbm>> -> memref<3328xi32, #tpu.memory_space<hbm>>
      tpu.enqueue_dma source(%dma_start3A_97 : memref<3328xi32, #tpu.memory_space<hbm>>) target(%arg6 : memref<3328xi32, #tpu.memory_space<vmem>>) target_semaphore(%run_scoped3A : memref<!tpu.dma_semaphore, #tpu.memory_space<semaphore_mem>>)
      %dma_wait3A_98 = tpu.memref_slice %arg3[%mul3A_76] : memref<425984xi32, #tpu.memory_space<hbm>> -> memref<3328xi32, #tpu.memory_space<hbm>>
      %dma_wait3A_99 = tpu.memref_slice %arg3[%mul3A_76] : memref<425984xi32, #tpu.memory_space<hbm>> -> memref<3328xi32, #tpu.memory_space<hbm>>
      tpu.wait_dma2 semaphore(%run_scoped3A : memref<!tpu.dma_semaphore, #tpu.memory_space<semaphore_mem>>) src(%dma_wait3A_99 : memref<3328xi32, #tpu.memory_space<hbm>>) dst(%arg6 : memref<3328xi32, #tpu.memory_space<vmem>>)
      tpu.yield
    }) : () -> ()
    %dma_start3A_77 = arith.constant 0 : i32
    %dma_start3A_78 = arith.constant 0 : i32
    %dma_start3A_79 = tpu.memref_slice %arg2[%dma_start3A_77, %dma_start3A_78] : memref<2600000x16xf32, #tpu.memory_space<hbm>> -> memref<2600000x16xf32, #tpu.memory_space<hbm>>
    tpu.enqueue_indirect_dma source(%dma_start3A_79 : memref<2600000x16xf32, #tpu.memory_space<hbm>>) target(%arg7 : memref<3328x16xf32, #tpu.memory_space<vmem>>) offsets(%arg6 : memref<3328xi32, #tpu.memory_space<vmem>>) semaphore(%arg10 : memref<!tpu.dma_semaphore, #tpu.memory_space<semaphore_mem>>)
    %dma_start3A_80 = arith.constant 0 : i32
    %dma_start3A_81 = tpu.memref_slice %arg4[%dma_start3A_80] : memref<2600000xf32, #tpu.memory_space<hbm>> -> memref<2600000xf32, #tpu.memory_space<hbm>>
    tpu.enqueue_indirect_dma source(%dma_start3A_81 : memref<2600000xf32, #tpu.memory_space<hbm>>) target(%arg8 : memref<3328xf32, #tpu.memory_space<vmem>>) offsets(%arg6 : memref<3328xi32, #tpu.memory_space<vmem>>) semaphore(%arg11 : memref<!tpu.dma_semaphore, #tpu.memory_space<semaphore_mem>>)
    %dma_wait3A_82 = arith.constant 0 : i32
    %dma_wait3A_83 = arith.constant 0 : i32
    %dma_wait3A_84 = tpu.memref_slice %arg2[%dma_wait3A_82, %dma_wait3A_83] : memref<2600000x16xf32, #tpu.memory_space<hbm>> -> memref<2600000x16xf32, #tpu.memory_space<hbm>>
    tpu.wait_indirect_dma semaphore(%arg10 : memref<!tpu.dma_semaphore, #tpu.memory_space<semaphore_mem>>) src(%dma_wait3A_84 : memref<2600000x16xf32, #tpu.memory_space<hbm>>) dst(%arg7 : memref<3328x16xf32, #tpu.memory_space<vmem>>)
    %dma_wait3A_85 = arith.constant 0 : i32
    %dma_wait3A_86 = tpu.memref_slice %arg4[%dma_wait3A_85] : memref<2600000xf32, #tpu.memory_space<hbm>> -> memref<2600000xf32, #tpu.memory_space<hbm>>
    tpu.wait_indirect_dma semaphore(%arg11 : memref<!tpu.dma_semaphore, #tpu.memory_space<semaphore_mem>>) src(%dma_wait3A_86 : memref<2600000xf32, #tpu.memory_space<hbm>>) dst(%arg8 : memref<3328xf32, #tpu.memory_space<vmem>>)
    %scan3A_87 = arith.constant 0 : i32
    %scan3A_88 = arith.constant 0 : i32
    %scan3A_89 = arith.constant 128 : i32
    %scan3A_90 = arith.addi %scan3A_88, %scan3A_89 : i32
    %scan3A_91 = arith.constant 1 : i32
    %scan3A_92 = scf.for %scan3A_96 = %scan3A_88 to %scan3A_90 step %scan3A_91 iter_args(%scan3A_97 = %scan3A_87) -> (i32)  : i32 {
      %mul3A_98 = arith.constant 26 : i32
      %mul3A_99 = arith.muli %scan3A_96, %mul3A_98 : i32
      %add3A_100 = arith.constant 0 : i32
      %add3A_101 = arith.addi %mul3A_99, %add3A_100 : i32
      %get3A = arith.index_cast %add3A_101 : i32 to index
      %get3A_102 = arith.constant 0 : index
      %get3A_103 = tpu.vector_load %arg7[%get3A, %get3A_102] {strides = array<i32>} : memref<3328x16xf32, #tpu.memory_space<vmem>>, vector<16xf32>,
      %add3A_104 = arith.constant 1 : i32
      %add3A_105 = arith.addi %mul3A_99, %add3A_104 : i32
      %get3A_106 = arith.index_cast %add3A_105 : i32 to index
      %get3A_107 = arith.constant 0 : index
      %get3A_108 = tpu.vector_load %arg7[%get3A_106, %get3A_107] {strides = array<i32>} : memref<3328x16xf32, #tpu.memory_space<vmem>>, vector<16xf32>,
      %add3A_109 = arith.constant 2 : i32
      %add3A_110 = arith.addi %mul3A_99, %add3A_109 : i32
      %get3A_111 = arith.index_cast %add3A_110 : i32 to index
      %get3A_112 = arith.constant 0 : index
      %get3A_113 = tpu.vector_load %arg7[%get3A_111, %get3A_112] {strides = array<i32>} : memref<3328x16xf32, #tpu.memory_space<vmem>>, vector<16xf32>,
      %add3A_114 = arith.constant 3 : i32
      %add3A_115 = arith.addi %mul3A_99, %add3A_114 : i32
      %get3A_116 = arith.index_cast %add3A_115 : i32 to index
      %get3A_117 = arith.constant 0 : index
      %get3A_118 = tpu.vector_load %arg7[%get3A_116, %get3A_117] {strides = array<i32>} : memref<3328x16xf32, #tpu.memory_space<vmem>>, vector<16xf32>,
      %add3A_119 = arith.constant 4 : i32
      %add3A_120 = arith.addi %mul3A_99, %add3A_119 : i32
      %get3A_121 = arith.index_cast %add3A_120 : i32 to index
      %get3A_122 = arith.constant 0 : index
      %get3A_123 = tpu.vector_load %arg7[%get3A_121, %get3A_122] {strides = array<i32>} : memref<3328x16xf32, #tpu.memory_space<vmem>>, vector<16xf32>,
      %add3A_124 = arith.constant 5 : i32
      %add3A_125 = arith.addi %mul3A_99, %add3A_124 : i32
      %get3A_126 = arith.index_cast %add3A_125 : i32 to index
      %get3A_127 = arith.constant 0 : index
      %get3A_128 = tpu.vector_load %arg7[%get3A_126, %get3A_127] {strides = array<i32>} : memref<3328x16xf32, #tpu.memory_space<vmem>>, vector<16xf32>,
      %add3A_129 = arith.constant 6 : i32
      %add3A_130 = arith.addi %mul3A_99, %add3A_129 : i32
      %get3A_131 = arith.index_cast %add3A_130 : i32 to index
      %get3A_132 = arith.constant 0 : index
      %get3A_133 = tpu.vector_load %arg7[%get3A_131, %get3A_132] {strides = array<i32>} : memref<3328x16xf32, #tpu.memory_space<vmem>>, vector<16xf32>,
      %add3A_134 = arith.constant 7 : i32
      %add3A_135 = arith.addi %mul3A_99, %add3A_134 : i32
      %get3A_136 = arith.index_cast %add3A_135 : i32 to index
      %get3A_137 = arith.constant 0 : index
      %get3A_138 = tpu.vector_load %arg7[%get3A_136, %get3A_137] {strides = array<i32>} : memref<3328x16xf32, #tpu.memory_space<vmem>>, vector<16xf32>,
      %add3A_139 = arith.constant 8 : i32
      %add3A_140 = arith.addi %mul3A_99, %add3A_139 : i32
      %get3A_141 = arith.index_cast %add3A_140 : i32 to index
      %get3A_142 = arith.constant 0 : index
      %get3A_143 = tpu.vector_load %arg7[%get3A_141, %get3A_142] {strides = array<i32>} : memref<3328x16xf32, #tpu.memory_space<vmem>>, vector<16xf32>,
      %add3A_144 = arith.constant 9 : i32
      %add3A_145 = arith.addi %mul3A_99, %add3A_144 : i32
      %get3A_146 = arith.index_cast %add3A_145 : i32 to index
      %get3A_147 = arith.constant 0 : index
      %get3A_148 = tpu.vector_load %arg7[%get3A_146, %get3A_147] {strides = array<i32>} : memref<3328x16xf32, #tpu.memory_space<vmem>>, vector<16xf32>,
      %add3A_149 = arith.constant 10 : i32
      %add3A_150 = arith.addi %mul3A_99, %add3A_149 : i32
      %get3A_151 = arith.index_cast %add3A_150 : i32 to index
      %get3A_152 = arith.constant 0 : index
      %get3A_153 = tpu.vector_load %arg7[%get3A_151, %get3A_152] {strides = array<i32>} : memref<3328x16xf32, #tpu.memory_space<vmem>>, vector<16xf32>,
      %add3A_154 = arith.constant 11 : i32
      %add3A_155 = arith.addi %mul3A_99, %add3A_154 : i32
      %get3A_156 = arith.index_cast %add3A_155 : i32 to index
      %get3A_157 = arith.constant 0 : index
      %get3A_158 = tpu.vector_load %arg7[%get3A_156, %get3A_157] {strides = array<i32>} : memref<3328x16xf32, #tpu.memory_space<vmem>>, vector<16xf32>,
      %add3A_159 = arith.constant 12 : i32
      %add3A_160 = arith.addi %mul3A_99, %add3A_159 : i32
      %get3A_161 = arith.index_cast %add3A_160 : i32 to index
      %get3A_162 = arith.constant 0 : index
      %get3A_163 = tpu.vector_load %arg7[%get3A_161, %get3A_162] {strides = array<i32>} : memref<3328x16xf32, #tpu.memory_space<vmem>>, vector<16xf32>,
      %add3A_164 = arith.constant 13 : i32
      %add3A_165 = arith.addi %mul3A_99, %add3A_164 : i32
      %get3A_166 = arith.index_cast %add3A_165 : i32 to index
      %get3A_167 = arith.constant 0 : index
      %get3A_168 = tpu.vector_load %arg7[%get3A_166, %get3A_167] {strides = array<i32>} : memref<3328x16xf32, #tpu.memory_space<vmem>>, vector<16xf32>,
      %add3A_169 = arith.constant 14 : i32
      %add3A_170 = arith.addi %mul3A_99, %add3A_169 : i32
      %get3A_171 = arith.index_cast %add3A_170 : i32 to index
      %get3A_172 = arith.constant 0 : index
      %get3A_173 = tpu.vector_load %arg7[%get3A_171, %get3A_172] {strides = array<i32>} : memref<3328x16xf32, #tpu.memory_space<vmem>>, vector<16xf32>,
      %add3A_174 = arith.constant 15 : i32
      %add3A_175 = arith.addi %mul3A_99, %add3A_174 : i32
      %get3A_176 = arith.index_cast %add3A_175 : i32 to index
      %get3A_177 = arith.constant 0 : index
      %get3A_178 = tpu.vector_load %arg7[%get3A_176, %get3A_177] {strides = array<i32>} : memref<3328x16xf32, #tpu.memory_space<vmem>>, vector<16xf32>,
      %add3A_179 = arith.constant 16 : i32
      %add3A_180 = arith.addi %mul3A_99, %add3A_179 : i32
      %get3A_181 = arith.index_cast %add3A_180 : i32 to index
      %get3A_182 = arith.constant 0 : index
      %get3A_183 = tpu.vector_load %arg7[%get3A_181, %get3A_182] {strides = array<i32>} : memref<3328x16xf32, #tpu.memory_space<vmem>>, vector<16xf32>,
      %add3A_184 = arith.constant 17 : i32
      %add3A_185 = arith.addi %mul3A_99, %add3A_184 : i32
      %get3A_186 = arith.index_cast %add3A_185 : i32 to index
      %get3A_187 = arith.constant 0 : index
      %get3A_188 = tpu.vector_load %arg7[%get3A_186, %get3A_187] {strides = array<i32>} : memref<3328x16xf32, #tpu.memory_space<vmem>>, vector<16xf32>,
      %add3A_189 = arith.constant 18 : i32
      %add3A_190 = arith.addi %mul3A_99, %add3A_189 : i32
      %get3A_191 = arith.index_cast %add3A_190 : i32 to index
      %get3A_192 = arith.constant 0 : index
      %get3A_193 = tpu.vector_load %arg7[%get3A_191, %get3A_192] {strides = array<i32>} : memref<3328x16xf32, #tpu.memory_space<vmem>>, vector<16xf32>,
      %add3A_194 = arith.constant 19 : i32
      %add3A_195 = arith.addi %mul3A_99, %add3A_194 : i32
      %get3A_196 = arith.index_cast %add3A_195 : i32 to index
      %get3A_197 = arith.constant 0 : index
      %get3A_198 = tpu.vector_load %arg7[%get3A_196, %get3A_197] {strides = array<i32>} : memref<3328x16xf32, #tpu.memory_space<vmem>>, vector<16xf32>,
      %add3A_199 = arith.constant 20 : i32
      %add3A_200 = arith.addi %mul3A_99, %add3A_199 : i32
      %get3A_201 = arith.index_cast %add3A_200 : i32 to index
      %get3A_202 = arith.constant 0 : index
      %get3A_203 = tpu.vector_load %arg7[%get3A_201, %get3A_202] {strides = array<i32>} : memref<3328x16xf32, #tpu.memory_space<vmem>>, vector<16xf32>,
      %add3A_204 = arith.constant 21 : i32
      %add3A_205 = arith.addi %mul3A_99, %add3A_204 : i32
      %get3A_206 = arith.index_cast %add3A_205 : i32 to index
      %get3A_207 = arith.constant 0 : index
      %get3A_208 = tpu.vector_load %arg7[%get3A_206, %get3A_207] {strides = array<i32>} : memref<3328x16xf32, #tpu.memory_space<vmem>>, vector<16xf32>,
      %add3A_209 = arith.constant 22 : i32
      %add3A_210 = arith.addi %mul3A_99, %add3A_209 : i32
      %get3A_211 = arith.index_cast %add3A_210 : i32 to index
      %get3A_212 = arith.constant 0 : index
      %get3A_213 = tpu.vector_load %arg7[%get3A_211, %get3A_212] {strides = array<i32>} : memref<3328x16xf32, #tpu.memory_space<vmem>>, vector<16xf32>,
      %add3A_214 = arith.constant 23 : i32
      %add3A_215 = arith.addi %mul3A_99, %add3A_214 : i32
      %get3A_216 = arith.index_cast %add3A_215 : i32 to index
      %get3A_217 = arith.constant 0 : index
      %get3A_218 = tpu.vector_load %arg7[%get3A_216, %get3A_217] {strides = array<i32>} : memref<3328x16xf32, #tpu.memory_space<vmem>>, vector<16xf32>,
      %add3A_219 = arith.constant 24 : i32
      %add3A_220 = arith.addi %mul3A_99, %add3A_219 : i32
      %get3A_221 = arith.index_cast %add3A_220 : i32 to index
      %get3A_222 = arith.constant 0 : index
      %get3A_223 = tpu.vector_load %arg7[%get3A_221, %get3A_222] {strides = array<i32>} : memref<3328x16xf32, #tpu.memory_space<vmem>>, vector<16xf32>,
      %add3A_224 = arith.constant 25 : i32
      %add3A_225 = arith.addi %mul3A_99, %add3A_224 : i32
      %get3A_226 = arith.index_cast %add3A_225 : i32 to index
      %get3A_227 = arith.constant 0 : index
      %get3A_228 = tpu.vector_load %arg7[%get3A_226, %get3A_227] {strides = array<i32>} : memref<3328x16xf32, #tpu.memory_space<vmem>>, vector<16xf32>,
      %add3A_229 = arith.addf %get3A_103, %get3A_108 : vector<16xf32>
      %add3A_230 = arith.addf %get3A_113, %get3A_118 : vector<16xf32>
      %add3A_231 = arith.addf %get3A_123, %get3A_128 : vector<16xf32>
      %add3A_232 = arith.addf %get3A_133, %get3A_138 : vector<16xf32>
      %add3A_233 = arith.addf %get3A_143, %get3A_148 : vector<16xf32>
      %add3A_234 = arith.addf %get3A_153, %get3A_158 : vector<16xf32>
      %add3A_235 = arith.addf %get3A_163, %get3A_168 : vector<16xf32>
      %add3A_236 = arith.addf %get3A_173, %get3A_178 : vector<16xf32>
      %add3A_237 = arith.addf %get3A_183, %get3A_188 : vector<16xf32>
      %add3A_238 = arith.addf %get3A_193, %get3A_198 : vector<16xf32>
      %add3A_239 = arith.addf %get3A_203, %get3A_208 : vector<16xf32>
      %add3A_240 = arith.addf %get3A_213, %get3A_218 : vector<16xf32>
      %add3A_241 = arith.addf %get3A_223, %get3A_228 : vector<16xf32>
      %add3A_242 = arith.addf %add3A_229, %add3A_230 : vector<16xf32>
      %add3A_243 = arith.addf %add3A_231, %add3A_232 : vector<16xf32>
      %add3A_244 = arith.addf %add3A_233, %add3A_234 : vector<16xf32>
      %add3A_245 = arith.addf %add3A_235, %add3A_236 : vector<16xf32>
      %add3A_246 = arith.addf %add3A_237, %add3A_238 : vector<16xf32>
      %add3A_247 = arith.addf %add3A_239, %add3A_240 : vector<16xf32>
      %add3A_248 = arith.addf %add3A_242, %add3A_243 : vector<16xf32>
      %add3A_249 = arith.addf %add3A_244, %add3A_245 : vector<16xf32>
      %add3A_250 = arith.addf %add3A_246, %add3A_247 : vector<16xf32>
      %add3A_251 = arith.addf %add3A_248, %add3A_249 : vector<16xf32>
      %add3A_252 = arith.addf %add3A_250, %add3A_241 : vector<16xf32>
      %add3A_253 = arith.addf %add3A_251, %add3A_252 : vector<16xf32>
      %mul3A_254 = arith.mulf %get3A_103, %get3A_103 : vector<16xf32>
      %mul3A_255 = arith.mulf %get3A_108, %get3A_108 : vector<16xf32>
      %mul3A_256 = arith.mulf %get3A_113, %get3A_113 : vector<16xf32>
      %mul3A_257 = arith.mulf %get3A_118, %get3A_118 : vector<16xf32>
      %mul3A_258 = arith.mulf %get3A_123, %get3A_123 : vector<16xf32>
      %mul3A_259 = arith.mulf %get3A_128, %get3A_128 : vector<16xf32>
      %mul3A_260 = arith.mulf %get3A_133, %get3A_133 : vector<16xf32>
      %mul3A_261 = arith.mulf %get3A_138, %get3A_138 : vector<16xf32>
      %mul3A_262 = arith.mulf %get3A_143, %get3A_143 : vector<16xf32>
      %mul3A_263 = arith.mulf %get3A_148, %get3A_148 : vector<16xf32>
      %mul3A_264 = arith.mulf %get3A_153, %get3A_153 : vector<16xf32>
      %mul3A_265 = arith.mulf %get3A_158, %get3A_158 : vector<16xf32>
      %mul3A_266 = arith.mulf %get3A_163, %get3A_163 : vector<16xf32>
      %mul3A_267 = arith.mulf %get3A_168, %get3A_168 : vector<16xf32>
      %mul3A_268 = arith.mulf %get3A_173, %get3A_173 : vector<16xf32>
      %mul3A_269 = arith.mulf %get3A_178, %get3A_178 : vector<16xf32>
      %mul3A_270 = arith.mulf %get3A_183, %get3A_183 : vector<16xf32>
      %mul3A_271 = arith.mulf %get3A_188, %get3A_188 : vector<16xf32>
      %mul3A_272 = arith.mulf %get3A_193, %get3A_193 : vector<16xf32>
      %mul3A_273 = arith.mulf %get3A_198, %get3A_198 : vector<16xf32>
      %mul3A_274 = arith.mulf %get3A_203, %get3A_203 : vector<16xf32>
      %mul3A_275 = arith.mulf %get3A_208, %get3A_208 : vector<16xf32>
      %mul3A_276 = arith.mulf %get3A_213, %get3A_213 : vector<16xf32>
      %mul3A_277 = arith.mulf %get3A_218, %get3A_218 : vector<16xf32>
      %mul3A_278 = arith.mulf %get3A_223, %get3A_223 : vector<16xf32>
      %mul3A_279 = arith.mulf %get3A_228, %get3A_228 : vector<16xf32>
      %add3A_280 = arith.addf %mul3A_254, %mul3A_255 : vector<16xf32>
      %add3A_281 = arith.addf %mul3A_256, %mul3A_257 : vector<16xf32>
      %add3A_282 = arith.addf %mul3A_258, %mul3A_259 : vector<16xf32>
      %add3A_283 = arith.addf %mul3A_260, %mul3A_261 : vector<16xf32>
      %add3A_284 = arith.addf %mul3A_262, %mul3A_263 : vector<16xf32>
      %add3A_285 = arith.addf %mul3A_264, %mul3A_265 : vector<16xf32>
      %add3A_286 = arith.addf %mul3A_266, %mul3A_267 : vector<16xf32>
      %add3A_287 = arith.addf %mul3A_268, %mul3A_269 : vector<16xf32>
      %add3A_288 = arith.addf %mul3A_270, %mul3A_271 : vector<16xf32>
      %add3A_289 = arith.addf %mul3A_272, %mul3A_273 : vector<16xf32>
      %add3A_290 = arith.addf %mul3A_274, %mul3A_275 : vector<16xf32>
      %add3A_291 = arith.addf %mul3A_276, %mul3A_277 : vector<16xf32>
      %add3A_292 = arith.addf %mul3A_278, %mul3A_279 : vector<16xf32>
      %add3A_293 = arith.addf %add3A_280, %add3A_281 : vector<16xf32>
      %add3A_294 = arith.addf %add3A_282, %add3A_283 : vector<16xf32>
      %add3A_295 = arith.addf %add3A_284, %add3A_285 : vector<16xf32>
      %add3A_296 = arith.addf %add3A_286, %add3A_287 : vector<16xf32>
      %add3A_297 = arith.addf %add3A_288, %add3A_289 : vector<16xf32>
      %add3A_298 = arith.addf %add3A_290, %add3A_291 : vector<16xf32>
      %add3A_299 = arith.addf %add3A_293, %add3A_294 : vector<16xf32>
      %add3A_300 = arith.addf %add3A_295, %add3A_296 : vector<16xf32>
      %add3A_301 = arith.addf %add3A_297, %add3A_298 : vector<16xf32>
      %add3A_302 = arith.addf %add3A_299, %add3A_300 : vector<16xf32>
      %add3A_303 = arith.addf %add3A_301, %add3A_292 : vector<16xf32>
      %add3A_304 = arith.addf %add3A_302, %add3A_303 : vector<16xf32>
      %mul3A_305 = arith.mulf %add3A_253, %add3A_253 : vector<16xf32>
      %sub3A = arith.subf %mul3A_305, %add3A_304 : vector<16xf32>
      %mul3A_306 = arith.constant 5.000000e-01 : f32
      %mul3A_307 = vector.broadcast %mul3A_306 : f32 to vector<16xf32>
      %mul3A_308 = arith.mulf %mul3A_307, %sub3A : vector<16xf32>
      %get3A_309 = arith.index_cast %mul3A_99 : i32 to index
      %get3A_310 = tpu.vector_load %arg8[%get3A_309] {strides = array<i32>} : memref<3328xf32, #tpu.memory_space<vmem>>, vector<16xf32>,
      %add3A_311 = arith.constant 10 : i32
      %add3A_312 = arith.addi %mul3A_99, %add3A_311 : i32
      %get3A_313 = arith.index_cast %add3A_312 : i32 to index
      %get3A_314 = tpu.vector_load %arg8[%get3A_313] {strides = array<i32>} : memref<3328xf32, #tpu.memory_space<vmem>>, vector<16xf32>,
      %jit3A = arith.constant 0.000000e+00 : f32
      %broadcast_in_dim3A = vector.broadcast %jit3A : f32 to vector<16xf32>
      %select_n3A = arith.select %ge3A_4, %get3A_314, %broadcast_in_dim3A : vector<16xi1>, vector<16xf32>
      %add3A_315 = arith.addf %mul3A_308, %get3A_310 : vector<16xf32>
      %add3A_316 = arith.addf %add3A_315, %select_n3A : vector<16xf32>
      %reduce_sum3A = arith.constant true
      %reduce_sum3A_317 = vector.broadcast %reduce_sum3A : i1 to vector<16xi1>
      %reduce_sum3A_318 = tpu.scan <sum>, %add3A_316 masked %reduce_sum3A_317 : vector<16xf32>, vector<16xi1> -> vector<16xf32>
      %reduce_sum3A_319 = vector.extract %reduce_sum3A_318[15] : f32 from vector<16xf32>
      %broadcast_in_dim3A_320 = vector.broadcast %scan3A_96 : i32 to vector<16xi32>
      %broadcast_in_dim3A_321 = vector.broadcast %reduce_sum3A_319 : f32 to vector<16xf32>
      tpu.vector_store_idx %arg9[%broadcast_in_dim3A_320], %broadcast_in_dim3A_321 masked %eq3A_6 : memref<128xf32, #tpu.memory_space<vmem>>[vector<16xi32>], vector<16xf32>, vector<16xi1>
      %scan3A_322 = arith.constant 0 : i32
      scf.yield %scan3A_322 : i32
    }
    %scan3A_93 = arith.constant 128 : i32
    %add3A_94 = arith.constant 384 : i32
    %add3A_95 = arith.addi %mul3A_2, %add3A_94 : i32
    "tpu.region"() ({
      %run_scoped3A = tpu.sem_alloc : memref<!tpu.dma_semaphore, #tpu.memory_space<semaphore_mem>>
      %dma_start3A_96 = tpu.memref_slice %arg5[%add3A_95] : memref<16384xf32, #tpu.memory_space<hbm>> -> memref<128xf32, #tpu.memory_space<hbm>>
      %dma_start3A_97 = tpu.memref_slice %arg5[%add3A_95] : memref<16384xf32, #tpu.memory_space<hbm>> -> memref<128xf32, #tpu.memory_space<hbm>>
      tpu.enqueue_dma source(%arg9 : memref<128xf32, #tpu.memory_space<vmem>>) target(%dma_start3A_97 : memref<128xf32, #tpu.memory_space<hbm>>) target_semaphore(%run_scoped3A : memref<!tpu.dma_semaphore, #tpu.memory_space<semaphore_mem>>)
      %dma_wait3A_98 = tpu.memref_slice %arg5[%add3A_95] : memref<16384xf32, #tpu.memory_space<hbm>> -> memref<128xf32, #tpu.memory_space<hbm>>
      %dma_wait3A_99 = tpu.memref_slice %arg5[%add3A_95] : memref<16384xf32, #tpu.memory_space<hbm>> -> memref<128xf32, #tpu.memory_space<hbm>>
      tpu.wait_dma2 semaphore(%run_scoped3A : memref<!tpu.dma_semaphore, #tpu.memory_space<semaphore_mem>>) src(%arg9 : memref<128xf32, #tpu.memory_space<vmem>>) dst(%dma_wait3A_99 : memref<128xf32, #tpu.memory_space<hbm>>)
      tpu.yield
    }) : () -> ()
    return
  }
}

</mosaic_0001>

<sc_bundles>
// kernel: _fm.4.cloned.1.call-start
scs
__scs_entry_jumppad:
0x0: {  	(pc) =	sbr.rel $0x88, $3  }
0x1: {  	(tag) =	ssettag $0x0;
	lr =	simm.s32 $0x1  }
0x2: {  	[smem:$0x3F9E] =	sst lr;
	_ =	strace $0xD0000000  }
0x3: {  	_ = 	snop  }
0x4: {  	_ = 	snop  }
0x5: {  	_ = 	snop  }
0x6: {  	_ = 	snop  }
0x7: {  	_ = 	snop  }
__scs_overlays_trampoline_lowered:
0x8: {  	[smem:$0x3FAD] =	sst s0  }
0x9: {  	[smem:$0x3FAE] =	sst s1  }
0xa: {  	[smem:$0x3FAF] =	sst s2  }
0xb: {  	[smem:$0x3FB0] =	sst s3  }
0xc: {  	[smem:$0x3FB1] =	sst s4  }
0xd: {  	[smem:$0x3FB2] =	sst s5  }
0xe: {  	[smem:$0x3FB3] =	sst s6  }
0xf: {  	[smem:$0x3FB4] =	sst s7  }
0x10: {  	[smem:$0x3FB5] =	sst s8  }
0x11: {  	[smem:$0x3FB6] =	sst s9;
	s0 =	simm.s32 @!p0 $0x0  }
0x12: {  	s1 =	sld [smem:$0x3F9C];
	s0 =	simm.s32 @p0 $0x1  }
0x13: {  	[smem:$0x3FB7] =	sst s0;
	s0 =	simm.s32 @!p1 $0x0  }
0x14: {  	s2 =	sld [smem:$0x3F9B];
	s0 =	simm.s32 @p1 $0x1  }
0x15: {  	[smem:$0x3FB8] =	sst s0;
	s0 =	simm.s32 @!p2 $0x0  }
0x16: {  	s3 =	sld [smem:$0x3FDB];
	s0 =	simm.s32 @p2 $0x1  }
0x17: {  	s4 =	simm.s32 $0x1BF5;
	[smem:$0x3FBA] =	sst s0  }
0x18: {  	s0 =	sld [smem:$0x3F9D];
	_ =	swait.ge [sflag:s4], $0x0  }
0x19: {  	s7 =	sld [smem:$0x3F9E]  }
0x1a: {  	s8 =	sadd.s32 $0xFFFFE003, lr  }
0x1b: {  	s9 =	sadd.s32 $0xFFFFFEF7, lr;
	s5 =	simm.s32 $0xFFFFFFFF;
	p2 =	slt.u32 s8, $0xFFFFF086  }
0x1c: {  	p1 =	slt.u32 s9, $0xF7A;
	s5 =	simm.s32 @!p2 $0x0  }
0x1d: {  	s5 =	simm.s32 @p1 $0x1;
	p0 =	seq.s32 s7, s2  }
0x1e: {  	s7 =	smul.u32 @!p0 $0xF7A, s2;
	p2 =	seq.s32 @!p0 s5, $0x0  }
0x1f: {  	s9 =	smul.u32 $0xF7A, s1;
	s8 =	simm.s32 @!p0 $0x1BF5;
	p2 =	por !p2, p0  }
0x20: {  	[sflag:s8] =	ssyncset.s32 @!p0 $0xFFFFF086;
	s6 =	sadd.s32 @!p0 s3, s7;
	s7 =	simm.s32 @!p0 $0x108  }
0x21: {  	s3 =	sadd.s32 s3, s9;
	s6 =	sadd.s32 @!p0 $0x88, s6;
	s7 =	simm.s32 @p2 $0x1082  }
0x22: {  	[simem:s7], [sflag:s8] =	dma.local @!p0 [hbm:s6], $0xF7A  }
0x23: {  	s9 =	sor.u32 $0xD0000000, s2;
	s6 =	simm.s32 $0x108;
	_ =	swait.ge @!p0 [sflag:s8], $0x0  }
0x24: {  	s3 =	sadd.s32 $0x88, s3;
	s6 =	simm.s32 @!p1 $0x1082;
	[sflag:s4] =	ssyncset.s32 $0xFFFFF086  }
0x25: {  	[simem:s6], [sflag:s4] =	dma.local [hbm:s3], $0xF7A  }
0x26: {  	[smem:$0x3F9E] =	sst s1;
	(tag) =	ssettag s2;
	_ =	strace s9  }
0x27: {  	s1 =	sld [smem:$0x3FAE]  }
0x28: {  	s2 =	sld [smem:$0x3FAF]  }
0x29: {  	s4 =	sld [smem:$0x3FB1]  }
0x2a: {  	p0 =	seq.s32 s5, $0x0;
	s5 =	sld [smem:$0x3FB2]  }
0x2b: {  	s6 =	sld [smem:$0x3FB3]  }
0x2c: {  	s7 =	sld [smem:$0x3FB4]  }
0x2d: {  	s3 =	simm.s32 $0x108;
	s8 =	sld [smem:$0x3FB5]  }
0x2e: {  	s3 =	simm.s32 @!p0 $0x1082;
	s9 =	sld [smem:$0x3FB6]  }
0x2f: {  	lr =	sadd.s32 s0, s3;
	s0 =	sld [smem:$0x3FAD]  }
0x30: {  	s3 =	sld [smem:$0x3FB0]  }
0x31: {  	[smem:$0x3FB9] =	sst s10  }
0x32: {  	s10 =	sld [smem:$0x3FB7];
	_ =	sdelay $0x3  }
0x33: {  	p0 =	seq.s32 s10, $0x1;
	s10 =	sld [smem:$0x3FB9];
	_ =	sdelay $0x3  }
0x34: {  	[smem:$0x3FB9] =	sst s10  }
0x35: {  	s10 =	sld [smem:$0x3FB8];
	_ =	sdelay $0x3  }
0x36: {  	p1 =	seq.s32 s10, $0x1;
	s10 =	sld [smem:$0x3FB9];
	_ =	sdelay $0x3  }
0x37: {  	[smem:$0x3FB9] =	sst s10  }
0x38: {  	s10 =	sld [smem:$0x3FBA]  }
0x39: {  	_ = 	snop;
	(pc) =	sbr.ind lr, $3  }
0x3a: {  	_ = 	snop  }
0x3b: {  	_ = 	snop  }
0x3c: {  	p2 =	seq.s32 s10, $0x1;
	s10 =	sld [smem:$0x3FB9]  }
0x3d: {  	_ =	shalt  }
0x3e: {  	_ =	shalt  }
0x3f: {  	_ =	shalt  }
0x40: {  	_ =	shalt  }
0x41: {  	_ =	shalt  }
0x42: {  	_ =	shalt  }
0x43: {  	_ =	shalt  }
0x44: {  	_ =	shalt  }
0x45: {  	_ =	shalt  }
0x46: {  	_ =	shalt  }
0x47: {  	_ =	shalt  }
0x48: {  	_ =	shalt  }
0x49: {  	_ =	shalt  }
0x4a: {  	_ =	shalt  }
0x4b: {  	_ =	shalt  }
0x4c: {  	_ =	shalt  }
0x4d: {  	_ =	shalt  }
0x4e: {  	_ =	shalt  }
0x4f: {  	_ =	shalt  }
0x50: {  	_ =	shalt  }
0x51: {  	_ =	shalt  }
0x52: {  	_ =	shalt  }
0x53: {  	_ =	shalt  }
0x54: {  	_ =	shalt  }
0x55: {  	_ =	shalt  }
0x56: {  	_ =	shalt  }
0x57: {  	_ =	shalt  }
0x58: {  	_ =	shalt  }
0x59: {  	_ =	shalt  }
0x5a: {  	_ =	shalt  }
0x5b: {  	_ =	shalt  }
0x5c: {  	_ =	shalt  }
0x5d: {  	_ =	shalt  }
0x5e: {  	_ =	shalt  }
0x5f: {  	_ =	shalt  }
0x60: {  	_ =	shalt  }
0x61: {  	_ =	shalt  }
0x62: {  	_ =	shalt  }
0x63: {  	_ =	shalt  }
0x64: {  	_ =	shalt  }
0x65: {  	_ =	shalt  }
0x66: {  	_ =	shalt  }
0x67: {  	_ =	shalt  }
0x68: {  	_ =	shalt  }
0x69: {  	_ =	shalt  }
0x6a: {  	_ =	shalt  }
0x6b: {  	_ =	shalt  }
0x6c: {  	_ =	shalt  }
0x6d: {  	_ =	shalt  }
0x6e: {  	_ =	shalt  }
0x6f: {  	_ =	shalt  }
0x70: {  	_ =	shalt  }
0x71: {  	_ =	shalt  }
0x72: {  	_ =	shalt  }
0x73: {  	_ =	shalt  }
0x74: {  	_ =	shalt  }
0x75: {  	_ =	shalt  }
0x76: {  	_ =	shalt  }
0x77: {  	_ =	shalt  }
0x78: {  	_ =	shalt  }
0x79: {  	_ =	shalt  }
0x7a: {  	_ =	shalt  }
0x7b: {  	_ =	shalt  }
0x7c: {  	_ =	shalt  }
0x7d: {  	_ =	shalt  }
0x7e: {  	_ =	shalt  }
0x7f: {  	_ =	shalt  }
0x80: {  	_ =	shalt  }
0x81: {  	_ =	shalt  }
0x82: {  	_ =	shalt  }
0x83: {  	_ =	shalt  }
0x84: {  	_ =	shalt  }
0x85: {  	_ =	shalt  }
0x86: {  	_ =	shalt  }
0x87: {  	_ =	shalt  }
.Lfunc_end0:
.L_simem_size_0:
called_computation_lowered:
.L_overlay_start_0:
0x88: {  	s2 =	sld [smem:$0x3FD9]  }
0x89: {  	s3 =	sld [smem:$0x3FFE];
	_ =	sdelay $0x1  }
0x8a: {  	s1 =	srdreg.scid  }
0x8b: {  	s0 =	sand.u32 $0x1, s1  }
0x8c: {  	s17 =	sshll.u32 s0, $0xA;
	s2 =	sadd.s32 s3, s2  }
0x8d: {  	s2 =	sadd.s32 s2, s17  }
0x8e: {  	[smem:$0x3FC5] =	sst s2  }
0x8f: {  	_ = 	snop  }
0x90: {  	s2 =	sld [smem:$0x3FC9]  }
0x91: {  	s18 =	sld [smem:$0x3FD0];
	(tm) =	ssettm $0x1  }
0x92: {  	s4 =	sld [smem:$0x3FFB];
	_ =	sdelay $0x3  }
0x93: {  	_ =	strace s4  }
0x94: {  	s4 =	sld [smem:$0x3FFC];
	_ =	sdelay $0x3  }
0x95: {  	_ =	strace s4  }
0x96: {  	s4 =	sld [smem:$0x3FFD];
	_ =	sdelay $0x3  }
0x97: {  	_ =	strace s4  }
0x98: {  	_ =	strace $0x8FFFFFFF  }
0x99: {  	s19 =	sld [smem:$0x3FDB];
	_ =	sdelay $0x1  }
0x9a: {  	s5 =	simm.s32 $_scs_section_size  }
0x9b: {  	s6 =	simm.s32 $_size__tile_overlayer_lowered;
	s7 =	simm.s32 $_tile_overlayer_lowered  }
0x9c: {  	s22 =	simm.s32 $0x1BFF;
	s21 =	sshll.u32 s7, $0x1;
	s4 =	sadd.s32 s5, s19  }
0x9d: {  	s8 =	simm.s32 $0x0;
	s20 =	sshll.u32 s6, $0x1;
	s6 =	sadd.s32 s21, s4  }
0x9e: {  	[timem:s8], [sflag:s22] =	dma.local [hbm:s6], s20  }
0x9f: {  	_ =	swait.ge [sflag:s22], s20  }
0xa0: {  	s5 =	ssub.s32 $0x0, s20;
	[sflag:s22] =	ssyncset.done $0x0  }
0xa1: {  	[sflag:s22] =	ssyncadd.s32 s5;
	_ =	sdelay $0x1  }
0xa2: {  	s23 =	simm.s32 $0x1B8B  }
0xa3: {  	_ =	swait.ge [sflag:s23], $0x1  }
0xa4: {  	[sflag:s23] =	ssyncset.done $0x0  }
0xa5: {  	s25 =	simm.s32 $0x1B8E;
	s24 =	sld [smem:$0x3FFE];
	[sflag:s23] =	ssyncadd.s32 $0xFFFFFFFF  }
0xa6: {  	s26 =	simm.s32 $execute0_lowered;
	[smem:$0x3FD2] =	sst s25  }
0xa7: {  	s6 =	sshll.u32 s26, $0x1;
	_ =	strace $0x80000046;
	[dreg:$0x1] =	wrdreg $0xFFFFFFFF  }
0xa8: {  	s28 =	simm.s32 $_size_execute0_lowered;
	s4 =	sadd.s32 s4, s6;
	[dreg:$0x0] =	wrdreg $0x0  }
0xa9: {  	s6 =	sshll.u32 s28, $0x1;
	[dreg:$0x2] =	wrdreg s4  }
0xaa: {  	[dreg:$0x3] =	wrdreg s6  }
0xab: {  	[dreg:$0x4] =	wrdreg $0xC0  }
0xac: {  	_ =	task [dreg:s8], $0x5FFFF  }
0xad: {  	[dreg:$0x1] =	wrdreg $0xFFFFFFFF  }
0xae: {  	[dreg:$0x0] =	wrdreg $0x60  }
0xaf: {  	[dreg:$0x2] =	wrdreg s2  }
0xb0: {  	[dreg:$0x3] =	wrdreg s18  }
0xb1: {  	[dreg:$0x4] =	wrdreg s24  }
0xb2: {  	[dreg:$0x5] =	wrdreg $0x9  }
0xb3: {  	_ =	task.clear_ibuf [dreg:s8], $0x6FFFF;
	_ =	strace $0x90000046  }
0xb4: {  	s29 =	simm.s32 $0x9;
	_ =	strace $0x80000048  }
0xb5: {  	_ =	swait.ge [sflag:s29], $0x1  }
0xb6: {  	[sflag:s29] =	ssyncadd.s32 $0xFFFFFFFF  }
0xb7: {  	_ =	strace $0x90000048  }
0xb8: {  	_ =	sfence  }
0xb9: {  	s30 =	sld [smem:$0x0];
	_ =	sdelay $0x2  }
0xba: {  	s31 =	sshll.u32 s1, $0xD;
	s1 =	sshrl.u32 s1, $0x2  }
0xbb: {  	s3 =	sand.u32 $0x4000, s31;
	s1 =	sadd.s32 s1, s30  }
0xbc: {  	s0 =	sor.u32 s3, s0;
	s1 =	sshll.u32 s1, $0x11  }
0xbd: {  	s0 =	sor.u32 s1, s0  }
0xbe: {  	s0 =	sadd.s32 $0x8F2B, s0  }
0xbf: {  	[sflag:s0] =	ssyncadd.remote.s32 $0x1  }
0xc0: {  	_ =	sfence.sel $0xFFFF  }
0xc1: {  	[dreg:$0x0] =	wrdreg $0xFFFFFFFF;
	(pc) =	sbr.abs _section_cstart, $3  }
0xc2: {  	[dreg:$0x1] =	wrdreg $0xFFFFFFFF  }
0xc3: {  	_ =	task.clear_ibuf [dreg:s8], $0x2FFFF;
	_ =	strace $0x9FFFFFFF  }
0xc4: {  	(tm) =	ssettm $0x7FFFFFFF  }
0xc5: {  	_ =	shalt  }
tec
execute0_lowered:
.L_overlay_start_1:
0x0: {  	(tag) =	ssettag $0x1  }
0x1: {  	v0 =	vlaneseq.u32  }
0x2: {  	v0 =	vmul.u32 $0x10, v0  }
0x3: {  	s1 =	rddreg [dreg:$0x0]  }
0x4: {  	s0 =	rddreg [dreg:$0x2];
	v1 =	vor.u32 $0x1, v0  }
0x5: {  	s4 =	simm.s32 $0x0;
	s2 =	srdreg.scid;
	s3 =	stileid.u32;
	v2 =	vor.u32 $0x2, v0;
	v3 =	vor.u32 $0x3, v0;
	v4 =	vor.u32 $0x4, v0  }
0x6: {  	s14 =	simm.s32 $0x1;
	s17 =	simm.s32 $0x8000;
	s18 =	simm.s32 $0x2;
	v5 =	vor.u32 $0x5, v0;
	v6 =	vor.u32 $0x6, v0;
	v7 =	vor.u32 $0x7, v0  }
0x7: {  	s19 =	simm.s32 $0xC000;
	s21 =	simm.s32 $0x4;
	[smem:$0x7FF] =	sst s4;
	v8 =	vor.u32 $0x8, v0;
	v9 =	vor.u32 $0x9, v0;
	v10 =	vor.u32 $0xA, v0  }
0x8: {  	s2 =	sand.u32 $0x1, s2;
	s3 =	sshll.u32 s3, $0x1;
	s8 =	sadd.s32 $0x27AC80, s1;
	v11 =	vor.u32 $0xB, v0;
	v12 =	vor.u32 $0xC, v0;
	v13 =	vor.u32 $0xD, v0  }
0x9: {  	s6 =	sadd.s32 $0x1200, s0;
	s0 =	sadd.s32 $0x4F6A00, s0;
	s5 =	sor.u32 s2, s3;
	v14 =	vor.u32 $0xE, v0;
	v15 =	vor.u32 $0xF, v0;
	v16 =	vor.u32 $0x100, v0  }
0xa: {  	_ =	strace $0x80000047;
	s7 =	ssub.s32 $0x2, s2;
	s3 =	sshll.u32 s5, $0xA;
	v17 =	vor.u32 $0x101, v0;
	v18 =	vor.u32 $0x102, v0;
	v19 =	vor.u32 $0x103, v0  }
0xb: {  	[dreg:$0x6] =	wrdreg s0;
	s29 =	sshrl.u32 s7, $0x1;
	v20 =	vor.u32 $0x104, v0;
	v21 =	vor.u32 $0x105, v0;
	v22 =	vor.u32 $0x106, v0;
	s30 =	sadd.s32 s1, s3  }
0xc: {  	v23 =	vor.u32 $0x107, v0;
	v24 =	vor.u32 $0x108, v0;
	v25 =	vor.u32 $0x109, v0;
	s2 =	ssub.s32 s7, s29;
	s3 =	sadd.s32 s3, s8;
	[dreg:$0x4] =	wrdreg s30  }
0xd: {  	s10 =	sor.u32 $0x40, s5;
	v26 =	vor.u32 $0x10A, v0;
	v27 =	vor.u32 $0x10B, v0;
	v28 =	vor.u32 $0x10C, v0;
	[dreg:$0x5] =	wrdreg s3;
	s31 =	smax.u32 s2, $0x1  }
0xe: {  	p0 =	sne.s32 s5, $0x0;
	v29 =	vor.u32 $0x10D, v0;
	v30 =	vor.u32 $0x10E, v0;
	v31 =	vor.u32 $0x10F, v0;
	s2 =	simm.s32 $0x0;
	[dreg:$0x7] =	wrdreg s31  }
.LBB2_1:
0xf: {  	[dreg:$0x8] =	wrdreg s2  }
0x10: {  	s0 =	rddreg [dreg:$0x4]  }
0x11: {  	[tilespmem:s4], [sflag:$0x1] =	stream.linear.gather [hbm4b:s0+s4], $0x2000, $0x38;
	[tilespmem:$0x10000] =	vst v63  }
0x12: {  	s30 =	rddreg [dreg:$0x5];
	s31 =	simm.s32 $0x2000;
	s23 =	simm.s32 $0x0  }
0x13: {  	[tilespmem:s31], [sflag:$0x1] =	stream.linear.gather [hbm4b:s30+s4], $0x2000, $0x38;
	[tilespmem:$0x10000] =	vst v63  }
.LBB2_2:
0x14: {  	s25 =	sshll.u32 s23, $0x6;
	_ =	swait.ge [sflag:s14], $0x2000  }
0x15: {  	s26 =	sor.u32 s5, s25;
	[sflag:s14] =	ssyncset.done $0x0  }
0x16: {  	s0 =	sor.u32 $0x20, s26;
	[sflag:s14] =	ssyncadd.s32 $0xFFFFE000  }
0x17: {  	s24 =	smin.u32 s0, $0x9EA;
	_ =	swait.ge [sflag:s14], $0x2000  }
0x18: {  	s3 =	simm.s32 $0x4000;
	[sflag:s14] =	ssyncset.done $0x0;
	s0 =	sshll.u32 s24, $0xA  }
0x19: {  	p1 =	seq.s32 s23, $0x0;
	[sflag:s14] =	ssyncadd.s32 $0xFFFFE000;
	s2 =	sadd.s32 s1, s0  }
0x1a: {  	[tilespmem:s3], [sflag:$0x2] =	stream.linear.gather [hbm4b:s2+s4], $0x2000, $0x38;
	[tilespmem:$0x10000] =	vst v63  }
0x1b: {  	s22 =	simm.s32 $0x6000;
	s0 =	sadd.s32 s0, s8;
	s3 =	simm.s32 @!p1 $0x3  }
0x1c: {  	[tilespmem:s22], [sflag:$0x2] =	stream.linear.gather [hbm4b:s0+s4], $0x2000, $0x38;
	[tilespmem:$0x10000] =	vst v63  }
0x1d: {  	s28 =	simm.s32 $0x0;
	_ =	swait.ge @!p1 [sflag:s3], $0x4000  }
0x1e: {  	s16 =	sand.u32 $0x1C00, s28;
	s0 =	sand.u32 $0x60, s28;
	[sflag:s3] =	ssyncset.done @!p1 $0x0  }
0x1f: {  	v32 =	vimm.s32 $0x0;
	s12 =	sor.u32 s0, s16;
	[sflag:s3] =	ssyncadd.s32 @!p1 $0xFFFFC000  }
0x20: {  	v34 =	vor.u32 v0, v32;
	v33 =	vld [tilespmem:s12+$0x0];
	_ =	sdelay $0x4  }
0x21: {  	[tilespmem:v34+s17+$0x0] =	vst.idx.msk $0xffff, v33  }
0x22: {  	v62 =	vor.u32 v1, v32;
	v33 =	vld [tilespmem:s12+$0x80];
	_ =	sdelay $0x4  }
0x23: {  	[tilespmem:v62+s17+$0x0] =	vst.idx.msk $0xffff, v33  }
0x24: {  	v63 =	vor.u32 v2, v32;
	v33 =	vld [tilespmem:s12+$0x100];
	_ =	sdelay $0x4  }
0x25: {  	[tilespmem:v63+s17+$0x0] =	vst.idx.msk $0xffff, v33  }
0x26: {  	v36 =	vor.u32 v3, v32;
	v33 =	vld [tilespmem:s12+$0x180];
	_ =	sdelay $0x4  }
0x27: {  	[tilespmem:v36+s17+$0x0] =	vst.idx.msk $0xffff, v33  }
0x28: {  	v37 =	vor.u32 v4, v32;
	v33 =	vld [tilespmem:s12+$0x200];
	_ =	sdelay $0x4  }
0x29: {  	[tilespmem:v37+s17+$0x0] =	vst.idx.msk $0xffff, v33  }
0x2a: {  	v38 =	vor.u32 v5, v32;
	v33 =	vld [tilespmem:s12+$0x280];
	_ =	sdelay $0x1  }
0x2b: {  	s13 =	sand.u32 $0x3, s28  }
0x2c: {  	s3 =	sshll.u32 s13, $0x5  }
0x2d: {  	s3 =	sadd.s32 $0x0, s3  }
0x2e: {  	s7 =	sor.u32 $0x300, s3;
	[tilespmem:v38+s17+$0x0] =	vst.idx.msk $0xffff, v33  }
0x2f: {  	v39 =	vor.u32 v6, v32;
	v33 =	vld [tilespmem:s7+$0x0];
	_ =	sdelay $0x3  }
0x30: {  	s15 =	sor.u32 s28, s28  }
0x31: {  	s7 =	sor.u32 $0x380, s15;
	[tilespmem:v39+s17+$0x0] =	vst.idx.msk $0xffff, v33  }
0x32: {  	v40 =	vor.u32 v7, v32;
	v33 =	vld [tilespmem:s7+$0x0];
	_ =	sdelay $0x3  }
0x33: {  	s7 =	sor.u32 $0x2000, s16  }
0x34: {  	s9 =	sor.u32 s0, s7;
	[tilespmem:v40+s17+$0x0] =	vst.idx.msk $0xffff, v33  }
0x35: {  	v41 =	vor.u32 v8, v32;
	v33 =	vld [tilespmem:s9+$0x0];
	_ =	sdelay $0x3  }
0x36: {  	s9 =	sor.u32 $0x2080, s16  }
0x37: {  	s11 =	sor.u32 s0, s9;
	[tilespmem:v41+s17+$0x0] =	vst.idx.msk $0xffff, v33  }
0x38: {  	v42 =	vor.u32 v9, v32;
	v33 =	vld [tilespmem:s11+$0x0];
	_ =	sdelay $0x3  }
0x39: {  	s11 =	sor.u32 $0x2100, s16  }
0x3a: {  	s12 =	sor.u32 s0, s11;
	[tilespmem:v42+s17+$0x0] =	vst.idx.msk $0xffff, v33  }
0x3b: {  	v43 =	vor.u32 v10, v32;
	v33 =	vld [tilespmem:s12+$0x0];
	_ =	sdelay $0x3  }
0x3c: {  	s12 =	sor.u32 $0x2180, s16  }
0x3d: {  	s13 =	sor.u32 s0, s12;
	[tilespmem:v43+s17+$0x0] =	vst.idx.msk $0xffff, v33  }
0x3e: {  	v44 =	vor.u32 v11, v32;
	v33 =	vld [tilespmem:s13+$0x0];
	_ =	sdelay $0x3  }
0x3f: {  	s13 =	sor.u32 $0x2200, s16  }
0x40: {  	s15 =	sor.u32 s0, s13;
	[tilespmem:v44+s17+$0x0] =	vst.idx.msk $0xffff, v33  }
0x41: {  	v45 =	vor.u32 v12, v32;
	v33 =	vld [tilespmem:s15+$0x0];
	_ =	sdelay $0x3  }
0x42: {  	s15 =	sor.u32 $0x2280, s16  }
0x43: {  	s20 =	sor.u32 s0, s15;
	[tilespmem:v45+s17+$0x0] =	vst.idx.msk $0xffff, v33  }
0x44: {  	v46 =	vor.u32 v13, v32;
	v33 =	vld [tilespmem:s20+$0x0];
	_ =	sdelay $0x3  }
0x45: {  	s20 =	sor.u32 $0x2300, s16  }
0x46: {  	s22 =	sor.u32 s0, s20;
	[tilespmem:v46+s17+$0x0] =	vst.idx.msk $0xffff, v33  }
0x47: {  	v47 =	vor.u32 v14, v32;
	v33 =	vld [tilespmem:s22+$0x0];
	_ =	sdelay $0x3  }
0x48: {  	s22 =	sor.u32 $0x2380, s16  }
0x49: {  	s29 =	sor.u32 s0, s22;
	[tilespmem:v47+s17+$0x0] =	vst.idx.msk $0xffff, v33  }
0x4a: {  	v48 =	vor.u32 v15, v32;
	v33 =	vld [tilespmem:s29+$0x0];
	_ =	sdelay $0x3  }
0x4b: {  	s2 =	sor.u32 $0x10, s0  }
0x4c: {  	s0 =	sor.u32 s2, s16;
	[tilespmem:v48+s17+$0x0] =	vst.idx.msk $0xffff, v33  }
0x4d: {  	v49 =	vor.u32 v16, v32;
	v33 =	vld [tilespmem:s0+$0x0];
	_ =	sdelay $0x4  }
0x4e: {  	[tilespmem:v49+s17+$0x0] =	vst.idx.msk $0xffff, v33  }
0x4f: {  	v50 =	vor.u32 v17, v32;
	v33 =	vld [tilespmem:s0+$0x80];
	_ =	sdelay $0x4  }
0x50: {  	[tilespmem:v50+s17+$0x0] =	vst.idx.msk $0xffff, v33  }
0x51: {  	v51 =	vor.u32 v18, v32;
	v33 =	vld [tilespmem:s0+$0x100];
	_ =	sdelay $0x4  }
0x52: {  	[tilespmem:v51+s17+$0x0] =	vst.idx.msk $0xffff, v33  }
0x53: {  	v52 =	vor.u32 v19, v32;
	v33 =	vld [tilespmem:s0+$0x180];
	_ =	sdelay $0x4  }
0x54: {  	[tilespmem:v52+s17+$0x0] =	vst.idx.msk $0xffff, v33  }
0x55: {  	v53 =	vor.u32 v20, v32;
	v33 =	vld [tilespmem:s0+$0x200];
	_ =	sdelay $0x4  }
0x56: {  	[tilespmem:v53+s17+$0x0] =	vst.idx.msk $0xffff, v33  }
0x57: {  	v54 =	vor.u32 v21, v32;
	v33 =	vld [tilespmem:s0+$0x280];
	_ =	sdelay $0x3  }
0x58: {  	s16 =	sadd.s32 $0x10, s3  }
0x59: {  	s3 =	sor.u32 $0x300, s16;
	[tilespmem:v54+s17+$0x0] =	vst.idx.msk $0xffff, v33  }
0x5a: {  	v55 =	vor.u32 v22, v32;
	v33 =	vld [tilespmem:s3+$0x0];
	_ =	sdelay $0x4  }
0x5b: {  	s0 =	sor.u32 $0x380, s16;
	[tilespmem:v55+s17+$0x0] =	vst.idx.msk $0xffff, v33  }
0x5c: {  	v56 =	vor.u32 v23, v32;
	v33 =	vld [tilespmem:s0+$0x0];
	_ =	sdelay $0x4  }
0x5d: {  	s7 =	sor.u32 s2, s7;
	[tilespmem:v56+s17+$0x0] =	vst.idx.msk $0xffff, v33  }
0x5e: {  	v57 =	vor.u32 v24, v32;
	v33 =	vld [tilespmem:s7+$0x0];
	_ =	sdelay $0x4  }
0x5f: {  	s9 =	sor.u32 s2, s9;
	[tilespmem:v57+s17+$0x0] =	vst.idx.msk $0xffff, v33  }
0x60: {  	v58 =	vor.u32 v25, v32;
	v33 =	vld [tilespmem:s9+$0x0];
	_ =	sdelay $0x4  }
0x61: {  	s11 =	sor.u32 s2, s11;
	[tilespmem:v58+s17+$0x0] =	vst.idx.msk $0xffff, v33  }
0x62: {  	v59 =	vor.u32 v26, v32;
	v33 =	vld [tilespmem:s11+$0x0];
	_ =	sdelay $0x4  }
0x63: {  	s12 =	sor.u32 s2, s12;
	[tilespmem:v59+s17+$0x0] =	vst.idx.msk $0xffff, v33  }
0x64: {  	v60 =	vor.u32 v27, v32;
	v33 =	vld [tilespmem:s12+$0x0];
	_ =	sdelay $0x4  }
0x65: {  	s13 =	sor.u32 s2, s13;
	[tilespmem:v60+s17+$0x0] =	vst.idx.msk $0xffff, v33  }
0x66: {  	v61 =	vor.u32 v28, v32;
	v33 =	vld [tilespmem:s13+$0x0];
	_ =	sdelay $0x4  }
0x67: {  	s16 =	sor.u32 s2, s15;
	[tilespmem:v61+s17+$0x0] =	vst.idx.msk $0xffff, v33  }
0x68: {  	v62 =	vor.u32 v29, v32;
	v33 =	vld [tilespmem:s16+$0x0];
	_ =	sdelay $0x4  }
0x69: {  	s20 =	sor.u32 s2, s20;
	[tilespmem:v62+s17+$0x0] =	vst.idx.msk $0xffff, v33  }
0x6a: {  	v63 =	vor.u32 v30, v32;
	v33 =	vld [tilespmem:s20+$0x0];
	_ =	sdelay $0x4  }
0x6b: {  	s22 =	sor.u32 s2, s22;
	[tilespmem:v63+s17+$0x0] =	vst.idx.msk $0xffff, v33  }
0x6c: {  	v34 =	vor.u32 v31, v32;
	v33 =	vld [tilespmem:s22+$0x0];
	_ =	sdelay $0x2  }
0x6d: {  	s30 =	simm.s32 $0x100;
	s29 =	simm.s32 $0x20  }
0x6e: {  	s31 =	simm.s32 $0x40;
	s3 =	sand.u32 $0x60, s29;
	s0 =	sand.u32 $0x1C00, s30  }
.LBB2_3:
0x6f: {  	p1 =	sne.s32 s31, $0x3E0;
	s2 =	sor.u32 s3, s0;
	[tilespmem:v34+s17+$0x0] =	vst.idx.msk $0xffff, v33;
	v32 =	vadd.s32 $0x200, v32  }
0x70: {  	v33 =	vld [tilespmem:s2+$0x0];
	v34 =	vor.u32 v0, v32;
	_ =	sdelay $0x4  }
0x71: {  	[tilespmem:v34+s17+$0x0] =	vst.idx.msk $0xffff, v33  }
0x72: {  	v34 =	vor.u32 v1, v32;
	v33 =	vld [tilespmem:s2+$0x80];
	_ =	sdelay $0x4  }
0x73: {  	[tilespmem:v34+s17+$0x0] =	vst.idx.msk $0xffff, v33  }
0x74: {  	v34 =	vor.u32 v2, v32;
	v33 =	vld [tilespmem:s2+$0x100];
	_ =	sdelay $0x4  }
0x75: {  	[tilespmem:v34+s17+$0x0] =	vst.idx.msk $0xffff, v33  }
0x76: {  	v34 =	vor.u32 v3, v32;
	v33 =	vld [tilespmem:s2+$0x180];
	_ =	sdelay $0x4  }
0x77: {  	[tilespmem:v34+s17+$0x0] =	vst.idx.msk $0xffff, v33  }
0x78: {  	v34 =	vor.u32 v4, v32;
	v33 =	vld [tilespmem:s2+$0x200];
	_ =	sdelay $0x4  }
0x79: {  	[tilespmem:v34+s17+$0x0] =	vst.idx.msk $0xffff, v33  }
0x7a: {  	v34 =	vor.u32 v5, v32;
	v33 =	vld [tilespmem:s2+$0x280]  }
0x7b: {  	s28 =	sadd.s32 $0x1, s28  }
0x7c: {  	s2 =	sand.u32 $0x3, s28  }
0x7d: {  	s2 =	sshll.u32 s2, $0x5  }
0x7e: {  	s2 =	sadd.s32 s2, s30  }
0x7f: {  	s7 =	sor.u32 $0x300, s2;
	[tilespmem:v34+s17+$0x0] =	vst.idx.msk $0xffff, v33  }
0x80: {  	v34 =	vor.u32 v6, v32;
	v33 =	vld [tilespmem:s7+$0x0];
	_ =	sdelay $0x3  }
0x81: {  	s7 =	sor.u32 s30, s29;
	s29 =	smov.u32 s31  }
0x82: {  	s7 =	sor.u32 $0x380, s7;
	[tilespmem:v34+s17+$0x0] =	vst.idx.msk $0xffff, v33  }
0x83: {  	v34 =	vor.u32 v7, v32;
	v33 =	vld [tilespmem:s7+$0x0];
	_ =	sdelay $0x3  }
0x84: {  	s13 =	sor.u32 $0x2000, s0  }
0x85: {  	s7 =	sor.u32 s3, s13;
	[tilespmem:v34+s17+$0x0] =	vst.idx.msk $0xffff, v33  }
0x86: {  	v34 =	vor.u32 v8, v32;
	v33 =	vld [tilespmem:s7+$0x0];
	_ =	sdelay $0x3  }
0x87: {  	s7 =	sor.u32 $0x2080, s0  }
0x88: {  	s9 =	sor.u32 s3, s7;
	[tilespmem:v34+s17+$0x0] =	vst.idx.msk $0xffff, v33  }
0x89: {  	v34 =	vor.u32 v9, v32;
	v33 =	vld [tilespmem:s9+$0x0];
	_ =	sdelay $0x3  }
0x8a: {  	s9 =	sor.u32 $0x2100, s0  }
0x8b: {  	s11 =	sor.u32 s3, s9;
	[tilespmem:v34+s17+$0x0] =	vst.idx.msk $0xffff, v33  }
0x8c: {  	v34 =	vor.u32 v10, v32;
	v33 =	vld [tilespmem:s11+$0x0];
	_ =	sdelay $0x3  }
0x8d: {  	s11 =	sor.u32 $0x2180, s0  }
0x8e: {  	s12 =	sor.u32 s3, s11;
	[tilespmem:v34+s17+$0x0] =	vst.idx.msk $0xffff, v33  }
0x8f: {  	v34 =	vor.u32 v11, v32;
	v33 =	vld [tilespmem:s12+$0x0];
	_ =	sdelay $0x3  }
0x90: {  	s12 =	sor.u32 $0x2200, s0  }
0x91: {  	s15 =	sor.u32 s3, s12;
	[tilespmem:v34+s17+$0x0] =	vst.idx.msk $0xffff, v33  }
0x92: {  	v34 =	vor.u32 v12, v32;
	v33 =	vld [tilespmem:s15+$0x0];
	_ =	sdelay $0x3  }
0x93: {  	s20 =	sor.u32 $0x2280, s0  }
0x94: {  	s15 =	sor.u32 s3, s20;
	[tilespmem:v34+s17+$0x0] =	vst.idx.msk $0xffff, v33  }
0x95: {  	v34 =	vor.u32 v13, v32;
	v33 =	vld [tilespmem:s15+$0x0];
	_ =	sdelay $0x3  }
0x96: {  	s22 =	sor.u32 $0x2300, s0  }
0x97: {  	s15 =	sor.u32 s3, s22;
	[tilespmem:v34+s17+$0x0] =	vst.idx.msk $0xffff, v33  }
0x98: {  	v34 =	vor.u32 v14, v32;
	v33 =	vld [tilespmem:s15+$0x0];
	_ =	sdelay $0x3  }
0x99: {  	s15 =	sor.u32 $0x2380, s0  }
0x9a: {  	s16 =	sor.u32 s3, s15;
	[tilespmem:v34+s17+$0x0] =	vst.idx.msk $0xffff, v33  }
0x9b: {  	v34 =	vor.u32 v15, v32;
	v33 =	vld [tilespmem:s16+$0x0];
	_ =	sdelay $0x3  }
0x9c: {  	s3 =	sor.u32 $0x10, s3  }
0x9d: {  	s0 =	sor.u32 s3, s0;
	[tilespmem:v34+s17+$0x0] =	vst.idx.msk $0xffff, v33  }
0x9e: {  	v34 =	vor.u32 v16, v32;
	v33 =	vld [tilespmem:s0+$0x0];
	_ =	sdelay $0x4  }
0x9f: {  	[tilespmem:v34+s17+$0x0] =	vst.idx.msk $0xffff, v33  }
0xa0: {  	v34 =	vor.u32 v17, v32;
	v33 =	vld [tilespmem:s0+$0x80];
	_ =	sdelay $0x4  }
0xa1: {  	[tilespmem:v34+s17+$0x0] =	vst.idx.msk $0xffff, v33  }
0xa2: {  	v34 =	vor.u32 v18, v32;
	v33 =	vld [tilespmem:s0+$0x100];
	_ =	sdelay $0x4  }
0xa3: {  	[tilespmem:v34+s17+$0x0] =	vst.idx.msk $0xffff, v33  }
0xa4: {  	v34 =	vor.u32 v19, v32;
	v33 =	vld [tilespmem:s0+$0x180];
	_ =	sdelay $0x4  }
0xa5: {  	[tilespmem:v34+s17+$0x0] =	vst.idx.msk $0xffff, v33  }
0xa6: {  	v34 =	vor.u32 v20, v32;
	v33 =	vld [tilespmem:s0+$0x200];
	_ =	sdelay $0x4  }
0xa7: {  	[tilespmem:v34+s17+$0x0] =	vst.idx.msk $0xffff, v33  }
0xa8: {  	v34 =	vor.u32 v21, v32;
	v33 =	vld [tilespmem:s0+$0x280];
	_ =	sdelay $0x3  }
0xa9: {  	s0 =	sadd.s32 $0x10, s2  }
0xaa: {  	s2 =	sor.u32 $0x300, s0;
	[tilespmem:v34+s17+$0x0] =	vst.idx.msk $0xffff, v33  }
0xab: {  	v34 =	vor.u32 v22, v32;
	v33 =	vld [tilespmem:s2+$0x0];
	_ =	sdelay $0x4  }
0xac: {  	s0 =	sor.u32 $0x380, s0;
	[tilespmem:v34+s17+$0x0] =	vst.idx.msk $0xffff, v33  }
0xad: {  	v34 =	vor.u32 v23, v32;
	v33 =	vld [tilespmem:s0+$0x0];
	_ =	sdelay $0x4  }
0xae: {  	s0 =	sor.u32 s3, s13;
	[tilespmem:v34+s17+$0x0] =	vst.idx.msk $0xffff, v33  }
0xaf: {  	v34 =	vor.u32 v24, v32;
	v33 =	vld [tilespmem:s0+$0x0];
	_ =	sdelay $0x4  }
0xb0: {  	s0 =	sor.u32 s3, s7;
	[tilespmem:v34+s17+$0x0] =	vst.idx.msk $0xffff, v33  }
0xb1: {  	v34 =	vor.u32 v25, v32;
	v33 =	vld [tilespmem:s0+$0x0];
	_ =	sdelay $0x4  }
0xb2: {  	s0 =	sor.u32 s3, s9;
	[tilespmem:v34+s17+$0x0] =	vst.idx.msk $0xffff, v33  }
0xb3: {  	v34 =	vor.u32 v26, v32;
	v33 =	vld [tilespmem:s0+$0x0];
	_ =	sdelay $0x4  }
0xb4: {  	s0 =	sor.u32 s3, s11;
	[tilespmem:v34+s17+$0x0] =	vst.idx.msk $0xffff, v33  }
0xb5: {  	v34 =	vor.u32 v27, v32;
	v33 =	vld [tilespmem:s0+$0x0];
	_ =	sdelay $0x4  }
0xb6: {  	s0 =	sor.u32 s3, s12;
	[tilespmem:v34+s17+$0x0] =	vst.idx.msk $0xffff, v33  }
0xb7: {  	v34 =	vor.u32 v28, v32;
	v33 =	vld [tilespmem:s0+$0x0];
	_ =	sdelay $0x4  }
0xb8: {  	s0 =	sor.u32 s3, s20;
	[tilespmem:v34+s17+$0x0] =	vst.idx.msk $0xffff, v33  }
0xb9: {  	v34 =	vor.u32 v29, v32;
	v33 =	vld [tilespmem:s0+$0x0];
	_ =	sdelay $0x4  }
0xba: {  	s0 =	sor.u32 s3, s22;
	[tilespmem:v34+s17+$0x0] =	vst.idx.msk $0xffff, v33  }
0xbb: {  	v34 =	vor.u32 v30, v32;
	v33 =	vld [tilespmem:s0+$0x0];
	_ =	sdelay $0x4  }
0xbc: {  	s0 =	sor.u32 s3, s15;
	[tilespmem:v34+s17+$0x0] =	vst.idx.msk $0xffff, v33  }
.Ltmp0:
0xbd: {  	v34 =	vor.u32 v31, v32;
	v33 =	vld [tilespmem:s0+$0x0];
	(pc) =	sbr.rel @p1 .LBB2_3-.Ltmp0, $3  }
0xbe: {  	_ =	sdelay $0x1  }
0xbf: {  	s30 =	sadd.s32 $0x100, s30  }
0xc0: {  	s31 =	sadd.s32 $0x20, s31;
	s3 =	sand.u32 $0x60, s29;
	s0 =	sand.u32 $0x1C00, s30  }
0xc1: {  	_ =	sdelay $0x3  }
0xc2: {  	s2 =	sor.u32 s3, s0;
	[tilespmem:v34+s17+$0x0] =	vst.idx.msk $0xffff, v33;
	v32 =	vadd.s32 $0x200, v32  }
0xc3: {  	v33 =	vld [tilespmem:s2+$0x0];
	v57 =	vor.u32 v0, v32;
	_ =	sdelay $0x4  }
0xc4: {  	[tilespmem:v57+s17+$0x0] =	vst.idx.msk $0xffff, v33  }
0xc5: {  	v58 =	vor.u32 v1, v32;
	v33 =	vld [tilespmem:s2+$0x80];
	_ =	sdelay $0x4  }
0xc6: {  	[tilespmem:v58+s17+$0x0] =	vst.idx.msk $0xffff, v33  }
0xc7: {  	v59 =	vor.u32 v2, v32;
	v33 =	vld [tilespmem:s2+$0x100];
	_ =	sdelay $0x4  }
0xc8: {  	[tilespmem:v59+s17+$0x0] =	vst.idx.msk $0xffff, v33  }
0xc9: {  	v60 =	vor.u32 v3, v32;
	v33 =	vld [tilespmem:s2+$0x180];
	_ =	sdelay $0x4  }
0xca: {  	[tilespmem:v60+s17+$0x0] =	vst.idx.msk $0xffff, v33  }
0xcb: {  	v61 =	vor.u32 v4, v32;
	v33 =	vld [tilespmem:s2+$0x200];
	_ =	sdelay $0x4  }
0xcc: {  	[tilespmem:v61+s17+$0x0] =	vst.idx.msk $0xffff, v33  }
0xcd: {  	v62 =	vor.u32 v5, v32;
	v33 =	vld [tilespmem:s2+$0x280]  }
0xce: {  	s20 =	sadd.s32 $0x1, s28  }
0xcf: {  	s2 =	sand.u32 $0x3, s20  }
0xd0: {  	s2 =	sshll.u32 s2, $0x5  }
0xd1: {  	s2 =	sadd.s32 s2, s30  }
0xd2: {  	s7 =	sor.u32 $0x300, s2;
	[tilespmem:v62+s17+$0x0] =	vst.idx.msk $0xffff, v33  }
0xd3: {  	v63 =	vor.u32 v6, v32;
	v33 =	vld [tilespmem:s7+$0x0];
	_ =	sdelay $0x3  }
0xd4: {  	s22 =	sor.u32 s30, s29  }
0xd5: {  	s7 =	sor.u32 $0x380, s22;
	[tilespmem:v63+s17+$0x0] =	vst.idx.msk $0xffff, v33  }
0xd6: {  	v36 =	vor.u32 v7, v32;
	v33 =	vld [tilespmem:s7+$0x0];
	_ =	sdelay $0x3  }
0xd7: {  	s7 =	sor.u32 $0x2000, s0  }
0xd8: {  	s9 =	sor.u32 s3, s7;
	[tilespmem:v36+s17+$0x0] =	vst.idx.msk $0xffff, v33  }
0xd9: {  	v37 =	vor.u32 v8, v32;
	v33 =	vld [tilespmem:s9+$0x0];
	_ =	sdelay $0x3  }
0xda: {  	s9 =	sor.u32 $0x2080, s0  }
0xdb: {  	s11 =	sor.u32 s3, s9;
	[tilespmem:v37+s17+$0x0] =	vst.idx.msk $0xffff, v33  }
0xdc: {  	v38 =	vor.u32 v9, v32;
	v33 =	vld [tilespmem:s11+$0x0];
	_ =	sdelay $0x3  }
0xdd: {  	s11 =	sor.u32 $0x2100, s0  }
0xde: {  	s12 =	sor.u32 s3, s11;
	[tilespmem:v38+s17+$0x0] =	vst.idx.msk $0xffff, v33  }
0xdf: {  	v39 =	vor.u32 v10, v32;
	v33 =	vld [tilespmem:s12+$0x0];
	_ =	sdelay $0x3  }
0xe0: {  	s12 =	sor.u32 $0x2180, s0  }
0xe1: {  	s13 =	sor.u32 s3, s12;
	[tilespmem:v39+s17+$0x0] =	vst.idx.msk $0xffff, v33  }
0xe2: {  	v40 =	vor.u32 v11, v32;
	v33 =	vld [tilespmem:s13+$0x0];
	_ =	sdelay $0x3  }
0xe3: {  	s13 =	sor.u32 $0x2200, s0  }
0xe4: {  	s15 =	sor.u32 s3, s13;
	[tilespmem:v40+s17+$0x0] =	vst.idx.msk $0xffff, v33  }
0xe5: {  	v41 =	vor.u32 v12, v32;
	v33 =	vld [tilespmem:s15+$0x0];
	_ =	sdelay $0x3  }
0xe6: {  	s15 =	sor.u32 $0x2280, s0  }
0xe7: {  	s16 =	sor.u32 s3, s15;
	[tilespmem:v41+s17+$0x0] =	vst.idx.msk $0xffff, v33  }
0xe8: {  	v42 =	vor.u32 v13, v32;
	v33 =	vld [tilespmem:s16+$0x0];
	_ =	sdelay $0x3  }
0xe9: {  	s20 =	sor.u32 $0x2300, s0  }
0xea: {  	s30 =	sor.u32 s3, s20;
	[tilespmem:v42+s17+$0x0] =	vst.idx.msk $0xffff, v33  }
0xeb: {  	v43 =	vor.u32 v14, v32;
	v33 =	vld [tilespmem:s30+$0x0];
	_ =	sdelay $0x3  }
0xec: {  	s22 =	sor.u32 $0x2380, s0  }
0xed: {  	s31 =	sor.u32 s3, s22;
	[tilespmem:v43+s17+$0x0] =	vst.idx.msk $0xffff, v33  }
0xee: {  	v44 =	vor.u32 v15, v32;
	v33 =	vld [tilespmem:s31+$0x0];
	_ =	sdelay $0x3  }
0xef: {  	s3 =	sor.u32 $0x10, s3  }
0xf0: {  	s30 =	sor.u32 s3, s0;
	[tilespmem:v44+s17+$0x0] =	vst.idx.msk $0xffff, v33  }
0xf1: {  	v45 =	vor.u32 v16, v32;
	v33 =	vld [tilespmem:s30+$0x0];
	_ =	sdelay $0x4  }
0xf2: {  	[tilespmem:v45+s17+$0x0] =	vst.idx.msk $0xffff, v33  }
0xf3: {  	v46 =	vor.u32 v17, v32;
	v33 =	vld [tilespmem:s30+$0x80];
	_ =	sdelay $0x4  }
0xf4: {  	[tilespmem:v46+s17+$0x0] =	vst.idx.msk $0xffff, v33  }
0xf5: {  	v47 =	vor.u32 v18, v32;
	v33 =	vld [tilespmem:s30+$0x100];
	_ =	sdelay $0x4  }
0xf6: {  	[tilespmem:v47+s17+$0x0] =	vst.idx.msk $0xffff, v33  }
0xf7: {  	v48 =	vor.u32 v19, v32;
	v33 =	vld [tilespmem:s30+$0x180];
	_ =	sdelay $0x4  }
0xf8: {  	[tilespmem:v48+s17+$0x0] =	vst.idx.msk $0xffff, v33  }
0xf9: {  	v49 =	vor.u32 v20, v32;
	v33 =	vld [tilespmem:s30+$0x200];
	_ =	sdelay $0x4  }
0xfa: {  	[tilespmem:v49+s17+$0x0] =	vst.idx.msk $0xffff, v33  }
0xfb: {  	v50 =	vor.u32 v21, v32;
	v33 =	vld [tilespmem:s30+$0x280];
	_ =	sdelay $0x3  }
0xfc: {  	s31 =	sadd.s32 $0x10, s2  }
0xfd: {  	s2 =	sor.u32 $0x300, s31;
	[tilespmem:v50+s17+$0x0] =	vst.idx.msk $0xffff, v33  }
0xfe: {  	v51 =	vor.u32 v22, v32;
	v33 =	vld [tilespmem:s2+$0x0];
	_ =	sdelay $0x4  }
0xff: {  	s0 =	sor.u32 $0x380, s31;
	[tilespmem:v51+s17+$0x0] =	vst.idx.msk $0xffff, v33  }
0x100: {  	v52 =	vor.u32 v23, v32;
	v33 =	vld [tilespmem:s0+$0x0];
	_ =	sdelay $0x4  }
0x101: {  	s7 =	sor.u32 s3, s7;
	[tilespmem:v52+s17+$0x0] =	vst.idx.msk $0xffff, v33  }
0x102: {  	v53 =	vor.u32 v24, v32;
	v33 =	vld [tilespmem:s7+$0x0];
	_ =	sdelay $0x4  }
0x103: {  	s9 =	sor.u32 s3, s9;
	[tilespmem:v53+s17+$0x0] =	vst.idx.msk $0xffff, v33  }
0x104: {  	v54 =	vor.u32 v25, v32;
	v33 =	vld [tilespmem:s9+$0x0];
	_ =	sdelay $0x4  }
0x105: {  	s11 =	sor.u32 s3, s11;
	[tilespmem:v54+s17+$0x0] =	vst.idx.msk $0xffff, v33  }
0x106: {  	v55 =	vor.u32 v26, v32;
	v33 =	vld [tilespmem:s11+$0x0];
	_ =	sdelay $0x4  }
0x107: {  	s12 =	sor.u32 s3, s12;
	[tilespmem:v55+s17+$0x0] =	vst.idx.msk $0xffff, v33  }
0x108: {  	v56 =	vor.u32 v27, v32;
	v33 =	vld [tilespmem:s12+$0x0];
	_ =	sdelay $0x4  }
0x109: {  	s13 =	sor.u32 s3, s13;
	[tilespmem:v56+s17+$0x0] =	vst.idx.msk $0xffff, v33  }
0x10a: {  	v57 =	vor.u32 v28, v32;
	v33 =	vld [tilespmem:s13+$0x0];
	_ =	sdelay $0x4  }
0x10b: {  	s15 =	sor.u32 s3, s15;
	[tilespmem:v57+s17+$0x0] =	vst.idx.msk $0xffff, v33  }
0x10c: {  	v58 =	vor.u32 v29, v32;
	v33 =	vld [tilespmem:s15+$0x0];
	_ =	sdelay $0x4  }
0x10d: {  	s16 =	sor.u32 s3, s20;
	[tilespmem:v58+s17+$0x0] =	vst.idx.msk $0xffff, v33  }
0x10e: {  	v59 =	vor.u32 v30, v32;
	v33 =	vld [tilespmem:s16+$0x0];
	_ =	sdelay $0x4  }
0x10f: {  	s20 =	sor.u32 s3, s22;
	[tilespmem:v59+s17+$0x0] =	vst.idx.msk $0xffff, v33  }
0x110: {  	v32 =	vor.u32 v31, v32;
	v33 =	vld [tilespmem:s20+$0x0];
	_ =	sdelay $0x3  }
0x111: {  	s22 =	sshll.u32 s26, $0xB  }
0x112: {  	s0 =	sadd.s32 s6, s22;
	[tilespmem:v32+s17+$0x0] =	vst.idx.msk $0xffff, v33  }
0x113: {  	[hbm4b:s0+s4] =	stream.linear.scatter [tilespmem:s17], [sflag:$0x3], $0x4000, $0x38;
	[tilespmem:$0x10000] =	vst v63  }
0x114: {  	_ =	swait.ge [sflag:s18], $0x2000  }
0x115: {  	p1 =	seq.s32 s23, $0x27;
	[sflag:s18] =	ssyncset.done $0x0  }
0x116: {  	s0 =	sadd.s32 @!p1 s10, s25;
	[sflag:s18] =	ssyncadd.s32 $0xFFFFE000  }
0x117: {  	s0 =	smin.u32 @!p1 s0, $0x9EA;
	_ =	swait.ge [sflag:s18], $0x2000  }
0x118: {  	s0 =	sshll.u32 @!p1 s0, $0xA;
	[sflag:s18] =	ssyncset.done $0x0  }
0x119: {  	s3 =	simm.s32 @!p1 $0x0;
	s2 =	sadd.s32 @!p1 s1, s0;
	[sflag:s18] =	ssyncadd.s32 $0xFFFFE000  }
0x11a: {  	[tilespmem:s3], [sflag:$0x1] =	stream.linear.gather @!p1 [hbm4b:s2+s3], $0x2000, $0x38;
	[tilespmem:$0x10000] =	vst v63  }
0x11b: {  	p2 =	seq.s32 @!p1 s23, $0x0;
	s0 =	sadd.s32 @!p1 s0, s8;
	s2 =	simm.s32 @!p1 $0x2000  }
0x11c: {  	[tilespmem:s2], [sflag:$0x1] =	stream.linear.gather @!p1 [hbm4b:s0+s3], $0x2000, $0x38;
	[tilespmem:$0x10000] =	vst v63  }
0x11d: {  	s25 =	simm.s32 $0x0;
	p1 =	por p1, !p2  }
0x11e: {  	s9 =	sand.u32 $0x1C00, s25;
	_ =	swait.ge @p1 [sflag:s21], $0x4000  }
0x11f: {  	s2 =	sand.u32 $0x60, s25;
	s0 =	sor.u32 $0x4000, s9;
	[sflag:s21] =	ssyncset.done @p1 $0x0  }
0x120: {  	v32 =	vimm.s32 $0x0;
	s26 =	sor.u32 s2, s0;
	[sflag:s21] =	ssyncadd.s32 @p1 $0xFFFFC000  }
0x121: {  	v61 =	vor.u32 v0, v32;
	v60 =	vld [tilespmem:s26+$0x0];
	_ =	sdelay $0x4  }
0x122: {  	[tilespmem:v61+s19+$0x0] =	vst.idx.msk $0xffff, v60  }
0x123: {  	v62 =	vor.u32 v1, v32;
	v33 =	vld [tilespmem:s26+$0x80];
	_ =	sdelay $0x4  }
0x124: {  	[tilespmem:v62+s19+$0x0] =	vst.idx.msk $0xffff, v33  }
0x125: {  	v63 =	vor.u32 v2, v32;
	v33 =	vld [tilespmem:s26+$0x100];
	_ =	sdelay $0x4  }
0x126: {  	[tilespmem:v63+s19+$0x0] =	vst.idx.msk $0xffff, v33  }
0x127: {  	v36 =	vor.u32 v3, v32;
	v33 =	vld [tilespmem:s26+$0x180];
	_ =	sdelay $0x4  }
0x128: {  	[tilespmem:v36+s19+$0x0] =	vst.idx.msk $0xffff, v33  }
0x129: {  	v37 =	vor.u32 v4, v32;
	v33 =	vld [tilespmem:s26+$0x200];
	_ =	sdelay $0x4  }
0x12a: {  	[tilespmem:v37+s19+$0x0] =	vst.idx.msk $0xffff, v33  }
0x12b: {  	v38 =	vor.u32 v5, v32;
	v33 =	vld [tilespmem:s26+$0x280];
	_ =	sdelay $0x1  }
0x12c: {  	s30 =	sand.u32 $0x3, s25  }
0x12d: {  	s3 =	sshll.u32 s30, $0x5  }
0x12e: {  	s3 =	sadd.s32 $0x0, s3  }
0x12f: {  	s31 =	sor.u32 $0x300, s3;
	[tilespmem:v38+s19+$0x0] =	vst.idx.msk $0xffff, v33  }
0x130: {  	v39 =	vor.u32 v6, v32;
	v33 =	vld [tilespmem:s31+$0x4000];
	_ =	sdelay $0x3  }
0x131: {  	s11 =	sor.u32 s25, s25  }
0x132: {  	s7 =	sor.u32 $0x380, s11;
	[tilespmem:v39+s19+$0x0] =	vst.idx.msk $0xffff, v33  }
0x133: {  	v40 =	vor.u32 v7, v32;
	v33 =	vld [tilespmem:s7+$0x4000];
	_ =	sdelay $0x3  }
0x134: {  	s7 =	sor.u32 $0x6000, s9  }
0x135: {  	s12 =	sor.u32 s2, s7;
	[tilespmem:v40+s19+$0x0] =	vst.idx.msk $0xffff, v33  }
0x136: {  	v41 =	vor.u32 v8, v32;
	v33 =	vld [tilespmem:s12+$0x0];
	_ =	sdelay $0x3  }
0x137: {  	s11 =	sor.u32 $0x6080, s9  }
0x138: {  	s13 =	sor.u32 s2, s11;
	[tilespmem:v41+s19+$0x0] =	vst.idx.msk $0xffff, v33  }
0x139: {  	v42 =	vor.u32 v9, v32;
	v33 =	vld [tilespmem:s13+$0x0];
	_ =	sdelay $0x3  }
0x13a: {  	s12 =	sor.u32 $0x6100, s9  }
0x13b: {  	s15 =	sor.u32 s2, s12;
	[tilespmem:v42+s19+$0x0] =	vst.idx.msk $0xffff, v33  }
0x13c: {  	v43 =	vor.u32 v10, v32;
	v33 =	vld [tilespmem:s15+$0x0];
	_ =	sdelay $0x3  }
0x13d: {  	s13 =	sor.u32 $0x6180, s9  }
0x13e: {  	s16 =	sor.u32 s2, s13;
	[tilespmem:v43+s19+$0x0] =	vst.idx.msk $0xffff, v33  }
0x13f: {  	v44 =	vor.u32 v11, v32;
	v33 =	vld [tilespmem:s16+$0x0];
	_ =	sdelay $0x3  }
0x140: {  	s15 =	sor.u32 $0x6200, s9  }
0x141: {  	s20 =	sor.u32 s2, s15;
	[tilespmem:v44+s19+$0x0] =	vst.idx.msk $0xffff, v33  }
0x142: {  	v45 =	vor.u32 v12, v32;
	v33 =	vld [tilespmem:s20+$0x0];
	_ =	sdelay $0x3  }
0x143: {  	s20 =	sor.u32 $0x6280, s9  }
0x144: {  	s22 =	sor.u32 s2, s20;
	[tilespmem:v45+s19+$0x0] =	vst.idx.msk $0xffff, v33  }
0x145: {  	v46 =	vor.u32 v13, v32;
	v33 =	vld [tilespmem:s22+$0x0];
	_ =	sdelay $0x3  }
0x146: {  	s22 =	sor.u32 $0x6300, s9  }
0x147: {  	s26 =	sor.u32 s2, s22;
	[tilespmem:v46+s19+$0x0] =	vst.idx.msk $0xffff, v33  }
0x148: {  	v47 =	vor.u32 v14, v32;
	v33 =	vld [tilespmem:s26+$0x0];
	_ =	sdelay $0x3  }
0x149: {  	s9 =	sor.u32 $0x6380, s9  }
0x14a: {  	s30 =	sor.u32 s2, s9;
	[tilespmem:v47+s19+$0x0] =	vst.idx.msk $0xffff, v33  }
0x14b: {  	v48 =	vor.u32 v15, v32;
	v33 =	vld [tilespmem:s30+$0x0];
	_ =	sdelay $0x3  }
0x14c: {  	s2 =	sor.u32 $0x10, s2  }
0x14d: {  	s0 =	sor.u32 s2, s0;
	[tilespmem:v48+s19+$0x0] =	vst.idx.msk $0xffff, v33  }
0x14e: {  	v49 =	vor.u32 v16, v32;
	v33 =	vld [tilespmem:s0+$0x0];
	_ =	sdelay $0x4  }
0x14f: {  	[tilespmem:v49+s19+$0x0] =	vst.idx.msk $0xffff, v33  }
0x150: {  	v50 =	vor.u32 v17, v32;
	v33 =	vld [tilespmem:s0+$0x80];
	_ =	sdelay $0x4  }
0x151: {  	[tilespmem:v50+s19+$0x0] =	vst.idx.msk $0xffff, v33  }
0x152: {  	v51 =	vor.u32 v18, v32;
	v33 =	vld [tilespmem:s0+$0x100];
	_ =	sdelay $0x4  }
0x153: {  	[tilespmem:v51+s19+$0x0] =	vst.idx.msk $0xffff, v33  }
0x154: {  	v52 =	vor.u32 v19, v32;
	v33 =	vld [tilespmem:s0+$0x180];
	_ =	sdelay $0x4  }
0x155: {  	[tilespmem:v52+s19+$0x0] =	vst.idx.msk $0xffff, v33  }
0x156: {  	v53 =	vor.u32 v20, v32;
	v33 =	vld [tilespmem:s0+$0x200];
	_ =	sdelay $0x4  }
0x157: {  	[tilespmem:v53+s19+$0x0] =	vst.idx.msk $0xffff, v33  }
0x158: {  	v54 =	vor.u32 v21, v32;
	v33 =	vld [tilespmem:s0+$0x280];
	_ =	sdelay $0x3  }
0x159: {  	s31 =	sadd.s32 $0x10, s3  }
0x15a: {  	s3 =	sor.u32 $0x300, s31;
	[tilespmem:v54+s19+$0x0] =	vst.idx.msk $0xffff, v33  }
0x15b: {  	v55 =	vor.u32 v22, v32;
	v33 =	vld [tilespmem:s3+$0x4000];
	_ =	sdelay $0x4  }
0x15c: {  	s0 =	sor.u32 $0x380, s31;
	[tilespmem:v55+s19+$0x0] =	vst.idx.msk $0xffff, v33  }
0x15d: {  	v56 =	vor.u32 v23, v32;
	v33 =	vld [tilespmem:s0+$0x4000];
	_ =	sdelay $0x4  }
0x15e: {  	s7 =	sor.u32 s2, s7;
	[tilespmem:v56+s19+$0x0] =	vst.idx.msk $0xffff, v33  }
0x15f: {  	v57 =	vor.u32 v24, v32;
	v33 =	vld [tilespmem:s7+$0x0];
	_ =	sdelay $0x4  }
0x160: {  	s11 =	sor.u32 s2, s11;
	[tilespmem:v57+s19+$0x0] =	vst.idx.msk $0xffff, v33  }
0x161: {  	v58 =	vor.u32 v25, v32;
	v33 =	vld [tilespmem:s11+$0x0];
	_ =	sdelay $0x4  }
0x162: {  	s12 =	sor.u32 s2, s12;
	[tilespmem:v58+s19+$0x0] =	vst.idx.msk $0xffff, v33  }
0x163: {  	v59 =	vor.u32 v26, v32;
	v33 =	vld [tilespmem:s12+$0x0];
	_ =	sdelay $0x4  }
0x164: {  	s13 =	sor.u32 s2, s13;
	[tilespmem:v59+s19+$0x0] =	vst.idx.msk $0xffff, v33  }
0x165: {  	v60 =	vor.u32 v27, v32;
	v33 =	vld [tilespmem:s13+$0x0];
	_ =	sdelay $0x4  }
0x166: {  	s16 =	sor.u32 s2, s15;
	[tilespmem:v60+s19+$0x0] =	vst.idx.msk $0xffff, v33  }
0x167: {  	v61 =	vor.u32 v28, v32;
	v33 =	vld [tilespmem:s16+$0x0];
	_ =	sdelay $0x4  }
0x168: {  	s26 =	sor.u32 s2, s20;
	[tilespmem:v61+s19+$0x0] =	vst.idx.msk $0xffff, v33  }
0x169: {  	v62 =	vor.u32 v29, v32;
	v33 =	vld [tilespmem:s26+$0x0];
	_ =	sdelay $0x4  }
0x16a: {  	s30 =	sor.u32 s2, s22;
	[tilespmem:v62+s19+$0x0] =	vst.idx.msk $0xffff, v33  }
0x16b: {  	v63 =	vor.u32 v30, v32;
	v33 =	vld [tilespmem:s30+$0x0];
	_ =	sdelay $0x4  }
0x16c: {  	s31 =	sor.u32 s2, s9;
	[tilespmem:v63+s19+$0x0] =	vst.idx.msk $0xffff, v33  }
0x16d: {  	v34 =	vor.u32 v31, v32;
	v33 =	vld [tilespmem:s31+$0x0];
	_ =	sdelay $0x1  }
0x16e: {  	s26 =	simm.s32 $0x100  }
0x16f: {  	s28 =	simm.s32 $0x20;
	s29 =	simm.s32 $0x40;
	s0 =	sand.u32 $0x1C00, s26  }
.LBB2_5:
0x170: {  	p1 =	sne.s32 s29, $0x3E0;
	s30 =	sand.u32 $0x60, s28;
	s3 =	sor.u32 $0x4000, s0  }
0x171: {  	v32 =	vadd.s32 $0x200, v32;
	s2 =	sor.u32 s30, s3;
	[tilespmem:v34+s19+$0x0] =	vst.idx.msk $0xffff, v33  }
0x172: {  	v34 =	vor.u32 v0, v32;
	v33 =	vld [tilespmem:s2+$0x0];
	_ =	sdelay $0x4  }
0x173: {  	[tilespmem:v34+s19+$0x0] =	vst.idx.msk $0xffff, v33  }
0x174: {  	v34 =	vor.u32 v1, v32;
	v33 =	vld [tilespmem:s2+$0x80];
	_ =	sdelay $0x4  }
0x175: {  	[tilespmem:v34+s19+$0x0] =	vst.idx.msk $0xffff, v33  }
0x176: {  	v34 =	vor.u32 v2, v32;
	v33 =	vld [tilespmem:s2+$0x100];
	_ =	sdelay $0x4  }
0x177: {  	[tilespmem:v34+s19+$0x0] =	vst.idx.msk $0xffff, v33  }
0x178: {  	v34 =	vor.u32 v3, v32;
	v33 =	vld [tilespmem:s2+$0x180];
	_ =	sdelay $0x4  }
0x179: {  	[tilespmem:v34+s19+$0x0] =	vst.idx.msk $0xffff, v33  }
0x17a: {  	v34 =	vor.u32 v4, v32;
	v33 =	vld [tilespmem:s2+$0x200];
	_ =	sdelay $0x4  }
0x17b: {  	[tilespmem:v34+s19+$0x0] =	vst.idx.msk $0xffff, v33  }
0x17c: {  	v34 =	vor.u32 v5, v32;
	v33 =	vld [tilespmem:s2+$0x280]  }
0x17d: {  	s25 =	sadd.s32 $0x1, s25  }
0x17e: {  	s2 =	sand.u32 $0x3, s25  }
0x17f: {  	s2 =	sshll.u32 s2, $0x5  }
0x180: {  	s2 =	sadd.s32 s2, s26  }
0x181: {  	s7 =	sor.u32 $0x300, s2;
	[tilespmem:v34+s19+$0x0] =	vst.idx.msk $0xffff, v33  }
0x182: {  	v34 =	vor.u32 v6, v32;
	v33 =	vld [tilespmem:s7+$0x4000];
	_ =	sdelay $0x3  }
0x183: {  	s7 =	sor.u32 s26, s28;
	s28 =	smov.u32 s29  }
0x184: {  	s7 =	sor.u32 $0x380, s7;
	[tilespmem:v34+s19+$0x0] =	vst.idx.msk $0xffff, v33  }
0x185: {  	v34 =	vor.u32 v7, v32;
	v33 =	vld [tilespmem:s7+$0x4000];
	_ =	sdelay $0x3  }
0x186: {  	s13 =	sor.u32 $0x6000, s0  }
0x187: {  	s7 =	sor.u32 s30, s13;
	[tilespmem:v34+s19+$0x0] =	vst.idx.msk $0xffff, v33  }
0x188: {  	v34 =	vor.u32 v8, v32;
	v33 =	vld [tilespmem:s7+$0x0];
	_ =	sdelay $0x3  }
0x189: {  	s7 =	sor.u32 $0x6080, s0  }
0x18a: {  	s9 =	sor.u32 s30, s7;
	[tilespmem:v34+s19+$0x0] =	vst.idx.msk $0xffff, v33  }
0x18b: {  	v34 =	vor.u32 v9, v32;
	v33 =	vld [tilespmem:s9+$0x0];
	_ =	sdelay $0x3  }
0x18c: {  	s9 =	sor.u32 $0x6100, s0  }
0x18d: {  	s11 =	sor.u32 s30, s9;
	[tilespmem:v34+s19+$0x0] =	vst.idx.msk $0xffff, v33  }
0x18e: {  	v34 =	vor.u32 v10, v32;
	v33 =	vld [tilespmem:s11+$0x0];
	_ =	sdelay $0x3  }
0x18f: {  	s11 =	sor.u32 $0x6180, s0  }
0x190: {  	s12 =	sor.u32 s30, s11;
	[tilespmem:v34+s19+$0x0] =	vst.idx.msk $0xffff, v33  }
0x191: {  	v34 =	vor.u32 v11, v32;
	v33 =	vld [tilespmem:s12+$0x0];
	_ =	sdelay $0x3  }
0x192: {  	s12 =	sor.u32 $0x6200, s0  }
0x193: {  	s15 =	sor.u32 s30, s12;
	[tilespmem:v34+s19+$0x0] =	vst.idx.msk $0xffff, v33  }
0x194: {  	v34 =	vor.u32 v12, v32;
	v33 =	vld [tilespmem:s15+$0x0];
	_ =	sdelay $0x3  }
0x195: {  	s20 =	sor.u32 $0x6280, s0  }
0x196: {  	s15 =	sor.u32 s30, s20;
	[tilespmem:v34+s19+$0x0] =	vst.idx.msk $0xffff, v33  }
0x197: {  	v34 =	vor.u32 v13, v32;
	v33 =	vld [tilespmem:s15+$0x0];
	_ =	sdelay $0x3  }
0x198: {  	s22 =	sor.u32 $0x6300, s0  }
0x199: {  	s15 =	sor.u32 s30, s22;
	[tilespmem:v34+s19+$0x0] =	vst.idx.msk $0xffff, v33  }
0x19a: {  	v34 =	vor.u32 v14, v32;
	v33 =	vld [tilespmem:s15+$0x0];
	_ =	sdelay $0x3  }
0x19b: {  	s0 =	sor.u32 $0x6380, s0  }
0x19c: {  	s15 =	sor.u32 s30, s0;
	[tilespmem:v34+s19+$0x0] =	vst.idx.msk $0xffff, v33  }
0x19d: {  	v34 =	vor.u32 v15, v32;
	v33 =	vld [tilespmem:s15+$0x0];
	_ =	sdelay $0x3  }
0x19e: {  	s15 =	sor.u32 $0x10, s30  }
0x19f: {  	s3 =	sor.u32 s15, s3;
	[tilespmem:v34+s19+$0x0] =	vst.idx.msk $0xffff, v33  }
0x1a0: {  	v34 =	vor.u32 v16, v32;
	v33 =	vld [tilespmem:s3+$0x0];
	_ =	sdelay $0x4  }
0x1a1: {  	[tilespmem:v34+s19+$0x0] =	vst.idx.msk $0xffff, v33  }
0x1a2: {  	v34 =	vor.u32 v17, v32;
	v33 =	vld [tilespmem:s3+$0x80];
	_ =	sdelay $0x4  }
0x1a3: {  	[tilespmem:v34+s19+$0x0] =	vst.idx.msk $0xffff, v33  }
0x1a4: {  	v34 =	vor.u32 v18, v32;
	v33 =	vld [tilespmem:s3+$0x100];
	_ =	sdelay $0x4  }
0x1a5: {  	[tilespmem:v34+s19+$0x0] =	vst.idx.msk $0xffff, v33  }
0x1a6: {  	v34 =	vor.u32 v19, v32;
	v33 =	vld [tilespmem:s3+$0x180];
	_ =	sdelay $0x4  }
0x1a7: {  	[tilespmem:v34+s19+$0x0] =	vst.idx.msk $0xffff, v33  }
0x1a8: {  	v34 =	vor.u32 v20, v32;
	v33 =	vld [tilespmem:s3+$0x200];
	_ =	sdelay $0x4  }
0x1a9: {  	[tilespmem:v34+s19+$0x0] =	vst.idx.msk $0xffff, v33  }
0x1aa: {  	v34 =	vor.u32 v21, v32;
	v33 =	vld [tilespmem:s3+$0x280];
	_ =	sdelay $0x3  }
0x1ab: {  	s2 =	sadd.s32 $0x10, s2  }
0x1ac: {  	s3 =	sor.u32 $0x300, s2;
	[tilespmem:v34+s19+$0x0] =	vst.idx.msk $0xffff, v33  }
0x1ad: {  	v34 =	vor.u32 v22, v32;
	v33 =	vld [tilespmem:s3+$0x4000];
	_ =	sdelay $0x4  }
0x1ae: {  	s2 =	sor.u32 $0x380, s2;
	[tilespmem:v34+s19+$0x0] =	vst.idx.msk $0xffff, v33  }
0x1af: {  	v34 =	vor.u32 v23, v32;
	v33 =	vld [tilespmem:s2+$0x4000];
	_ =	sdelay $0x4  }
0x1b0: {  	s2 =	sor.u32 s15, s13;
	[tilespmem:v34+s19+$0x0] =	vst.idx.msk $0xffff, v33  }
0x1b1: {  	v34 =	vor.u32 v24, v32;
	v33 =	vld [tilespmem:s2+$0x0];
	_ =	sdelay $0x4  }
0x1b2: {  	s2 =	sor.u32 s15, s7;
	[tilespmem:v34+s19+$0x0] =	vst.idx.msk $0xffff, v33  }
0x1b3: {  	v34 =	vor.u32 v25, v32;
	v33 =	vld [tilespmem:s2+$0x0];
	_ =	sdelay $0x4  }
0x1b4: {  	s2 =	sor.u32 s15, s9;
	[tilespmem:v34+s19+$0x0] =	vst.idx.msk $0xffff, v33  }
0x1b5: {  	v34 =	vor.u32 v26, v32;
	v33 =	vld [tilespmem:s2+$0x0];
	_ =	sdelay $0x4  }
0x1b6: {  	s2 =	sor.u32 s15, s11;
	[tilespmem:v34+s19+$0x0] =	vst.idx.msk $0xffff, v33  }
0x1b7: {  	v34 =	vor.u32 v27, v32;
	v33 =	vld [tilespmem:s2+$0x0];
	_ =	sdelay $0x4  }
0x1b8: {  	s2 =	sor.u32 s15, s12;
	[tilespmem:v34+s19+$0x0] =	vst.idx.msk $0xffff, v33  }
0x1b9: {  	v34 =	vor.u32 v28, v32;
	v33 =	vld [tilespmem:s2+$0x0];
	_ =	sdelay $0x4  }
0x1ba: {  	s2 =	sor.u32 s15, s20;
	[tilespmem:v34+s19+$0x0] =	vst.idx.msk $0xffff, v33  }
0x1bb: {  	v34 =	vor.u32 v29, v32;
	v33 =	vld [tilespmem:s2+$0x0];
	_ =	sdelay $0x4  }
0x1bc: {  	s2 =	sor.u32 s15, s22;
	[tilespmem:v34+s19+$0x0] =	vst.idx.msk $0xffff, v33  }
0x1bd: {  	v34 =	vor.u32 v30, v32;
	v33 =	vld [tilespmem:s2+$0x0];
	_ =	sdelay $0x4  }
.Ltmp1:
0x1be: {  	s0 =	sor.u32 s15, s0;
	[tilespmem:v34+s19+$0x0] =	vst.idx.msk $0xffff, v33;
	(pc) =	sbr.rel @p1 .LBB2_5-.Ltmp1, $3  }
0x1bf: {  	v34 =	vor.u32 v31, v32;
	v33 =	vld [tilespmem:s0+$0x0];
	_ =	sdelay $0x1  }
0x1c0: {  	s26 =	sadd.s32 $0x100, s26  }
0x1c1: {  	s29 =	sadd.s32 $0x20, s29;
	s0 =	sand.u32 $0x1C00, s26  }
0x1c2: {  	_ =	sdelay $0x2  }
0x1c3: {  	s3 =	sand.u32 $0x60, s28;
	s2 =	sor.u32 $0x4000, s0  }
0x1c4: {  	v32 =	vadd.s32 $0x200, v32;
	s7 =	sor.u32 s3, s2;
	[tilespmem:v34+s19+$0x0] =	vst.idx.msk $0xffff, v33  }
0x1c5: {  	v61 =	vor.u32 v0, v32;
	v33 =	vld [tilespmem:s7+$0x0];
	_ =	sdelay $0x4  }
0x1c6: {  	[tilespmem:v61+s19+$0x0] =	vst.idx.msk $0xffff, v33  }
0x1c7: {  	v62 =	vor.u32 v1, v32;
	v33 =	vld [tilespmem:s7+$0x80];
	_ =	sdelay $0x4  }
0x1c8: {  	[tilespmem:v62+s19+$0x0] =	vst.idx.msk $0xffff, v33  }
0x1c9: {  	v63 =	vor.u32 v2, v32;
	v33 =	vld [tilespmem:s7+$0x100];
	_ =	sdelay $0x4  }
0x1ca: {  	[tilespmem:v63+s19+$0x0] =	vst.idx.msk $0xffff, v33  }
0x1cb: {  	v36 =	vor.u32 v3, v32;
	v33 =	vld [tilespmem:s7+$0x180];
	_ =	sdelay $0x4  }
0x1cc: {  	[tilespmem:v36+s19+$0x0] =	vst.idx.msk $0xffff, v33  }
0x1cd: {  	v37 =	vor.u32 v4, v32;
	v33 =	vld [tilespmem:s7+$0x200];
	_ =	sdelay $0x4  }
0x1ce: {  	[tilespmem:v37+s19+$0x0] =	vst.idx.msk $0xffff, v33  }
0x1cf: {  	v38 =	vor.u32 v5, v32;
	v33 =	vld [tilespmem:s7+$0x280]  }
0x1d0: {  	s20 =	sadd.s32 $0x1, s25  }
0x1d1: {  	s7 =	sand.u32 $0x3, s20  }
0x1d2: {  	s7 =	sshll.u32 s7, $0x5  }
0x1d3: {  	s7 =	sadd.s32 s7, s26  }
0x1d4: {  	s9 =	sor.u32 $0x300, s7;
	[tilespmem:v38+s19+$0x0] =	vst.idx.msk $0xffff, v33  }
0x1d5: {  	v39 =	vor.u32 v6, v32;
	v33 =	vld [tilespmem:s9+$0x4000];
	_ =	sdelay $0x3  }
0x1d6: {  	s22 =	sor.u32 s26, s28  }
0x1d7: {  	s9 =	sor.u32 $0x380, s22;
	[tilespmem:v39+s19+$0x0] =	vst.idx.msk $0xffff, v33  }
0x1d8: {  	v40 =	vor.u32 v7, v32;
	v33 =	vld [tilespmem:s9+$0x4000];
	_ =	sdelay $0x3  }
0x1d9: {  	s9 =	sor.u32 $0x6000, s0  }
0x1da: {  	s11 =	sor.u32 s3, s9;
	[tilespmem:v40+s19+$0x0] =	vst.idx.msk $0xffff, v33  }
0x1db: {  	v41 =	vor.u32 v8, v32;
	v33 =	vld [tilespmem:s11+$0x0];
	_ =	sdelay $0x3  }
0x1dc: {  	s11 =	sor.u32 $0x6080, s0  }
0x1dd: {  	s12 =	sor.u32 s3, s11;
	[tilespmem:v41+s19+$0x0] =	vst.idx.msk $0xffff, v33  }
0x1de: {  	v42 =	vor.u32 v9, v32;
	v33 =	vld [tilespmem:s12+$0x0];
	_ =	sdelay $0x3  }
0x1df: {  	s25 =	sor.u32 $0x6100, s0  }
0x1e0: {  	s13 =	sor.u32 s3, s25;
	[tilespmem:v42+s19+$0x0] =	vst.idx.msk $0xffff, v33  }
0x1e1: {  	v43 =	vor.u32 v10, v32;
	v33 =	vld [tilespmem:s13+$0x0];
	_ =	sdelay $0x3  }
0x1e2: {  	s26 =	sor.u32 $0x6180, s0  }
0x1e3: {  	s15 =	sor.u32 s3, s26;
	[tilespmem:v43+s19+$0x0] =	vst.idx.msk $0xffff, v33  }
0x1e4: {  	v44 =	vor.u32 v11, v32;
	v33 =	vld [tilespmem:s15+$0x0];
	_ =	sdelay $0x3  }
0x1e5: {  	s15 =	sor.u32 $0x6200, s0  }
0x1e6: {  	s16 =	sor.u32 s3, s15;
	[tilespmem:v44+s19+$0x0] =	vst.idx.msk $0xffff, v33  }
0x1e7: {  	v45 =	vor.u32 v12, v32;
	v33 =	vld [tilespmem:s16+$0x0];
	_ =	sdelay $0x3  }
0x1e8: {  	s20 =	sor.u32 $0x6280, s0  }
0x1e9: {  	s28 =	sor.u32 s3, s20;
	[tilespmem:v45+s19+$0x0] =	vst.idx.msk $0xffff, v33  }
0x1ea: {  	v46 =	vor.u32 v13, v32;
	v33 =	vld [tilespmem:s28+$0x0];
	_ =	sdelay $0x3  }
0x1eb: {  	s22 =	sor.u32 $0x6300, s0  }
0x1ec: {  	s29 =	sor.u32 s3, s22;
	[tilespmem:v46+s19+$0x0] =	vst.idx.msk $0xffff, v33  }
0x1ed: {  	v47 =	vor.u32 v14, v32;
	v33 =	vld [tilespmem:s29+$0x0];
	_ =	sdelay $0x3  }
0x1ee: {  	s0 =	sor.u32 $0x6380, s0  }
0x1ef: {  	s30 =	sor.u32 s3, s0;
	[tilespmem:v47+s19+$0x0] =	vst.idx.msk $0xffff, v33  }
0x1f0: {  	v48 =	vor.u32 v15, v32;
	v33 =	vld [tilespmem:s30+$0x0];
	_ =	sdelay $0x3  }
0x1f1: {  	s3 =	sor.u32 $0x10, s3  }
0x1f2: {  	s2 =	sor.u32 s3, s2;
	[tilespmem:v48+s19+$0x0] =	vst.idx.msk $0xffff, v33  }
0x1f3: {  	v49 =	vor.u32 v16, v32;
	v33 =	vld [tilespmem:s2+$0x0];
	_ =	sdelay $0x4  }
0x1f4: {  	[tilespmem:v49+s19+$0x0] =	vst.idx.msk $0xffff, v33  }
0x1f5: {  	v50 =	vor.u32 v17, v32;
	v33 =	vld [tilespmem:s2+$0x80];
	_ =	sdelay $0x4  }
0x1f6: {  	[tilespmem:v50+s19+$0x0] =	vst.idx.msk $0xffff, v33  }
0x1f7: {  	v51 =	vor.u32 v18, v32;
	v33 =	vld [tilespmem:s2+$0x100];
	_ =	sdelay $0x4  }
0x1f8: {  	[tilespmem:v51+s19+$0x0] =	vst.idx.msk $0xffff, v33  }
0x1f9: {  	v52 =	vor.u32 v19, v32;
	v33 =	vld [tilespmem:s2+$0x180];
	_ =	sdelay $0x4  }
0x1fa: {  	[tilespmem:v52+s19+$0x0] =	vst.idx.msk $0xffff, v33  }
0x1fb: {  	v53 =	vor.u32 v20, v32;
	v33 =	vld [tilespmem:s2+$0x200];
	_ =	sdelay $0x4  }
0x1fc: {  	[tilespmem:v53+s19+$0x0] =	vst.idx.msk $0xffff, v33  }
0x1fd: {  	v54 =	vor.u32 v21, v32;
	v33 =	vld [tilespmem:s2+$0x280];
	_ =	sdelay $0x3  }
0x1fe: {  	s31 =	sadd.s32 $0x10, s7  }
0x1ff: {  	s7 =	sor.u32 $0x300, s31;
	[tilespmem:v54+s19+$0x0] =	vst.idx.msk $0xffff, v33  }
0x200: {  	v55 =	vor.u32 v22, v32;
	v33 =	vld [tilespmem:s7+$0x4000];
	_ =	sdelay $0x4  }
0x201: {  	s2 =	sor.u32 $0x380, s31;
	[tilespmem:v55+s19+$0x0] =	vst.idx.msk $0xffff, v33  }
0x202: {  	v56 =	vor.u32 v23, v32;
	v33 =	vld [tilespmem:s2+$0x4000];
	_ =	sdelay $0x4  }
0x203: {  	s9 =	sor.u32 s3, s9;
	[tilespmem:v56+s19+$0x0] =	vst.idx.msk $0xffff, v33  }
0x204: {  	v57 =	vor.u32 v24, v32;
	v33 =	vld [tilespmem:s9+$0x0];
	_ =	sdelay $0x4  }
0x205: {  	s16 =	sor.u32 s3, s11;
	[tilespmem:v57+s19+$0x0] =	vst.idx.msk $0xffff, v33  }
0x206: {  	v58 =	vor.u32 v25, v32;
	v33 =	vld [tilespmem:s16+$0x0];
	_ =	sdelay $0x4  }
0x207: {  	s25 =	sor.u32 s3, s25;
	[tilespmem:v58+s19+$0x0] =	vst.idx.msk $0xffff, v33  }
0x208: {  	v59 =	vor.u32 v26, v32;
	v33 =	vld [tilespmem:s25+$0x0];
	_ =	sdelay $0x4  }
0x209: {  	s26 =	sor.u32 s3, s26;
	[tilespmem:v59+s19+$0x0] =	vst.idx.msk $0xffff, v33  }
0x20a: {  	v60 =	vor.u32 v27, v32;
	v33 =	vld [tilespmem:s26+$0x0];
	_ =	sdelay $0x4  }
0x20b: {  	s28 =	sor.u32 s3, s15;
	[tilespmem:v60+s19+$0x0] =	vst.idx.msk $0xffff, v33  }
0x20c: {  	v61 =	vor.u32 v28, v32;
	v33 =	vld [tilespmem:s28+$0x0];
	_ =	sdelay $0x4  }
0x20d: {  	s29 =	sor.u32 s3, s20;
	[tilespmem:v61+s19+$0x0] =	vst.idx.msk $0xffff, v33  }
0x20e: {  	v62 =	vor.u32 v29, v32;
	v33 =	vld [tilespmem:s29+$0x0];
	_ =	sdelay $0x4  }
0x20f: {  	s30 =	sor.u32 s3, s22;
	[tilespmem:v62+s19+$0x0] =	vst.idx.msk $0xffff, v33  }
0x210: {  	v63 =	vor.u32 v30, v32;
	v33 =	vld [tilespmem:s30+$0x0];
	_ =	sdelay $0x4  }
0x211: {  	s0 =	sor.u32 s3, s0;
	[tilespmem:v63+s19+$0x0] =	vst.idx.msk $0xffff, v33  }
0x212: {  	s23 =	sadd.s32 $0x1, s23;
	v32 =	vor.u32 v31, v32;
	v33 =	vld [tilespmem:s0+$0x0]  }
0x213: {  	p1 =	sne.s32 s23, $0x28  }
.Ltmp2:
0x214: {  	_ = 	snop;
	(pc) =	sbr.rel @p1 .LBB2_2-.Ltmp2, $4  }
0x215: {  	_ = 	snop  }
0x216: {  	s31 =	sshll.u32 s24, $0xB  }
0x217: {  	s0 =	sadd.s32 s6, s31;
	[tilespmem:v32+s19+$0x0] =	vst.idx.msk $0xffff, v33  }
0x218: {  	[hbm4b:s0+s4] =	stream.linear.scatter [tilespmem:s19], [sflag:$0x4], $0x4000, $0x38;
	[tilespmem:$0x10000] =	vst v63  }
0x219: {  	s0 =	simm.s32 $0x3  }
0x21a: {  	_ =	swait.ge [sflag:s0], $0x4000  }
0x21b: {  	[sflag:s0] =	ssyncset.done $0x0  }
0x21c: {  	[sflag:s0] =	ssyncadd.s32 $0xFFFFC000  }
0x21d: {  	_ =	swait.ge [sflag:s21], $0x4000  }
0x21e: {  	[sflag:s21] =	ssyncset.done $0x0  }
0x21f: {  	[sflag:s21] =	ssyncadd.s32 $0xFFFFC000  }
0x220: {  	s2 =	simm.s32 @!p0 $0x8000;
	s0 =	simm.s32 @!p0 $0x0;
	s3 =	rddreg [dreg:$0x1]  }
0x221: {  	[tilespmem:s2], [sflag:$0x5] =	stream.linear.gather @!p0 [hbm4b:s3+s0], $0x400, $0x38;
	[tilespmem:$0x10000] =	vst v63  }
0x222: {  	s3 =	simm.s32 @!p0 $0x5  }
0x223: {  	_ =	swait.ge @!p0 [sflag:s3], $0x400  }
0x224: {  	[sflag:s3] =	ssyncset.done @!p0 $0x0  }
0x225: {  	s7 =	rddreg [dreg:$0x6];
	[sflag:s3] =	ssyncadd.s32 @!p0 $0xFFFFFC00  }
0x226: {  	[hbm4b:s7+s0] =	stream.linear.scatter @!p0 [tilespmem:s2], [sflag:$0x5], $0x400, $0x38;
	[tilespmem:$0x10000] =	vst v63  }
0x227: {  	_ =	swait.ge @!p0 [sflag:s3], $0x400  }
0x228: {  	s30 =	rddreg [dreg:$0x8]  }
0x229: {  	s31 =	rddreg [dreg:$0x7];
	s2 =	sadd.s32 $0x1, s30  }
0x22a: {  	p1 =	sne.s32 s2, s31  }
.Ltmp3:
0x22b: {  	_ = 	snop;
	(pc) =	sbr.rel @p1 .LBB2_1-.Ltmp3, $3  }
0x22c: {  	_ =	sdelay $0x1  }
0x22d: {  	[sflag:s3] =	ssyncset.done @!p0 $0x0  }
0x22e: {  	[sflag:s3] =	ssyncadd.s32 @!p0 $0xFFFFFC00  }
0x22f: {  	_ =	sfence.sel $0x180000  }
0x230: {  	[bflag:$0x0] =	sbarrier.arrive $0xFFFF  }
0x231: {  	_ =	strace $0x90000047  }
0x232: {  	s0 =	stileid.u32;
	[bflag:$0x2] =	sbarrier.arrive $0xFFFF  }
0x233: {  	p0 =	sne.s32 s0, $0x0;
	s0 =	rddreg [dreg:$0x3]  }
0x234: {  	s0 =	sadd.s32 @!p0 $0x100000, s0  }
0x235: {  	[sflag:s0] =	ssyncadd.tile.s32 @!p0 $0x1;
	_ =	shalt  }
.Lfunc_end2:
_tile_overlayer_lowered:
.L_overlay_start_2:
0x236: {  	(tag) =	ssettag $0x2  }
0x237: {  	s0 =	rddreg [dreg:$0x0];
	s2 =	stileid.u32  }
0x238: {  	s1 =	rddreg [dreg:$0x1];
	p0 =	sne.s32 s2, $0x0  }
0x239: {  	s3 =	rddreg [dreg:$0x2];
	[bflag:$0x3] =	sbarrier.arrive $0xFFFF;
	s2 =	simm.s32 @!p0 $0x1C05  }
0x23a: {  	[timem:s3], [sflag:s2] =	dma.local @!p0 [hbm:s0], s1  }
0x23b: {  	s0 =	simm.s32 @!p0 $0x5  }
0x23c: {  	_ =	swait.ge @!p0 [sflag:s0], s1  }
0x23d: {  	s1 =	ssub.s32 @!p0 $0x0, s1;
	[sflag:s0] =	ssyncset.done @!p0 $0x0  }
0x23e: {  	[sflag:s0] =	ssyncadd.s32 @!p0 s1  }
0x23f: {  	[bflag:$0x3] =	sbarrier.arrive $0xFFFF  }
0x240: {  	_ =	shalt  }

// kernel: _fm.7.cloned.1.call-start
scs
__scs_entry_jumppad:
0x0: {  	(pc) =	sbr.rel $0x88, $3  }
0x1: {  	(tag) =	ssettag $0x0;
	lr =	simm.s32 $0x1  }
0x2: {  	[smem:$0x3F9E] =	sst lr;
	_ =	strace $0xD0000000  }
0x3: {  	_ = 	snop  }
0x4: {  	_ = 	snop  }
0x5: {  	_ = 	snop  }
0x6: {  	_ = 	snop  }
0x7: {  	_ = 	snop  }
__scs_overlays_trampoline_lowered:
0x8: {  	[smem:$0x3FAD] =	sst s0  }
0x9: {  	[smem:$0x3FAE] =	sst s1  }
0xa: {  	[smem:$0x3FAF] =	sst s2  }
0xb: {  	[smem:$0x3FB0] =	sst s3  }
0xc: {  	[smem:$0x3FB1] =	sst s4  }
0xd: {  	[smem:$0x3FB2] =	sst s5  }
0xe: {  	[smem:$0x3FB3] =	sst s6  }
0xf: {  	[smem:$0x3FB4] =	sst s7  }
0x10: {  	[smem:$0x3FB5] =	sst s8  }
0x11: {  	[smem:$0x3FB6] =	sst s9;
	s0 =	simm.s32 @!p0 $0x0  }
0x12: {  	s1 =	sld [smem:$0x3F9C];
	s0 =	simm.s32 @p0 $0x1  }
0x13: {  	[smem:$0x3FB7] =	sst s0;
	s0 =	simm.s32 @!p1 $0x0  }
0x14: {  	s2 =	sld [smem:$0x3F9B];
	s0 =	simm.s32 @p1 $0x1  }
0x15: {  	[smem:$0x3FB8] =	sst s0;
	s0 =	simm.s32 @!p2 $0x0  }
0x16: {  	s3 =	sld [smem:$0x3FDB];
	s0 =	simm.s32 @p2 $0x1  }
0x17: {  	s4 =	simm.s32 $0x1BF5;
	[smem:$0x3FBA] =	sst s0  }
0x18: {  	s0 =	sld [smem:$0x3F9D];
	_ =	swait.ge [sflag:s4], $0x0  }
0x19: {  	s7 =	sld [smem:$0x3F9E]  }
0x1a: {  	s8 =	sadd.s32 $0xFFFFE003, lr  }
0x1b: {  	s9 =	sadd.s32 $0xFFFFFEF7, lr;
	s5 =	simm.s32 $0xFFFFFFFF;
	p2 =	slt.u32 s8, $0xFFFFF086  }
0x1c: {  	p1 =	slt.u32 s9, $0xF7A;
	s5 =	simm.s32 @!p2 $0x0  }
0x1d: {  	s5 =	simm.s32 @p1 $0x1;
	p0 =	seq.s32 s7, s2  }
0x1e: {  	s7 =	smul.u32 @!p0 $0xF7A, s2;
	p2 =	seq.s32 @!p0 s5, $0x0  }
0x1f: {  	s9 =	smul.u32 $0xF7A, s1;
	s8 =	simm.s32 @!p0 $0x1BF5;
	p2 =	por !p2, p0  }
0x20: {  	[sflag:s8] =	ssyncset.s32 @!p0 $0xFFFFF086;
	s6 =	sadd.s32 @!p0 s3, s7;
	s7 =	simm.s32 @!p0 $0x108  }
0x21: {  	s3 =	sadd.s32 s3, s9;
	s6 =	sadd.s32 @!p0 $0x88, s6;
	s7 =	simm.s32 @p2 $0x1082  }
0x22: {  	[simem:s7], [sflag:s8] =	dma.local @!p0 [hbm:s6], $0xF7A  }
0x23: {  	s9 =	sor.u32 $0xD0000000, s2;
	s6 =	simm.s32 $0x108;
	_ =	swait.ge @!p0 [sflag:s8], $0x0  }
0x24: {  	s3 =	sadd.s32 $0x88, s3;
	s6 =	simm.s32 @!p1 $0x1082;
	[sflag:s4] =	ssyncset.s32 $0xFFFFF086  }
0x25: {  	[simem:s6], [sflag:s4] =	dma.local [hbm:s3], $0xF7A  }
0x26: {  	[smem:$0x3F9E] =	sst s1;
	(tag) =	ssettag s2;
	_ =	strace s9  }
0x27: {  	s1 =	sld [smem:$0x3FAE]  }
0x28: {  	s2 =	sld [smem:$0x3FAF]  }
0x29: {  	s4 =	sld [smem:$0x3FB1]  }
0x2a: {  	p0 =	seq.s32 s5, $0x0;
	s5 =	sld [smem:$0x3FB2]  }
0x2b: {  	s6 =	sld [smem:$0x3FB3]  }
0x2c: {  	s7 =	sld [smem:$0x3FB4]  }
0x2d: {  	s3 =	simm.s32 $0x108;
	s8 =	sld [smem:$0x3FB5]  }
0x2e: {  	s3 =	simm.s32 @!p0 $0x1082;
	s9 =	sld [smem:$0x3FB6]  }
0x2f: {  	lr =	sadd.s32 s0, s3;
	s0 =	sld [smem:$0x3FAD]  }
0x30: {  	s3 =	sld [smem:$0x3FB0]  }
0x31: {  	[smem:$0x3FB9] =	sst s10  }
0x32: {  	s10 =	sld [smem:$0x3FB7];
	_ =	sdelay $0x3  }
0x33: {  	p0 =	seq.s32 s10, $0x1;
	s10 =	sld [smem:$0x3FB9];
	_ =	sdelay $0x3  }
0x34: {  	[smem:$0x3FB9] =	sst s10  }
0x35: {  	s10 =	sld [smem:$0x3FB8];
	_ =	sdelay $0x3  }
0x36: {  	p1 =	seq.s32 s10, $0x1;
	s10 =	sld [smem:$0x3FB9];
	_ =	sdelay $0x3  }
0x37: {  	[smem:$0x3FB9] =	sst s10  }
0x38: {  	s10 =	sld [smem:$0x3FBA]  }
0x39: {  	_ = 	snop;
	(pc) =	sbr.ind lr, $3  }
0x3a: {  	_ = 	snop  }
0x3b: {  	_ = 	snop  }
0x3c: {  	p2 =	seq.s32 s10, $0x1;
	s10 =	sld [smem:$0x3FB9]  }
0x3d: {  	_ =	shalt  }
0x3e: {  	_ =	shalt  }
0x3f: {  	_ =	shalt  }
0x40: {  	_ =	shalt  }
0x41: {  	_ =	shalt  }
0x42: {  	_ =	shalt  }
0x43: {  	_ =	shalt  }
0x44: {  	_ =	shalt  }
0x45: {  	_ =	shalt  }
0x46: {  	_ =	shalt  }
0x47: {  	_ =	shalt  }
0x48: {  	_ =	shalt  }
0x49: {  	_ =	shalt  }
0x4a: {  	_ =	shalt  }
0x4b: {  	_ =	shalt  }
0x4c: {  	_ =	shalt  }
0x4d: {  	_ =	shalt  }
0x4e: {  	_ =	shalt  }
0x4f: {  	_ =	shalt  }
0x50: {  	_ =	shalt  }
0x51: {  	_ =	shalt  }
0x52: {  	_ =	shalt  }
0x53: {  	_ =	shalt  }
0x54: {  	_ =	shalt  }
0x55: {  	_ =	shalt  }
0x56: {  	_ =	shalt  }
0x57: {  	_ =	shalt  }
0x58: {  	_ =	shalt  }
0x59: {  	_ =	shalt  }
0x5a: {  	_ =	shalt  }
0x5b: {  	_ =	shalt  }
0x5c: {  	_ =	shalt  }
0x5d: {  	_ =	shalt  }
0x5e: {  	_ =	shalt  }
0x5f: {  	_ =	shalt  }
0x60: {  	_ =	shalt  }
0x61: {  	_ =	shalt  }
0x62: {  	_ =	shalt  }
0x63: {  	_ =	shalt  }
0x64: {  	_ =	shalt  }
0x65: {  	_ =	shalt  }
0x66: {  	_ =	shalt  }
0x67: {  	_ =	shalt  }
0x68: {  	_ =	shalt  }
0x69: {  	_ =	shalt  }
0x6a: {  	_ =	shalt  }
0x6b: {  	_ =	shalt  }
0x6c: {  	_ =	shalt  }
0x6d: {  	_ =	shalt  }
0x6e: {  	_ =	shalt  }
0x6f: {  	_ =	shalt  }
0x70: {  	_ =	shalt  }
0x71: {  	_ =	shalt  }
0x72: {  	_ =	shalt  }
0x73: {  	_ =	shalt  }
0x74: {  	_ =	shalt  }
0x75: {  	_ =	shalt  }
0x76: {  	_ =	shalt  }
0x77: {  	_ =	shalt  }
0x78: {  	_ =	shalt  }
0x79: {  	_ =	shalt  }
0x7a: {  	_ =	shalt  }
0x7b: {  	_ =	shalt  }
0x7c: {  	_ =	shalt  }
0x7d: {  	_ =	shalt  }
0x7e: {  	_ =	shalt  }
0x7f: {  	_ =	shalt  }
0x80: {  	_ =	shalt  }
0x81: {  	_ =	shalt  }
0x82: {  	_ =	shalt  }
0x83: {  	_ =	shalt  }
0x84: {  	_ =	shalt  }
0x85: {  	_ =	shalt  }
0x86: {  	_ =	shalt  }
0x87: {  	_ =	shalt  }
.Lfunc_end0:
.L_simem_size_0:
called_computation.1_lowered:
.L_overlay_start_0:
0x88: {  	s2 =	sld [smem:$0x3FD9]  }
0x89: {  	s3 =	sld [smem:$0x3FFE];
	_ =	sdelay $0x1  }
0x8a: {  	s1 =	srdreg.scid  }
0x8b: {  	s0 =	sand.u32 $0x1, s1  }
0x8c: {  	s17 =	sshll.u32 s0, $0xA;
	s2 =	sadd.s32 s3, s2  }
0x8d: {  	s2 =	sadd.s32 s2, s17  }
0x8e: {  	[smem:$0x3FC5] =	sst s2  }
0x8f: {  	_ = 	snop  }
0x90: {  	s2 =	sld [smem:$0x3FD0];
	(tm) =	ssettm $0x1  }
0x91: {  	s18 =	sld [smem:$0x3FFB];
	_ =	sdelay $0x3  }
0x92: {  	_ =	strace s18  }
0x93: {  	s3 =	sld [smem:$0x3FFC];
	_ =	sdelay $0x3  }
0x94: {  	_ =	strace s3  }
0x95: {  	s3 =	sld [smem:$0x3FFD];
	_ =	sdelay $0x3  }
0x96: {  	_ =	strace s3  }
0x97: {  	_ =	strace $0x8FFFFFFF  }
0x98: {  	s19 =	sld [smem:$0x3FDB];
	_ =	sdelay $0x1  }
0x99: {  	s4 =	simm.s32 $_scs_section_size  }
0x9a: {  	s5 =	simm.s32 $_size__tile_overlayer_lowered;
	s6 =	simm.s32 $_tile_overlayer_lowered  }
0x9b: {  	s22 =	simm.s32 $0x1BFF;
	s21 =	sshll.u32 s6, $0x1;
	s3 =	sadd.s32 s4, s19  }
0x9c: {  	s7 =	simm.s32 $0x0;
	s20 =	sshll.u32 s5, $0x1;
	s5 =	sadd.s32 s21, s3  }
0x9d: {  	[timem:s7], [sflag:s22] =	dma.local [hbm:s5], s20  }
0x9e: {  	_ =	swait.ge [sflag:s22], s20  }
0x9f: {  	s4 =	ssub.s32 $0x0, s20;
	[sflag:s22] =	ssyncset.done $0x0  }
0xa0: {  	[sflag:s22] =	ssyncadd.s32 s4;
	_ =	sdelay $0x1  }
0xa1: {  	s23 =	simm.s32 $0x1B8B  }
0xa2: {  	_ =	swait.ge [sflag:s23], $0x1  }
0xa3: {  	[sflag:s23] =	ssyncset.done $0x0  }
0xa4: {  	s25 =	simm.s32 $0x1B8E;
	s24 =	sld [smem:$0x3FFE];
	[sflag:s23] =	ssyncadd.s32 $0xFFFFFFFF  }
0xa5: {  	s26 =	simm.s32 $execute0_lowered;
	[smem:$0x3FD2] =	sst s25  }
0xa6: {  	s5 =	sshll.u32 s26, $0x1;
	_ =	strace $0x80000049;
	[dreg:$0x1] =	wrdreg $0xFFFFFFFF  }
0xa7: {  	s28 =	simm.s32 $_size_execute0_lowered;
	s3 =	sadd.s32 s3, s5;
	[dreg:$0x0] =	wrdreg $0x0  }
0xa8: {  	s5 =	sshll.u32 s28, $0x1;
	[dreg:$0x2] =	wrdreg s3  }
0xa9: {  	[dreg:$0x3] =	wrdreg s5  }
0xaa: {  	[dreg:$0x4] =	wrdreg $0xC0  }
0xab: {  	_ =	task [dreg:s7], $0x5FFFF  }
0xac: {  	[dreg:$0x1] =	wrdreg $0xFFFFFFFF  }
0xad: {  	[dreg:$0x0] =	wrdreg $0x60  }
0xae: {  	[dreg:$0x2] =	wrdreg s24  }
0xaf: {  	[dreg:$0x3] =	wrdreg s2  }
0xb0: {  	[dreg:$0x4] =	wrdreg $0x9  }
0xb1: {  	_ =	task.clear_ibuf [dreg:s7], $0x5FFFF;
	_ =	strace $0x90000049  }
0xb2: {  	s29 =	simm.s32 $0x9;
	_ =	strace $0x8000004B  }
0xb3: {  	_ =	swait.ge [sflag:s29], $0x1  }
0xb4: {  	[sflag:s29] =	ssyncadd.s32 $0xFFFFFFFF  }
0xb5: {  	_ =	strace $0x9000004B  }
0xb6: {  	_ =	sfence  }
0xb7: {  	s30 =	sld [smem:$0x0];
	_ =	sdelay $0x2  }
0xb8: {  	s31 =	sshll.u32 s1, $0xD;
	s1 =	sshrl.u32 s1, $0x2  }
0xb9: {  	s3 =	sand.u32 $0x4000, s31;
	s1 =	sadd.s32 s1, s30  }
0xba: {  	s0 =	sor.u32 s3, s0;
	s1 =	sshll.u32 s1, $0x11  }
0xbb: {  	s0 =	sor.u32 s1, s0  }
0xbc: {  	s0 =	sadd.s32 $0x8F2B, s0  }
0xbd: {  	[sflag:s0] =	ssyncadd.remote.s32 $0x1  }
0xbe: {  	_ =	sfence.sel $0xFFFF  }
0xbf: {  	[dreg:$0x0] =	wrdreg $0xFFFFFFFF;
	(pc) =	sbr.abs _section_cstart, $3  }
0xc0: {  	[dreg:$0x1] =	wrdreg $0xFFFFFFFF  }
0xc1: {  	_ =	task.clear_ibuf [dreg:s7], $0x2FFFF;
	_ =	strace $0x9FFFFFFF  }
0xc2: {  	(tm) =	ssettm $0x7FFFFFFF  }
0xc3: {  	_ =	shalt  }
tec
execute0_lowered:
.L_overlay_start_1:
0x0: {  	(tag) =	ssettag $0x1  }
0x1: {  	s4 =	rddreg [dreg:$0x0]  }
0x2: {  	s12 =	rddreg [dreg:$0x1]  }
0x3: {  	s0 =	rddreg [dreg:$0x2];
	s2 =	simm.s32 $0x0;
	s3 =	srdreg.scid  }
0x4: {  	s1 =	stileid.u32;
	s16 =	simm.s32 $0x1;
	s17 =	simm.s32 $0x2  }
0x5: {  	s18 =	simm.s32 $0xEA00;
	s19 =	simm.s32 $0x0;
	[smem:$0x7FF] =	sst s2  }
0x6: {  	s5 =	sand.u32 $0x1, s3;
	s24 =	sshll.u32 s1, $0x1;
	s3 =	sadd.s32 $0x1200, s4  }
0x7: {  	s11 =	sadd.s32 $0x4F6C00, s4;
	s4 =	sadd.s32 $0x503C00, s4;
	s6 =	sor.u32 s5, s24  }
0x8: {  	_ =	strace $0x8000004A;
	s5 =	ssub.s32 $0x2, s5;
	s8 =	sshll.u32 s6, $0x9  }
0x9: {  	s7 =	smul.u32 $0x680, s6;
	s10 =	sshrl.u32 s5, $0x1;
	s6 =	sshll.u32 s6, $0x6  }
0xa: {  	s9 =	sor.u32 $0x80, s8;
	s14 =	ssub.s32 s5, s10;
	s25 =	sor.u32 $0x100, s8  }
0xb: {  	s6 =	sadd.s32 s12, s6;
	s15 =	sor.u32 $0x180, s8;
	s13 =	smul.u32 $0x1A, s9  }
0xc: {  	s5 =	sadd.s32 s11, s7;
	s28 =	smul.u32 $0x1A, s25;
	s29 =	sshrl.u32 s9, $0x3  }
0xd: {  	s31 =	smul.u32 $0x1A, s15;
	s10 =	sshrl.u32 s25, $0x3;
	s15 =	sshrl.u32 s15, $0x3  }
0xe: {  	s8 =	sadd.s32 s12, s29;
	s10 =	sadd.s32 s12, s10;
	s12 =	sadd.s32 s12, s15  }
0xf: {  	s15 =	simm.s32 $0xD00;
	s26 =	sshrl.u32 s13, $0x3;
	s30 =	sshrl.u32 s28, $0x3  }
0x10: {  	s13 =	sshrl.u32 s31, $0x3;
	s7 =	sadd.s32 s11, s26;
	s9 =	sadd.s32 s11, s30  }
0x11: {  	vm0 =	vmmov $0x3f;
	s11 =	sadd.s32 s11, s13;
	s13 =	smax.u32 s14, $0x1;
	s14 =	simm.s32 $0x3  }
.LBB2_1:
0x12: {  	[tilespmem:s2], [sflag:$0x3] =	stream.linear.gather [hbm4b:s5+s2], $0xD00, $0x38;
	[tilespmem:$0xEA80] =	vst v63  }
0x13: {  	_ =	swait.ge [sflag:s14], $0xD00  }
0x14: {  	[sflag:s14] =	ssyncset.done $0x0  }
0x15: {  	[sflag:s14] =	ssyncadd.s32 $0xFFFFF300  }
0x16: {  	[tilespmem:s15], [sflag:$0x1] =	stream.indirect.gather [hbm4b:s3+s15], $0x10, s2, s15, $0xb8;
	[tilespmem:$0xEA80] =	vst v63  }
0x17: {  	s20 =	simm.s32 $0xDD00  }
0x18: {  	[tilespmem:s20], [sflag:$0x2] =	stream.indirect.gather [hbm4b:s4+s15], $0x1, s2, s15, $0xb8;
	[tilespmem:$0xEA80] =	vst v63  }
0x19: {  	_ =	swait.ge [sflag:s16], $0xD000  }
0x1a: {  	[sflag:s16] =	ssyncset.done $0x0  }
0x1b: {  	[sflag:s16] =	ssyncadd.s32 $0xFFFF3000  }
0x1c: {  	_ =	swait.ge [sflag:s17], $0xD00  }
0x1d: {  	[sflag:s17] =	ssyncset.done $0x0  }
0x1e: {  	s21 =	simm.s32 $0xDD0;
	[sflag:s17] =	ssyncadd.s32 $0xFFFFF300  }
0x1f: {  	v0 =	vld [tilespmem:s21+$0xB0]  }
0x20: {  	v1 =	vld [tilespmem:s21+$0xC0]  }
0x21: {  	v2 =	vld [tilespmem:s21+$0xFFFFFF30]  }
0x22: {  	v3 =	vld [tilespmem:s21+$0xFFFFFF40]  }
0x23: {  	v4 =	vld [tilespmem:s21+$0xFFFFFF50]  }
0x24: {  	v5 =	vld [tilespmem:s21+$0xFFFFFF60]  }
0x25: {  	v8 =	vld [tilespmem:s21+$0xFFFFFF90]  }
0x26: {  	v9 =	vld [tilespmem:s21+$0xFFFFFFA0];
	_ =	sdelay $0x1  }
0x27: {  	v6 =	vld [tilespmem:s21+$0xFFFFFF70]  }
0x28: {  	v7 =	vld [tilespmem:s21+$0xFFFFFF80];
	v10 =	vmul.f32 v2, v2  }
0x29: {  	v12 =	vld [tilespmem:s21+$0xFFFFFFB0];
	v11 =	vmul.f32 v3, v3;
	v2 =	vadd.f32 v3, v2;
	v3 =	vadd.f32 v5, v4  }
0x2a: {  	v15 =	vld [tilespmem:s21+$0xFFFFFFE0];
	v13 =	vadd.f32 v1, v0;
	v0 =	vmul.f32 v0, v0;
	v16 =	vadd.f32 v9, v8  }
0x2b: {  	v17 =	vld [tilespmem:s21+$0xFFFFFFF0];
	v8 =	vmul.f32 v8, v8;
	v9 =	vmul.f32 v9, v9;
	v10 =	vadd.f32 v11, v10  }
0x2c: {  	v11 =	vld [tilespmem:s21+$0xFFFFFFC0];
	v2 =	vadd.f32 v3, v2;
	v3 =	vmul.f32 v4, v4;
	v4 =	vmul.f32 v5, v5  }
0x2d: {  	v14 =	vadd.f32 v7, v6;
	v6 =	vmul.f32 v6, v6;
	v7 =	vmul.f32 v7, v7;
	v5 =	vld [tilespmem:s21+$0xFFFFFFD0]  }
0x2e: {  	v1 =	vmul.f32 v1, v1;
	v8 =	vadd.f32 v9, v8;
	v9 =	vld [tilespmem:s21+$0x10];
	v3 =	vadd.f32 v4, v3  }
0x2f: {  	v4 =	vadd.f32 v7, v6;
	v6 =	vld [tilespmem:s21+$0x0];
	v7 =	vadd.f32 v16, v14  }
0x30: {  	v0 =	vadd.f32 v1, v0;
	v16 =	vld [tilespmem:s21+$0x50];
	v1 =	vadd.f32 v3, v10  }
0x31: {  	v3 =	vld [tilespmem:s21+$0x20];
	v2 =	vadd.f32 v7, v2;
	v4 =	vadd.f32 v8, v4;
	v10 =	vmul.f32 v12, v12  }
0x32: {  	v7 =	vld [tilespmem:s21+$0x30];
	v8 =	vadd.f32 v11, v12;
	v11 =	vmul.f32 v11, v11;
	v14 =	vadd.f32 v15, v5  }
0x33: {  	v12 =	vld [tilespmem:s21+$0x40];
	v5 =	vmul.f32 v5, v5;
	v15 =	vmul.f32 v15, v15;
	v1 =	vadd.f32 v4, v1  }
0x34: {  	v4 =	vld [tilespmem:s21+$0x60];
	v10 =	vadd.f32 v11, v10;
	v8 =	vadd.f32 v14, v8;
	v11 =	vmul.f32 v17, v17  }
0x35: {  	v18 =	vld [tilespmem:s21+$0x80];
	v5 =	vadd.f32 v15, v5;
	v15 =	vadd.f32 v6, v17;
	v6 =	vmul.f32 v6, v6  }
0x36: {  	v14 =	vld [tilespmem:s21+$0x70];
	v17 =	vadd.f32 v3, v9;
	v9 =	vmul.f32 v9, v9;
	v3 =	vmul.f32 v3, v3  }
0x37: {  	v5 =	vadd.f32 v5, v10;
	v10 =	vld [tilespmem:s21+$0x90];
	v6 =	vadd.f32 v6, v11  }
0x38: {  	v11 =	vld [tilespmem:s21+$0xA0];
	v19 =	vmul.f32 v12, v12;
	v15 =	vadd.f32 v17, v15;
	v3 =	vadd.f32 v3, v9  }
0x39: {  	v17 =	vmul.f32 v7, v7;
	v7 =	vadd.f32 v12, v7;
	v9 =	vadd.f32 v4, v16  }
0x3a: {  	v4 =	vmul.f32 v4, v4;
	v8 =	vadd.f32 v15, v8  }
0x3b: {  	v12 =	vadd.f32 v19, v17;
	v7 =	vadd.f32 v9, v7;
	v9 =	vmul.f32 v16, v16  }
0x3c: {  	v15 =	vadd.f32 v18, v14;
	v14 =	vmul.f32 v14, v14;
	v16 =	vmul.f32 v18, v18  }
0x3d: {  	v17 =	vadd.f32 v11, v10;
	v10 =	vmul.f32 v10, v10;
	v11 =	vmul.f32 v11, v11  }
0x3e: {  	v4 =	vadd.f32 v4, v9;
	v9 =	vadd.f32 v16, v14  }
0x3f: {  	v14 =	vadd.f32 v17, v15;
	v10 =	vadd.f32 v11, v10  }
0x40: {  	v3 =	vadd.f32 v3, v6;
	v4 =	vadd.f32 v4, v12  }
0x41: {  	v6 =	vadd.f32 v14, v7;
	v7 =	vadd.f32 v10, v9  }
0x42: {  	v2 =	vadd.f32 v8, v2;
	v3 =	vadd.f32 v3, v5  }
0x43: {  	v5 =	vadd.f32 v13, v6;
	v4 =	vadd.f32 v7, v4  }
0x44: {  	v1 =	vadd.f32 v3, v1  }
0x45: {  	v2 =	vadd.f32 v5, v2;
	v0 =	vadd.f32 v0, v4;
	_ =	sdelay $0x1  }
0x46: {  	v0 =	vadd.f32 v0, v1;
	v1 =	vmul.f32 v2, v2  }
0x47: {  	v2 =	vld [tilespmem:s20+$0x0]  }
0x48: {  	v0 =	vsub.f32 v1, v0;
	v1 =	vld [tilespmem:s20+$0xA];
	_ =	sdelay $0x1  }
0x49: {  	v0 =	vmul.f32 $5.000000000e-01, v0;
	_ =	sdelay $0x1  }
0x4a: {  	v0 =	vadd.f32 v0, v2  }
0x4b: {  	v1 =	vsel vm0, $0x0, v1  }
0x4c: {  	v0 =	vadd.f32 v0, v1;
	_ =	sdelay $0x1  }
0x4d: {  	(xrf2) =	vadd.scan.msk.f32 $0xffff, v0;
	_ =	sdelay $0x7  }
0x4e: {  	v0 =	vmov s2;
	_ =	sdelay $0x1  }
0x4f: {  	v1, _, _ =	vpop (xrf2)  }
0x50: {  	v1 =	vbroadcast v1, $0xF;
	_ =	sdelay $0x1  }
0x51: {  	s21 =	simm.s32 $0xF70;
	[tilespmem:v0+s18+$0x0] =	vst.idx.msk $0x1, v1  }
0x52: {  	v1 =	vld [tilespmem:s21+$0xB0]  }
0x53: {  	v2 =	vld [tilespmem:s21+$0xC0]  }
0x54: {  	v0 =	vld [tilespmem:s21+$0xFFFFFF30]  }
0x55: {  	v3 =	vld [tilespmem:s21+$0xFFFFFF40]  }
0x56: {  	v4 =	vld [tilespmem:s21+$0xFFFFFF50]  }
0x57: {  	v5 =	vld [tilespmem:s21+$0xFFFFFF60]  }
0x58: {  	v6 =	vld [tilespmem:s21+$0xFFFFFF70]  }
0x59: {  	v7 =	vld [tilespmem:s21+$0xFFFFFF80]  }
0x5a: {  	v8 =	vld [tilespmem:s21+$0xFFFFFF90]  }
0x5b: {  	v9 =	vld [tilespmem:s21+$0xFFFFFFA0];
	_ =	sdelay $0x1  }
0x5c: {  	v10 =	vmul.f32 v0, v0;
	v11 =	vmul.f32 v3, v3;
	v3 =	vadd.f32 v3, v0  }
0x5d: {  	v13 =	vld [tilespmem:s21+$0xFFFFFFB0];
	v12 =	vadd.f32 v5, v4;
	v0 =	vadd.f32 v2, v1;
	v1 =	vmul.f32 v1, v1  }
0x5e: {  	v15 =	vld [tilespmem:s21+$0xFFFFFFE0];
	v4 =	vmul.f32 v4, v4;
	v5 =	vmul.f32 v5, v5;
	v14 =	vadd.f32 v7, v6  }
0x5f: {  	v17 =	vld [tilespmem:s21+$0xFFFFFFF0];
	v6 =	vmul.f32 v6, v6;
	v7 =	vmul.f32 v7, v7;
	v16 =	vadd.f32 v9, v8  }
0x60: {  	v8 =	vmul.f32 v8, v8;
	v9 =	vmul.f32 v9, v9;
	v10 =	vadd.f32 v11, v10;
	v11 =	vld [tilespmem:s21+$0xFFFFFFC0]  }
0x61: {  	v2 =	vmul.f32 v2, v2;
	v3 =	vadd.f32 v12, v3;
	v12 =	vld [tilespmem:s21+$0xFFFFFFD0];
	v4 =	vadd.f32 v5, v4  }
0x62: {  	v18 =	vld [tilespmem:s21+$0x0];
	v5 =	vadd.f32 v7, v6;
	v6 =	vadd.f32 v16, v14  }
0x63: {  	v7 =	vadd.f32 v9, v8;
	v14 =	vld [tilespmem:s21+$0x10];
	v1 =	vadd.f32 v2, v1  }
0x64: {  	v8 =	vmul.f32 v13, v13;
	v4 =	vadd.f32 v4, v10;
	v10 =	vld [tilespmem:s21+$0x20];
	v2 =	vadd.f32 v6, v3  }
0x65: {  	v3 =	vadd.f32 v7, v5;
	v5 =	vld [tilespmem:s21+$0x30];
	v9 =	vadd.f32 v11, v13;
	v11 =	vmul.f32 v11, v11  }
0x66: {  	v7 =	vld [tilespmem:s21+$0x40];
	v13 =	vadd.f32 v15, v12;
	v12 =	vmul.f32 v12, v12;
	v15 =	vmul.f32 v15, v15  }
0x67: {  	v6 =	vld [tilespmem:s21+$0x50];
	v3 =	vadd.f32 v3, v4;
	v16 =	vadd.f32 v11, v8  }
0x68: {  	v8 =	vld [tilespmem:s21+$0x60];
	v11 =	vadd.f32 v13, v9;
	v13 =	vmul.f32 v17, v17;
	v4 =	vadd.f32 v15, v12  }
0x69: {  	v9 =	vld [tilespmem:s21+$0x70];
	v15 =	vadd.f32 v18, v17;
	v17 =	vadd.f32 v10, v14;
	v18 =	vmul.f32 v18, v18  }
0x6a: {  	v19 =	vmul.f32 v14, v14;
	v12 =	vld [tilespmem:s21+$0x80];
	v20 =	vmul.f32 v10, v10;
	v4 =	vadd.f32 v4, v16  }
0x6b: {  	v14 =	vld [tilespmem:s21+$0x90];
	v16 =	vadd.f32 v17, v15;
	v10 =	vadd.f32 v18, v13  }
0x6c: {  	s22 =	simm.s32 $0x1;
	s23 =	simm.s32 $0x2;
	v15 =	vld [tilespmem:s21+$0xA0];
	v17 =	vmul.f32 v5, v5;
	v18 =	vmul.f32 v7, v7;
	v13 =	vadd.f32 v20, v19  }
.LBB2_2:
0x6d: {  	p0 =	sne.s32 s23, $0x7F;
	v5 =	vadd.f32 v7, v5;
	v7 =	vadd.f32 v8, v6  }
0x6e: {  	v11 =	vadd.f32 v16, v11;
	v16 =	vadd.f32 v18, v17  }
0x6f: {  	v6 =	vmul.f32 v6, v6;
	v5 =	vadd.f32 v7, v5;
	v7 =	vmul.f32 v8, v8  }
0x70: {  	v8 =	vadd.f32 v12, v9;
	v9 =	vmul.f32 v9, v9;
	v12 =	vmul.f32 v12, v12  }
0x71: {  	v17 =	vadd.f32 v15, v14;
	v14 =	vmul.f32 v14, v14;
	v15 =	vmul.f32 v15, v15  }
0x72: {  	v6 =	vadd.f32 v7, v6;
	v7 =	vadd.f32 v12, v9  }
0x73: {  	v8 =	vadd.f32 v17, v8;
	v9 =	vadd.f32 v15, v14  }
0x74: {  	v10 =	vadd.f32 v13, v10;
	v6 =	vadd.f32 v6, v16  }
0x75: {  	v5 =	vadd.f32 v8, v5;
	v7 =	vadd.f32 v9, v7  }
0x76: {  	v2 =	vadd.f32 v11, v2;
	v4 =	vadd.f32 v10, v4  }
0x77: {  	v0 =	vadd.f32 v0, v5;
	v5 =	vadd.f32 v7, v6  }
0x78: {  	v3 =	vadd.f32 v4, v3  }
0x79: {  	v0 =	vadd.f32 v0, v2;
	v1 =	vadd.f32 v1, v5;
	_ =	sdelay $0x1  }
0x7a: {  	s20 =	sadd.s32 $0x1A, s20;
	v1 =	vadd.f32 v1, v3;
	v0 =	vmul.f32 v0, v0  }
0x7b: {  	v2 =	vld [tilespmem:s20+$0x0]  }
0x7c: {  	v0 =	vsub.f32 v0, v1;
	v1 =	vld [tilespmem:s20+$0xA];
	_ =	sdelay $0x1  }
0x7d: {  	v0 =	vmul.f32 $5.000000000e-01, v0;
	_ =	sdelay $0x1  }
0x7e: {  	v0 =	vadd.f32 v0, v2  }
0x7f: {  	v1 =	vsel vm0, $0x0, v1  }
0x80: {  	v0 =	vadd.f32 v0, v1;
	_ =	sdelay $0x1  }
0x81: {  	(xrf2) =	vadd.scan.msk.f32 $0xffff, v0;
	_ =	sdelay $0x7  }
0x82: {  	v0 =	vmov s22;
	s22 =	smov.u32 s23;
	_ =	sdelay $0x1  }
0x83: {  	v1, _, _ =	vpop (xrf2)  }
0x84: {  	v1 =	vbroadcast v1, $0xF;
	_ =	sdelay $0x1  }
0x85: {  	s21 =	sadd.s32 $0x1A0, s21;
	[tilespmem:v0+s18+$0x0] =	vst.idx.msk $0x1, v1  }
0x86: {  	v1 =	vld [tilespmem:s21+$0xB0]  }
0x87: {  	v2 =	vld [tilespmem:s21+$0xC0]  }
0x88: {  	v0 =	vld [tilespmem:s21+$0xFFFFFF30]  }
0x89: {  	v3 =	vld [tilespmem:s21+$0xFFFFFF40]  }
0x8a: {  	v4 =	vld [tilespmem:s21+$0xFFFFFF50]  }
0x8b: {  	v5 =	vld [tilespmem:s21+$0xFFFFFF60]  }
0x8c: {  	v6 =	vld [tilespmem:s21+$0xFFFFFF70]  }
0x8d: {  	v7 =	vld [tilespmem:s21+$0xFFFFFF80]  }
0x8e: {  	v8 =	vld [tilespmem:s21+$0xFFFFFF90]  }
0x8f: {  	v10 =	vmul.f32 v0, v0;
	v11 =	vmul.f32 v3, v3;
	v9 =	vld [tilespmem:s21+$0xFFFFFFA0]  }
0x90: {  	v3 =	vadd.f32 v3, v0;
	v12 =	vadd.f32 v5, v4  }
0x91: {  	v0 =	vadd.f32 v2, v1;
	v1 =	vmul.f32 v1, v1;
	v10 =	vadd.f32 v11, v10;
	v13 =	vld [tilespmem:s21+$0xFFFFFFB0]  }
0x92: {  	v4 =	vmul.f32 v4, v4;
	v5 =	vmul.f32 v5, v5;
	v11 =	vld [tilespmem:s21+$0xFFFFFFC0];
	v3 =	vadd.f32 v12, v3  }
0x93: {  	v14 =	vadd.f32 v7, v6;
	v6 =	vmul.f32 v6, v6;
	v7 =	vmul.f32 v7, v7;
	v12 =	vld [tilespmem:s21+$0xFFFFFFD0]  }
0x94: {  	v15 =	vld [tilespmem:s21+$0xFFFFFFE0];
	v16 =	vadd.f32 v9, v8;
	v8 =	vmul.f32 v8, v8;
	v9 =	vmul.f32 v9, v9  }
0x95: {  	v2 =	vmul.f32 v2, v2;
	v4 =	vadd.f32 v5, v4;
	v5 =	vadd.f32 v7, v6;
	v17 =	vld [tilespmem:s21+$0xFFFFFFF0]  }
0x96: {  	v18 =	vld [tilespmem:s21+$0x0];
	v6 =	vadd.f32 v16, v14;
	v7 =	vadd.f32 v9, v8  }
0x97: {  	v1 =	vadd.f32 v2, v1;
	v4 =	vadd.f32 v4, v10;
	v14 =	vld [tilespmem:s21+$0x10]  }
0x98: {  	v10 =	vld [tilespmem:s21+$0x20];
	v2 =	vadd.f32 v6, v3;
	v3 =	vadd.f32 v7, v5  }
0x99: {  	v8 =	vmul.f32 v13, v13;
	v9 =	vadd.f32 v11, v13;
	v11 =	vmul.f32 v11, v11;
	v5 =	vld [tilespmem:s21+$0x30]  }
0x9a: {  	v13 =	vadd.f32 v15, v12;
	v12 =	vmul.f32 v12, v12;
	v15 =	vmul.f32 v15, v15;
	v7 =	vld [tilespmem:s21+$0x40]  }
0x9b: {  	v16 =	vadd.f32 v11, v8;
	v3 =	vadd.f32 v3, v4;
	v6 =	vld [tilespmem:s21+$0x50]  }
.Ltmp0:
0x9c: {  	v11 =	vadd.f32 v13, v9;
	v13 =	vmul.f32 v17, v17;
	v4 =	vadd.f32 v15, v12;
	v8 =	vld [tilespmem:s21+$0x60];
	(pc) =	sbr.rel @p0 .LBB2_2-.Ltmp0, $4  }
0x9d: {  	v15 =	vadd.f32 v18, v17;
	v18 =	vmul.f32 v18, v18;
	v9 =	vld [tilespmem:s21+$0x70];
	v17 =	vadd.f32 v10, v14  }
0x9e: {  	v19 =	vmul.f32 v14, v14;
	v20 =	vmul.f32 v10, v10;
	v4 =	vadd.f32 v4, v16;
	v12 =	vld [tilespmem:s21+$0x80]  }
0x9f: {  	v10 =	vadd.f32 v18, v13;
	v14 =	vld [tilespmem:s21+$0x90];
	v16 =	vadd.f32 v17, v15  }
0xa0: {  	s23 =	sadd.s32 $0x1, s23;
	v17 =	vmul.f32 v5, v5;
	v18 =	vmul.f32 v7, v7;
	v13 =	vadd.f32 v20, v19;
	v15 =	vld [tilespmem:s21+$0xA0]  }
0xa1: {  	v5 =	vadd.f32 v7, v5;
	v7 =	vadd.f32 v8, v6  }
0xa2: {  	v11 =	vadd.f32 v16, v11;
	v6 =	vmul.f32 v6, v6  }
0xa3: {  	v16 =	vadd.f32 v18, v17;
	v5 =	vadd.f32 v7, v5;
	v7 =	vmul.f32 v8, v8  }
0xa4: {  	v8 =	vadd.f32 v12, v9;
	v9 =	vmul.f32 v9, v9;
	v12 =	vmul.f32 v12, v12  }
0xa5: {  	v17 =	vadd.f32 v15, v14;
	v14 =	vmul.f32 v14, v14;
	v15 =	vmul.f32 v15, v15  }
0xa6: {  	v6 =	vadd.f32 v7, v6;
	v7 =	vadd.f32 v12, v9  }
0xa7: {  	v8 =	vadd.f32 v17, v8;
	v9 =	vadd.f32 v15, v14  }
0xa8: {  	v10 =	vadd.f32 v13, v10;
	v6 =	vadd.f32 v6, v16  }
0xa9: {  	v5 =	vadd.f32 v8, v5;
	v7 =	vadd.f32 v9, v7  }
0xaa: {  	v2 =	vadd.f32 v11, v2;
	v4 =	vadd.f32 v10, v4  }
0xab: {  	v0 =	vadd.f32 v0, v5;
	v5 =	vadd.f32 v7, v6  }
0xac: {  	v3 =	vadd.f32 v4, v3  }
0xad: {  	v0 =	vadd.f32 v0, v2;
	v1 =	vadd.f32 v1, v5;
	_ =	sdelay $0x1  }
0xae: {  	s20 =	sadd.s32 $0x1A, s20;
	v1 =	vadd.f32 v1, v3;
	v0 =	vmul.f32 v0, v0  }
0xaf: {  	v2 =	vld [tilespmem:s20+$0x0]  }
0xb0: {  	v0 =	vsub.f32 v0, v1;
	v1 =	vld [tilespmem:s20+$0xA];
	_ =	sdelay $0x1  }
0xb1: {  	v0 =	vmul.f32 $5.000000000e-01, v0;
	_ =	sdelay $0x1  }
0xb2: {  	v0 =	vadd.f32 v0, v2  }
0xb3: {  	v1 =	vsel vm0, $0x0, v1  }
0xb4: {  	v0 =	vadd.f32 v0, v1;
	_ =	sdelay $0x1  }
0xb5: {  	(xrf2) =	vadd.scan.msk.f32 $0xffff, v0;
	_ =	sdelay $0x7  }
0xb6: {  	v0 =	vmov s22;
	_ =	sdelay $0x1  }
0xb7: {  	v1, _, _ =	vpop (xrf2)  }
0xb8: {  	v1 =	vbroadcast v1, $0xF;
	_ =	sdelay $0x1  }
0xb9: {  	s21 =	simm.s32 $0x0;
	[tilespmem:v0+s18+$0x0] =	vst.idx.msk $0x1, v1  }
0xba: {  	[hbm4b:s6+s21] =	stream.linear.scatter [tilespmem:s18], [sflag:$0x3], $0x80, $0x38;
	[tilespmem:$0xEA80] =	vst v63  }
0xbb: {  	_ =	swait.ge [sflag:s14], $0x80  }
0xbc: {  	[sflag:s14] =	ssyncset.done $0x0  }
0xbd: {  	[sflag:s14] =	ssyncadd.s32 $0xFFFFFF80  }
0xbe: {  	[tilespmem:s21], [sflag:$0x3] =	stream.linear.gather [hbm4b:s7+s21], $0xD00, $0x38;
	[tilespmem:$0xEA80] =	vst v63  }
0xbf: {  	_ =	swait.ge [sflag:s14], $0xD00  }
0xc0: {  	[sflag:s14] =	ssyncset.done $0x0  }
0xc1: {  	[sflag:s14] =	ssyncadd.s32 $0xFFFFF300  }
0xc2: {  	[tilespmem:s15], [sflag:$0x1] =	stream.indirect.gather [hbm4b:s3+s15], $0x10, s21, s15, $0xb8;
	[tilespmem:$0xEA80] =	vst v63  }
0xc3: {  	s20 =	simm.s32 $0xDD00  }
0xc4: {  	[tilespmem:s20], [sflag:$0x2] =	stream.indirect.gather [hbm4b:s4+s15], $0x1, s21, s15, $0xb8;
	[tilespmem:$0xEA80] =	vst v63  }
0xc5: {  	_ =	swait.ge [sflag:s16], $0xD000  }
0xc6: {  	[sflag:s16] =	ssyncset.done $0x0  }
0xc7: {  	[sflag:s16] =	ssyncadd.s32 $0xFFFF3000  }
0xc8: {  	_ =	swait.ge [sflag:s17], $0xD00  }
0xc9: {  	[sflag:s17] =	ssyncset.done $0x0  }
0xca: {  	s31 =	simm.s32 $0xDD0;
	[sflag:s17] =	ssyncadd.s32 $0xFFFFF300  }
0xcb: {  	v0 =	vld [tilespmem:s31+$0xB0]  }
0xcc: {  	v1 =	vld [tilespmem:s31+$0xC0]  }
0xcd: {  	v2 =	vld [tilespmem:s31+$0xFFFFFF30]  }
0xce: {  	v3 =	vld [tilespmem:s31+$0xFFFFFF40]  }
0xcf: {  	v4 =	vld [tilespmem:s31+$0xFFFFFF50]  }
0xd0: {  	v5 =	vld [tilespmem:s31+$0xFFFFFF60]  }
0xd1: {  	v8 =	vld [tilespmem:s31+$0xFFFFFF90]  }
0xd2: {  	v9 =	vld [tilespmem:s31+$0xFFFFFFA0];
	_ =	sdelay $0x1  }
0xd3: {  	v6 =	vld [tilespmem:s31+$0xFFFFFF70]  }
0xd4: {  	v7 =	vld [tilespmem:s31+$0xFFFFFF80];
	v10 =	vmul.f32 v2, v2  }
0xd5: {  	v12 =	vld [tilespmem:s31+$0xFFFFFFB0];
	v11 =	vmul.f32 v3, v3;
	v2 =	vadd.f32 v3, v2;
	v3 =	vadd.f32 v5, v4  }
0xd6: {  	v15 =	vld [tilespmem:s31+$0xFFFFFFE0];
	v13 =	vadd.f32 v1, v0;
	v0 =	vmul.f32 v0, v0;
	v16 =	vadd.f32 v9, v8  }
0xd7: {  	v17 =	vld [tilespmem:s31+$0xFFFFFFF0];
	v8 =	vmul.f32 v8, v8;
	v9 =	vmul.f32 v9, v9;
	v10 =	vadd.f32 v11, v10  }
0xd8: {  	v11 =	vld [tilespmem:s31+$0xFFFFFFC0];
	v2 =	vadd.f32 v3, v2;
	v3 =	vmul.f32 v4, v4;
	v4 =	vmul.f32 v5, v5  }
0xd9: {  	v14 =	vadd.f32 v7, v6;
	v6 =	vmul.f32 v6, v6;
	v7 =	vmul.f32 v7, v7;
	v5 =	vld [tilespmem:s31+$0xFFFFFFD0]  }
0xda: {  	v1 =	vmul.f32 v1, v1;
	v8 =	vadd.f32 v9, v8;
	v9 =	vld [tilespmem:s31+$0x10];
	v3 =	vadd.f32 v4, v3  }
0xdb: {  	v4 =	vadd.f32 v7, v6;
	v6 =	vld [tilespmem:s31+$0x0];
	v7 =	vadd.f32 v16, v14  }
0xdc: {  	v0 =	vadd.f32 v1, v0;
	v16 =	vld [tilespmem:s31+$0x50];
	v1 =	vadd.f32 v3, v10  }
0xdd: {  	v3 =	vld [tilespmem:s31+$0x20];
	v2 =	vadd.f32 v7, v2;
	v4 =	vadd.f32 v8, v4;
	v10 =	vmul.f32 v12, v12  }
0xde: {  	v7 =	vld [tilespmem:s31+$0x30];
	v8 =	vadd.f32 v11, v12;
	v11 =	vmul.f32 v11, v11;
	v14 =	vadd.f32 v15, v5  }
0xdf: {  	v12 =	vld [tilespmem:s31+$0x40];
	v5 =	vmul.f32 v5, v5;
	v15 =	vmul.f32 v15, v15;
	v1 =	vadd.f32 v4, v1  }
0xe0: {  	v4 =	vld [tilespmem:s31+$0x60];
	v10 =	vadd.f32 v11, v10;
	v8 =	vadd.f32 v14, v8;
	v11 =	vmul.f32 v17, v17  }
0xe1: {  	v18 =	vld [tilespmem:s31+$0x80];
	v5 =	vadd.f32 v15, v5;
	v15 =	vadd.f32 v6, v17;
	v6 =	vmul.f32 v6, v6  }
0xe2: {  	v14 =	vld [tilespmem:s31+$0x70];
	v17 =	vadd.f32 v3, v9;
	v9 =	vmul.f32 v9, v9;
	v3 =	vmul.f32 v3, v3  }
0xe3: {  	v5 =	vadd.f32 v5, v10;
	v10 =	vld [tilespmem:s31+$0x90];
	v6 =	vadd.f32 v6, v11  }
0xe4: {  	v11 =	vld [tilespmem:s31+$0xA0];
	v19 =	vmul.f32 v12, v12;
	v15 =	vadd.f32 v17, v15;
	v3 =	vadd.f32 v3, v9  }
0xe5: {  	v17 =	vmul.f32 v7, v7;
	v7 =	vadd.f32 v12, v7;
	v9 =	vadd.f32 v4, v16  }
0xe6: {  	v4 =	vmul.f32 v4, v4;
	v8 =	vadd.f32 v15, v8  }
0xe7: {  	v12 =	vadd.f32 v19, v17;
	v7 =	vadd.f32 v9, v7;
	v9 =	vmul.f32 v16, v16  }
0xe8: {  	v15 =	vadd.f32 v18, v14;
	v14 =	vmul.f32 v14, v14;
	v16 =	vmul.f32 v18, v18  }
0xe9: {  	v17 =	vadd.f32 v11, v10;
	v10 =	vmul.f32 v10, v10;
	v11 =	vmul.f32 v11, v11  }
0xea: {  	v4 =	vadd.f32 v4, v9;
	v9 =	vadd.f32 v16, v14  }
0xeb: {  	v14 =	vadd.f32 v17, v15;
	v10 =	vadd.f32 v11, v10  }
0xec: {  	v3 =	vadd.f32 v3, v6;
	v4 =	vadd.f32 v4, v12  }
0xed: {  	v6 =	vadd.f32 v14, v7;
	v7 =	vadd.f32 v10, v9  }
0xee: {  	v2 =	vadd.f32 v8, v2;
	v3 =	vadd.f32 v3, v5  }
0xef: {  	v5 =	vadd.f32 v13, v6;
	v4 =	vadd.f32 v7, v4  }
0xf0: {  	v1 =	vadd.f32 v3, v1  }
0xf1: {  	v2 =	vadd.f32 v5, v2;
	v0 =	vadd.f32 v0, v4;
	_ =	sdelay $0x1  }
0xf2: {  	v0 =	vadd.f32 v0, v1;
	v1 =	vmul.f32 v2, v2  }
0xf3: {  	v2 =	vld [tilespmem:s20+$0x0]  }
0xf4: {  	v0 =	vsub.f32 v1, v0;
	v1 =	vld [tilespmem:s20+$0xA];
	_ =	sdelay $0x1  }
0xf5: {  	v0 =	vmul.f32 $5.000000000e-01, v0;
	_ =	sdelay $0x1  }
0xf6: {  	v0 =	vadd.f32 v0, v2  }
0xf7: {  	v1 =	vsel vm0, $0x0, v1  }
0xf8: {  	v0 =	vadd.f32 v0, v1;
	_ =	sdelay $0x1  }
0xf9: {  	(xrf2) =	vadd.scan.msk.f32 $0xffff, v0;
	_ =	sdelay $0x7  }
0xfa: {  	v0 =	vmov s21;
	_ =	sdelay $0x1  }
0xfb: {  	v1, _, _ =	vpop (xrf2)  }
0xfc: {  	v1 =	vbroadcast v1, $0xF;
	_ =	sdelay $0x1  }
0xfd: {  	s21 =	simm.s32 $0xF70;
	[tilespmem:v0+s18+$0x0] =	vst.idx.msk $0x1, v1  }
0xfe: {  	v1 =	vld [tilespmem:s21+$0xB0]  }
0xff: {  	v2 =	vld [tilespmem:s21+$0xC0]  }
0x100: {  	v0 =	vld [tilespmem:s21+$0xFFFFFF30]  }
0x101: {  	v3 =	vld [tilespmem:s21+$0xFFFFFF40]  }
0x102: {  	v4 =	vld [tilespmem:s21+$0xFFFFFF50]  }
0x103: {  	v5 =	vld [tilespmem:s21+$0xFFFFFF60]  }
0x104: {  	v6 =	vld [tilespmem:s21+$0xFFFFFF70]  }
0x105: {  	v7 =	vld [tilespmem:s21+$0xFFFFFF80]  }
0x106: {  	v8 =	vld [tilespmem:s21+$0xFFFFFF90]  }
0x107: {  	v9 =	vld [tilespmem:s21+$0xFFFFFFA0];
	_ =	sdelay $0x1  }
0x108: {  	v10 =	vmul.f32 v0, v0;
	v11 =	vmul.f32 v3, v3;
	v3 =	vadd.f32 v3, v0  }
0x109: {  	v13 =	vld [tilespmem:s21+$0xFFFFFFB0];
	v12 =	vadd.f32 v5, v4;
	v0 =	vadd.f32 v2, v1;
	v1 =	vmul.f32 v1, v1  }
0x10a: {  	v15 =	vld [tilespmem:s21+$0xFFFFFFE0];
	v4 =	vmul.f32 v4, v4;
	v5 =	vmul.f32 v5, v5;
	v14 =	vadd.f32 v7, v6  }
0x10b: {  	v17 =	vld [tilespmem:s21+$0xFFFFFFF0];
	v6 =	vmul.f32 v6, v6;
	v7 =	vmul.f32 v7, v7;
	v16 =	vadd.f32 v9, v8  }
0x10c: {  	v8 =	vmul.f32 v8, v8;
	v9 =	vmul.f32 v9, v9;
	v10 =	vadd.f32 v11, v10;
	v11 =	vld [tilespmem:s21+$0xFFFFFFC0]  }
0x10d: {  	v2 =	vmul.f32 v2, v2;
	v3 =	vadd.f32 v12, v3;
	v12 =	vld [tilespmem:s21+$0xFFFFFFD0];
	v4 =	vadd.f32 v5, v4  }
0x10e: {  	v18 =	vld [tilespmem:s21+$0x0];
	v5 =	vadd.f32 v7, v6;
	v6 =	vadd.f32 v16, v14  }
0x10f: {  	v7 =	vadd.f32 v9, v8;
	v14 =	vld [tilespmem:s21+$0x10];
	v1 =	vadd.f32 v2, v1  }
0x110: {  	v8 =	vmul.f32 v13, v13;
	v4 =	vadd.f32 v4, v10;
	v10 =	vld [tilespmem:s21+$0x20];
	v2 =	vadd.f32 v6, v3  }
0x111: {  	v3 =	vadd.f32 v7, v5;
	v5 =	vld [tilespmem:s21+$0x30];
	v9 =	vadd.f32 v11, v13;
	v11 =	vmul.f32 v11, v11  }
0x112: {  	v7 =	vld [tilespmem:s21+$0x40];
	v13 =	vadd.f32 v15, v12;
	v12 =	vmul.f32 v12, v12;
	v15 =	vmul.f32 v15, v15  }
0x113: {  	v6 =	vld [tilespmem:s21+$0x50];
	v3 =	vadd.f32 v3, v4;
	v16 =	vadd.f32 v11, v8  }
0x114: {  	v8 =	vld [tilespmem:s21+$0x60];
	v11 =	vadd.f32 v13, v9;
	v13 =	vmul.f32 v17, v17;
	v4 =	vadd.f32 v15, v12  }
0x115: {  	v9 =	vld [tilespmem:s21+$0x70];
	v15 =	vadd.f32 v18, v17;
	v17 =	vadd.f32 v10, v14;
	v18 =	vmul.f32 v18, v18  }
0x116: {  	v19 =	vmul.f32 v14, v14;
	v12 =	vld [tilespmem:s21+$0x80];
	v20 =	vmul.f32 v10, v10;
	v4 =	vadd.f32 v4, v16  }
0x117: {  	v14 =	vld [tilespmem:s21+$0x90];
	v16 =	vadd.f32 v17, v15;
	v10 =	vadd.f32 v18, v13  }
0x118: {  	s23 =	simm.s32 $0x2;
	s22 =	simm.s32 $0x1;
	v15 =	vld [tilespmem:s21+$0xA0];
	v17 =	vmul.f32 v5, v5;
	v18 =	vmul.f32 v7, v7;
	v13 =	vadd.f32 v20, v19  }
.LBB2_4:
0x119: {  	p0 =	sne.s32 s23, $0x7F;
	v5 =	vadd.f32 v7, v5;
	v7 =	vadd.f32 v8, v6  }
0x11a: {  	v11 =	vadd.f32 v16, v11;
	v16 =	vadd.f32 v18, v17  }
0x11b: {  	v6 =	vmul.f32 v6, v6;
	v5 =	vadd.f32 v7, v5;
	v7 =	vmul.f32 v8, v8  }
0x11c: {  	v8 =	vadd.f32 v12, v9;
	v9 =	vmul.f32 v9, v9;
	v12 =	vmul.f32 v12, v12  }
0x11d: {  	v17 =	vadd.f32 v15, v14;
	v14 =	vmul.f32 v14, v14;
	v15 =	vmul.f32 v15, v15  }
0x11e: {  	v6 =	vadd.f32 v7, v6;
	v7 =	vadd.f32 v12, v9  }
0x11f: {  	v8 =	vadd.f32 v17, v8;
	v9 =	vadd.f32 v15, v14  }
0x120: {  	v10 =	vadd.f32 v13, v10;
	v6 =	vadd.f32 v6, v16  }
0x121: {  	v5 =	vadd.f32 v8, v5;
	v7 =	vadd.f32 v9, v7  }
0x122: {  	v2 =	vadd.f32 v11, v2;
	v4 =	vadd.f32 v10, v4  }
0x123: {  	v0 =	vadd.f32 v0, v5;
	v5 =	vadd.f32 v7, v6  }
0x124: {  	v3 =	vadd.f32 v4, v3  }
0x125: {  	v0 =	vadd.f32 v0, v2;
	v1 =	vadd.f32 v1, v5;
	_ =	sdelay $0x1  }
0x126: {  	s20 =	sadd.s32 $0x1A, s20;
	v1 =	vadd.f32 v1, v3;
	v0 =	vmul.f32 v0, v0  }
0x127: {  	v2 =	vld [tilespmem:s20+$0x0]  }
0x128: {  	v0 =	vsub.f32 v0, v1;
	v1 =	vld [tilespmem:s20+$0xA];
	_ =	sdelay $0x1  }
0x129: {  	v0 =	vmul.f32 $5.000000000e-01, v0;
	_ =	sdelay $0x1  }
0x12a: {  	v0 =	vadd.f32 v0, v2  }
0x12b: {  	v1 =	vsel vm0, $0x0, v1  }
0x12c: {  	v0 =	vadd.f32 v0, v1;
	_ =	sdelay $0x1  }
0x12d: {  	(xrf2) =	vadd.scan.msk.f32 $0xffff, v0;
	_ =	sdelay $0x7  }
0x12e: {  	v0 =	vmov s22;
	s22 =	smov.u32 s23;
	_ =	sdelay $0x1  }
0x12f: {  	v1, _, _ =	vpop (xrf2)  }
0x130: {  	v1 =	vbroadcast v1, $0xF;
	_ =	sdelay $0x1  }
0x131: {  	s21 =	sadd.s32 $0x1A0, s21;
	[tilespmem:v0+s18+$0x0] =	vst.idx.msk $0x1, v1  }
0x132: {  	v1 =	vld [tilespmem:s21+$0xB0]  }
0x133: {  	v2 =	vld [tilespmem:s21+$0xC0]  }
0x134: {  	v0 =	vld [tilespmem:s21+$0xFFFFFF30]  }
0x135: {  	v3 =	vld [tilespmem:s21+$0xFFFFFF40]  }
0x136: {  	v4 =	vld [tilespmem:s21+$0xFFFFFF50]  }
0x137: {  	v5 =	vld [tilespmem:s21+$0xFFFFFF60]  }
0x138: {  	v6 =	vld [tilespmem:s21+$0xFFFFFF70]  }
0x139: {  	v7 =	vld [tilespmem:s21+$0xFFFFFF80]  }
0x13a: {  	v8 =	vld [tilespmem:s21+$0xFFFFFF90]  }
0x13b: {  	v10 =	vmul.f32 v0, v0;
	v11 =	vmul.f32 v3, v3;
	v9 =	vld [tilespmem:s21+$0xFFFFFFA0]  }
0x13c: {  	v3 =	vadd.f32 v3, v0;
	v12 =	vadd.f32 v5, v4  }
0x13d: {  	v0 =	vadd.f32 v2, v1;
	v1 =	vmul.f32 v1, v1;
	v10 =	vadd.f32 v11, v10;
	v13 =	vld [tilespmem:s21+$0xFFFFFFB0]  }
0x13e: {  	v4 =	vmul.f32 v4, v4;
	v5 =	vmul.f32 v5, v5;
	v11 =	vld [tilespmem:s21+$0xFFFFFFC0];
	v3 =	vadd.f32 v12, v3  }
0x13f: {  	v14 =	vadd.f32 v7, v6;
	v6 =	vmul.f32 v6, v6;
	v7 =	vmul.f32 v7, v7;
	v12 =	vld [tilespmem:s21+$0xFFFFFFD0]  }
0x140: {  	v15 =	vld [tilespmem:s21+$0xFFFFFFE0];
	v16 =	vadd.f32 v9, v8;
	v8 =	vmul.f32 v8, v8;
	v9 =	vmul.f32 v9, v9  }
0x141: {  	v2 =	vmul.f32 v2, v2;
	v4 =	vadd.f32 v5, v4;
	v5 =	vadd.f32 v7, v6;
	v17 =	vld [tilespmem:s21+$0xFFFFFFF0]  }
0x142: {  	v18 =	vld [tilespmem:s21+$0x0];
	v6 =	vadd.f32 v16, v14;
	v7 =	vadd.f32 v9, v8  }
0x143: {  	v1 =	vadd.f32 v2, v1;
	v4 =	vadd.f32 v4, v10;
	v14 =	vld [tilespmem:s21+$0x10]  }
0x144: {  	v10 =	vld [tilespmem:s21+$0x20];
	v2 =	vadd.f32 v6, v3;
	v3 =	vadd.f32 v7, v5  }
0x145: {  	v8 =	vmul.f32 v13, v13;
	v9 =	vadd.f32 v11, v13;
	v11 =	vmul.f32 v11, v11;
	v5 =	vld [tilespmem:s21+$0x30]  }
0x146: {  	v13 =	vadd.f32 v15, v12;
	v12 =	vmul.f32 v12, v12;
	v15 =	vmul.f32 v15, v15;
	v7 =	vld [tilespmem:s21+$0x40]  }
0x147: {  	v16 =	vadd.f32 v11, v8;
	v3 =	vadd.f32 v3, v4;
	v6 =	vld [tilespmem:s21+$0x50]  }
.Ltmp1:
0x148: {  	v11 =	vadd.f32 v13, v9;
	v13 =	vmul.f32 v17, v17;
	v4 =	vadd.f32 v15, v12;
	v8 =	vld [tilespmem:s21+$0x60];
	(pc) =	sbr.rel @p0 .LBB2_4-.Ltmp1, $4  }
0x149: {  	v15 =	vadd.f32 v18, v17;
	v18 =	vmul.f32 v18, v18;
	v9 =	vld [tilespmem:s21+$0x70];
	v17 =	vadd.f32 v10, v14  }
0x14a: {  	v19 =	vmul.f32 v14, v14;
	v20 =	vmul.f32 v10, v10;
	v4 =	vadd.f32 v4, v16;
	v12 =	vld [tilespmem:s21+$0x80]  }
0x14b: {  	v10 =	vadd.f32 v18, v13;
	v14 =	vld [tilespmem:s21+$0x90];
	v16 =	vadd.f32 v17, v15  }
0x14c: {  	s23 =	sadd.s32 $0x1, s23;
	v17 =	vmul.f32 v5, v5;
	v18 =	vmul.f32 v7, v7;
	v13 =	vadd.f32 v20, v19;
	v15 =	vld [tilespmem:s21+$0xA0]  }
0x14d: {  	v5 =	vadd.f32 v7, v5;
	v7 =	vadd.f32 v8, v6  }
0x14e: {  	v11 =	vadd.f32 v16, v11;
	v6 =	vmul.f32 v6, v6  }
0x14f: {  	v16 =	vadd.f32 v18, v17;
	v5 =	vadd.f32 v7, v5;
	v7 =	vmul.f32 v8, v8  }
0x150: {  	v8 =	vadd.f32 v12, v9;
	v9 =	vmul.f32 v9, v9;
	v12 =	vmul.f32 v12, v12  }
0x151: {  	v17 =	vadd.f32 v15, v14;
	v14 =	vmul.f32 v14, v14;
	v15 =	vmul.f32 v15, v15  }
0x152: {  	v6 =	vadd.f32 v7, v6;
	v7 =	vadd.f32 v12, v9  }
0x153: {  	v8 =	vadd.f32 v17, v8;
	v9 =	vadd.f32 v15, v14  }
0x154: {  	v10 =	vadd.f32 v13, v10;
	v6 =	vadd.f32 v6, v16  }
0x155: {  	v5 =	vadd.f32 v8, v5;
	v7 =	vadd.f32 v9, v7  }
0x156: {  	v2 =	vadd.f32 v11, v2;
	v4 =	vadd.f32 v10, v4  }
0x157: {  	v0 =	vadd.f32 v0, v5;
	v5 =	vadd.f32 v7, v6  }
0x158: {  	v3 =	vadd.f32 v4, v3  }
0x159: {  	v0 =	vadd.f32 v0, v2;
	v1 =	vadd.f32 v1, v5;
	_ =	sdelay $0x1  }
0x15a: {  	s20 =	sadd.s32 $0x1A, s20;
	v1 =	vadd.f32 v1, v3;
	v0 =	vmul.f32 v0, v0  }
0x15b: {  	v2 =	vld [tilespmem:s20+$0x0]  }
0x15c: {  	v0 =	vsub.f32 v0, v1;
	v1 =	vld [tilespmem:s20+$0xA];
	_ =	sdelay $0x1  }
0x15d: {  	v0 =	vmul.f32 $5.000000000e-01, v0;
	_ =	sdelay $0x1  }
0x15e: {  	v0 =	vadd.f32 v0, v2  }
0x15f: {  	v1 =	vsel vm0, $0x0, v1  }
0x160: {  	v0 =	vadd.f32 v0, v1;
	_ =	sdelay $0x1  }
0x161: {  	(xrf2) =	vadd.scan.msk.f32 $0xffff, v0;
	_ =	sdelay $0x7  }
0x162: {  	v0 =	vmov s22;
	_ =	sdelay $0x1  }
0x163: {  	v1, _, _ =	vpop (xrf2)  }
0x164: {  	v1 =	vbroadcast v1, $0xF;
	_ =	sdelay $0x1  }
0x165: {  	s21 =	simm.s32 $0x0;
	[tilespmem:v0+s18+$0x0] =	vst.idx.msk $0x1, v1  }
0x166: {  	[hbm4b:s8+s21] =	stream.linear.scatter [tilespmem:s18], [sflag:$0x3], $0x80, $0x38;
	[tilespmem:$0xEA80] =	vst v63  }
0x167: {  	_ =	swait.ge [sflag:s14], $0x80  }
0x168: {  	[sflag:s14] =	ssyncset.done $0x0  }
0x169: {  	[sflag:s14] =	ssyncadd.s32 $0xFFFFFF80  }
0x16a: {  	[tilespmem:s21], [sflag:$0x3] =	stream.linear.gather [hbm4b:s9+s21], $0xD00, $0x38;
	[tilespmem:$0xEA80] =	vst v63  }
0x16b: {  	_ =	swait.ge [sflag:s14], $0xD00  }
0x16c: {  	[sflag:s14] =	ssyncset.done $0x0  }
0x16d: {  	[sflag:s14] =	ssyncadd.s32 $0xFFFFF300  }
0x16e: {  	[tilespmem:s15], [sflag:$0x1] =	stream.indirect.gather [hbm4b:s3+s15], $0x10, s21, s15, $0xb8;
	[tilespmem:$0xEA80] =	vst v63  }
0x16f: {  	s20 =	simm.s32 $0xDD00  }
0x170: {  	[tilespmem:s20], [sflag:$0x2] =	stream.indirect.gather [hbm4b:s4+s15], $0x1, s21, s15, $0xb8;
	[tilespmem:$0xEA80] =	vst v63  }
0x171: {  	_ =	swait.ge [sflag:s16], $0xD000  }
0x172: {  	[sflag:s16] =	ssyncset.done $0x0  }
0x173: {  	[sflag:s16] =	ssyncadd.s32 $0xFFFF3000  }
0x174: {  	_ =	swait.ge [sflag:s17], $0xD00  }
0x175: {  	[sflag:s17] =	ssyncset.done $0x0  }
0x176: {  	s31 =	simm.s32 $0xDD0;
	[sflag:s17] =	ssyncadd.s32 $0xFFFFF300  }
0x177: {  	v0 =	vld [tilespmem:s31+$0xB0]  }
0x178: {  	v1 =	vld [tilespmem:s31+$0xC0]  }
0x179: {  	v2 =	vld [tilespmem:s31+$0xFFFFFF30]  }
0x17a: {  	v3 =	vld [tilespmem:s31+$0xFFFFFF40]  }
0x17b: {  	v4 =	vld [tilespmem:s31+$0xFFFFFF50]  }
0x17c: {  	v5 =	vld [tilespmem:s31+$0xFFFFFF60]  }
0x17d: {  	v8 =	vld [tilespmem:s31+$0xFFFFFF90]  }
0x17e: {  	v9 =	vld [tilespmem:s31+$0xFFFFFFA0];
	_ =	sdelay $0x1  }
0x17f: {  	v6 =	vld [tilespmem:s31+$0xFFFFFF70]  }
0x180: {  	v7 =	vld [tilespmem:s31+$0xFFFFFF80];
	v10 =	vmul.f32 v2, v2  }
0x181: {  	v12 =	vld [tilespmem:s31+$0xFFFFFFB0];
	v11 =	vmul.f32 v3, v3;
	v2 =	vadd.f32 v3, v2;
	v3 =	vadd.f32 v5, v4  }
0x182: {  	v15 =	vld [tilespmem:s31+$0xFFFFFFE0];
	v13 =	vadd.f32 v1, v0;
	v0 =	vmul.f32 v0, v0;
	v16 =	vadd.f32 v9, v8  }
0x183: {  	v17 =	vld [tilespmem:s31+$0xFFFFFFF0];
	v8 =	vmul.f32 v8, v8;
	v9 =	vmul.f32 v9, v9;
	v10 =	vadd.f32 v11, v10  }
0x184: {  	v11 =	vld [tilespmem:s31+$0xFFFFFFC0];
	v2 =	vadd.f32 v3, v2;
	v3 =	vmul.f32 v4, v4;
	v4 =	vmul.f32 v5, v5  }
0x185: {  	v14 =	vadd.f32 v7, v6;
	v6 =	vmul.f32 v6, v6;
	v7 =	vmul.f32 v7, v7;
	v5 =	vld [tilespmem:s31+$0xFFFFFFD0]  }
0x186: {  	v1 =	vmul.f32 v1, v1;
	v8 =	vadd.f32 v9, v8;
	v9 =	vld [tilespmem:s31+$0x10];
	v3 =	vadd.f32 v4, v3  }
0x187: {  	v4 =	vadd.f32 v7, v6;
	v6 =	vld [tilespmem:s31+$0x0];
	v7 =	vadd.f32 v16, v14  }
0x188: {  	v0 =	vadd.f32 v1, v0;
	v16 =	vld [tilespmem:s31+$0x50];
	v1 =	vadd.f32 v3, v10  }
0x189: {  	v3 =	vld [tilespmem:s31+$0x20];
	v2 =	vadd.f32 v7, v2;
	v4 =	vadd.f32 v8, v4;
	v10 =	vmul.f32 v12, v12  }
0x18a: {  	v7 =	vld [tilespmem:s31+$0x30];
	v8 =	vadd.f32 v11, v12;
	v11 =	vmul.f32 v11, v11;
	v14 =	vadd.f32 v15, v5  }
0x18b: {  	v12 =	vld [tilespmem:s31+$0x40];
	v5 =	vmul.f32 v5, v5;
	v15 =	vmul.f32 v15, v15;
	v1 =	vadd.f32 v4, v1  }
0x18c: {  	v4 =	vld [tilespmem:s31+$0x60];
	v10 =	vadd.f32 v11, v10;
	v8 =	vadd.f32 v14, v8;
	v11 =	vmul.f32 v17, v17  }
0x18d: {  	v18 =	vld [tilespmem:s31+$0x80];
	v5 =	vadd.f32 v15, v5;
	v15 =	vadd.f32 v6, v17;
	v6 =	vmul.f32 v6, v6  }
0x18e: {  	v14 =	vld [tilespmem:s31+$0x70];
	v17 =	vadd.f32 v3, v9;
	v9 =	vmul.f32 v9, v9;
	v3 =	vmul.f32 v3, v3  }
0x18f: {  	v5 =	vadd.f32 v5, v10;
	v10 =	vld [tilespmem:s31+$0x90];
	v6 =	vadd.f32 v6, v11  }
0x190: {  	v11 =	vld [tilespmem:s31+$0xA0];
	v19 =	vmul.f32 v12, v12;
	v15 =	vadd.f32 v17, v15;
	v3 =	vadd.f32 v3, v9  }
0x191: {  	v17 =	vmul.f32 v7, v7;
	v7 =	vadd.f32 v12, v7;
	v9 =	vadd.f32 v4, v16  }
0x192: {  	v4 =	vmul.f32 v4, v4;
	v8 =	vadd.f32 v15, v8  }
0x193: {  	v12 =	vadd.f32 v19, v17;
	v7 =	vadd.f32 v9, v7;
	v9 =	vmul.f32 v16, v16  }
0x194: {  	v15 =	vadd.f32 v18, v14;
	v14 =	vmul.f32 v14, v14;
	v16 =	vmul.f32 v18, v18  }
0x195: {  	v17 =	vadd.f32 v11, v10;
	v10 =	vmul.f32 v10, v10;
	v11 =	vmul.f32 v11, v11  }
0x196: {  	v4 =	vadd.f32 v4, v9;
	v9 =	vadd.f32 v16, v14  }
0x197: {  	v14 =	vadd.f32 v17, v15;
	v10 =	vadd.f32 v11, v10  }
0x198: {  	v3 =	vadd.f32 v3, v6;
	v4 =	vadd.f32 v4, v12  }
0x199: {  	v6 =	vadd.f32 v14, v7;
	v7 =	vadd.f32 v10, v9  }
0x19a: {  	v2 =	vadd.f32 v8, v2;
	v3 =	vadd.f32 v3, v5  }
0x19b: {  	v5 =	vadd.f32 v13, v6;
	v4 =	vadd.f32 v7, v4  }
0x19c: {  	v1 =	vadd.f32 v3, v1  }
0x19d: {  	v2 =	vadd.f32 v5, v2;
	v0 =	vadd.f32 v0, v4;
	_ =	sdelay $0x1  }
0x19e: {  	v0 =	vadd.f32 v0, v1;
	v1 =	vmul.f32 v2, v2  }
0x19f: {  	v2 =	vld [tilespmem:s20+$0x0]  }
0x1a0: {  	v0 =	vsub.f32 v1, v0;
	v1 =	vld [tilespmem:s20+$0xA];
	_ =	sdelay $0x1  }
0x1a1: {  	v0 =	vmul.f32 $5.000000000e-01, v0;
	_ =	sdelay $0x1  }
0x1a2: {  	v0 =	vadd.f32 v0, v2  }
0x1a3: {  	v1 =	vsel vm0, $0x0, v1  }
0x1a4: {  	v0 =	vadd.f32 v0, v1;
	_ =	sdelay $0x1  }
0x1a5: {  	(xrf2) =	vadd.scan.msk.f32 $0xffff, v0;
	_ =	sdelay $0x7  }
0x1a6: {  	v0 =	vmov s21;
	_ =	sdelay $0x1  }
0x1a7: {  	v1, _, _ =	vpop (xrf2)  }
0x1a8: {  	v1 =	vbroadcast v1, $0xF;
	_ =	sdelay $0x1  }
0x1a9: {  	s21 =	simm.s32 $0xF70;
	[tilespmem:v0+s18+$0x0] =	vst.idx.msk $0x1, v1  }
0x1aa: {  	v1 =	vld [tilespmem:s21+$0xB0]  }
0x1ab: {  	v2 =	vld [tilespmem:s21+$0xC0]  }
0x1ac: {  	v0 =	vld [tilespmem:s21+$0xFFFFFF30]  }
0x1ad: {  	v3 =	vld [tilespmem:s21+$0xFFFFFF40]  }
0x1ae: {  	v4 =	vld [tilespmem:s21+$0xFFFFFF50]  }
0x1af: {  	v5 =	vld [tilespmem:s21+$0xFFFFFF60]  }
0x1b0: {  	v6 =	vld [tilespmem:s21+$0xFFFFFF70]  }
0x1b1: {  	v7 =	vld [tilespmem:s21+$0xFFFFFF80]  }
0x1b2: {  	v8 =	vld [tilespmem:s21+$0xFFFFFF90]  }
0x1b3: {  	v9 =	vld [tilespmem:s21+$0xFFFFFFA0];
	_ =	sdelay $0x1  }
0x1b4: {  	v10 =	vmul.f32 v0, v0;
	v11 =	vmul.f32 v3, v3;
	v3 =	vadd.f32 v3, v0  }
0x1b5: {  	v13 =	vld [tilespmem:s21+$0xFFFFFFB0];
	v12 =	vadd.f32 v5, v4;
	v0 =	vadd.f32 v2, v1;
	v1 =	vmul.f32 v1, v1  }
0x1b6: {  	v15 =	vld [tilespmem:s21+$0xFFFFFFE0];
	v4 =	vmul.f32 v4, v4;
	v5 =	vmul.f32 v5, v5;
	v14 =	vadd.f32 v7, v6  }
0x1b7: {  	v17 =	vld [tilespmem:s21+$0xFFFFFFF0];
	v6 =	vmul.f32 v6, v6;
	v7 =	vmul.f32 v7, v7;
	v16 =	vadd.f32 v9, v8  }
0x1b8: {  	v8 =	vmul.f32 v8, v8;
	v9 =	vmul.f32 v9, v9;
	v10 =	vadd.f32 v11, v10;
	v11 =	vld [tilespmem:s21+$0xFFFFFFC0]  }
0x1b9: {  	v2 =	vmul.f32 v2, v2;
	v3 =	vadd.f32 v12, v3;
	v12 =	vld [tilespmem:s21+$0xFFFFFFD0];
	v4 =	vadd.f32 v5, v4  }
0x1ba: {  	v18 =	vld [tilespmem:s21+$0x0];
	v5 =	vadd.f32 v7, v6;
	v6 =	vadd.f32 v16, v14  }
0x1bb: {  	v7 =	vadd.f32 v9, v8;
	v14 =	vld [tilespmem:s21+$0x10];
	v1 =	vadd.f32 v2, v1  }
0x1bc: {  	v8 =	vmul.f32 v13, v13;
	v4 =	vadd.f32 v4, v10;
	v10 =	vld [tilespmem:s21+$0x20];
	v2 =	vadd.f32 v6, v3  }
0x1bd: {  	v3 =	vadd.f32 v7, v5;
	v5 =	vld [tilespmem:s21+$0x30];
	v9 =	vadd.f32 v11, v13;
	v11 =	vmul.f32 v11, v11  }
0x1be: {  	v7 =	vld [tilespmem:s21+$0x40];
	v13 =	vadd.f32 v15, v12;
	v12 =	vmul.f32 v12, v12;
	v15 =	vmul.f32 v15, v15  }
0x1bf: {  	v6 =	vld [tilespmem:s21+$0x50];
	v3 =	vadd.f32 v3, v4;
	v16 =	vadd.f32 v11, v8  }
0x1c0: {  	v8 =	vld [tilespmem:s21+$0x60];
	v11 =	vadd.f32 v13, v9;
	v13 =	vmul.f32 v17, v17;
	v4 =	vadd.f32 v15, v12  }
0x1c1: {  	v9 =	vld [tilespmem:s21+$0x70];
	v15 =	vadd.f32 v18, v17;
	v17 =	vadd.f32 v10, v14;
	v18 =	vmul.f32 v18, v18  }
0x1c2: {  	v19 =	vmul.f32 v14, v14;
	v12 =	vld [tilespmem:s21+$0x80];
	v20 =	vmul.f32 v10, v10;
	v4 =	vadd.f32 v4, v16  }
0x1c3: {  	v14 =	vld [tilespmem:s21+$0x90];
	v16 =	vadd.f32 v17, v15;
	v10 =	vadd.f32 v18, v13  }
0x1c4: {  	s23 =	simm.s32 $0x2;
	s22 =	simm.s32 $0x1;
	v15 =	vld [tilespmem:s21+$0xA0];
	v17 =	vmul.f32 v5, v5;
	v18 =	vmul.f32 v7, v7;
	v13 =	vadd.f32 v20, v19  }
.LBB2_6:
0x1c5: {  	p0 =	sne.s32 s23, $0x7F;
	v5 =	vadd.f32 v7, v5;
	v7 =	vadd.f32 v8, v6  }
0x1c6: {  	v11 =	vadd.f32 v16, v11;
	v16 =	vadd.f32 v18, v17  }
0x1c7: {  	v6 =	vmul.f32 v6, v6;
	v5 =	vadd.f32 v7, v5;
	v7 =	vmul.f32 v8, v8  }
0x1c8: {  	v8 =	vadd.f32 v12, v9;
	v9 =	vmul.f32 v9, v9;
	v12 =	vmul.f32 v12, v12  }
0x1c9: {  	v17 =	vadd.f32 v15, v14;
	v14 =	vmul.f32 v14, v14;
	v15 =	vmul.f32 v15, v15  }
0x1ca: {  	v6 =	vadd.f32 v7, v6;
	v7 =	vadd.f32 v12, v9  }
0x1cb: {  	v8 =	vadd.f32 v17, v8;
	v9 =	vadd.f32 v15, v14  }
0x1cc: {  	v10 =	vadd.f32 v13, v10;
	v6 =	vadd.f32 v6, v16  }
0x1cd: {  	v5 =	vadd.f32 v8, v5;
	v7 =	vadd.f32 v9, v7  }
0x1ce: {  	v2 =	vadd.f32 v11, v2;
	v4 =	vadd.f32 v10, v4  }
0x1cf: {  	v0 =	vadd.f32 v0, v5;
	v5 =	vadd.f32 v7, v6  }
0x1d0: {  	v3 =	vadd.f32 v4, v3  }
0x1d1: {  	v0 =	vadd.f32 v0, v2;
	v1 =	vadd.f32 v1, v5;
	_ =	sdelay $0x1  }
0x1d2: {  	s20 =	sadd.s32 $0x1A, s20;
	v1 =	vadd.f32 v1, v3;
	v0 =	vmul.f32 v0, v0  }
0x1d3: {  	v2 =	vld [tilespmem:s20+$0x0]  }
0x1d4: {  	v0 =	vsub.f32 v0, v1;
	v1 =	vld [tilespmem:s20+$0xA];
	_ =	sdelay $0x1  }
0x1d5: {  	v0 =	vmul.f32 $5.000000000e-01, v0;
	_ =	sdelay $0x1  }
0x1d6: {  	v0 =	vadd.f32 v0, v2  }
0x1d7: {  	v1 =	vsel vm0, $0x0, v1  }
0x1d8: {  	v0 =	vadd.f32 v0, v1;
	_ =	sdelay $0x1  }
0x1d9: {  	(xrf2) =	vadd.scan.msk.f32 $0xffff, v0;
	_ =	sdelay $0x7  }
0x1da: {  	v0 =	vmov s22;
	s22 =	smov.u32 s23;
	_ =	sdelay $0x1  }
0x1db: {  	v1, _, _ =	vpop (xrf2)  }
0x1dc: {  	v1 =	vbroadcast v1, $0xF;
	_ =	sdelay $0x1  }
0x1dd: {  	s21 =	sadd.s32 $0x1A0, s21;
	[tilespmem:v0+s18+$0x0] =	vst.idx.msk $0x1, v1  }
0x1de: {  	v1 =	vld [tilespmem:s21+$0xB0]  }
0x1df: {  	v2 =	vld [tilespmem:s21+$0xC0]  }
0x1e0: {  	v0 =	vld [tilespmem:s21+$0xFFFFFF30]  }
0x1e1: {  	v3 =	vld [tilespmem:s21+$0xFFFFFF40]  }
0x1e2: {  	v4 =	vld [tilespmem:s21+$0xFFFFFF50]  }
0x1e3: {  	v5 =	vld [tilespmem:s21+$0xFFFFFF60]  }
0x1e4: {  	v6 =	vld [tilespmem:s21+$0xFFFFFF70]  }
0x1e5: {  	v7 =	vld [tilespmem:s21+$0xFFFFFF80]  }
0x1e6: {  	v8 =	vld [tilespmem:s21+$0xFFFFFF90]  }
0x1e7: {  	v10 =	vmul.f32 v0, v0;
	v11 =	vmul.f32 v3, v3;
	v9 =	vld [tilespmem:s21+$0xFFFFFFA0]  }
0x1e8: {  	v3 =	vadd.f32 v3, v0;
	v12 =	vadd.f32 v5, v4  }
0x1e9: {  	v0 =	vadd.f32 v2, v1;
	v1 =	vmul.f32 v1, v1;
	v10 =	vadd.f32 v11, v10;
	v13 =	vld [tilespmem:s21+$0xFFFFFFB0]  }
0x1ea: {  	v4 =	vmul.f32 v4, v4;
	v5 =	vmul.f32 v5, v5;
	v11 =	vld [tilespmem:s21+$0xFFFFFFC0];
	v3 =	vadd.f32 v12, v3  }
0x1eb: {  	v14 =	vadd.f32 v7, v6;
	v6 =	vmul.f32 v6, v6;
	v7 =	vmul.f32 v7, v7;
	v12 =	vld [tilespmem:s21+$0xFFFFFFD0]  }
0x1ec: {  	v15 =	vld [tilespmem:s21+$0xFFFFFFE0];
	v16 =	vadd.f32 v9, v8;
	v8 =	vmul.f32 v8, v8;
	v9 =	vmul.f32 v9, v9  }
0x1ed: {  	v2 =	vmul.f32 v2, v2;
	v4 =	vadd.f32 v5, v4;
	v5 =	vadd.f32 v7, v6;
	v17 =	vld [tilespmem:s21+$0xFFFFFFF0]  }
0x1ee: {  	v18 =	vld [tilespmem:s21+$0x0];
	v6 =	vadd.f32 v16, v14;
	v7 =	vadd.f32 v9, v8  }
0x1ef: {  	v1 =	vadd.f32 v2, v1;
	v4 =	vadd.f32 v4, v10;
	v14 =	vld [tilespmem:s21+$0x10]  }
0x1f0: {  	v10 =	vld [tilespmem:s21+$0x20];
	v2 =	vadd.f32 v6, v3;
	v3 =	vadd.f32 v7, v5  }
0x1f1: {  	v8 =	vmul.f32 v13, v13;
	v9 =	vadd.f32 v11, v13;
	v11 =	vmul.f32 v11, v11;
	v5 =	vld [tilespmem:s21+$0x30]  }
0x1f2: {  	v13 =	vadd.f32 v15, v12;
	v12 =	vmul.f32 v12, v12;
	v15 =	vmul.f32 v15, v15;
	v7 =	vld [tilespmem:s21+$0x40]  }
0x1f3: {  	v16 =	vadd.f32 v11, v8;
	v3 =	vadd.f32 v3, v4;
	v6 =	vld [tilespmem:s21+$0x50]  }
.Ltmp2:
0x1f4: {  	v11 =	vadd.f32 v13, v9;
	v13 =	vmul.f32 v17, v17;
	v4 =	vadd.f32 v15, v12;
	v8 =	vld [tilespmem:s21+$0x60];
	(pc) =	sbr.rel @p0 .LBB2_6-.Ltmp2, $4  }
0x1f5: {  	v15 =	vadd.f32 v18, v17;
	v18 =	vmul.f32 v18, v18;
	v9 =	vld [tilespmem:s21+$0x70];
	v17 =	vadd.f32 v10, v14  }
0x1f6: {  	v19 =	vmul.f32 v14, v14;
	v20 =	vmul.f32 v10, v10;
	v4 =	vadd.f32 v4, v16;
	v12 =	vld [tilespmem:s21+$0x80]  }
0x1f7: {  	v10 =	vadd.f32 v18, v13;
	v14 =	vld [tilespmem:s21+$0x90];
	v16 =	vadd.f32 v17, v15  }
0x1f8: {  	s23 =	sadd.s32 $0x1, s23;
	v17 =	vmul.f32 v5, v5;
	v18 =	vmul.f32 v7, v7;
	v13 =	vadd.f32 v20, v19;
	v15 =	vld [tilespmem:s21+$0xA0]  }
0x1f9: {  	v5 =	vadd.f32 v7, v5;
	v7 =	vadd.f32 v8, v6  }
0x1fa: {  	v11 =	vadd.f32 v16, v11;
	v6 =	vmul.f32 v6, v6  }
0x1fb: {  	v16 =	vadd.f32 v18, v17;
	v5 =	vadd.f32 v7, v5;
	v7 =	vmul.f32 v8, v8  }
0x1fc: {  	v8 =	vadd.f32 v12, v9;
	v9 =	vmul.f32 v9, v9;
	v12 =	vmul.f32 v12, v12  }
0x1fd: {  	v17 =	vadd.f32 v15, v14;
	v14 =	vmul.f32 v14, v14;
	v15 =	vmul.f32 v15, v15  }
0x1fe: {  	v6 =	vadd.f32 v7, v6;
	v7 =	vadd.f32 v12, v9  }
0x1ff: {  	v8 =	vadd.f32 v17, v8;
	v9 =	vadd.f32 v15, v14  }
0x200: {  	v10 =	vadd.f32 v13, v10;
	v6 =	vadd.f32 v6, v16  }
0x201: {  	v5 =	vadd.f32 v8, v5;
	v7 =	vadd.f32 v9, v7  }
0x202: {  	v2 =	vadd.f32 v11, v2;
	v4 =	vadd.f32 v10, v4  }
0x203: {  	v0 =	vadd.f32 v0, v5;
	v5 =	vadd.f32 v7, v6  }
0x204: {  	v3 =	vadd.f32 v4, v3  }
0x205: {  	v0 =	vadd.f32 v0, v2;
	v1 =	vadd.f32 v1, v5;
	_ =	sdelay $0x1  }
0x206: {  	s20 =	sadd.s32 $0x1A, s20;
	v1 =	vadd.f32 v1, v3;
	v0 =	vmul.f32 v0, v0  }
0x207: {  	v2 =	vld [tilespmem:s20+$0x0]  }
0x208: {  	v0 =	vsub.f32 v0, v1;
	v1 =	vld [tilespmem:s20+$0xA];
	_ =	sdelay $0x1  }
0x209: {  	v0 =	vmul.f32 $5.000000000e-01, v0;
	_ =	sdelay $0x1  }
0x20a: {  	v0 =	vadd.f32 v0, v2  }
0x20b: {  	v1 =	vsel vm0, $0x0, v1  }
0x20c: {  	v0 =	vadd.f32 v0, v1;
	_ =	sdelay $0x1  }
0x20d: {  	(xrf2) =	vadd.scan.msk.f32 $0xffff, v0;
	_ =	sdelay $0x7  }
0x20e: {  	v0 =	vmov s22;
	_ =	sdelay $0x1  }
0x20f: {  	v1, _, _ =	vpop (xrf2)  }
0x210: {  	v1 =	vbroadcast v1, $0xF;
	_ =	sdelay $0x1  }
0x211: {  	s21 =	simm.s32 $0x0;
	[tilespmem:v0+s18+$0x0] =	vst.idx.msk $0x1, v1  }
0x212: {  	[hbm4b:s10+s21] =	stream.linear.scatter [tilespmem:s18], [sflag:$0x3], $0x80, $0x38;
	[tilespmem:$0xEA80] =	vst v63  }
0x213: {  	_ =	swait.ge [sflag:s14], $0x80  }
0x214: {  	[sflag:s14] =	ssyncset.done $0x0  }
0x215: {  	[sflag:s14] =	ssyncadd.s32 $0xFFFFFF80  }
0x216: {  	[tilespmem:s21], [sflag:$0x3] =	stream.linear.gather [hbm4b:s11+s21], $0xD00, $0x38;
	[tilespmem:$0xEA80] =	vst v63  }
0x217: {  	_ =	swait.ge [sflag:s14], $0xD00  }
0x218: {  	[sflag:s14] =	ssyncset.done $0x0  }
0x219: {  	[sflag:s14] =	ssyncadd.s32 $0xFFFFF300  }
0x21a: {  	[tilespmem:s15], [sflag:$0x1] =	stream.indirect.gather [hbm4b:s3+s15], $0x10, s21, s15, $0xb8;
	[tilespmem:$0xEA80] =	vst v63  }
0x21b: {  	s20 =	simm.s32 $0xDD00  }
0x21c: {  	[tilespmem:s20], [sflag:$0x2] =	stream.indirect.gather [hbm4b:s4+s15], $0x1, s21, s15, $0xb8;
	[tilespmem:$0xEA80] =	vst v63  }
0x21d: {  	_ =	swait.ge [sflag:s16], $0xD000  }
0x21e: {  	[sflag:s16] =	ssyncset.done $0x0  }
0x21f: {  	[sflag:s16] =	ssyncadd.s32 $0xFFFF3000  }
0x220: {  	_ =	swait.ge [sflag:s17], $0xD00  }
0x221: {  	[sflag:s17] =	ssyncset.done $0x0  }
0x222: {  	s31 =	simm.s32 $0xDD0;
	[sflag:s17] =	ssyncadd.s32 $0xFFFFF300  }
0x223: {  	v0 =	vld [tilespmem:s31+$0xB0]  }
0x224: {  	v1 =	vld [tilespmem:s31+$0xC0]  }
0x225: {  	v2 =	vld [tilespmem:s31+$0xFFFFFF30]  }
0x226: {  	v3 =	vld [tilespmem:s31+$0xFFFFFF40]  }
0x227: {  	v4 =	vld [tilespmem:s31+$0xFFFFFF50]  }
0x228: {  	v5 =	vld [tilespmem:s31+$0xFFFFFF60]  }
0x229: {  	v8 =	vld [tilespmem:s31+$0xFFFFFF90]  }
0x22a: {  	v9 =	vld [tilespmem:s31+$0xFFFFFFA0];
	_ =	sdelay $0x1  }
0x22b: {  	v6 =	vld [tilespmem:s31+$0xFFFFFF70]  }
0x22c: {  	v7 =	vld [tilespmem:s31+$0xFFFFFF80];
	v10 =	vmul.f32 v2, v2  }
0x22d: {  	v12 =	vld [tilespmem:s31+$0xFFFFFFB0];
	v11 =	vmul.f32 v3, v3;
	v2 =	vadd.f32 v3, v2;
	v3 =	vadd.f32 v5, v4  }
0x22e: {  	v15 =	vld [tilespmem:s31+$0xFFFFFFE0];
	v13 =	vadd.f32 v1, v0;
	v0 =	vmul.f32 v0, v0;
	v16 =	vadd.f32 v9, v8  }
0x22f: {  	v17 =	vld [tilespmem:s31+$0xFFFFFFF0];
	v8 =	vmul.f32 v8, v8;
	v9 =	vmul.f32 v9, v9;
	v10 =	vadd.f32 v11, v10  }
0x230: {  	v11 =	vld [tilespmem:s31+$0xFFFFFFC0];
	v2 =	vadd.f32 v3, v2;
	v3 =	vmul.f32 v4, v4;
	v4 =	vmul.f32 v5, v5  }
0x231: {  	v14 =	vadd.f32 v7, v6;
	v6 =	vmul.f32 v6, v6;
	v7 =	vmul.f32 v7, v7;
	v5 =	vld [tilespmem:s31+$0xFFFFFFD0]  }
0x232: {  	v1 =	vmul.f32 v1, v1;
	v8 =	vadd.f32 v9, v8;
	v9 =	vld [tilespmem:s31+$0x10];
	v3 =	vadd.f32 v4, v3  }
0x233: {  	v4 =	vadd.f32 v7, v6;
	v6 =	vld [tilespmem:s31+$0x0];
	v7 =	vadd.f32 v16, v14  }
0x234: {  	v0 =	vadd.f32 v1, v0;
	v16 =	vld [tilespmem:s31+$0x50];
	v1 =	vadd.f32 v3, v10  }
0x235: {  	v3 =	vld [tilespmem:s31+$0x20];
	v2 =	vadd.f32 v7, v2;
	v4 =	vadd.f32 v8, v4;
	v10 =	vmul.f32 v12, v12  }
0x236: {  	v7 =	vld [tilespmem:s31+$0x30];
	v8 =	vadd.f32 v11, v12;
	v11 =	vmul.f32 v11, v11;
	v14 =	vadd.f32 v15, v5  }
0x237: {  	v12 =	vld [tilespmem:s31+$0x40];
	v5 =	vmul.f32 v5, v5;
	v15 =	vmul.f32 v15, v15;
	v1 =	vadd.f32 v4, v1  }
0x238: {  	v4 =	vld [tilespmem:s31+$0x60];
	v10 =	vadd.f32 v11, v10;
	v8 =	vadd.f32 v14, v8;
	v11 =	vmul.f32 v17, v17  }
0x239: {  	v18 =	vld [tilespmem:s31+$0x80];
	v5 =	vadd.f32 v15, v5;
	v15 =	vadd.f32 v6, v17;
	v6 =	vmul.f32 v6, v6  }
0x23a: {  	v14 =	vld [tilespmem:s31+$0x70];
	v17 =	vadd.f32 v3, v9;
	v9 =	vmul.f32 v9, v9;
	v3 =	vmul.f32 v3, v3  }
0x23b: {  	v5 =	vadd.f32 v5, v10;
	v10 =	vld [tilespmem:s31+$0x90];
	v6 =	vadd.f32 v6, v11  }
0x23c: {  	v11 =	vld [tilespmem:s31+$0xA0];
	v19 =	vmul.f32 v12, v12;
	v15 =	vadd.f32 v17, v15;
	v3 =	vadd.f32 v3, v9  }
0x23d: {  	v17 =	vmul.f32 v7, v7;
	v7 =	vadd.f32 v12, v7;
	v9 =	vadd.f32 v4, v16  }
0x23e: {  	v4 =	vmul.f32 v4, v4;
	v8 =	vadd.f32 v15, v8  }
0x23f: {  	v12 =	vadd.f32 v19, v17;
	v7 =	vadd.f32 v9, v7;
	v9 =	vmul.f32 v16, v16  }
0x240: {  	v15 =	vadd.f32 v18, v14;
	v14 =	vmul.f32 v14, v14;
	v16 =	vmul.f32 v18, v18  }
0x241: {  	v17 =	vadd.f32 v11, v10;
	v10 =	vmul.f32 v10, v10;
	v11 =	vmul.f32 v11, v11  }
0x242: {  	v4 =	vadd.f32 v4, v9;
	v9 =	vadd.f32 v16, v14  }
0x243: {  	v14 =	vadd.f32 v17, v15;
	v10 =	vadd.f32 v11, v10  }
0x244: {  	v3 =	vadd.f32 v3, v6;
	v4 =	vadd.f32 v4, v12  }
0x245: {  	v6 =	vadd.f32 v14, v7;
	v7 =	vadd.f32 v10, v9  }
0x246: {  	v2 =	vadd.f32 v8, v2;
	v3 =	vadd.f32 v3, v5  }
0x247: {  	v5 =	vadd.f32 v13, v6;
	v4 =	vadd.f32 v7, v4  }
0x248: {  	v1 =	vadd.f32 v3, v1  }
0x249: {  	v2 =	vadd.f32 v5, v2;
	v0 =	vadd.f32 v0, v4;
	_ =	sdelay $0x1  }
0x24a: {  	v0 =	vadd.f32 v0, v1;
	v1 =	vmul.f32 v2, v2  }
0x24b: {  	v2 =	vld [tilespmem:s20+$0x0]  }
0x24c: {  	v0 =	vsub.f32 v1, v0;
	v1 =	vld [tilespmem:s20+$0xA];
	_ =	sdelay $0x1  }
0x24d: {  	v0 =	vmul.f32 $5.000000000e-01, v0;
	_ =	sdelay $0x1  }
0x24e: {  	v0 =	vadd.f32 v0, v2  }
0x24f: {  	v1 =	vsel vm0, $0x0, v1  }
0x250: {  	v0 =	vadd.f32 v0, v1;
	_ =	sdelay $0x1  }
0x251: {  	(xrf2) =	vadd.scan.msk.f32 $0xffff, v0;
	_ =	sdelay $0x7  }
0x252: {  	v0 =	vmov s21;
	_ =	sdelay $0x1  }
0x253: {  	v1, _, _ =	vpop (xrf2)  }
0x254: {  	v1 =	vbroadcast v1, $0xF;
	_ =	sdelay $0x1  }
0x255: {  	s21 =	simm.s32 $0xF70;
	[tilespmem:v0+s18+$0x0] =	vst.idx.msk $0x1, v1  }
0x256: {  	v1 =	vld [tilespmem:s21+$0xB0]  }
0x257: {  	v2 =	vld [tilespmem:s21+$0xC0]  }
0x258: {  	v0 =	vld [tilespmem:s21+$0xFFFFFF30]  }
0x259: {  	v3 =	vld [tilespmem:s21+$0xFFFFFF40]  }
0x25a: {  	v4 =	vld [tilespmem:s21+$0xFFFFFF50]  }
0x25b: {  	v5 =	vld [tilespmem:s21+$0xFFFFFF60]  }
0x25c: {  	v6 =	vld [tilespmem:s21+$0xFFFFFF70]  }
0x25d: {  	v7 =	vld [tilespmem:s21+$0xFFFFFF80]  }
0x25e: {  	v8 =	vld [tilespmem:s21+$0xFFFFFF90]  }
0x25f: {  	v9 =	vld [tilespmem:s21+$0xFFFFFFA0];
	_ =	sdelay $0x1  }
0x260: {  	v10 =	vmul.f32 v0, v0;
	v11 =	vmul.f32 v3, v3;
	v3 =	vadd.f32 v3, v0  }
0x261: {  	v13 =	vld [tilespmem:s21+$0xFFFFFFB0];
	v12 =	vadd.f32 v5, v4;
	v0 =	vadd.f32 v2, v1;
	v1 =	vmul.f32 v1, v1  }
0x262: {  	v15 =	vld [tilespmem:s21+$0xFFFFFFE0];
	v4 =	vmul.f32 v4, v4;
	v5 =	vmul.f32 v5, v5;
	v14 =	vadd.f32 v7, v6  }
0x263: {  	v17 =	vld [tilespmem:s21+$0xFFFFFFF0];
	v6 =	vmul.f32 v6, v6;
	v7 =	vmul.f32 v7, v7;
	v16 =	vadd.f32 v9, v8  }
0x264: {  	v8 =	vmul.f32 v8, v8;
	v9 =	vmul.f32 v9, v9;
	v10 =	vadd.f32 v11, v10;
	v11 =	vld [tilespmem:s21+$0xFFFFFFC0]  }
0x265: {  	v2 =	vmul.f32 v2, v2;
	v3 =	vadd.f32 v12, v3;
	v12 =	vld [tilespmem:s21+$0xFFFFFFD0];
	v4 =	vadd.f32 v5, v4  }
0x266: {  	v18 =	vld [tilespmem:s21+$0x0];
	v5 =	vadd.f32 v7, v6;
	v6 =	vadd.f32 v16, v14  }
0x267: {  	v7 =	vadd.f32 v9, v8;
	v14 =	vld [tilespmem:s21+$0x10];
	v1 =	vadd.f32 v2, v1  }
0x268: {  	v8 =	vmul.f32 v13, v13;
	v4 =	vadd.f32 v4, v10;
	v10 =	vld [tilespmem:s21+$0x20];
	v2 =	vadd.f32 v6, v3  }
0x269: {  	v3 =	vadd.f32 v7, v5;
	v5 =	vld [tilespmem:s21+$0x30];
	v9 =	vadd.f32 v11, v13;
	v11 =	vmul.f32 v11, v11  }
0x26a: {  	v7 =	vld [tilespmem:s21+$0x40];
	v13 =	vadd.f32 v15, v12;
	v12 =	vmul.f32 v12, v12;
	v15 =	vmul.f32 v15, v15  }
0x26b: {  	v6 =	vld [tilespmem:s21+$0x50];
	v3 =	vadd.f32 v3, v4;
	v16 =	vadd.f32 v11, v8  }
0x26c: {  	v8 =	vld [tilespmem:s21+$0x60];
	v11 =	vadd.f32 v13, v9;
	v13 =	vmul.f32 v17, v17;
	v4 =	vadd.f32 v15, v12  }
0x26d: {  	v9 =	vld [tilespmem:s21+$0x70];
	v15 =	vadd.f32 v18, v17;
	v17 =	vadd.f32 v10, v14;
	v18 =	vmul.f32 v18, v18  }
0x26e: {  	v19 =	vmul.f32 v14, v14;
	v12 =	vld [tilespmem:s21+$0x80];
	v20 =	vmul.f32 v10, v10;
	v4 =	vadd.f32 v4, v16  }
0x26f: {  	v14 =	vld [tilespmem:s21+$0x90];
	v16 =	vadd.f32 v17, v15;
	v10 =	vadd.f32 v18, v13  }
0x270: {  	s23 =	simm.s32 $0x2;
	s22 =	simm.s32 $0x1;
	v15 =	vld [tilespmem:s21+$0xA0];
	v17 =	vmul.f32 v5, v5;
	v18 =	vmul.f32 v7, v7;
	v13 =	vadd.f32 v20, v19  }
.LBB2_8:
0x271: {  	p0 =	sne.s32 s23, $0x7F;
	v5 =	vadd.f32 v7, v5;
	v7 =	vadd.f32 v8, v6  }
0x272: {  	v11 =	vadd.f32 v16, v11;
	v16 =	vadd.f32 v18, v17  }
0x273: {  	v6 =	vmul.f32 v6, v6;
	v5 =	vadd.f32 v7, v5;
	v7 =	vmul.f32 v8, v8  }
0x274: {  	v8 =	vadd.f32 v12, v9;
	v9 =	vmul.f32 v9, v9;
	v12 =	vmul.f32 v12, v12  }
0x275: {  	v17 =	vadd.f32 v15, v14;
	v14 =	vmul.f32 v14, v14;
	v15 =	vmul.f32 v15, v15  }
0x276: {  	v6 =	vadd.f32 v7, v6;
	v7 =	vadd.f32 v12, v9  }
0x277: {  	v8 =	vadd.f32 v17, v8;
	v9 =	vadd.f32 v15, v14  }
0x278: {  	v10 =	vadd.f32 v13, v10;
	v6 =	vadd.f32 v6, v16  }
0x279: {  	v5 =	vadd.f32 v8, v5;
	v7 =	vadd.f32 v9, v7  }
0x27a: {  	v2 =	vadd.f32 v11, v2;
	v4 =	vadd.f32 v10, v4  }
0x27b: {  	v0 =	vadd.f32 v0, v5;
	v5 =	vadd.f32 v7, v6  }
0x27c: {  	v3 =	vadd.f32 v4, v3  }
0x27d: {  	v0 =	vadd.f32 v0, v2;
	v1 =	vadd.f32 v1, v5;
	_ =	sdelay $0x1  }
0x27e: {  	s20 =	sadd.s32 $0x1A, s20;
	v1 =	vadd.f32 v1, v3;
	v0 =	vmul.f32 v0, v0  }
0x27f: {  	v2 =	vld [tilespmem:s20+$0x0]  }
0x280: {  	v0 =	vsub.f32 v0, v1;
	v1 =	vld [tilespmem:s20+$0xA];
	_ =	sdelay $0x1  }
0x281: {  	v0 =	vmul.f32 $5.000000000e-01, v0;
	_ =	sdelay $0x1  }
0x282: {  	v0 =	vadd.f32 v0, v2  }
0x283: {  	v1 =	vsel vm0, $0x0, v1  }
0x284: {  	v0 =	vadd.f32 v0, v1;
	_ =	sdelay $0x1  }
0x285: {  	(xrf2) =	vadd.scan.msk.f32 $0xffff, v0;
	_ =	sdelay $0x7  }
0x286: {  	v0 =	vmov s22;
	s22 =	smov.u32 s23;
	_ =	sdelay $0x1  }
0x287: {  	v1, _, _ =	vpop (xrf2)  }
0x288: {  	v1 =	vbroadcast v1, $0xF;
	_ =	sdelay $0x1  }
0x289: {  	s21 =	sadd.s32 $0x1A0, s21;
	[tilespmem:v0+s18+$0x0] =	vst.idx.msk $0x1, v1  }
0x28a: {  	v1 =	vld [tilespmem:s21+$0xB0]  }
0x28b: {  	v2 =	vld [tilespmem:s21+$0xC0]  }
0x28c: {  	v0 =	vld [tilespmem:s21+$0xFFFFFF30]  }
0x28d: {  	v3 =	vld [tilespmem:s21+$0xFFFFFF40]  }
0x28e: {  	v4 =	vld [tilespmem:s21+$0xFFFFFF50]  }
0x28f: {  	v5 =	vld [tilespmem:s21+$0xFFFFFF60]  }
0x290: {  	v6 =	vld [tilespmem:s21+$0xFFFFFF70]  }
0x291: {  	v7 =	vld [tilespmem:s21+$0xFFFFFF80]  }
0x292: {  	v8 =	vld [tilespmem:s21+$0xFFFFFF90]  }
0x293: {  	v10 =	vmul.f32 v0, v0;
	v11 =	vmul.f32 v3, v3;
	v9 =	vld [tilespmem:s21+$0xFFFFFFA0]  }
0x294: {  	v3 =	vadd.f32 v3, v0;
	v12 =	vadd.f32 v5, v4  }
0x295: {  	v0 =	vadd.f32 v2, v1;
	v1 =	vmul.f32 v1, v1;
	v10 =	vadd.f32 v11, v10;
	v13 =	vld [tilespmem:s21+$0xFFFFFFB0]  }
0x296: {  	v4 =	vmul.f32 v4, v4;
	v5 =	vmul.f32 v5, v5;
	v11 =	vld [tilespmem:s21+$0xFFFFFFC0];
	v3 =	vadd.f32 v12, v3  }
0x297: {  	v14 =	vadd.f32 v7, v6;
	v6 =	vmul.f32 v6, v6;
	v7 =	vmul.f32 v7, v7;
	v12 =	vld [tilespmem:s21+$0xFFFFFFD0]  }
0x298: {  	v15 =	vld [tilespmem:s21+$0xFFFFFFE0];
	v16 =	vadd.f32 v9, v8;
	v8 =	vmul.f32 v8, v8;
	v9 =	vmul.f32 v9, v9  }
0x299: {  	v2 =	vmul.f32 v2, v2;
	v4 =	vadd.f32 v5, v4;
	v5 =	vadd.f32 v7, v6;
	v17 =	vld [tilespmem:s21+$0xFFFFFFF0]  }
0x29a: {  	v18 =	vld [tilespmem:s21+$0x0];
	v6 =	vadd.f32 v16, v14;
	v7 =	vadd.f32 v9, v8  }
0x29b: {  	v1 =	vadd.f32 v2, v1;
	v4 =	vadd.f32 v4, v10;
	v14 =	vld [tilespmem:s21+$0x10]  }
0x29c: {  	v10 =	vld [tilespmem:s21+$0x20];
	v2 =	vadd.f32 v6, v3;
	v3 =	vadd.f32 v7, v5  }
0x29d: {  	v8 =	vmul.f32 v13, v13;
	v9 =	vadd.f32 v11, v13;
	v11 =	vmul.f32 v11, v11;
	v5 =	vld [tilespmem:s21+$0x30]  }
0x29e: {  	v13 =	vadd.f32 v15, v12;
	v12 =	vmul.f32 v12, v12;
	v15 =	vmul.f32 v15, v15;
	v7 =	vld [tilespmem:s21+$0x40]  }
0x29f: {  	v16 =	vadd.f32 v11, v8;
	v3 =	vadd.f32 v3, v4;
	v6 =	vld [tilespmem:s21+$0x50]  }
.Ltmp3:
0x2a0: {  	v11 =	vadd.f32 v13, v9;
	v13 =	vmul.f32 v17, v17;
	v4 =	vadd.f32 v15, v12;
	v8 =	vld [tilespmem:s21+$0x60];
	(pc) =	sbr.rel @p0 .LBB2_8-.Ltmp3, $4  }
0x2a1: {  	v15 =	vadd.f32 v18, v17;
	v18 =	vmul.f32 v18, v18;
	v9 =	vld [tilespmem:s21+$0x70];
	v17 =	vadd.f32 v10, v14  }
0x2a2: {  	v19 =	vmul.f32 v14, v14;
	v20 =	vmul.f32 v10, v10;
	v4 =	vadd.f32 v4, v16;
	v12 =	vld [tilespmem:s21+$0x80]  }
0x2a3: {  	v10 =	vadd.f32 v18, v13;
	v14 =	vld [tilespmem:s21+$0x90];
	v16 =	vadd.f32 v17, v15  }
0x2a4: {  	s23 =	sadd.s32 $0x1, s23;
	v17 =	vmul.f32 v5, v5;
	v18 =	vmul.f32 v7, v7;
	v13 =	vadd.f32 v20, v19;
	v15 =	vld [tilespmem:s21+$0xA0]  }
0x2a5: {  	v5 =	vadd.f32 v7, v5  }
0x2a6: {  	v47 =	vadd.f32 v8, v6;
	v11 =	vadd.f32 v16, v11;
	v49 =	vmul.f32 v6, v6  }
0x2a7: {  	v50 =	vmul.f32 v8, v8;
	v48 =	vadd.f32 v18, v17;
	v52 =	vmul.f32 v9, v9  }
0x2a8: {  	v5 =	vadd.f32 v47, v5;
	v51 =	vadd.f32 v12, v9;
	v53 =	vmul.f32 v12, v12  }
0x2a9: {  	v55 =	vmul.f32 v14, v14;
	v54 =	vadd.f32 v15, v14;
	v56 =	vmul.f32 v15, v15  }
0x2aa: {  	v6 =	vadd.f32 v50, v49;
	v57 =	vadd.f32 v53, v52  }
0x2ab: {  	v8 =	vadd.f32 v54, v51;
	v58 =	vadd.f32 v56, v55  }
0x2ac: {  	v10 =	vadd.f32 v13, v10;
	v6 =	vadd.f32 v6, v48  }
0x2ad: {  	v5 =	vadd.f32 v8, v5;
	v7 =	vadd.f32 v58, v57  }
0x2ae: {  	v2 =	vadd.f32 v11, v2;
	v4 =	vadd.f32 v10, v4  }
0x2af: {  	v0 =	vadd.f32 v0, v5;
	v59 =	vadd.f32 v7, v6  }
0x2b0: {  	v3 =	vadd.f32 v4, v3  }
0x2b1: {  	v0 =	vadd.f32 v0, v2;
	v1 =	vadd.f32 v1, v59;
	_ =	sdelay $0x1  }
0x2b2: {  	s20 =	sadd.s32 $0x1A, s20;
	v1 =	vadd.f32 v1, v3;
	v0 =	vmul.f32 v0, v0  }
0x2b3: {  	v60 =	vld [tilespmem:s20+$0x0]  }
0x2b4: {  	v61 =	vld [tilespmem:s20+$0xA];
	v0 =	vsub.f32 v0, v1;
	_ =	sdelay $0x1  }
0x2b5: {  	v0 =	vmul.f32 $5.000000000e-01, v0;
	_ =	sdelay $0x1  }
0x2b6: {  	v0 =	vadd.f32 v0, v60  }
0x2b7: {  	v1 =	vsel vm0, $0x0, v61  }
0x2b8: {  	v0 =	vadd.f32 v0, v1;
	_ =	sdelay $0x1  }
0x2b9: {  	(xrf2) =	vadd.scan.msk.f32 $0xffff, v0;
	_ =	sdelay $0x7  }
0x2ba: {  	v62 =	vmov s22;
	_ =	sdelay $0x1  }
0x2bb: {  	v63, _, _ =	vpop (xrf2)  }
0x2bc: {  	s19 =	sadd.s32 $0x1, s19;
	v1 =	vbroadcast v63, $0xF  }
0x2bd: {  	p0 =	sne.s32 s19, s13  }
.Ltmp4:
0x2be: {  	[tilespmem:v62+s18+$0x0] =	vst.idx.msk $0x1, v1;
	(pc) =	sbr.rel @p0 .LBB2_1-.Ltmp4, $4  }
0x2bf: {  	[hbm4b:s12+s2] =	stream.linear.scatter [tilespmem:s18], [sflag:$0x3], $0x80, $0x38;
	[tilespmem:$0xEA80] =	vst v63  }
0x2c0: {  	_ =	swait.ge [sflag:s14], $0x80  }
0x2c1: {  	[sflag:s14] =	ssyncset.done $0x0  }
0x2c2: {  	[sflag:s14] =	ssyncadd.s32 $0xFFFFFF80  }
0x2c3: {  	_ =	sfence.sel $0x180000  }
0x2c4: {  	[bflag:$0x0] =	sbarrier.arrive $0xFFFF  }
0x2c5: {  	p0 =	sne.s32 s1, $0x0;
	_ =	strace $0x9000004A  }
0x2c6: {  	s0 =	sadd.s32 @!p0 $0x100000, s0;
	[bflag:$0x2] =	sbarrier.arrive $0xFFFF  }
0x2c7: {  	[sflag:s0] =	ssyncadd.tile.s32 @!p0 $0x1;
	_ =	shalt  }
.Lfunc_end2:
_tile_overlayer_lowered:
.L_overlay_start_2:
0x2c8: {  	(tag) =	ssettag $0x2  }
0x2c9: {  	s0 =	rddreg [dreg:$0x0];
	s2 =	stileid.u32  }
0x2ca: {  	s1 =	rddreg [dreg:$0x1];
	p0 =	sne.s32 s2, $0x0  }
0x2cb: {  	s3 =	rddreg [dreg:$0x2];
	[bflag:$0x3] =	sbarrier.arrive $0xFFFF;
	s2 =	simm.s32 @!p0 $0x1C03  }
0x2cc: {  	[timem:s3], [sflag:s2] =	dma.local @!p0 [hbm:s0], s1  }
0x2cd: {  	s0 =	simm.s32 @!p0 $0x3  }
0x2ce: {  	_ =	swait.ge @!p0 [sflag:s0], s1  }
0x2cf: {  	s1 =	ssub.s32 @!p0 $0x0, s1;
	[sflag:s0] =	ssyncset.done @!p0 $0x0  }
0x2d0: {  	[sflag:s0] =	ssyncadd.s32 @!p0 s1  }
0x2d1: {  	[bflag:$0x3] =	sbarrier.arrive $0xFFFF  }
0x2d2: {  	_ =	shalt  }

</sc_bundles>
